<compile_context>
chip_gen: v7x
topology: tpu7x:2x2x1
jax: 0.10.2.dev20260603
libtpu: 0.0.44.dev20260713+nightly
codegen_flags: <defaults>
</compile_context>

<pallas_src>
import functools

import jax
import jax.numpy as jnp
from jax import lax
from jax.experimental import pallas as pl
from jax.experimental.pallas import tpu as pltpu
from jax.experimental.pallas import tpu_sc as plsc

N_NODES = 10000
E_EDGES = 160000
F_IN = 256
H1, C1 = 8, 8
D1 = H1 * C1
NCLS = 40
F2P = 48

NC, NS = 2, 16
NW = NC * NS
CHUNK = 128
KG = 1
GROUPS = 40
CH_PW = KG * GROUPS
GE = KG * CHUNK
E_PAD = NW * CH_PW * CHUNK
W1 = 80
W2 = 64

_f32 = jnp.float32


def _mm2_body(x_ref, wl_ref, wr_ref, xl_ref, xr_ref):
    xb = x_ref[...]
    xl_ref[...] = jnp.dot(xb, wl_ref[...], preferred_element_type=_f32)
    xr_ref[...] = jnp.dot(xb, wr_ref[...], preferred_element_type=_f32)


def _mm2(x, wl, wr, bn):
    n, k = x.shape
    m = wl.shape[1]
    grid = n // bn
    return pl.pallas_call(
        _mm2_body,
        grid=(grid,),
        in_specs=[
            pl.BlockSpec((bn, k), lambda i: (i, 0)),
            pl.BlockSpec((k, m), lambda i: (0, 0)),
            pl.BlockSpec((k, m), lambda i: (0, 0)),
        ],
        out_specs=[
            pl.BlockSpec((bn, m), lambda i: (i, 0)),
            pl.BlockSpec((bn, m), lambda i: (i, 0)),
        ],
        out_shape=[
            jax.ShapeDtypeStruct((n, m), _f32),
            jax.ShapeDtypeStruct((n, m), _f32),
        ],
    )(x, wl, wr)


def _make_edge_layer(width, nheads, wout):
    mesh = plsc.VectorSubcoreMesh(core_axis_name="c", subcore_axis_name="s")
    ch = width // nheads
    rpt = N_NODES // NS
    nblk = GE // 16

    @functools.partial(
        pl.kernel,
        out_type=jax.ShapeDtypeStruct((NC, N_NODES, wout), _f32),
        mesh=mesh,
        scratch_types=[
            pltpu.VMEM_SHARED((N_NODES, wout), _f32),
            pltpu.VMEM((CH_PW * CHUNK,), jnp.int32),
            pltpu.VMEM((GROUPS, CHUNK), jnp.int32),
            pltpu.VMEM((GE, width), _f32),
            pltpu.VMEM((GE, width), _f32),
            pltpu.VMEM((GE, width), _f32),
            pltpu.VMEM((GE, width), _f32),
            pltpu.VMEM((GE, wout), _f32),
            pltpu.VMEM((GE, wout), _f32),
            pltpu.VMEM((width // 16, 16), _f32),
            pltpu.SemaphoreType.DMA,
            pltpu.SemaphoreType.DMA,
            pltpu.SemaphoreType.DMA,
            pltpu.SemaphoreType.DMA,
        ],
        compiler_params=pltpu.CompilerParams(
            use_tc_tiling_on_sc=False, needs_layout_passes=False),
    )
    def edge_k(xl_hbm, xr_hbm, src_hbm, dst2_hbm, attb_hbm, zm_hbm,
               pm_hbm,
               acc_m, is_all, id_all, gl_a, gr_a, gl_b, gr_b,
               ms_a, ms_b, attv, sem_a, sem_b, sem_sa, sem_sb):
        c = lax.axis_index("c")
        s = lax.axis_index("s")
        wid = s * NC + c
        base = wid * (CH_PW * CHUNK)

        pltpu.sync_copy(attb_hbm, attv)
        pltpu.sync_copy(zm_hbm.at[pl.ds(s * rpt, rpt)],
                        acc_m.at[pl.ds(s * rpt, rpt)])
        pltpu.sync_copy(zm_hbm.at[pl.ds(0, GE)], ms_a)
        pltpu.sync_copy(zm_hbm.at[pl.ds(0, GE)], ms_b)
        pltpu.sync_copy(src_hbm.at[pl.ds(base, CH_PW * CHUNK)], is_all)
        pltpu.sync_copy(dst2_hbm.at[pl.ds(wid * CH_PW, CH_PW)], id_all)
        plsc.subcore_barrier()

        lane = lax.iota(jnp.int32, 16)

        def stage(g, gl, gr, sem):
            for hh in range(2):
                sl = pl.ds(hh * (GE // 2), GE // 2)
                pltpu.async_copy(
                    xl_hbm.at[is_all.at[pl.ds(g * GE + hh * (GE // 2),
                                              GE // 2)]], gl.at[sl], sem)
                pltpu.async_copy(
                    xr_hbm.at[id_all.at[g, pl.ds(hh * (GE // 2), GE // 2)]],
                    gr.at[sl], sem)

        def wait_g(g, gl, gr, sem):
            for hh in range(2):
                sl = pl.ds(hh * (GE // 2), GE // 2)
                pltpu.make_async_copy(
                    xl_hbm.at[is_all.at[pl.ds(g * GE + hh * (GE // 2),
                                              GE // 2)]], gl.at[sl],
                    sem).wait()
                pltpu.make_async_copy(
                    xr_hbm.at[id_all.at[g, pl.ds(hh * (GE // 2), GE // 2)]],
                    gr.at[sl], sem).wait()

        def wait_s(msg, sem):
            pltpu.make_async_copy(msg, acc_m.at[id_all.at[0]], sem).wait()

        def compute(g, gl, gr, msg, ssem):
            off = base + g * GE

            @plsc.parallel_loop(0, GE)
            def edge(e):
                ev = jnp.full((16,), 1, jnp.int32) * (off + e)
                emask = ev < E_EDGES
                erow = jnp.full((16,), 1, jnp.int32) * e
                nk = width // 16
                if nheads > 1:
                    hv = 16 // ch
                    for k in range(nk):
                        sl = pl.ds(k * 16, 16)
                        vgl = gl[e, sl]
                        z = vgl + gr[e, sl]
                        z = jnp.maximum(z, 0.2 * z)
                        tt = z * attv[k, :]
                        d = ch // 2
                        while d >= 1:
                            tt = tt + tt[lane ^ d]
                            d //= 2
                        ex = jnp.where(emask, jnp.exp(tt), 0.0)
                        msg[e, sl] = vgl * ex
                        plsc.store_scatter(
                            msg,
                            [erow, width + hv * k + (lane // ch)],
                            ex, mask=(lane % ch) == 0)
                else:
                    vgls = []
                    tot = None
                    for k in range(nk):
                        sl = pl.ds(k * 16, 16)
                        vgl = gl[e, sl]
                        vgls.append(vgl)
                        z = vgl + gr[e, sl]
                        z = jnp.maximum(z, 0.2 * z)
                        tt = z * attv[k, :]
                        tot = tt if tot is None else tot + tt
                    d = 8
                    while d >= 1:
                        tot = tot + tot[lane ^ d]
                        d //= 2
                    ex = jnp.where(emask, jnp.exp(tot), 0.0)
                    for k in range(nk):
                        msg[e, pl.ds(k * 16, 16)] = vgls[k] * ex
                    plsc.store_scatter(
                        msg, [erow, jnp.full((16,), width, jnp.int32)],
                        ex, mask=lane == 0)

            pltpu.async_copy(msg, acc_m.at[id_all.at[g]], ssem, add=True)

        stage(0, gl_a, gr_a, sem_a)

        def piped(gg, carry):
            ga = 2 * gg
            gb = 2 * gg + 1
            stage(gb, gl_b, gr_b, sem_b)
            wait_g(ga, gl_a, gr_a, sem_a)

            @pl.when(gg > 0)
            def _():
                wait_s(ms_a, sem_sa)

            compute(ga, gl_a, gr_a, ms_a, sem_sa)

            @pl.when(ga + 2 < GROUPS)
            def _():
                stage(ga + 2, gl_a, gr_a, sem_a)

            wait_g(gb, gl_b, gr_b, sem_b)

            @pl.when(gg > 0)
            def _():
                wait_s(ms_b, sem_sb)

            compute(gb, gl_b, gr_b, ms_b, sem_sb)
            return carry

        lax.fori_loop(0, GROUPS // 2, piped, 0)
        wait_s(ms_a, sem_sa)
        wait_s(ms_b, sem_sb)
        plsc.subcore_barrier()
        pltpu.sync_copy(acc_m.at[pl.ds(s * rpt, rpt)],
                        pm_hbm.at[c, pl.ds(s * rpt, rpt)])

    return edge_k


def _mid_body(p_ref, b1_ref, wl_ref, wr_ref, hl_ref, hr_ref):
    ptot = p_ref[0] + p_ref[1]
    numer = ptot[:, :D1]
    den = ptot[:, D1:D1 + H1]
    bn = numer.shape[0]
    den8 = jnp.broadcast_to(den[:, :, None], (bn, H1, C1)).reshape(bn, D1)
    h = numer / (den8 + 1e-16) + b1_ref[...]
    h = jnp.where(h > 0, h, jnp.exp(jnp.minimum(h, 0.0)) - 1.0)
    hl_ref[...] = jnp.dot(h, wl_ref[...], preferred_element_type=_f32)
    hr_ref[...] = jnp.dot(h, wr_ref[...], preferred_element_type=_f32)


def _mid(parts, b1, wl2p, wr2p, bn=2000):
    grid = N_NODES // bn
    return pl.pallas_call(
        _mid_body,
        grid=(grid,),
        in_specs=[
            pl.BlockSpec((NC, bn, W1), lambda i: (0, i, 0)),
            pl.BlockSpec((1, D1), lambda i: (0, 0)),
            pl.BlockSpec((D1, F2P), lambda i: (0, 0)),
            pl.BlockSpec((D1, F2P), lambda i: (0, 0)),
        ],
        out_specs=[
            pl.BlockSpec((bn, F2P), lambda i: (i, 0)),
            pl.BlockSpec((bn, F2P), lambda i: (i, 0)),
        ],
        out_shape=[
            jax.ShapeDtypeStruct((N_NODES, F2P), _f32),
            jax.ShapeDtypeStruct((N_NODES, F2P), _f32),
        ],
    )(parts, b1, wl2p, wr2p)


def _fin_body(p_ref, b2_ref, out_ref):
    ptot = p_ref[0] + p_ref[1]
    bn = ptot.shape[0]
    den = ptot[:, F2P:F2P + 1]
    o = ptot[:, :F2P] / (den + 1e-16) + b2_ref[...]
    col = lax.broadcasted_iota(jnp.int32, (bn, F2P), 1)
    valid = col < NCLS
    om = jnp.where(valid, o, -1e30)
    mx = jnp.max(om, axis=1, keepdims=True)
    sh = o - mx
    exs = jnp.where(valid, jnp.exp(sh), 0.0)
    lse = jnp.log(jnp.sum(exs, axis=1, keepdims=True))
    out_ref[...] = (sh - lse)[:, :NCLS]


def _fin(parts, b2p, bn=2000):
    grid = N_NODES // bn
    return pl.pallas_call(
        _fin_body,
        grid=(grid,),
        in_specs=[
            pl.BlockSpec((NC, bn, W2), lambda i: (0, i, 0)),
            pl.BlockSpec((1, F2P), lambda i: (0, 0)),
        ],
        out_specs=pl.BlockSpec((bn, NCLS), lambda i: (i, 0)),
        out_shape=jax.ShapeDtypeStruct((N_NODES, NCLS), _f32),
    )(parts, b2p)


def kernel(x, edge_index, Wl1, Wr1, att1, bias1, Wl2, Wr2, att2, bias2):
    src = edge_index[0]
    dst = edge_index[1]
    pad = jnp.zeros((E_PAD - E_EDGES,), jnp.int32)
    src_p = jnp.concatenate([src, pad])
    dst_p = jnp.concatenate([dst, pad])
    dst_2d = dst_p.reshape(E_PAD // CHUNK, CHUNK)

    attb1 = att1.reshape(D1 // 16, 16)
    attb2 = jnp.pad(att2.reshape(NCLS), (0, F2P - NCLS)).reshape(F2P // 16, 16)
    wl2p = jnp.pad(Wl2, ((0, 0), (0, F2P - NCLS)))
    wr2p = jnp.pad(Wr2, ((0, 0), (0, F2P - NCLS)))
    b1 = bias1.reshape(1, D1)
    b2p = jnp.pad(bias2, (0, F2P - NCLS)).reshape(1, F2P)
    zm1 = jnp.zeros((N_NODES, W1), _f32)
    zm2 = jnp.zeros((N_NODES, W2), _f32)

    xl, xr = _mm2(x, Wl1, Wr1, bn=2000)
    pm1 = _make_edge_layer(D1, H1, W1)(xl, xr, src_p, dst_2d, attb1, zm1)
    hl, hr = _mid(pm1, b1, wl2p, wr2p)

    pm2 = _make_edge_layer(F2P, 1, W2)(hl, hr, src_p, dst_2d, attb2, zm2)
    return _fin(pm2, b2p)

# --- scband reference (transcript-rebuilt; emitter-appended) ---
"""Pipeline reference for scband-gatv2-51702816309750 (READ-ONLY COPY).

The authoritative reference and input builder live on the scoring server;
editing this copy changes nothing except your own understanding.
"""

import jax, jax.numpy as jnp
import numpy as np

N = 10000
E = 160000
F_IN = 256
H1, C1 = 8, 8
NUM_CLASSES = 40


def setup_inputs(seed: int = 0) -> dict:
    key = jax.random.key(seed)
    ks = jax.random.split(key, 12)
    x = jax.random.normal(ks[0], (N, F_IN), dtype=jnp.float32)
    edge_index = jax.random.randint(ks[1], (2, E), 0, N, dtype=jnp.int32)
    # GATv2Conv layer 1: in=256, out=8, heads=8 (lin_l, lin_r separate; share_weights=False)
    s1 = 1.0 / np.sqrt(F_IN)
    Wl1 = jax.random.normal(ks[2], (F_IN, H1 * C1), dtype=jnp.float32) * s1
    Wr1 = jax.random.normal(ks[3], (F_IN, H1 * C1), dtype=jnp.float32) * s1
    att1 = jax.random.normal(ks[4], (H1, C1), dtype=jnp.float32) * (1.0 / np.sqrt(C1))
    bias1 = jnp.zeros((H1 * C1,), dtype=jnp.float32)
    # GATv2Conv layer 2: in=64, out=NUM_CLASSES, heads=1, concat=False
    s2 = 1.0 / np.sqrt(H1 * C1)
    Wl2 = jax.random.normal(ks[5], (H1 * C1, NUM_CLASSES), dtype=jnp.float32) * s2
    Wr2 = jax.random.normal(ks[6], (H1 * C1, NUM_CLASSES), dtype=jnp.float32) * s2
    att2 = jax.random.normal(ks[7], (1, NUM_CLASSES), dtype=jnp.float32) * (1.0 / np.sqrt(NUM_CLASSES))
    bias2 = jnp.zeros((NUM_CLASSES,), dtype=jnp.float32)
    return {"x": x, "edge_index": edge_index, "Wl1": Wl1, "Wr1": Wr1, "att1": att1, "bias1": bias1,
            "Wl2": Wl2, "Wr2": Wr2, "att2": att2, "bias2": bias2}


def _gatv2_layer(x, src, dst, Wl, Wr, att, bias, H, C, concat):
    n = x.shape[0]
    xl = (x @ Wl).reshape(n, H, C)  # applied to source nodes
    xr = (x @ Wr).reshape(n, H, C)  # applied to target nodes
    e = jax.nn.leaky_relu(xl[src] + xr[dst], negative_slope=0.2)  # [E,H,C]
    logits = jnp.sum(e * att[None, :, :], axis=-1)  # [E,H]
    amax = jax.ops.segment_max(logits, dst, num_segments=n)
    amax = jnp.where(jnp.isfinite(amax), amax, 0.0)
    amax = jax.lax.stop_gradient(amax)
    ex = jnp.exp(logits - amax[dst])
    denom = jax.ops.segment_sum(ex, dst, num_segments=n)
    alpha = ex / (denom[dst] + 1e-16)  # softmax over incoming edges of each dst
    msg = xl[src] * alpha[:, :, None]
    out = jax.ops.segment_sum(msg, dst, num_segments=n)  # [n,H,C]
    if concat:
        out = out.reshape(n, H * C)
    else:
        out = out.mean(axis=1)
    return out + bias


def reference(x, edge_index, Wl1, Wr1, att1, bias1, Wl2, Wr2, att2, bias2):
    # eval mode: F.dropout and attention dropout are identity
    src = edge_index[0]
    dst = edge_index[1]
    h = _gatv2_layer(x, src, dst, Wl1, Wr1, att1, bias1, H1, C1, True)
    h = jax.nn.elu(h)
    out = _gatv2_layer(h, src, dst, Wl2, Wr2, att2, bias2, 1, NUM_CLASSES, False)
    return jax.nn.log_softmax(out, axis=1)

if __name__ == "__main__":
    import jax
    _d = setup_inputs()
    print(jax.jit(kernel)(*tuple(_d.values())))

</pallas_src>

<mosaic_0001>
#map = affine_map<(d0, d1) -> (0, 0)>
#map1 = affine_map<(d0, d1) -> (0)>
#map2 = affine_map<(d0, d1) -> (0, 0, 0)>
module attributes {stable_mosaic.version = 14 : i64} {
  func.func @edge_k(%arg0: i32, %arg1: i32, %arg2: memref<10000x64xf32, #tpu.memory_space<hbm>>, %arg3: memref<10000x64xf32, #tpu.memory_space<hbm>>, %arg4: memref<163840xi32, #tpu.memory_space<hbm>>, %arg5: memref<1280x128xi32, #tpu.memory_space<hbm>>, %arg6: memref<4x16xf32, #tpu.memory_space<hbm>>, %arg7: memref<10000x80xf32, #tpu.memory_space<hbm>>, %arg8: memref<2x10000x80xf32, #tpu.memory_space<hbm>>, %arg9: memref<10000x80xf32, #tpu.memory_space<vmem_shared>>, %arg10: memref<5120xi32, #tpu.memory_space<vmem>>, %arg11: memref<40x128xi32, #tpu.memory_space<vmem>>, %arg12: memref<128x64xf32, #tpu.memory_space<vmem>>, %arg13: memref<128x64xf32, #tpu.memory_space<vmem>>, %arg14: memref<128x64xf32, #tpu.memory_space<vmem>>, %arg15: memref<128x64xf32, #tpu.memory_space<vmem>>, %arg16: memref<128x80xf32, #tpu.memory_space<vmem>>, %arg17: memref<128x80xf32, #tpu.memory_space<vmem>>, %arg18: memref<4x16xf32, #tpu.memory_space<vmem>>, %arg19: memref<!tpu.dma_semaphore, #tpu.memory_space<semaphore_mem>>, %arg20: memref<!tpu.dma_semaphore, #tpu.memory_space<semaphore_mem>>, %arg21: memref<!tpu.dma_semaphore, #tpu.memory_space<semaphore_mem>>, %arg22: memref<!tpu.dma_semaphore, #tpu.memory_space<semaphore_mem>>) attributes {dimension_semantics = [#tpu.dimension_semantics<core_parallel>, #tpu.dimension_semantics<subcore_parallel>], iteration_bounds = array<i64: 2, 16>, scalar_prefetch = 0 : i64, scratch_operands = 14 : i64, tpu.core_type = #tpu.core_type<sc_vector_subcore>, window_params = [{transform_indices = #map}, {transform_indices = #map}, {transform_indices = #map1}, {transform_indices = #map}, {transform_indices = #map}, {transform_indices = #map}, {transform_indices = #map2}]} {
    %mul3A = arith.constant 2 : i32
    %mul3A_0 = arith.muli %arg1, %mul3A : i32
    %add3A = arith.addi %mul3A_0, %arg0 : i32
    %mul3A_1 = arith.constant 5120 : i32
    %mul3A_2 = arith.muli %add3A, %mul3A_1 : i32
    "tpu.region"() ({
      %run_scoped3A = tpu.sem_alloc : memref<!tpu.dma_semaphore, #tpu.memory_space<semaphore_mem>>
      tpu.enqueue_dma source(%arg6 : memref<4x16xf32, #tpu.memory_space<hbm>>) target(%arg18 : memref<4x16xf32, #tpu.memory_space<vmem>>) target_semaphore(%run_scoped3A : memref<!tpu.dma_semaphore, #tpu.memory_space<semaphore_mem>>)
      tpu.wait_dma2 semaphore(%run_scoped3A : memref<!tpu.dma_semaphore, #tpu.memory_space<semaphore_mem>>) src(%arg6 : memref<4x16xf32, #tpu.memory_space<hbm>>) dst(%arg18 : memref<4x16xf32, #tpu.memory_space<vmem>>)
      tpu.yield
    }) : () -> ()
    %mul3A_3 = arith.constant 625 : i32
    %mul3A_4 = arith.muli %arg1, %mul3A_3 : i32
    %mul3A_5 = arith.constant 625 : i32
    %mul3A_6 = arith.muli %arg1, %mul3A_5 : i32
    "tpu.region"() ({
      %run_scoped3A = tpu.sem_alloc : memref<!tpu.dma_semaphore, #tpu.memory_space<semaphore_mem>>
      %dma_start3A_67 = arith.constant 0 : i32
      %dma_start3A_68 = tpu.memref_slice %arg9[%mul3A_6, %dma_start3A_67] : memref<10000x80xf32, #tpu.memory_space<vmem_shared>> -> memref<625x80xf32, #tpu.memory_space<vmem_shared>>
      %dma_start3A_69 = arith.constant 0 : i32
      %dma_start3A_70 = tpu.memref_slice %arg7[%mul3A_4, %dma_start3A_69] : memref<10000x80xf32, #tpu.memory_space<hbm>> -> memref<625x80xf32, #tpu.memory_space<hbm>>
      tpu.enqueue_dma source(%dma_start3A_70 : memref<625x80xf32, #tpu.memory_space<hbm>>) target(%dma_start3A_68 : memref<625x80xf32, #tpu.memory_space<vmem_shared>>) target_semaphore(%run_scoped3A : memref<!tpu.dma_semaphore, #tpu.memory_space<semaphore_mem>>)
      %dma_wait3A_71 = arith.constant 0 : i32
      %dma_wait3A_72 = tpu.memref_slice %arg9[%mul3A_6, %dma_wait3A_71] : memref<10000x80xf32, #tpu.memory_space<vmem_shared>> -> memref<625x80xf32, #tpu.memory_space<vmem_shared>>
      %dma_wait3A_73 = arith.constant 0 : i32
      %dma_wait3A_74 = tpu.memref_slice %arg7[%mul3A_4, %dma_wait3A_73] : memref<10000x80xf32, #tpu.memory_space<hbm>> -> memref<625x80xf32, #tpu.memory_space<hbm>>
      tpu.wait_dma2 semaphore(%run_scoped3A : memref<!tpu.dma_semaphore, #tpu.memory_space<semaphore_mem>>) src(%dma_wait3A_74 : memref<625x80xf32, #tpu.memory_space<hbm>>) dst(%dma_wait3A_72 : memref<625x80xf32, #tpu.memory_space<vmem_shared>>)
      tpu.yield
    }) : () -> ()
    "tpu.region"() ({
      %run_scoped3A = tpu.sem_alloc : memref<!tpu.dma_semaphore, #tpu.memory_space<semaphore_mem>>
      %dma_start3A_67 = arith.constant 0 : i32
      %dma_start3A_68 = arith.constant 0 : i32
      %dma_start3A_69 = tpu.memref_slice %arg7[%dma_start3A_67, %dma_start3A_68] : memref<10000x80xf32, #tpu.memory_space<hbm>> -> memref<128x80xf32, #tpu.memory_space<hbm>>
      %dma_start3A_70 = arith.constant 0 : i32
      %dma_start3A_71 = arith.constant 0 : i32
      %dma_start3A_72 = tpu.memref_slice %arg7[%dma_start3A_70, %dma_start3A_71] : memref<10000x80xf32, #tpu.memory_space<hbm>> -> memref<128x80xf32, #tpu.memory_space<hbm>>
      tpu.enqueue_dma source(%dma_start3A_72 : memref<128x80xf32, #tpu.memory_space<hbm>>) target(%arg16 : memref<128x80xf32, #tpu.memory_space<vmem>>) target_semaphore(%run_scoped3A : memref<!tpu.dma_semaphore, #tpu.memory_space<semaphore_mem>>)
      %dma_wait3A_73 = arith.constant 0 : i32
      %dma_wait3A_74 = arith.constant 0 : i32
      %dma_wait3A_75 = tpu.memref_slice %arg7[%dma_wait3A_73, %dma_wait3A_74] : memref<10000x80xf32, #tpu.memory_space<hbm>> -> memref<128x80xf32, #tpu.memory_space<hbm>>
      %dma_wait3A_76 = arith.constant 0 : i32
      %dma_wait3A_77 = arith.constant 0 : i32
      %dma_wait3A_78 = tpu.memref_slice %arg7[%dma_wait3A_76, %dma_wait3A_77] : memref<10000x80xf32, #tpu.memory_space<hbm>> -> memref<128x80xf32, #tpu.memory_space<hbm>>
      tpu.wait_dma2 semaphore(%run_scoped3A : memref<!tpu.dma_semaphore, #tpu.memory_space<semaphore_mem>>) src(%dma_wait3A_78 : memref<128x80xf32, #tpu.memory_space<hbm>>) dst(%arg16 : memref<128x80xf32, #tpu.memory_space<vmem>>)
      tpu.yield
    }) : () -> ()
    "tpu.region"() ({
      %run_scoped3A = tpu.sem_alloc : memref<!tpu.dma_semaphore, #tpu.memory_space<semaphore_mem>>
      %dma_start3A_67 = arith.constant 0 : i32
      %dma_start3A_68 = arith.constant 0 : i32
      %dma_start3A_69 = tpu.memref_slice %arg7[%dma_start3A_67, %dma_start3A_68] : memref<10000x80xf32, #tpu.memory_space<hbm>> -> memref<128x80xf32, #tpu.memory_space<hbm>>
      %dma_start3A_70 = arith.constant 0 : i32
      %dma_start3A_71 = arith.constant 0 : i32
      %dma_start3A_72 = tpu.memref_slice %arg7[%dma_start3A_70, %dma_start3A_71] : memref<10000x80xf32, #tpu.memory_space<hbm>> -> memref<128x80xf32, #tpu.memory_space<hbm>>
      tpu.enqueue_dma source(%dma_start3A_72 : memref<128x80xf32, #tpu.memory_space<hbm>>) target(%arg17 : memref<128x80xf32, #tpu.memory_space<vmem>>) target_semaphore(%run_scoped3A : memref<!tpu.dma_semaphore, #tpu.memory_space<semaphore_mem>>)
      %dma_wait3A_73 = arith.constant 0 : i32
      %dma_wait3A_74 = arith.constant 0 : i32
      %dma_wait3A_75 = tpu.memref_slice %arg7[%dma_wait3A_73, %dma_wait3A_74] : memref<10000x80xf32, #tpu.memory_space<hbm>> -> memref<128x80xf32, #tpu.memory_space<hbm>>
      %dma_wait3A_76 = arith.constant 0 : i32
      %dma_wait3A_77 = arith.constant 0 : i32
      %dma_wait3A_78 = tpu.memref_slice %arg7[%dma_wait3A_76, %dma_wait3A_77] : memref<10000x80xf32, #tpu.memory_space<hbm>> -> memref<128x80xf32, #tpu.memory_space<hbm>>
      tpu.wait_dma2 semaphore(%run_scoped3A : memref<!tpu.dma_semaphore, #tpu.memory_space<semaphore_mem>>) src(%dma_wait3A_78 : memref<128x80xf32, #tpu.memory_space<hbm>>) dst(%arg17 : memref<128x80xf32, #tpu.memory_space<vmem>>)
      tpu.yield
    }) : () -> ()
    "tpu.region"() ({
      %run_scoped3A = tpu.sem_alloc : memref<!tpu.dma_semaphore, #tpu.memory_space<semaphore_mem>>
      %dma_start3A_67 = tpu.memref_slice %arg4[%mul3A_2] : memref<163840xi32, #tpu.memory_space<hbm>> -> memref<5120xi32, #tpu.memory_space<hbm>>
      %dma_start3A_68 = tpu.memref_slice %arg4[%mul3A_2] : memref<163840xi32, #tpu.memory_space<hbm>> -> memref<5120xi32, #tpu.memory_space<hbm>>
      tpu.enqueue_dma source(%dma_start3A_68 : memref<5120xi32, #tpu.memory_space<hbm>>) target(%arg10 : memref<5120xi32, #tpu.memory_space<vmem>>) target_semaphore(%run_scoped3A : memref<!tpu.dma_semaphore, #tpu.memory_space<semaphore_mem>>)
      %dma_wait3A_69 = tpu.memref_slice %arg4[%mul3A_2] : memref<163840xi32, #tpu.memory_space<hbm>> -> memref<5120xi32, #tpu.memory_space<hbm>>
      %dma_wait3A_70 = tpu.memref_slice %arg4[%mul3A_2] : memref<163840xi32, #tpu.memory_space<hbm>> -> memref<5120xi32, #tpu.memory_space<hbm>>
      tpu.wait_dma2 semaphore(%run_scoped3A : memref<!tpu.dma_semaphore, #tpu.memory_space<semaphore_mem>>) src(%dma_wait3A_70 : memref<5120xi32, #tpu.memory_space<hbm>>) dst(%arg10 : memref<5120xi32, #tpu.memory_space<vmem>>)
      tpu.yield
    }) : () -> ()
    %mul3A_7 = arith.constant 40 : i32
    %mul3A_8 = arith.muli %add3A, %mul3A_7 : i32
    "tpu.region"() ({
      %run_scoped3A = tpu.sem_alloc : memref<!tpu.dma_semaphore, #tpu.memory_space<semaphore_mem>>
      %dma_start3A_67 = arith.constant 0 : i32
      %dma_start3A_68 = tpu.memref_slice %arg5[%mul3A_8, %dma_start3A_67] : memref<1280x128xi32, #tpu.memory_space<hbm>> -> memref<40x128xi32, #tpu.memory_space<hbm>>
      %dma_start3A_69 = arith.constant 0 : i32
      %dma_start3A_70 = tpu.memref_slice %arg5[%mul3A_8, %dma_start3A_69] : memref<1280x128xi32, #tpu.memory_space<hbm>> -> memref<40x128xi32, #tpu.memory_space<hbm>>
      tpu.enqueue_dma source(%dma_start3A_70 : memref<40x128xi32, #tpu.memory_space<hbm>>) target(%arg11 : memref<40x128xi32, #tpu.memory_space<vmem>>) target_semaphore(%run_scoped3A : memref<!tpu.dma_semaphore, #tpu.memory_space<semaphore_mem>>)
      %dma_wait3A_71 = arith.constant 0 : i32
      %dma_wait3A_72 = tpu.memref_slice %arg5[%mul3A_8, %dma_wait3A_71] : memref<1280x128xi32, #tpu.memory_space<hbm>> -> memref<40x128xi32, #tpu.memory_space<hbm>>
      %dma_wait3A_73 = arith.constant 0 : i32
      %dma_wait3A_74 = tpu.memref_slice %arg5[%mul3A_8, %dma_wait3A_73] : memref<1280x128xi32, #tpu.memory_space<hbm>> -> memref<40x128xi32, #tpu.memory_space<hbm>>
      tpu.wait_dma2 semaphore(%run_scoped3A : memref<!tpu.dma_semaphore, #tpu.memory_space<semaphore_mem>>) src(%dma_wait3A_74 : memref<40x128xi32, #tpu.memory_space<hbm>>) dst(%arg11 : memref<40x128xi32, #tpu.memory_space<vmem>>)
      tpu.yield
    }) : () -> ()
    %barrier3A = arith.constant 0 : index
    tpu.barrier barrier_id(%barrier3A)
    %iota3A = tpu.iota {dimensions = array<i32: 0>} : vector<16xi32>
    %dma_start3A = arith.constant 0 : i32
    %dma_start3A_9 = arith.constant 0 : i32
    %dma_start3A_10 = tpu.memref_slice %arg12[%dma_start3A, %dma_start3A_9] : memref<128x64xf32, #tpu.memory_space<vmem>> -> memref<64x64xf32, #tpu.memory_space<vmem>>
    %dma_start3A_11 = arith.constant 0 : i32
    %dma_start3A_12 = tpu.memref_slice %arg10[%dma_start3A_11] : memref<5120xi32, #tpu.memory_space<vmem>> -> memref<64xi32, #tpu.memory_space<vmem>>
    %dma_start3A_13 = arith.constant 0 : i32
    %dma_start3A_14 = arith.constant 0 : i32
    %dma_start3A_15 = tpu.memref_slice %arg2[%dma_start3A_13, %dma_start3A_14] : memref<10000x64xf32, #tpu.memory_space<hbm>> -> memref<10000x64xf32, #tpu.memory_space<hbm>>
    tpu.enqueue_indirect_dma source(%dma_start3A_15 : memref<10000x64xf32, #tpu.memory_space<hbm>>) target(%dma_start3A_10 : memref<64x64xf32, #tpu.memory_space<vmem>>) offsets(%dma_start3A_12 : memref<64xi32, #tpu.memory_space<vmem>>) semaphore(%arg19 : memref<!tpu.dma_semaphore, #tpu.memory_space<semaphore_mem>>)
    %dma_start3A_16 = arith.constant 0 : i32
    %dma_start3A_17 = arith.constant 0 : i32
    %dma_start3A_18 = arith.constant 0 : i32
    %dma_start3A_19 = tpu.memref_slice %arg13[%dma_start3A_17, %dma_start3A_18] : memref<128x64xf32, #tpu.memory_space<vmem>> -> memref<64x64xf32, #tpu.memory_space<vmem>>
    %dma_start3A_20 = arith.constant 0 : i32
    %dma_start3A_21 = tpu.memref_slice %arg11[%dma_start3A_16, %dma_start3A_20] : memref<40x128xi32, #tpu.memory_space<vmem>> -> memref<1x64xi32, #tpu.memory_space<vmem>>
    %dma_start3A_22 = tpu.memref_squeeze %dma_start3A_21 : memref<1x64xi32, #tpu.memory_space<vmem>> -> memref<64xi32, #tpu.memory_space<vmem>>
    %dma_start3A_23 = arith.constant 0 : i32
    %dma_start3A_24 = arith.constant 0 : i32
    %dma_start3A_25 = tpu.memref_slice %arg3[%dma_start3A_23, %dma_start3A_24] : memref<10000x64xf32, #tpu.memory_space<hbm>> -> memref<10000x64xf32, #tpu.memory_space<hbm>>
    tpu.enqueue_indirect_dma source(%dma_start3A_25 : memref<10000x64xf32, #tpu.memory_space<hbm>>) target(%dma_start3A_19 : memref<64x64xf32, #tpu.memory_space<vmem>>) offsets(%dma_start3A_22 : memref<64xi32, #tpu.memory_space<vmem>>) semaphore(%arg19 : memref<!tpu.dma_semaphore, #tpu.memory_space<semaphore_mem>>)
    %dma_start3A_26 = arith.constant 64 : i32
    %dma_start3A_27 = arith.constant 0 : i32
    %dma_start3A_28 = tpu.memref_slice %arg12[%dma_start3A_26, %dma_start3A_27] : memref<128x64xf32, #tpu.memory_space<vmem>> -> memref<64x64xf32, #tpu.memory_space<vmem>>
    %dma_start3A_29 = arith.constant 64 : i32
    %dma_start3A_30 = tpu.memref_slice %arg10[%dma_start3A_29] : memref<5120xi32, #tpu.memory_space<vmem>> -> memref<64xi32, #tpu.memory_space<vmem>>
    %dma_start3A_31 = arith.constant 0 : i32
    %dma_start3A_32 = arith.constant 0 : i32
    %dma_start3A_33 = tpu.memref_slice %arg2[%dma_start3A_31, %dma_start3A_32] : memref<10000x64xf32, #tpu.memory_space<hbm>> -> memref<10000x64xf32, #tpu.memory_space<hbm>>
    tpu.enqueue_indirect_dma source(%dma_start3A_33 : memref<10000x64xf32, #tpu.memory_space<hbm>>) target(%dma_start3A_28 : memref<64x64xf32, #tpu.memory_space<vmem>>) offsets(%dma_start3A_30 : memref<64xi32, #tpu.memory_space<vmem>>) semaphore(%arg19 : memref<!tpu.dma_semaphore, #tpu.memory_space<semaphore_mem>>)
    %dma_start3A_34 = arith.constant 0 : i32
    %dma_start3A_35 = arith.constant 64 : i32
    %dma_start3A_36 = arith.constant 0 : i32
    %dma_start3A_37 = tpu.memref_slice %arg13[%dma_start3A_35, %dma_start3A_36] : memref<128x64xf32, #tpu.memory_space<vmem>> -> memref<64x64xf32, #tpu.memory_space<vmem>>
    %dma_start3A_38 = arith.constant 64 : i32
    %dma_start3A_39 = tpu.memref_slice %arg11[%dma_start3A_34, %dma_start3A_38] : memref<40x128xi32, #tpu.memory_space<vmem>> -> memref<1x64xi32, #tpu.memory_space<vmem>>
    %dma_start3A_40 = tpu.memref_squeeze %dma_start3A_39 : memref<1x64xi32, #tpu.memory_space<vmem>> -> memref<64xi32, #tpu.memory_space<vmem>>
    %dma_start3A_41 = arith.constant 0 : i32
    %dma_start3A_42 = arith.constant 0 : i32
    %dma_start3A_43 = tpu.memref_slice %arg3[%dma_start3A_41, %dma_start3A_42] : memref<10000x64xf32, #tpu.memory_space<hbm>> -> memref<10000x64xf32, #tpu.memory_space<hbm>>
    tpu.enqueue_indirect_dma source(%dma_start3A_43 : memref<10000x64xf32, #tpu.memory_space<hbm>>) target(%dma_start3A_37 : memref<64x64xf32, #tpu.memory_space<vmem>>) offsets(%dma_start3A_40 : memref<64xi32, #tpu.memory_space<vmem>>) semaphore(%arg19 : memref<!tpu.dma_semaphore, #tpu.memory_space<semaphore_mem>>)
    %scan3A = arith.constant 0 : i32
    %scan3A_44 = arith.constant 0 : i32
    %scan3A_45 = arith.constant 20 : i32
    %scan3A_46 = arith.addi %scan3A_44, %scan3A_45 : i32
    %scan3A_47 = arith.constant 1 : i32
    scf.for %scan3A_67 = %scan3A_44 to %scan3A_46 step %scan3A_47  : i32 {
      %mul3A_68 = arith.constant 2 : i32
      %mul3A_69 = arith.muli %mul3A_68, %scan3A_67 : i32
      %mul3A_70 = arith.constant 2 : i32
      %mul3A_71 = arith.muli %mul3A_70, %scan3A_67 : i32
      %add3A_72 = arith.constant 1 : i32
      %add3A_73 = arith.addi %mul3A_71, %add3A_72 : i32
      %mul3A_74 = arith.constant 128 : i32
      %mul3A_75 = arith.muli %add3A_73, %mul3A_74 : i32
      %add3A_76 = arith.constant 0 : i32
      %add3A_77 = arith.addi %mul3A_75, %add3A_76 : i32
      %dma_start3A_78 = arith.constant 0 : i32
      %dma_start3A_79 = arith.constant 0 : i32
      %dma_start3A_80 = tpu.memref_slice %arg14[%dma_start3A_78, %dma_start3A_79] : memref<128x64xf32, #tpu.memory_space<vmem>> -> memref<64x64xf32, #tpu.memory_space<vmem>>
      %dma_start3A_81 = tpu.memref_slice %arg10[%add3A_77] : memref<5120xi32, #tpu.memory_space<vmem>> -> memref<64xi32, #tpu.memory_space<vmem>>
      %dma_start3A_82 = arith.constant 0 : i32
      %dma_start3A_83 = arith.constant 0 : i32
      %dma_start3A_84 = tpu.memref_slice %arg2[%dma_start3A_82, %dma_start3A_83] : memref<10000x64xf32, #tpu.memory_space<hbm>> -> memref<10000x64xf32, #tpu.memory_space<hbm>>
      tpu.enqueue_indirect_dma source(%dma_start3A_84 : memref<10000x64xf32, #tpu.memory_space<hbm>>) target(%dma_start3A_80 : memref<64x64xf32, #tpu.memory_space<vmem>>) offsets(%dma_start3A_81 : memref<64xi32, #tpu.memory_space<vmem>>) semaphore(%arg20 : memref<!tpu.dma_semaphore, #tpu.memory_space<semaphore_mem>>)
      %dma_start3A_85 = arith.constant 0 : i32
      %dma_start3A_86 = arith.constant 0 : i32
      %dma_start3A_87 = tpu.memref_slice %arg15[%dma_start3A_85, %dma_start3A_86] : memref<128x64xf32, #tpu.memory_space<vmem>> -> memref<64x64xf32, #tpu.memory_space<vmem>>
      %dma_start3A_88 = arith.constant 0 : i32
      %dma_start3A_89 = tpu.memref_slice %arg11[%add3A_73, %dma_start3A_88] : memref<40x128xi32, #tpu.memory_space<vmem>> -> memref<1x64xi32, #tpu.memory_space<vmem>>
      %dma_start3A_90 = tpu.memref_squeeze %dma_start3A_89 : memref<1x64xi32, #tpu.memory_space<vmem>> -> memref<64xi32, #tpu.memory_space<vmem>>
      %dma_start3A_91 = arith.constant 0 : i32
      %dma_start3A_92 = arith.constant 0 : i32
      %dma_start3A_93 = tpu.memref_slice %arg3[%dma_start3A_91, %dma_start3A_92] : memref<10000x64xf32, #tpu.memory_space<hbm>> -> memref<10000x64xf32, #tpu.memory_space<hbm>>
      tpu.enqueue_indirect_dma source(%dma_start3A_93 : memref<10000x64xf32, #tpu.memory_space<hbm>>) target(%dma_start3A_87 : memref<64x64xf32, #tpu.memory_space<vmem>>) offsets(%dma_start3A_90 : memref<64xi32, #tpu.memory_space<vmem>>) semaphore(%arg20 : memref<!tpu.dma_semaphore, #tpu.memory_space<semaphore_mem>>)
      %mul3A_94 = arith.constant 128 : i32
      %mul3A_95 = arith.muli %add3A_73, %mul3A_94 : i32
      %add3A_96 = arith.constant 64 : i32
      %add3A_97 = arith.addi %mul3A_95, %add3A_96 : i32
      %dma_start3A_98 = arith.constant 64 : i32
      %dma_start3A_99 = arith.constant 0 : i32
      %dma_start3A_100 = tpu.memref_slice %arg14[%dma_start3A_98, %dma_start3A_99] : memref<128x64xf32, #tpu.memory_space<vmem>> -> memref<64x64xf32, #tpu.memory_space<vmem>>
      %dma_start3A_101 = tpu.memref_slice %arg10[%add3A_97] : memref<5120xi32, #tpu.memory_space<vmem>> -> memref<64xi32, #tpu.memory_space<vmem>>
      %dma_start3A_102 = arith.constant 0 : i32
      %dma_start3A_103 = arith.constant 0 : i32
      %dma_start3A_104 = tpu.memref_slice %arg2[%dma_start3A_102, %dma_start3A_103] : memref<10000x64xf32, #tpu.memory_space<hbm>> -> memref<10000x64xf32, #tpu.memory_space<hbm>>
      tpu.enqueue_indirect_dma source(%dma_start3A_104 : memref<10000x64xf32, #tpu.memory_space<hbm>>) target(%dma_start3A_100 : memref<64x64xf32, #tpu.memory_space<vmem>>) offsets(%dma_start3A_101 : memref<64xi32, #tpu.memory_space<vmem>>) semaphore(%arg20 : memref<!tpu.dma_semaphore, #tpu.memory_space<semaphore_mem>>)
      %dma_start3A_105 = arith.constant 64 : i32
      %dma_start3A_106 = arith.constant 0 : i32
      %dma_start3A_107 = tpu.memref_slice %arg15[%dma_start3A_105, %dma_start3A_106] : memref<128x64xf32, #tpu.memory_space<vmem>> -> memref<64x64xf32, #tpu.memory_space<vmem>>
      %dma_start3A_108 = arith.constant 64 : i32
      %dma_start3A_109 = tpu.memref_slice %arg11[%add3A_73, %dma_start3A_108] : memref<40x128xi32, #tpu.memory_space<vmem>> -> memref<1x64xi32, #tpu.memory_space<vmem>>
      %dma_start3A_110 = tpu.memref_squeeze %dma_start3A_109 : memref<1x64xi32, #tpu.memory_space<vmem>> -> memref<64xi32, #tpu.memory_space<vmem>>
      %dma_start3A_111 = arith.constant 0 : i32
      %dma_start3A_112 = arith.constant 0 : i32
      %dma_start3A_113 = tpu.memref_slice %arg3[%dma_start3A_111, %dma_start3A_112] : memref<10000x64xf32, #tpu.memory_space<hbm>> -> memref<10000x64xf32, #tpu.memory_space<hbm>>
      tpu.enqueue_indirect_dma source(%dma_start3A_113 : memref<10000x64xf32, #tpu.memory_space<hbm>>) target(%dma_start3A_107 : memref<64x64xf32, #tpu.memory_space<vmem>>) offsets(%dma_start3A_110 : memref<64xi32, #tpu.memory_space<vmem>>) semaphore(%arg20 : memref<!tpu.dma_semaphore, #tpu.memory_space<semaphore_mem>>)
      %mul3A_114 = arith.constant 128 : i32
      %mul3A_115 = arith.muli %mul3A_69, %mul3A_114 : i32
      %add3A_116 = arith.constant 0 : i32
      %add3A_117 = arith.addi %mul3A_115, %add3A_116 : i32
      %dma_wait3A_118 = arith.constant 0 : i32
      %dma_wait3A_119 = arith.constant 0 : i32
      %dma_wait3A_120 = tpu.memref_slice %arg12[%dma_wait3A_118, %dma_wait3A_119] : memref<128x64xf32, #tpu.memory_space<vmem>> -> memref<64x64xf32, #tpu.memory_space<vmem>>
      %dma_wait3A_121 = tpu.memref_slice %arg10[%add3A_117] : memref<5120xi32, #tpu.memory_space<vmem>> -> memref<64xi32, #tpu.memory_space<vmem>>
      %dma_wait3A_122 = arith.constant 0 : i32
      %dma_wait3A_123 = arith.constant 0 : i32
      %dma_wait3A_124 = tpu.memref_slice %arg2[%dma_wait3A_122, %dma_wait3A_123] : memref<10000x64xf32, #tpu.memory_space<hbm>> -> memref<10000x64xf32, #tpu.memory_space<hbm>>
      tpu.wait_indirect_dma semaphore(%arg19 : memref<!tpu.dma_semaphore, #tpu.memory_space<semaphore_mem>>) src(%dma_wait3A_124 : memref<10000x64xf32, #tpu.memory_space<hbm>>) dst(%dma_wait3A_120 : memref<64x64xf32, #tpu.memory_space<vmem>>)
      %dma_wait3A_125 = arith.constant 0 : i32
      %dma_wait3A_126 = arith.constant 0 : i32
      %dma_wait3A_127 = tpu.memref_slice %arg13[%dma_wait3A_125, %dma_wait3A_126] : memref<128x64xf32, #tpu.memory_space<vmem>> -> memref<64x64xf32, #tpu.memory_space<vmem>>
      %dma_wait3A_128 = arith.constant 0 : i32
      %dma_wait3A_129 = tpu.memref_slice %arg11[%mul3A_69, %dma_wait3A_128] : memref<40x128xi32, #tpu.memory_space<vmem>> -> memref<1x64xi32, #tpu.memory_space<vmem>>
      %dma_wait3A_130 = tpu.memref_squeeze %dma_wait3A_129 : memref<1x64xi32, #tpu.memory_space<vmem>> -> memref<64xi32, #tpu.memory_space<vmem>>
      %dma_wait3A_131 = arith.constant 0 : i32
      %dma_wait3A_132 = arith.constant 0 : i32
      %dma_wait3A_133 = tpu.memref_slice %arg3[%dma_wait3A_131, %dma_wait3A_132] : memref<10000x64xf32, #tpu.memory_space<hbm>> -> memref<10000x64xf32, #tpu.memory_space<hbm>>
      tpu.wait_indirect_dma semaphore(%arg19 : memref<!tpu.dma_semaphore, #tpu.memory_space<semaphore_mem>>) src(%dma_wait3A_133 : memref<10000x64xf32, #tpu.memory_space<hbm>>) dst(%dma_wait3A_127 : memref<64x64xf32, #tpu.memory_space<vmem>>)
      %mul3A_134 = arith.constant 128 : i32
      %mul3A_135 = arith.muli %mul3A_69, %mul3A_134 : i32
      %add3A_136 = arith.constant 64 : i32
      %add3A_137 = arith.addi %mul3A_135, %add3A_136 : i32
      %dma_wait3A_138 = arith.constant 64 : i32
      %dma_wait3A_139 = arith.constant 0 : i32
      %dma_wait3A_140 = tpu.memref_slice %arg12[%dma_wait3A_138, %dma_wait3A_139] : memref<128x64xf32, #tpu.memory_space<vmem>> -> memref<64x64xf32, #tpu.memory_space<vmem>>
      %dma_wait3A_141 = tpu.memref_slice %arg10[%add3A_137] : memref<5120xi32, #tpu.memory_space<vmem>> -> memref<64xi32, #tpu.memory_space<vmem>>
      %dma_wait3A_142 = arith.constant 0 : i32
      %dma_wait3A_143 = arith.constant 0 : i32
      %dma_wait3A_144 = tpu.memref_slice %arg2[%dma_wait3A_142, %dma_wait3A_143] : memref<10000x64xf32, #tpu.memory_space<hbm>> -> memref<10000x64xf32, #tpu.memory_space<hbm>>
      tpu.wait_indirect_dma semaphore(%arg19 : memref<!tpu.dma_semaphore, #tpu.memory_space<semaphore_mem>>) src(%dma_wait3A_144 : memref<10000x64xf32, #tpu.memory_space<hbm>>) dst(%dma_wait3A_140 : memref<64x64xf32, #tpu.memory_space<vmem>>)
      %dma_wait3A_145 = arith.constant 64 : i32
      %dma_wait3A_146 = arith.constant 0 : i32
      %dma_wait3A_147 = tpu.memref_slice %arg13[%dma_wait3A_145, %dma_wait3A_146] : memref<128x64xf32, #tpu.memory_space<vmem>> -> memref<64x64xf32, #tpu.memory_space<vmem>>
      %dma_wait3A_148 = arith.constant 64 : i32
      %dma_wait3A_149 = tpu.memref_slice %arg11[%mul3A_69, %dma_wait3A_148] : memref<40x128xi32, #tpu.memory_space<vmem>> -> memref<1x64xi32, #tpu.memory_space<vmem>>
      %dma_wait3A_150 = tpu.memref_squeeze %dma_wait3A_149 : memref<1x64xi32, #tpu.memory_space<vmem>> -> memref<64xi32, #tpu.memory_space<vmem>>
      %dma_wait3A_151 = arith.constant 0 : i32
      %dma_wait3A_152 = arith.constant 0 : i32
      %dma_wait3A_153 = tpu.memref_slice %arg3[%dma_wait3A_151, %dma_wait3A_152] : memref<10000x64xf32, #tpu.memory_space<hbm>> -> memref<10000x64xf32, #tpu.memory_space<hbm>>
      tpu.wait_indirect_dma semaphore(%arg19 : memref<!tpu.dma_semaphore, #tpu.memory_space<semaphore_mem>>) src(%dma_wait3A_153 : memref<10000x64xf32, #tpu.memory_space<hbm>>) dst(%dma_wait3A_147 : memref<64x64xf32, #tpu.memory_space<vmem>>)
      %gt3A = arith.constant 0 : i32
      %gt3A_154 = arith.cmpi sgt, %scan3A_67, %gt3A : i32
      %convert_element_type3A = arith.extui %gt3A_154 : i1 to i32
      %cond3A = arith.constant 0 : i32
      %cond3A_155 = arith.cmpi ne, %convert_element_type3A, %cond3A : i32
      scf.if %cond3A_155 {
        %dma_wait3A_230 = arith.constant 0 : i32
        %dma_wait3A_231 = arith.constant 0 : i32
        %dma_wait3A_232 = tpu.memref_slice %arg11[%dma_wait3A_230, %dma_wait3A_231] : memref<40x128xi32, #tpu.memory_space<vmem>> -> memref<1x128xi32, #tpu.memory_space<vmem>>
        %dma_wait3A_233 = tpu.memref_squeeze %dma_wait3A_232 : memref<1x128xi32, #tpu.memory_space<vmem>> -> memref<128xi32, #tpu.memory_space<vmem>>
        %dma_wait3A_234 = arith.constant 0 : i32
        %dma_wait3A_235 = arith.constant 0 : i32
        %dma_wait3A_236 = tpu.memref_slice %arg9[%dma_wait3A_234, %dma_wait3A_235] : memref<10000x80xf32, #tpu.memory_space<vmem_shared>> -> memref<10000x80xf32, #tpu.memory_space<vmem_shared>>
        tpu.wait_indirect_dma semaphore(%arg21 : memref<!tpu.dma_semaphore, #tpu.memory_space<semaphore_mem>>) src(%arg16 : memref<128x80xf32, #tpu.memory_space<vmem>>) dst(%dma_wait3A_236 : memref<10000x80xf32, #tpu.memory_space<vmem_shared>>)
      } else {
      }
      %mul3A_156 = arith.constant 128 : i32
      %mul3A_157 = arith.muli %mul3A_69, %mul3A_156 : i32
      %add3A_158 = arith.addi %mul3A_2, %mul3A_157 : i32
      %parallel_loop3A = arith.constant 0 : i32
      %parallel_loop3A_159 = arith.constant 128 : i32
      %parallel_loop3A_160 = arith.constant 1 : i32
      scf.for %parallel_loop3A_230 = %parallel_loop3A to %parallel_loop3A_159 step %parallel_loop3A_160  : i32 {
        %parallel_loop3A_231 = arith.constant 1 : i32
        %parallel_loop3A_232 = vector.broadcast %parallel_loop3A_231 : i32 to vector<16xi32>
        %parallel_loop3A_233 = arith.addi %add3A_158, %parallel_loop3A_230 : i32
        %parallel_loop3A_234 = vector.broadcast %parallel_loop3A_233 : i32 to vector<16xi32>
        %parallel_loop3A_235 = arith.muli %parallel_loop3A_232, %parallel_loop3A_234 : vector<16xi32>
        %parallel_loop3A_236 = arith.constant 160000 : i32
        %parallel_loop3A_237 = vector.broadcast %parallel_loop3A_236 : i32 to vector<16xi32>
        %parallel_loop3A_238 = arith.cmpi slt, %parallel_loop3A_235, %parallel_loop3A_237 : vector<16xi32>
        %parallel_loop3A_239 = arith.constant 1 : i32
        %parallel_loop3A_240 = vector.broadcast %parallel_loop3A_239 : i32 to vector<16xi32>
        %parallel_loop3A_241 = vector.broadcast %parallel_loop3A_230 : i32 to vector<16xi32>
        %parallel_loop3A_242 = arith.muli %parallel_loop3A_240, %parallel_loop3A_241 : vector<16xi32>
        %parallel_loop3A_243 = arith.index_cast %parallel_loop3A_230 : i32 to index
        %parallel_loop3A_244 = arith.constant 0 : index
        %parallel_loop3A_245 = tpu.vector_load %arg12[%parallel_loop3A_243, %parallel_loop3A_244] {strides = array<i32>} : memref<128x64xf32, #tpu.memory_space<vmem>>, vector<16xf32>,
        %parallel_loop3A_246 = arith.index_cast %parallel_loop3A_230 : i32 to index
        %parallel_loop3A_247 = arith.constant 0 : index
        %parallel_loop3A_248 = tpu.vector_load %arg13[%parallel_loop3A_246, %parallel_loop3A_247] {strides = array<i32>} : memref<128x64xf32, #tpu.memory_space<vmem>>, vector<16xf32>,
        %parallel_loop3A_249 = arith.addf %parallel_loop3A_245, %parallel_loop3A_248 : vector<16xf32>
        %parallel_loop3A_250 = arith.constant 2.000000e-01 : f32
        %parallel_loop3A_251 = vector.broadcast %parallel_loop3A_250 : f32 to vector<16xf32>
        %parallel_loop3A_252 = arith.mulf %parallel_loop3A_251, %parallel_loop3A_249 : vector<16xf32>
        %parallel_loop3A_253 = arith.maximumf %parallel_loop3A_249, %parallel_loop3A_252 : vector<16xf32>
        %parallel_loop3A_254 = arith.constant 0 : i32
        %parallel_loop3A_255 = arith.index_cast %parallel_loop3A_254 : i32 to index
        %parallel_loop3A_256 = arith.constant 0 : index
        %parallel_loop3A_257 = tpu.vector_load %arg18[%parallel_loop3A_255, %parallel_loop3A_256] {strides = array<i32>} : memref<4x16xf32, #tpu.memory_space<vmem>>, vector<16xf32>,
        %parallel_loop3A_258 = arith.mulf %parallel_loop3A_253, %parallel_loop3A_257 : vector<16xf32>
        %parallel_loop3A_259 = arith.constant 4 : i32
        %parallel_loop3A_260 = vector.broadcast %parallel_loop3A_259 : i32 to vector<16xi32>
        %parallel_loop3A_261 = arith.xori %iota3A, %parallel_loop3A_260 : vector<16xi32>
        %parallel_loop3A_262 = arith.constant 0 : i32
        %parallel_loop3A_263 = vector.broadcast %parallel_loop3A_262 : i32 to vector<16xi32>
        %parallel_loop3A_264 = arith.cmpi slt, %parallel_loop3A_261, %parallel_loop3A_263 : vector<16xi32>
        %parallel_loop3A_265 = arith.constant 16 : i32
        %parallel_loop3A_266 = vector.broadcast %parallel_loop3A_265 : i32 to vector<16xi32>
        %parallel_loop3A_267 = arith.addi %parallel_loop3A_261, %parallel_loop3A_266 : vector<16xi32>
        %parallel_loop3A_268 = arith.select %parallel_loop3A_264, %parallel_loop3A_267, %parallel_loop3A_261 : vector<16xi1>, vector<16xi32>
        %parallel_loop3A_269 = vector.shape_cast %parallel_loop3A_268 : vector<16xi32> to vector<16x1xi32>
        %parallel_loop3A_270 = vector.shape_cast %parallel_loop3A_269 : vector<16x1xi32> to vector<16xi32>
        %parallel_loop3A_271 = tpu.dynamic_gather %parallel_loop3A_258[%parallel_loop3A_270] in [0] : vector<16xf32>, vector<16xi32> -> vector<16xf32>
        %parallel_loop3A_272 = arith.addf %parallel_loop3A_258, %parallel_loop3A_271 : vector<16xf32>
        %parallel_loop3A_273 = arith.constant 2 : i32
        %parallel_loop3A_274 = vector.broadcast %parallel_loop3A_273 : i32 to vector<16xi32>
        %parallel_loop3A_275 = arith.xori %iota3A, %parallel_loop3A_274 : vector<16xi32>
        %parallel_loop3A_276 = arith.constant 0 : i32
        %parallel_loop3A_277 = vector.broadcast %parallel_loop3A_276 : i32 to vector<16xi32>
        %parallel_loop3A_278 = arith.cmpi slt, %parallel_loop3A_275, %parallel_loop3A_277 : vector<16xi32>
        %parallel_loop3A_279 = arith.constant 16 : i32
        %parallel_loop3A_280 = vector.broadcast %parallel_loop3A_279 : i32 to vector<16xi32>
        %parallel_loop3A_281 = arith.addi %parallel_loop3A_275, %parallel_loop3A_280 : vector<16xi32>
        %parallel_loop3A_282 = arith.select %parallel_loop3A_278, %parallel_loop3A_281, %parallel_loop3A_275 : vector<16xi1>, vector<16xi32>
        %parallel_loop3A_283 = vector.shape_cast %parallel_loop3A_282 : vector<16xi32> to vector<16x1xi32>
        %parallel_loop3A_284 = vector.shape_cast %parallel_loop3A_283 : vector<16x1xi32> to vector<16xi32>
        %parallel_loop3A_285 = tpu.dynamic_gather %parallel_loop3A_272[%parallel_loop3A_284] in [0] : vector<16xf32>, vector<16xi32> -> vector<16xf32>
        %parallel_loop3A_286 = arith.addf %parallel_loop3A_272, %parallel_loop3A_285 : vector<16xf32>
        %parallel_loop3A_287 = arith.constant 1 : i32
        %parallel_loop3A_288 = vector.broadcast %parallel_loop3A_287 : i32 to vector<16xi32>
        %parallel_loop3A_289 = arith.xori %iota3A, %parallel_loop3A_288 : vector<16xi32>
        %parallel_loop3A_290 = arith.constant 0 : i32
        %parallel_loop3A_291 = vector.broadcast %parallel_loop3A_290 : i32 to vector<16xi32>
        %parallel_loop3A_292 = arith.cmpi slt, %parallel_loop3A_289, %parallel_loop3A_291 : vector<16xi32>
        %parallel_loop3A_293 = arith.constant 16 : i32
        %parallel_loop3A_294 = vector.broadcast %parallel_loop3A_293 : i32 to vector<16xi32>
        %parallel_loop3A_295 = arith.addi %parallel_loop3A_289, %parallel_loop3A_294 : vector<16xi32>
        %parallel_loop3A_296 = arith.select %parallel_loop3A_292, %parallel_loop3A_295, %parallel_loop3A_289 : vector<16xi1>, vector<16xi32>
        %parallel_loop3A_297 = vector.shape_cast %parallel_loop3A_296 : vector<16xi32> to vector<16x1xi32>
        %parallel_loop3A_298 = vector.shape_cast %parallel_loop3A_297 : vector<16x1xi32> to vector<16xi32>
        %parallel_loop3A_299 = tpu.dynamic_gather %parallel_loop3A_286[%parallel_loop3A_298] in [0] : vector<16xf32>, vector<16xi32> -> vector<16xf32>
        %parallel_loop3A_300 = arith.addf %parallel_loop3A_286, %parallel_loop3A_299 : vector<16xf32>
        %parallel_loop3A_301 = math.exp %parallel_loop3A_300 : vector<16xf32>
        %parallel_loop3A_302 = arith.constant 0.000000e+00 : f32
        %parallel_loop3A_303 = vector.broadcast %parallel_loop3A_302 : f32 to vector<16xf32>
        %parallel_loop3A_304 = arith.select %parallel_loop3A_238, %parallel_loop3A_301, %parallel_loop3A_303 : vector<16xi1>, vector<16xf32>
        %parallel_loop3A_305 = arith.mulf %parallel_loop3A_245, %parallel_loop3A_304 : vector<16xf32>
        %parallel_loop3A_306 = arith.index_cast %parallel_loop3A_230 : i32 to index
        %parallel_loop3A_307 = arith.constant 0 : index
        %parallel_loop3A_308 = tpu.vector_load %arg16[%parallel_loop3A_306, %parallel_loop3A_307] {strides = array<i32>} : memref<128x80xf32, #tpu.memory_space<vmem>>, vector<16xf32>,
        tpu.vector_store %arg16[%parallel_loop3A_306, %parallel_loop3A_307], %parallel_loop3A_305 {strides = array<i32>} : memref<128x80xf32, #tpu.memory_space<vmem>>, vector<16xf32>,
        %parallel_loop3A_309 = arith.constant 8 : i32
        %parallel_loop3A_310 = vector.broadcast %parallel_loop3A_309 : i32 to vector<16xi32>
        %parallel_loop3A_311 = arith.divsi %iota3A, %parallel_loop3A_310 : vector<16xi32>
        %parallel_loop3A_312 = arith.constant 0 : i32
        %parallel_loop3A_313 = vector.broadcast %parallel_loop3A_312 : i32 to vector<16xi32>
        %parallel_loop3A_314 = arith.cmpi sgt, %iota3A, %parallel_loop3A_313 : vector<16xi32>
        %parallel_loop3A_315 = arith.extui %parallel_loop3A_314 : vector<16xi1> to vector<16xi32>
        %parallel_loop3A_316 = arith.constant 0 : i32
        %parallel_loop3A_317 = vector.broadcast %parallel_loop3A_316 : i32 to vector<16xi32>
        %parallel_loop3A_318 = arith.cmpi slt, %iota3A, %parallel_loop3A_317 : vector<16xi32>
        %parallel_loop3A_319 = arith.extui %parallel_loop3A_318 : vector<16xi1> to vector<16xi32>
        %parallel_loop3A_320 = arith.subi %parallel_loop3A_315, %parallel_loop3A_319 : vector<16xi32>
        %parallel_loop3A_321 = arith.constant 0 : i32
        %parallel_loop3A_322 = arith.cmpi sgt, %parallel_loop3A_309, %parallel_loop3A_321 : i32
        %parallel_loop3A_323 = arith.extui %parallel_loop3A_322 : i1 to i32
        %parallel_loop3A_324 = arith.constant 0 : i32
        %parallel_loop3A_325 = arith.cmpi slt, %parallel_loop3A_309, %parallel_loop3A_324 : i32
        %parallel_loop3A_326 = arith.extui %parallel_loop3A_325 : i1 to i32
        %parallel_loop3A_327 = arith.subi %parallel_loop3A_323, %parallel_loop3A_326 : i32
        %parallel_loop3A_328 = vector.broadcast %parallel_loop3A_327 : i32 to vector<16xi32>
        %parallel_loop3A_329 = arith.cmpi ne, %parallel_loop3A_320, %parallel_loop3A_328 : vector<16xi32>
        %parallel_loop3A_330 = vector.broadcast %parallel_loop3A_309 : i32 to vector<16xi32>
        %parallel_loop3A_331 = arith.remsi %iota3A, %parallel_loop3A_330 : vector<16xi32>
        %parallel_loop3A_332 = arith.constant 0 : i32
        %parallel_loop3A_333 = vector.broadcast %parallel_loop3A_332 : i32 to vector<16xi32>
        %parallel_loop3A_334 = arith.cmpi ne, %parallel_loop3A_331, %parallel_loop3A_333 : vector<16xi32>
        %parallel_loop3A_335 = arith.andi %parallel_loop3A_329, %parallel_loop3A_334 : vector<16xi1>
        %parallel_loop3A_336 = arith.constant 1 : i32
        %parallel_loop3A_337 = vector.broadcast %parallel_loop3A_336 : i32 to vector<16xi32>
        %parallel_loop3A_338 = arith.subi %parallel_loop3A_311, %parallel_loop3A_337 : vector<16xi32>
        %parallel_loop3A_339 = arith.select %parallel_loop3A_335, %parallel_loop3A_338, %parallel_loop3A_311 : vector<16xi1>, vector<16xi32>
        %parallel_loop3A_340 = arith.constant 64 : i32
        %parallel_loop3A_341 = vector.broadcast %parallel_loop3A_340 : i32 to vector<16xi32>
        %parallel_loop3A_342 = arith.addi %parallel_loop3A_341, %parallel_loop3A_339 : vector<16xi32>
        %parallel_loop3A_343 = arith.constant 8 : i32
        %parallel_loop3A_344 = arith.constant 0 : i32
        %parallel_loop3A_345 = arith.cmpi eq, %parallel_loop3A_343, %parallel_loop3A_344 : i32
        %parallel_loop3A_346 = arith.constant 1 : i32
        %parallel_loop3A_347 = arith.select %parallel_loop3A_345, %parallel_loop3A_346, %parallel_loop3A_343 : i32
        %parallel_loop3A_348 = vector.broadcast %parallel_loop3A_347 : i32 to vector<16xi32>
        %parallel_loop3A_349 = arith.remsi %iota3A, %parallel_loop3A_348 : vector<16xi32>
        %parallel_loop3A_350 = arith.constant 0 : i32
        %parallel_loop3A_351 = vector.broadcast %parallel_loop3A_350 : i32 to vector<16xi32>
        %parallel_loop3A_352 = arith.cmpi ne, %parallel_loop3A_349, %parallel_loop3A_351 : vector<16xi32>
        %parallel_loop3A_353 = arith.constant 0 : i32
        %parallel_loop3A_354 = vector.broadcast %parallel_loop3A_353 : i32 to vector<16xi32>
        %parallel_loop3A_355 = arith.cmpi slt, %parallel_loop3A_349, %parallel_loop3A_354 : vector<16xi32>
        %parallel_loop3A_356 = arith.constant 0 : i32
        %parallel_loop3A_357 = arith.cmpi slt, %parallel_loop3A_347, %parallel_loop3A_356 : i32
        %parallel_loop3A_358 = vector.broadcast %parallel_loop3A_357 : i1 to vector<16xi1>
        %parallel_loop3A_359 = vector.broadcast %parallel_loop3A_358 : vector<16xi1> to vector<16xi1>
        %parallel_loop3A_360 = arith.xori %parallel_loop3A_355, %parallel_loop3A_359 : vector<16xi1>
        %parallel_loop3A_361 = arith.andi %parallel_loop3A_360, %parallel_loop3A_352 : vector<16xi1>
        %parallel_loop3A_362 = vector.broadcast %parallel_loop3A_347 : i32 to vector<16xi32>
        %parallel_loop3A_363 = arith.addi %parallel_loop3A_349, %parallel_loop3A_362 : vector<16xi32>
        %parallel_loop3A_364 = arith.select %parallel_loop3A_361, %parallel_loop3A_363, %parallel_loop3A_349 : vector<16xi1>, vector<16xi32>
        %parallel_loop3A_365 = arith.constant 0 : i32
        %parallel_loop3A_366 = vector.broadcast %parallel_loop3A_365 : i32 to vector<16xi32>
        %parallel_loop3A_367 = arith.cmpi eq, %parallel_loop3A_364, %parallel_loop3A_366 : vector<16xi32>
        tpu.vector_store_idx %arg16[%parallel_loop3A_242, %parallel_loop3A_342], %parallel_loop3A_304 masked %parallel_loop3A_367 : memref<128x80xf32, #tpu.memory_space<vmem>>[vector<16xi32>, vector<16xi32>], vector<16xf32>, vector<16xi1>
        %parallel_loop3A_368 = arith.index_cast %parallel_loop3A_230 : i32 to index
        %parallel_loop3A_369 = arith.constant 16 : index
        %parallel_loop3A_370 = tpu.vector_load %arg12[%parallel_loop3A_368, %parallel_loop3A_369] {strides = array<i32>} : memref<128x64xf32, #tpu.memory_space<vmem>>, vector<16xf32>,
        %parallel_loop3A_371 = arith.index_cast %parallel_loop3A_230 : i32 to index
        %parallel_loop3A_372 = arith.constant 16 : index
        %parallel_loop3A_373 = tpu.vector_load %arg13[%parallel_loop3A_371, %parallel_loop3A_372] {strides = array<i32>} : memref<128x64xf32, #tpu.memory_space<vmem>>, vector<16xf32>,
        %parallel_loop3A_374 = arith.addf %parallel_loop3A_370, %parallel_loop3A_373 : vector<16xf32>
        %parallel_loop3A_375 = arith.constant 2.000000e-01 : f32
        %parallel_loop3A_376 = vector.broadcast %parallel_loop3A_375 : f32 to vector<16xf32>
        %parallel_loop3A_377 = arith.mulf %parallel_loop3A_376, %parallel_loop3A_374 : vector<16xf32>
        %parallel_loop3A_378 = arith.maximumf %parallel_loop3A_374, %parallel_loop3A_377 : vector<16xf32>
        %parallel_loop3A_379 = arith.constant 1 : i32
        %parallel_loop3A_380 = arith.index_cast %parallel_loop3A_379 : i32 to index
        %parallel_loop3A_381 = arith.constant 0 : index
        %parallel_loop3A_382 = tpu.vector_load %arg18[%parallel_loop3A_380, %parallel_loop3A_381] {strides = array<i32>} : memref<4x16xf32, #tpu.memory_space<vmem>>, vector<16xf32>,
        %parallel_loop3A_383 = arith.mulf %parallel_loop3A_378, %parallel_loop3A_382 : vector<16xf32>
        %parallel_loop3A_384 = arith.constant 4 : i32
        %parallel_loop3A_385 = vector.broadcast %parallel_loop3A_384 : i32 to vector<16xi32>
        %parallel_loop3A_386 = arith.xori %iota3A, %parallel_loop3A_385 : vector<16xi32>
        %parallel_loop3A_387 = arith.constant 0 : i32
        %parallel_loop3A_388 = vector.broadcast %parallel_loop3A_387 : i32 to vector<16xi32>
        %parallel_loop3A_389 = arith.cmpi slt, %parallel_loop3A_386, %parallel_loop3A_388 : vector<16xi32>
        %parallel_loop3A_390 = arith.constant 16 : i32
        %parallel_loop3A_391 = vector.broadcast %parallel_loop3A_390 : i32 to vector<16xi32>
        %parallel_loop3A_392 = arith.addi %parallel_loop3A_386, %parallel_loop3A_391 : vector<16xi32>
        %parallel_loop3A_393 = arith.select %parallel_loop3A_389, %parallel_loop3A_392, %parallel_loop3A_386 : vector<16xi1>, vector<16xi32>
        %parallel_loop3A_394 = vector.shape_cast %parallel_loop3A_393 : vector<16xi32> to vector<16x1xi32>
        %parallel_loop3A_395 = vector.shape_cast %parallel_loop3A_394 : vector<16x1xi32> to vector<16xi32>
        %parallel_loop3A_396 = tpu.dynamic_gather %parallel_loop3A_383[%parallel_loop3A_395] in [0] : vector<16xf32>, vector<16xi32> -> vector<16xf32>
        %parallel_loop3A_397 = arith.addf %parallel_loop3A_383, %parallel_loop3A_396 : vector<16xf32>
        %parallel_loop3A_398 = arith.constant 2 : i32
        %parallel_loop3A_399 = vector.broadcast %parallel_loop3A_398 : i32 to vector<16xi32>
        %parallel_loop3A_400 = arith.xori %iota3A, %parallel_loop3A_399 : vector<16xi32>
        %parallel_loop3A_401 = arith.constant 0 : i32
        %parallel_loop3A_402 = vector.broadcast %parallel_loop3A_401 : i32 to vector<16xi32>
        %parallel_loop3A_403 = arith.cmpi slt, %parallel_loop3A_400, %parallel_loop3A_402 : vector<16xi32>
        %parallel_loop3A_404 = arith.constant 16 : i32
        %parallel_loop3A_405 = vector.broadcast %parallel_loop3A_404 : i32 to vector<16xi32>
        %parallel_loop3A_406 = arith.addi %parallel_loop3A_400, %parallel_loop3A_405 : vector<16xi32>
        %parallel_loop3A_407 = arith.select %parallel_loop3A_403, %parallel_loop3A_406, %parallel_loop3A_400 : vector<16xi1>, vector<16xi32>
        %parallel_loop3A_408 = vector.shape_cast %parallel_loop3A_407 : vector<16xi32> to vector<16x1xi32>
        %parallel_loop3A_409 = vector.shape_cast %parallel_loop3A_408 : vector<16x1xi32> to vector<16xi32>
        %parallel_loop3A_410 = tpu.dynamic_gather %parallel_loop3A_397[%parallel_loop3A_409] in [0] : vector<16xf32>, vector<16xi32> -> vector<16xf32>
        %parallel_loop3A_411 = arith.addf %parallel_loop3A_397, %parallel_loop3A_410 : vector<16xf32>
        %parallel_loop3A_412 = arith.constant 1 : i32
        %parallel_loop3A_413 = vector.broadcast %parallel_loop3A_412 : i32 to vector<16xi32>
        %parallel_loop3A_414 = arith.xori %iota3A, %parallel_loop3A_413 : vector<16xi32>
        %parallel_loop3A_415 = arith.constant 0 : i32
        %parallel_loop3A_416 = vector.broadcast %parallel_loop3A_415 : i32 to vector<16xi32>
        %parallel_loop3A_417 = arith.cmpi slt, %parallel_loop3A_414, %parallel_loop3A_416 : vector<16xi32>
        %parallel_loop3A_418 = arith.constant 16 : i32
        %parallel_loop3A_419 = vector.broadcast %parallel_loop3A_418 : i32 to vector<16xi32>
        %parallel_loop3A_420 = arith.addi %parallel_loop3A_414, %parallel_loop3A_419 : vector<16xi32>
        %parallel_loop3A_421 = arith.select %parallel_loop3A_417, %parallel_loop3A_420, %parallel_loop3A_414 : vector<16xi1>, vector<16xi32>
        %parallel_loop3A_422 = vector.shape_cast %parallel_loop3A_421 : vector<16xi32> to vector<16x1xi32>
        %parallel_loop3A_423 = vector.shape_cast %parallel_loop3A_422 : vector<16x1xi32> to vector<16xi32>
        %parallel_loop3A_424 = tpu.dynamic_gather %parallel_loop3A_411[%parallel_loop3A_423] in [0] : vector<16xf32>, vector<16xi32> -> vector<16xf32>
        %parallel_loop3A_425 = arith.addf %parallel_loop3A_411, %parallel_loop3A_424 : vector<16xf32>
        %parallel_loop3A_426 = math.exp %parallel_loop3A_425 : vector<16xf32>
        %parallel_loop3A_427 = arith.constant 0.000000e+00 : f32
        %parallel_loop3A_428 = vector.broadcast %parallel_loop3A_427 : f32 to vector<16xf32>
        %parallel_loop3A_429 = arith.select %parallel_loop3A_238, %parallel_loop3A_426, %parallel_loop3A_428 : vector<16xi1>, vector<16xf32>
        %parallel_loop3A_430 = arith.mulf %parallel_loop3A_370, %parallel_loop3A_429 : vector<16xf32>
        %parallel_loop3A_431 = arith.index_cast %parallel_loop3A_230 : i32 to index
        %parallel_loop3A_432 = arith.constant 16 : index
        %parallel_loop3A_433 = tpu.vector_load %arg16[%parallel_loop3A_431, %parallel_loop3A_432] {strides = array<i32>} : memref<128x80xf32, #tpu.memory_space<vmem>>, vector<16xf32>,
        tpu.vector_store %arg16[%parallel_loop3A_431, %parallel_loop3A_432], %parallel_loop3A_430 {strides = array<i32>} : memref<128x80xf32, #tpu.memory_space<vmem>>, vector<16xf32>,
        %parallel_loop3A_434 = arith.constant 8 : i32
        %parallel_loop3A_435 = vector.broadcast %parallel_loop3A_434 : i32 to vector<16xi32>
        %parallel_loop3A_436 = arith.divsi %iota3A, %parallel_loop3A_435 : vector<16xi32>
        %parallel_loop3A_437 = arith.constant 0 : i32
        %parallel_loop3A_438 = vector.broadcast %parallel_loop3A_437 : i32 to vector<16xi32>
        %parallel_loop3A_439 = arith.cmpi sgt, %iota3A, %parallel_loop3A_438 : vector<16xi32>
        %parallel_loop3A_440 = arith.extui %parallel_loop3A_439 : vector<16xi1> to vector<16xi32>
        %parallel_loop3A_441 = arith.constant 0 : i32
        %parallel_loop3A_442 = vector.broadcast %parallel_loop3A_441 : i32 to vector<16xi32>
        %parallel_loop3A_443 = arith.cmpi slt, %iota3A, %parallel_loop3A_442 : vector<16xi32>
        %parallel_loop3A_444 = arith.extui %parallel_loop3A_443 : vector<16xi1> to vector<16xi32>
        %parallel_loop3A_445 = arith.subi %parallel_loop3A_440, %parallel_loop3A_444 : vector<16xi32>
        %parallel_loop3A_446 = arith.constant 0 : i32
        %parallel_loop3A_447 = arith.cmpi sgt, %parallel_loop3A_434, %parallel_loop3A_446 : i32
        %parallel_loop3A_448 = arith.extui %parallel_loop3A_447 : i1 to i32
        %parallel_loop3A_449 = arith.constant 0 : i32
        %parallel_loop3A_450 = arith.cmpi slt, %parallel_loop3A_434, %parallel_loop3A_449 : i32
        %parallel_loop3A_451 = arith.extui %parallel_loop3A_450 : i1 to i32
        %parallel_loop3A_452 = arith.subi %parallel_loop3A_448, %parallel_loop3A_451 : i32
        %parallel_loop3A_453 = vector.broadcast %parallel_loop3A_452 : i32 to vector<16xi32>
        %parallel_loop3A_454 = arith.cmpi ne, %parallel_loop3A_445, %parallel_loop3A_453 : vector<16xi32>
        %parallel_loop3A_455 = vector.broadcast %parallel_loop3A_434 : i32 to vector<16xi32>
        %parallel_loop3A_456 = arith.remsi %iota3A, %parallel_loop3A_455 : vector<16xi32>
        %parallel_loop3A_457 = arith.constant 0 : i32
        %parallel_loop3A_458 = vector.broadcast %parallel_loop3A_457 : i32 to vector<16xi32>
        %parallel_loop3A_459 = arith.cmpi ne, %parallel_loop3A_456, %parallel_loop3A_458 : vector<16xi32>
        %parallel_loop3A_460 = arith.andi %parallel_loop3A_454, %parallel_loop3A_459 : vector<16xi1>
        %parallel_loop3A_461 = arith.constant 1 : i32
        %parallel_loop3A_462 = vector.broadcast %parallel_loop3A_461 : i32 to vector<16xi32>
        %parallel_loop3A_463 = arith.subi %parallel_loop3A_436, %parallel_loop3A_462 : vector<16xi32>
        %parallel_loop3A_464 = arith.select %parallel_loop3A_460, %parallel_loop3A_463, %parallel_loop3A_436 : vector<16xi1>, vector<16xi32>
        %parallel_loop3A_465 = arith.constant 66 : i32
        %parallel_loop3A_466 = vector.broadcast %parallel_loop3A_465 : i32 to vector<16xi32>
        %parallel_loop3A_467 = arith.addi %parallel_loop3A_466, %parallel_loop3A_464 : vector<16xi32>
        %parallel_loop3A_468 = arith.constant 8 : i32
        %parallel_loop3A_469 = arith.constant 0 : i32
        %parallel_loop3A_470 = arith.cmpi eq, %parallel_loop3A_468, %parallel_loop3A_469 : i32
        %parallel_loop3A_471 = arith.constant 1 : i32
        %parallel_loop3A_472 = arith.select %parallel_loop3A_470, %parallel_loop3A_471, %parallel_loop3A_468 : i32
        %parallel_loop3A_473 = vector.broadcast %parallel_loop3A_472 : i32 to vector<16xi32>
        %parallel_loop3A_474 = arith.remsi %iota3A, %parallel_loop3A_473 : vector<16xi32>
        %parallel_loop3A_475 = arith.constant 0 : i32
        %parallel_loop3A_476 = vector.broadcast %parallel_loop3A_475 : i32 to vector<16xi32>
        %parallel_loop3A_477 = arith.cmpi ne, %parallel_loop3A_474, %parallel_loop3A_476 : vector<16xi32>
        %parallel_loop3A_478 = arith.constant 0 : i32
        %parallel_loop3A_479 = vector.broadcast %parallel_loop3A_478 : i32 to vector<16xi32>
        %parallel_loop3A_480 = arith.cmpi slt, %parallel_loop3A_474, %parallel_loop3A_479 : vector<16xi32>
        %parallel_loop3A_481 = arith.constant 0 : i32
        %parallel_loop3A_482 = arith.cmpi slt, %parallel_loop3A_472, %parallel_loop3A_481 : i32
        %parallel_loop3A_483 = vector.broadcast %parallel_loop3A_482 : i1 to vector<16xi1>
        %parallel_loop3A_484 = vector.broadcast %parallel_loop3A_483 : vector<16xi1> to vector<16xi1>
        %parallel_loop3A_485 = arith.xori %parallel_loop3A_480, %parallel_loop3A_484 : vector<16xi1>
        %parallel_loop3A_486 = arith.andi %parallel_loop3A_485, %parallel_loop3A_477 : vector<16xi1>
        %parallel_loop3A_487 = vector.broadcast %parallel_loop3A_472 : i32 to vector<16xi32>
        %parallel_loop3A_488 = arith.addi %parallel_loop3A_474, %parallel_loop3A_487 : vector<16xi32>
        %parallel_loop3A_489 = arith.select %parallel_loop3A_486, %parallel_loop3A_488, %parallel_loop3A_474 : vector<16xi1>, vector<16xi32>
        %parallel_loop3A_490 = arith.constant 0 : i32
        %parallel_loop3A_491 = vector.broadcast %parallel_loop3A_490 : i32 to vector<16xi32>
        %parallel_loop3A_492 = arith.cmpi eq, %parallel_loop3A_489, %parallel_loop3A_491 : vector<16xi32>
        tpu.vector_store_idx %arg16[%parallel_loop3A_242, %parallel_loop3A_467], %parallel_loop3A_429 masked %parallel_loop3A_492 : memref<128x80xf32, #tpu.memory_space<vmem>>[vector<16xi32>, vector<16xi32>], vector<16xf32>, vector<16xi1>
        %parallel_loop3A_493 = arith.index_cast %parallel_loop3A_230 : i32 to index
        %parallel_loop3A_494 = arith.constant 32 : index
        %parallel_loop3A_495 = tpu.vector_load %arg12[%parallel_loop3A_493, %parallel_loop3A_494] {strides = array<i32>} : memref<128x64xf32, #tpu.memory_space<vmem>>, vector<16xf32>,
        %parallel_loop3A_496 = arith.index_cast %parallel_loop3A_230 : i32 to index
        %parallel_loop3A_497 = arith.constant 32 : index
        %parallel_loop3A_498 = tpu.vector_load %arg13[%parallel_loop3A_496, %parallel_loop3A_497] {strides = array<i32>} : memref<128x64xf32, #tpu.memory_space<vmem>>, vector<16xf32>,
        %parallel_loop3A_499 = arith.addf %parallel_loop3A_495, %parallel_loop3A_498 : vector<16xf32>
        %parallel_loop3A_500 = arith.constant 2.000000e-01 : f32
        %parallel_loop3A_501 = vector.broadcast %parallel_loop3A_500 : f32 to vector<16xf32>
        %parallel_loop3A_502 = arith.mulf %parallel_loop3A_501, %parallel_loop3A_499 : vector<16xf32>
        %parallel_loop3A_503 = arith.maximumf %parallel_loop3A_499, %parallel_loop3A_502 : vector<16xf32>
        %parallel_loop3A_504 = arith.constant 2 : i32
        %parallel_loop3A_505 = arith.index_cast %parallel_loop3A_504 : i32 to index
        %parallel_loop3A_506 = arith.constant 0 : index
        %parallel_loop3A_507 = tpu.vector_load %arg18[%parallel_loop3A_505, %parallel_loop3A_506] {strides = array<i32>} : memref<4x16xf32, #tpu.memory_space<vmem>>, vector<16xf32>,
        %parallel_loop3A_508 = arith.mulf %parallel_loop3A_503, %parallel_loop3A_507 : vector<16xf32>
        %parallel_loop3A_509 = arith.constant 4 : i32
        %parallel_loop3A_510 = vector.broadcast %parallel_loop3A_509 : i32 to vector<16xi32>
        %parallel_loop3A_511 = arith.xori %iota3A, %parallel_loop3A_510 : vector<16xi32>
        %parallel_loop3A_512 = arith.constant 0 : i32
        %parallel_loop3A_513 = vector.broadcast %parallel_loop3A_512 : i32 to vector<16xi32>
        %parallel_loop3A_514 = arith.cmpi slt, %parallel_loop3A_511, %parallel_loop3A_513 : vector<16xi32>
        %parallel_loop3A_515 = arith.constant 16 : i32
        %parallel_loop3A_516 = vector.broadcast %parallel_loop3A_515 : i32 to vector<16xi32>
        %parallel_loop3A_517 = arith.addi %parallel_loop3A_511, %parallel_loop3A_516 : vector<16xi32>
        %parallel_loop3A_518 = arith.select %parallel_loop3A_514, %parallel_loop3A_517, %parallel_loop3A_511 : vector<16xi1>, vector<16xi32>
        %parallel_loop3A_519 = vector.shape_cast %parallel_loop3A_518 : vector<16xi32> to vector<16x1xi32>
        %parallel_loop3A_520 = vector.shape_cast %parallel_loop3A_519 : vector<16x1xi32> to vector<16xi32>
        %parallel_loop3A_521 = tpu.dynamic_gather %parallel_loop3A_508[%parallel_loop3A_520] in [0] : vector<16xf32>, vector<16xi32> -> vector<16xf32>
        %parallel_loop3A_522 = arith.addf %parallel_loop3A_508, %parallel_loop3A_521 : vector<16xf32>
        %parallel_loop3A_523 = arith.constant 2 : i32
        %parallel_loop3A_524 = vector.broadcast %parallel_loop3A_523 : i32 to vector<16xi32>
        %parallel_loop3A_525 = arith.xori %iota3A, %parallel_loop3A_524 : vector<16xi32>
        %parallel_loop3A_526 = arith.constant 0 : i32
        %parallel_loop3A_527 = vector.broadcast %parallel_loop3A_526 : i32 to vector<16xi32>
        %parallel_loop3A_528 = arith.cmpi slt, %parallel_loop3A_525, %parallel_loop3A_527 : vector<16xi32>
        %parallel_loop3A_529 = arith.constant 16 : i32
        %parallel_loop3A_530 = vector.broadcast %parallel_loop3A_529 : i32 to vector<16xi32>
        %parallel_loop3A_531 = arith.addi %parallel_loop3A_525, %parallel_loop3A_530 : vector<16xi32>
        %parallel_loop3A_532 = arith.select %parallel_loop3A_528, %parallel_loop3A_531, %parallel_loop3A_525 : vector<16xi1>, vector<16xi32>
        %parallel_loop3A_533 = vector.shape_cast %parallel_loop3A_532 : vector<16xi32> to vector<16x1xi32>
        %parallel_loop3A_534 = vector.shape_cast %parallel_loop3A_533 : vector<16x1xi32> to vector<16xi32>
        %parallel_loop3A_535 = tpu.dynamic_gather %parallel_loop3A_522[%parallel_loop3A_534] in [0] : vector<16xf32>, vector<16xi32> -> vector<16xf32>
        %parallel_loop3A_536 = arith.addf %parallel_loop3A_522, %parallel_loop3A_535 : vector<16xf32>
        %parallel_loop3A_537 = arith.constant 1 : i32
        %parallel_loop3A_538 = vector.broadcast %parallel_loop3A_537 : i32 to vector<16xi32>
        %parallel_loop3A_539 = arith.xori %iota3A, %parallel_loop3A_538 : vector<16xi32>
        %parallel_loop3A_540 = arith.constant 0 : i32
        %parallel_loop3A_541 = vector.broadcast %parallel_loop3A_540 : i32 to vector<16xi32>
        %parallel_loop3A_542 = arith.cmpi slt, %parallel_loop3A_539, %parallel_loop3A_541 : vector<16xi32>
        %parallel_loop3A_543 = arith.constant 16 : i32
        %parallel_loop3A_544 = vector.broadcast %parallel_loop3A_543 : i32 to vector<16xi32>
        %parallel_loop3A_545 = arith.addi %parallel_loop3A_539, %parallel_loop3A_544 : vector<16xi32>
        %parallel_loop3A_546 = arith.select %parallel_loop3A_542, %parallel_loop3A_545, %parallel_loop3A_539 : vector<16xi1>, vector<16xi32>
        %parallel_loop3A_547 = vector.shape_cast %parallel_loop3A_546 : vector<16xi32> to vector<16x1xi32>
        %parallel_loop3A_548 = vector.shape_cast %parallel_loop3A_547 : vector<16x1xi32> to vector<16xi32>
        %parallel_loop3A_549 = tpu.dynamic_gather %parallel_loop3A_536[%parallel_loop3A_548] in [0] : vector<16xf32>, vector<16xi32> -> vector<16xf32>
        %parallel_loop3A_550 = arith.addf %parallel_loop3A_536, %parallel_loop3A_549 : vector<16xf32>
        %parallel_loop3A_551 = math.exp %parallel_loop3A_550 : vector<16xf32>
        %parallel_loop3A_552 = arith.constant 0.000000e+00 : f32
        %parallel_loop3A_553 = vector.broadcast %parallel_loop3A_552 : f32 to vector<16xf32>
        %parallel_loop3A_554 = arith.select %parallel_loop3A_238, %parallel_loop3A_551, %parallel_loop3A_553 : vector<16xi1>, vector<16xf32>
        %parallel_loop3A_555 = arith.mulf %parallel_loop3A_495, %parallel_loop3A_554 : vector<16xf32>
        %parallel_loop3A_556 = arith.index_cast %parallel_loop3A_230 : i32 to index
        %parallel_loop3A_557 = arith.constant 32 : index
        %parallel_loop3A_558 = tpu.vector_load %arg16[%parallel_loop3A_556, %parallel_loop3A_557] {strides = array<i32>} : memref<128x80xf32, #tpu.memory_space<vmem>>, vector<16xf32>,
        tpu.vector_store %arg16[%parallel_loop3A_556, %parallel_loop3A_557], %parallel_loop3A_555 {strides = array<i32>} : memref<128x80xf32, #tpu.memory_space<vmem>>, vector<16xf32>,
        %parallel_loop3A_559 = arith.constant 8 : i32
        %parallel_loop3A_560 = vector.broadcast %parallel_loop3A_559 : i32 to vector<16xi32>
        %parallel_loop3A_561 = arith.divsi %iota3A, %parallel_loop3A_560 : vector<16xi32>
        %parallel_loop3A_562 = arith.constant 0 : i32
        %parallel_loop3A_563 = vector.broadcast %parallel_loop3A_562 : i32 to vector<16xi32>
        %parallel_loop3A_564 = arith.cmpi sgt, %iota3A, %parallel_loop3A_563 : vector<16xi32>
        %parallel_loop3A_565 = arith.extui %parallel_loop3A_564 : vector<16xi1> to vector<16xi32>
        %parallel_loop3A_566 = arith.constant 0 : i32
        %parallel_loop3A_567 = vector.broadcast %parallel_loop3A_566 : i32 to vector<16xi32>
        %parallel_loop3A_568 = arith.cmpi slt, %iota3A, %parallel_loop3A_567 : vector<16xi32>
        %parallel_loop3A_569 = arith.extui %parallel_loop3A_568 : vector<16xi1> to vector<16xi32>
        %parallel_loop3A_570 = arith.subi %parallel_loop3A_565, %parallel_loop3A_569 : vector<16xi32>
        %parallel_loop3A_571 = arith.constant 0 : i32
        %parallel_loop3A_572 = arith.cmpi sgt, %parallel_loop3A_559, %parallel_loop3A_571 : i32
        %parallel_loop3A_573 = arith.extui %parallel_loop3A_572 : i1 to i32
        %parallel_loop3A_574 = arith.constant 0 : i32
        %parallel_loop3A_575 = arith.cmpi slt, %parallel_loop3A_559, %parallel_loop3A_574 : i32
        %parallel_loop3A_576 = arith.extui %parallel_loop3A_575 : i1 to i32
        %parallel_loop3A_577 = arith.subi %parallel_loop3A_573, %parallel_loop3A_576 : i32
        %parallel_loop3A_578 = vector.broadcast %parallel_loop3A_577 : i32 to vector<16xi32>
        %parallel_loop3A_579 = arith.cmpi ne, %parallel_loop3A_570, %parallel_loop3A_578 : vector<16xi32>
        %parallel_loop3A_580 = vector.broadcast %parallel_loop3A_559 : i32 to vector<16xi32>
        %parallel_loop3A_581 = arith.remsi %iota3A, %parallel_loop3A_580 : vector<16xi32>
        %parallel_loop3A_582 = arith.constant 0 : i32
        %parallel_loop3A_583 = vector.broadcast %parallel_loop3A_582 : i32 to vector<16xi32>
        %parallel_loop3A_584 = arith.cmpi ne, %parallel_loop3A_581, %parallel_loop3A_583 : vector<16xi32>
        %parallel_loop3A_585 = arith.andi %parallel_loop3A_579, %parallel_loop3A_584 : vector<16xi1>
        %parallel_loop3A_586 = arith.constant 1 : i32
        %parallel_loop3A_587 = vector.broadcast %parallel_loop3A_586 : i32 to vector<16xi32>
        %parallel_loop3A_588 = arith.subi %parallel_loop3A_561, %parallel_loop3A_587 : vector<16xi32>
        %parallel_loop3A_589 = arith.select %parallel_loop3A_585, %parallel_loop3A_588, %parallel_loop3A_561 : vector<16xi1>, vector<16xi32>
        %parallel_loop3A_590 = arith.constant 68 : i32
        %parallel_loop3A_591 = vector.broadcast %parallel_loop3A_590 : i32 to vector<16xi32>
        %parallel_loop3A_592 = arith.addi %parallel_loop3A_591, %parallel_loop3A_589 : vector<16xi32>
        %parallel_loop3A_593 = arith.constant 8 : i32
        %parallel_loop3A_594 = arith.constant 0 : i32
        %parallel_loop3A_595 = arith.cmpi eq, %parallel_loop3A_593, %parallel_loop3A_594 : i32
        %parallel_loop3A_596 = arith.constant 1 : i32
        %parallel_loop3A_597 = arith.select %parallel_loop3A_595, %parallel_loop3A_596, %parallel_loop3A_593 : i32
        %parallel_loop3A_598 = vector.broadcast %parallel_loop3A_597 : i32 to vector<16xi32>
        %parallel_loop3A_599 = arith.remsi %iota3A, %parallel_loop3A_598 : vector<16xi32>
        %parallel_loop3A_600 = arith.constant 0 : i32
        %parallel_loop3A_601 = vector.broadcast %parallel_loop3A_600 : i32 to vector<16xi32>
        %parallel_loop3A_602 = arith.cmpi ne, %parallel_loop3A_599, %parallel_loop3A_601 : vector<16xi32>
        %parallel_loop3A_603 = arith.constant 0 : i32
        %parallel_loop3A_604 = vector.broadcast %parallel_loop3A_603 : i32 to vector<16xi32>
        %parallel_loop3A_605 = arith.cmpi slt, %parallel_loop3A_599, %parallel_loop3A_604 : vector<16xi32>
        %parallel_loop3A_606 = arith.constant 0 : i32
        %parallel_loop3A_607 = arith.cmpi slt, %parallel_loop3A_597, %parallel_loop3A_606 : i32
        %parallel_loop3A_608 = vector.broadcast %parallel_loop3A_607 : i1 to vector<16xi1>
        %parallel_loop3A_609 = vector.broadcast %parallel_loop3A_608 : vector<16xi1> to vector<16xi1>
        %parallel_loop3A_610 = arith.xori %parallel_loop3A_605, %parallel_loop3A_609 : vector<16xi1>
        %parallel_loop3A_611 = arith.andi %parallel_loop3A_610, %parallel_loop3A_602 : vector<16xi1>
        %parallel_loop3A_612 = vector.broadcast %parallel_loop3A_597 : i32 to vector<16xi32>
        %parallel_loop3A_613 = arith.addi %parallel_loop3A_599, %parallel_loop3A_612 : vector<16xi32>
        %parallel_loop3A_614 = arith.select %parallel_loop3A_611, %parallel_loop3A_613, %parallel_loop3A_599 : vector<16xi1>, vector<16xi32>
        %parallel_loop3A_615 = arith.constant 0 : i32
        %parallel_loop3A_616 = vector.broadcast %parallel_loop3A_615 : i32 to vector<16xi32>
        %parallel_loop3A_617 = arith.cmpi eq, %parallel_loop3A_614, %parallel_loop3A_616 : vector<16xi32>
        tpu.vector_store_idx %arg16[%parallel_loop3A_242, %parallel_loop3A_592], %parallel_loop3A_554 masked %parallel_loop3A_617 : memref<128x80xf32, #tpu.memory_space<vmem>>[vector<16xi32>, vector<16xi32>], vector<16xf32>, vector<16xi1>
        %parallel_loop3A_618 = arith.index_cast %parallel_loop3A_230 : i32 to index
        %parallel_loop3A_619 = arith.constant 48 : index
        %parallel_loop3A_620 = tpu.vector_load %arg12[%parallel_loop3A_618, %parallel_loop3A_619] {strides = array<i32>} : memref<128x64xf32, #tpu.memory_space<vmem>>, vector<16xf32>,
        %parallel_loop3A_621 = arith.index_cast %parallel_loop3A_230 : i32 to index
        %parallel_loop3A_622 = arith.constant 48 : index
        %parallel_loop3A_623 = tpu.vector_load %arg13[%parallel_loop3A_621, %parallel_loop3A_622] {strides = array<i32>} : memref<128x64xf32, #tpu.memory_space<vmem>>, vector<16xf32>,
        %parallel_loop3A_624 = arith.addf %parallel_loop3A_620, %parallel_loop3A_623 : vector<16xf32>
        %parallel_loop3A_625 = arith.constant 2.000000e-01 : f32
        %parallel_loop3A_626 = vector.broadcast %parallel_loop3A_625 : f32 to vector<16xf32>
        %parallel_loop3A_627 = arith.mulf %parallel_loop3A_626, %parallel_loop3A_624 : vector<16xf32>
        %parallel_loop3A_628 = arith.maximumf %parallel_loop3A_624, %parallel_loop3A_627 : vector<16xf32>
        %parallel_loop3A_629 = arith.constant 3 : i32
        %parallel_loop3A_630 = arith.index_cast %parallel_loop3A_629 : i32 to index
        %parallel_loop3A_631 = arith.constant 0 : index
        %parallel_loop3A_632 = tpu.vector_load %arg18[%parallel_loop3A_630, %parallel_loop3A_631] {strides = array<i32>} : memref<4x16xf32, #tpu.memory_space<vmem>>, vector<16xf32>,
        %parallel_loop3A_633 = arith.mulf %parallel_loop3A_628, %parallel_loop3A_632 : vector<16xf32>
        %parallel_loop3A_634 = arith.constant 4 : i32
        %parallel_loop3A_635 = vector.broadcast %parallel_loop3A_634 : i32 to vector<16xi32>
        %parallel_loop3A_636 = arith.xori %iota3A, %parallel_loop3A_635 : vector<16xi32>
        %parallel_loop3A_637 = arith.constant 0 : i32
        %parallel_loop3A_638 = vector.broadcast %parallel_loop3A_637 : i32 to vector<16xi32>
        %parallel_loop3A_639 = arith.cmpi slt, %parallel_loop3A_636, %parallel_loop3A_638 : vector<16xi32>
        %parallel_loop3A_640 = arith.constant 16 : i32
        %parallel_loop3A_641 = vector.broadcast %parallel_loop3A_640 : i32 to vector<16xi32>
        %parallel_loop3A_642 = arith.addi %parallel_loop3A_636, %parallel_loop3A_641 : vector<16xi32>
        %parallel_loop3A_643 = arith.select %parallel_loop3A_639, %parallel_loop3A_642, %parallel_loop3A_636 : vector<16xi1>, vector<16xi32>
        %parallel_loop3A_644 = vector.shape_cast %parallel_loop3A_643 : vector<16xi32> to vector<16x1xi32>
        %parallel_loop3A_645 = vector.shape_cast %parallel_loop3A_644 : vector<16x1xi32> to vector<16xi32>
        %parallel_loop3A_646 = tpu.dynamic_gather %parallel_loop3A_633[%parallel_loop3A_645] in [0] : vector<16xf32>, vector<16xi32> -> vector<16xf32>
        %parallel_loop3A_647 = arith.addf %parallel_loop3A_633, %parallel_loop3A_646 : vector<16xf32>
        %parallel_loop3A_648 = arith.constant 2 : i32
        %parallel_loop3A_649 = vector.broadcast %parallel_loop3A_648 : i32 to vector<16xi32>
        %parallel_loop3A_650 = arith.xori %iota3A, %parallel_loop3A_649 : vector<16xi32>
        %parallel_loop3A_651 = arith.constant 0 : i32
        %parallel_loop3A_652 = vector.broadcast %parallel_loop3A_651 : i32 to vector<16xi32>
        %parallel_loop3A_653 = arith.cmpi slt, %parallel_loop3A_650, %parallel_loop3A_652 : vector<16xi32>
        %parallel_loop3A_654 = arith.constant 16 : i32
        %parallel_loop3A_655 = vector.broadcast %parallel_loop3A_654 : i32 to vector<16xi32>
        %parallel_loop3A_656 = arith.addi %parallel_loop3A_650, %parallel_loop3A_655 : vector<16xi32>
        %parallel_loop3A_657 = arith.select %parallel_loop3A_653, %parallel_loop3A_656, %parallel_loop3A_650 : vector<16xi1>, vector<16xi32>
        %parallel_loop3A_658 = vector.shape_cast %parallel_loop3A_657 : vector<16xi32> to vector<16x1xi32>
        %parallel_loop3A_659 = vector.shape_cast %parallel_loop3A_658 : vector<16x1xi32> to vector<16xi32>
        %parallel_loop3A_660 = tpu.dynamic_gather %parallel_loop3A_647[%parallel_loop3A_659] in [0] : vector<16xf32>, vector<16xi32> -> vector<16xf32>
        %parallel_loop3A_661 = arith.addf %parallel_loop3A_647, %parallel_loop3A_660 : vector<16xf32>
        %parallel_loop3A_662 = arith.constant 1 : i32
        %parallel_loop3A_663 = vector.broadcast %parallel_loop3A_662 : i32 to vector<16xi32>
        %parallel_loop3A_664 = arith.xori %iota3A, %parallel_loop3A_663 : vector<16xi32>
        %parallel_loop3A_665 = arith.constant 0 : i32
        %parallel_loop3A_666 = vector.broadcast %parallel_loop3A_665 : i32 to vector<16xi32>
        %parallel_loop3A_667 = arith.cmpi slt, %parallel_loop3A_664, %parallel_loop3A_666 : vector<16xi32>
        %parallel_loop3A_668 = arith.constant 16 : i32
        %parallel_loop3A_669 = vector.broadcast %parallel_loop3A_668 : i32 to vector<16xi32>
        %parallel_loop3A_670 = arith.addi %parallel_loop3A_664, %parallel_loop3A_669 : vector<16xi32>
        %parallel_loop3A_671 = arith.select %parallel_loop3A_667, %parallel_loop3A_670, %parallel_loop3A_664 : vector<16xi1>, vector<16xi32>
        %parallel_loop3A_672 = vector.shape_cast %parallel_loop3A_671 : vector<16xi32> to vector<16x1xi32>
        %parallel_loop3A_673 = vector.shape_cast %parallel_loop3A_672 : vector<16x1xi32> to vector<16xi32>
        %parallel_loop3A_674 = tpu.dynamic_gather %parallel_loop3A_661[%parallel_loop3A_673] in [0] : vector<16xf32>, vector<16xi32> -> vector<16xf32>
        %parallel_loop3A_675 = arith.addf %parallel_loop3A_661, %parallel_loop3A_674 : vector<16xf32>
        %parallel_loop3A_676 = math.exp %parallel_loop3A_675 : vector<16xf32>
        %parallel_loop3A_677 = arith.constant 0.000000e+00 : f32
        %parallel_loop3A_678 = vector.broadcast %parallel_loop3A_677 : f32 to vector<16xf32>
        %parallel_loop3A_679 = arith.select %parallel_loop3A_238, %parallel_loop3A_676, %parallel_loop3A_678 : vector<16xi1>, vector<16xf32>
        %parallel_loop3A_680 = arith.mulf %parallel_loop3A_620, %parallel_loop3A_679 : vector<16xf32>
        %parallel_loop3A_681 = arith.index_cast %parallel_loop3A_230 : i32 to index
        %parallel_loop3A_682 = arith.constant 48 : index
        %parallel_loop3A_683 = tpu.vector_load %arg16[%parallel_loop3A_681, %parallel_loop3A_682] {strides = array<i32>} : memref<128x80xf32, #tpu.memory_space<vmem>>, vector<16xf32>,
        tpu.vector_store %arg16[%parallel_loop3A_681, %parallel_loop3A_682], %parallel_loop3A_680 {strides = array<i32>} : memref<128x80xf32, #tpu.memory_space<vmem>>, vector<16xf32>,
        %parallel_loop3A_684 = arith.constant 8 : i32
        %parallel_loop3A_685 = vector.broadcast %parallel_loop3A_684 : i32 to vector<16xi32>
        %parallel_loop3A_686 = arith.divsi %iota3A, %parallel_loop3A_685 : vector<16xi32>
        %parallel_loop3A_687 = arith.constant 0 : i32
        %parallel_loop3A_688 = vector.broadcast %parallel_loop3A_687 : i32 to vector<16xi32>
        %parallel_loop3A_689 = arith.cmpi sgt, %iota3A, %parallel_loop3A_688 : vector<16xi32>
        %parallel_loop3A_690 = arith.extui %parallel_loop3A_689 : vector<16xi1> to vector<16xi32>
        %parallel_loop3A_691 = arith.constant 0 : i32
        %parallel_loop3A_692 = vector.broadcast %parallel_loop3A_691 : i32 to vector<16xi32>
        %parallel_loop3A_693 = arith.cmpi slt, %iota3A, %parallel_loop3A_692 : vector<16xi32>
        %parallel_loop3A_694 = arith.extui %parallel_loop3A_693 : vector<16xi1> to vector<16xi32>
        %parallel_loop3A_695 = arith.subi %parallel_loop3A_690, %parallel_loop3A_694 : vector<16xi32>
        %parallel_loop3A_696 = arith.constant 0 : i32
        %parallel_loop3A_697 = arith.cmpi sgt, %parallel_loop3A_684, %parallel_loop3A_696 : i32
        %parallel_loop3A_698 = arith.extui %parallel_loop3A_697 : i1 to i32
        %parallel_loop3A_699 = arith.constant 0 : i32
        %parallel_loop3A_700 = arith.cmpi slt, %parallel_loop3A_684, %parallel_loop3A_699 : i32
        %parallel_loop3A_701 = arith.extui %parallel_loop3A_700 : i1 to i32
        %parallel_loop3A_702 = arith.subi %parallel_loop3A_698, %parallel_loop3A_701 : i32
        %parallel_loop3A_703 = vector.broadcast %parallel_loop3A_702 : i32 to vector<16xi32>
        %parallel_loop3A_704 = arith.cmpi ne, %parallel_loop3A_695, %parallel_loop3A_703 : vector<16xi32>
        %parallel_loop3A_705 = vector.broadcast %parallel_loop3A_684 : i32 to vector<16xi32>
        %parallel_loop3A_706 = arith.remsi %iota3A, %parallel_loop3A_705 : vector<16xi32>
        %parallel_loop3A_707 = arith.constant 0 : i32
        %parallel_loop3A_708 = vector.broadcast %parallel_loop3A_707 : i32 to vector<16xi32>
        %parallel_loop3A_709 = arith.cmpi ne, %parallel_loop3A_706, %parallel_loop3A_708 : vector<16xi32>
        %parallel_loop3A_710 = arith.andi %parallel_loop3A_704, %parallel_loop3A_709 : vector<16xi1>
        %parallel_loop3A_711 = arith.constant 1 : i32
        %parallel_loop3A_712 = vector.broadcast %parallel_loop3A_711 : i32 to vector<16xi32>
        %parallel_loop3A_713 = arith.subi %parallel_loop3A_686, %parallel_loop3A_712 : vector<16xi32>
        %parallel_loop3A_714 = arith.select %parallel_loop3A_710, %parallel_loop3A_713, %parallel_loop3A_686 : vector<16xi1>, vector<16xi32>
        %parallel_loop3A_715 = arith.constant 70 : i32
        %parallel_loop3A_716 = vector.broadcast %parallel_loop3A_715 : i32 to vector<16xi32>
        %parallel_loop3A_717 = arith.addi %parallel_loop3A_716, %parallel_loop3A_714 : vector<16xi32>
        %parallel_loop3A_718 = arith.constant 8 : i32
        %parallel_loop3A_719 = arith.constant 0 : i32
        %parallel_loop3A_720 = arith.cmpi eq, %parallel_loop3A_718, %parallel_loop3A_719 : i32
        %parallel_loop3A_721 = arith.constant 1 : i32
        %parallel_loop3A_722 = arith.select %parallel_loop3A_720, %parallel_loop3A_721, %parallel_loop3A_718 : i32
        %parallel_loop3A_723 = vector.broadcast %parallel_loop3A_722 : i32 to vector<16xi32>
        %parallel_loop3A_724 = arith.remsi %iota3A, %parallel_loop3A_723 : vector<16xi32>
        %parallel_loop3A_725 = arith.constant 0 : i32
        %parallel_loop3A_726 = vector.broadcast %parallel_loop3A_725 : i32 to vector<16xi32>
        %parallel_loop3A_727 = arith.cmpi ne, %parallel_loop3A_724, %parallel_loop3A_726 : vector<16xi32>
        %parallel_loop3A_728 = arith.constant 0 : i32
        %parallel_loop3A_729 = vector.broadcast %parallel_loop3A_728 : i32 to vector<16xi32>
        %parallel_loop3A_730 = arith.cmpi slt, %parallel_loop3A_724, %parallel_loop3A_729 : vector<16xi32>
        %parallel_loop3A_731 = arith.constant 0 : i32
        %parallel_loop3A_732 = arith.cmpi slt, %parallel_loop3A_722, %parallel_loop3A_731 : i32
        %parallel_loop3A_733 = vector.broadcast %parallel_loop3A_732 : i1 to vector<16xi1>
        %parallel_loop3A_734 = vector.broadcast %parallel_loop3A_733 : vector<16xi1> to vector<16xi1>
        %parallel_loop3A_735 = arith.xori %parallel_loop3A_730, %parallel_loop3A_734 : vector<16xi1>
        %parallel_loop3A_736 = arith.andi %parallel_loop3A_735, %parallel_loop3A_727 : vector<16xi1>
        %parallel_loop3A_737 = vector.broadcast %parallel_loop3A_722 : i32 to vector<16xi32>
        %parallel_loop3A_738 = arith.addi %parallel_loop3A_724, %parallel_loop3A_737 : vector<16xi32>
        %parallel_loop3A_739 = arith.select %parallel_loop3A_736, %parallel_loop3A_738, %parallel_loop3A_724 : vector<16xi1>, vector<16xi32>
        %parallel_loop3A_740 = arith.constant 0 : i32
        %parallel_loop3A_741 = vector.broadcast %parallel_loop3A_740 : i32 to vector<16xi32>
        %parallel_loop3A_742 = arith.cmpi eq, %parallel_loop3A_739, %parallel_loop3A_741 : vector<16xi32>
        tpu.vector_store_idx %arg16[%parallel_loop3A_242, %parallel_loop3A_717], %parallel_loop3A_679 masked %parallel_loop3A_742 : memref<128x80xf32, #tpu.memory_space<vmem>>[vector<16xi32>, vector<16xi32>], vector<16xf32>, vector<16xi1>
      } {sc.loop_unroll_factor = 1 : i64, sc.parallel_access}
      %dma_start3A_161 = arith.constant 0 : i32
      %dma_start3A_162 = tpu.memref_slice %arg11[%mul3A_69, %dma_start3A_161] : memref<40x128xi32, #tpu.memory_space<vmem>> -> memref<1x128xi32, #tpu.memory_space<vmem>>
      %dma_start3A_163 = tpu.memref_squeeze %dma_start3A_162 : memref<1x128xi32, #tpu.memory_space<vmem>> -> memref<128xi32, #tpu.memory_space<vmem>>
      %dma_start3A_164 = arith.constant 0 : i32
      %dma_start3A_165 = arith.constant 0 : i32
      %dma_start3A_166 = tpu.memref_slice %arg9[%dma_start3A_164, %dma_start3A_165] : memref<10000x80xf32, #tpu.memory_space<vmem_shared>> -> memref<10000x80xf32, #tpu.memory_space<vmem_shared>>
      tpu.enqueue_indirect_dma source(%arg16 : memref<128x80xf32, #tpu.memory_space<vmem>>) target(%dma_start3A_166 : memref<10000x80xf32, #tpu.memory_space<vmem_shared>>) offsets(%dma_start3A_163 : memref<128xi32, #tpu.memory_space<vmem>>) semaphore(%arg21 : memref<!tpu.dma_semaphore, #tpu.memory_space<semaphore_mem>>) {add = true}
      %add3A_167 = arith.constant 2 : i32
      %add3A_168 = arith.addi %mul3A_69, %add3A_167 : i32
      %lt3A = arith.constant 40 : i32
      %lt3A_169 = arith.cmpi slt, %add3A_168, %lt3A : i32
      %convert_element_type3A_170 = arith.extui %lt3A_169 : i1 to i32
      %cond3A_171 = arith.constant 0 : i32
      %cond3A_172 = arith.cmpi ne, %convert_element_type3A_170, %cond3A_171 : i32
      scf.if %cond3A_172 {
        %add3A_230 = arith.constant 2 : i32
        %add3A_231 = arith.addi %mul3A_69, %add3A_230 : i32
        %mul3A_232 = arith.constant 128 : i32
        %mul3A_233 = arith.muli %add3A_231, %mul3A_232 : i32
        %add3A_234 = arith.constant 0 : i32
        %add3A_235 = arith.addi %mul3A_233, %add3A_234 : i32
        %dma_start3A_236 = arith.constant 0 : i32
        %dma_start3A_237 = arith.constant 0 : i32
        %dma_start3A_238 = tpu.memref_slice %arg12[%dma_start3A_236, %dma_start3A_237] : memref<128x64xf32, #tpu.memory_space<vmem>> -> memref<64x64xf32, #tpu.memory_space<vmem>>
        %dma_start3A_239 = tpu.memref_slice %arg10[%add3A_235] : memref<5120xi32, #tpu.memory_space<vmem>> -> memref<64xi32, #tpu.memory_space<vmem>>
        %dma_start3A_240 = arith.constant 0 : i32
        %dma_start3A_241 = arith.constant 0 : i32
        %dma_start3A_242 = tpu.memref_slice %arg2[%dma_start3A_240, %dma_start3A_241] : memref<10000x64xf32, #tpu.memory_space<hbm>> -> memref<10000x64xf32, #tpu.memory_space<hbm>>
        tpu.enqueue_indirect_dma source(%dma_start3A_242 : memref<10000x64xf32, #tpu.memory_space<hbm>>) target(%dma_start3A_238 : memref<64x64xf32, #tpu.memory_space<vmem>>) offsets(%dma_start3A_239 : memref<64xi32, #tpu.memory_space<vmem>>) semaphore(%arg19 : memref<!tpu.dma_semaphore, #tpu.memory_space<semaphore_mem>>)
        %dma_start3A_243 = arith.constant 0 : i32
        %dma_start3A_244 = arith.constant 0 : i32
        %dma_start3A_245 = tpu.memref_slice %arg13[%dma_start3A_243, %dma_start3A_244] : memref<128x64xf32, #tpu.memory_space<vmem>> -> memref<64x64xf32, #tpu.memory_space<vmem>>
        %dma_start3A_246 = arith.constant 0 : i32
        %dma_start3A_247 = tpu.memref_slice %arg11[%add3A_231, %dma_start3A_246] : memref<40x128xi32, #tpu.memory_space<vmem>> -> memref<1x64xi32, #tpu.memory_space<vmem>>
        %dma_start3A_248 = tpu.memref_squeeze %dma_start3A_247 : memref<1x64xi32, #tpu.memory_space<vmem>> -> memref<64xi32, #tpu.memory_space<vmem>>
        %dma_start3A_249 = arith.constant 0 : i32
        %dma_start3A_250 = arith.constant 0 : i32
        %dma_start3A_251 = tpu.memref_slice %arg3[%dma_start3A_249, %dma_start3A_250] : memref<10000x64xf32, #tpu.memory_space<hbm>> -> memref<10000x64xf32, #tpu.memory_space<hbm>>
        tpu.enqueue_indirect_dma source(%dma_start3A_251 : memref<10000x64xf32, #tpu.memory_space<hbm>>) target(%dma_start3A_245 : memref<64x64xf32, #tpu.memory_space<vmem>>) offsets(%dma_start3A_248 : memref<64xi32, #tpu.memory_space<vmem>>) semaphore(%arg19 : memref<!tpu.dma_semaphore, #tpu.memory_space<semaphore_mem>>)
        %mul3A_252 = arith.constant 128 : i32
        %mul3A_253 = arith.muli %add3A_231, %mul3A_252 : i32
        %add3A_254 = arith.constant 64 : i32
        %add3A_255 = arith.addi %mul3A_253, %add3A_254 : i32
        %dma_start3A_256 = arith.constant 64 : i32
        %dma_start3A_257 = arith.constant 0 : i32
        %dma_start3A_258 = tpu.memref_slice %arg12[%dma_start3A_256, %dma_start3A_257] : memref<128x64xf32, #tpu.memory_space<vmem>> -> memref<64x64xf32, #tpu.memory_space<vmem>>
        %dma_start3A_259 = tpu.memref_slice %arg10[%add3A_255] : memref<5120xi32, #tpu.memory_space<vmem>> -> memref<64xi32, #tpu.memory_space<vmem>>
        %dma_start3A_260 = arith.constant 0 : i32
        %dma_start3A_261 = arith.constant 0 : i32
        %dma_start3A_262 = tpu.memref_slice %arg2[%dma_start3A_260, %dma_start3A_261] : memref<10000x64xf32, #tpu.memory_space<hbm>> -> memref<10000x64xf32, #tpu.memory_space<hbm>>
        tpu.enqueue_indirect_dma source(%dma_start3A_262 : memref<10000x64xf32, #tpu.memory_space<hbm>>) target(%dma_start3A_258 : memref<64x64xf32, #tpu.memory_space<vmem>>) offsets(%dma_start3A_259 : memref<64xi32, #tpu.memory_space<vmem>>) semaphore(%arg19 : memref<!tpu.dma_semaphore, #tpu.memory_space<semaphore_mem>>)
        %dma_start3A_263 = arith.constant 64 : i32
        %dma_start3A_264 = arith.constant 0 : i32
        %dma_start3A_265 = tpu.memref_slice %arg13[%dma_start3A_263, %dma_start3A_264] : memref<128x64xf32, #tpu.memory_space<vmem>> -> memref<64x64xf32, #tpu.memory_space<vmem>>
        %dma_start3A_266 = arith.constant 64 : i32
        %dma_start3A_267 = tpu.memref_slice %arg11[%add3A_231, %dma_start3A_266] : memref<40x128xi32, #tpu.memory_space<vmem>> -> memref<1x64xi32, #tpu.memory_space<vmem>>
        %dma_start3A_268 = tpu.memref_squeeze %dma_start3A_267 : memref<1x64xi32, #tpu.memory_space<vmem>> -> memref<64xi32, #tpu.memory_space<vmem>>
        %dma_start3A_269 = arith.constant 0 : i32
        %dma_start3A_270 = arith.constant 0 : i32
        %dma_start3A_271 = tpu.memref_slice %arg3[%dma_start3A_269, %dma_start3A_270] : memref<10000x64xf32, #tpu.memory_space<hbm>> -> memref<10000x64xf32, #tpu.memory_space<hbm>>
        tpu.enqueue_indirect_dma source(%dma_start3A_271 : memref<10000x64xf32, #tpu.memory_space<hbm>>) target(%dma_start3A_265 : memref<64x64xf32, #tpu.memory_space<vmem>>) offsets(%dma_start3A_268 : memref<64xi32, #tpu.memory_space<vmem>>) semaphore(%arg19 : memref<!tpu.dma_semaphore, #tpu.memory_space<semaphore_mem>>)
      } else {
      }
      %mul3A_173 = arith.constant 128 : i32
      %mul3A_174 = arith.muli %add3A_73, %mul3A_173 : i32
      %add3A_175 = arith.constant 0 : i32
      %add3A_176 = arith.addi %mul3A_174, %add3A_175 : i32
      %dma_wait3A_177 = arith.constant 0 : i32
      %dma_wait3A_178 = arith.constant 0 : i32
      %dma_wait3A_179 = tpu.memref_slice %arg14[%dma_wait3A_177, %dma_wait3A_178] : memref<128x64xf32, #tpu.memory_space<vmem>> -> memref<64x64xf32, #tpu.memory_space<vmem>>
      %dma_wait3A_180 = tpu.memref_slice %arg10[%add3A_176] : memref<5120xi32, #tpu.memory_space<vmem>> -> memref<64xi32, #tpu.memory_space<vmem>>
      %dma_wait3A_181 = arith.constant 0 : i32
      %dma_wait3A_182 = arith.constant 0 : i32
      %dma_wait3A_183 = tpu.memref_slice %arg2[%dma_wait3A_181, %dma_wait3A_182] : memref<10000x64xf32, #tpu.memory_space<hbm>> -> memref<10000x64xf32, #tpu.memory_space<hbm>>
      tpu.wait_indirect_dma semaphore(%arg20 : memref<!tpu.dma_semaphore, #tpu.memory_space<semaphore_mem>>) src(%dma_wait3A_183 : memref<10000x64xf32, #tpu.memory_space<hbm>>) dst(%dma_wait3A_179 : memref<64x64xf32, #tpu.memory_space<vmem>>)
      %dma_wait3A_184 = arith.constant 0 : i32
      %dma_wait3A_185 = arith.constant 0 : i32
      %dma_wait3A_186 = tpu.memref_slice %arg15[%dma_wait3A_184, %dma_wait3A_185] : memref<128x64xf32, #tpu.memory_space<vmem>> -> memref<64x64xf32, #tpu.memory_space<vmem>>
      %dma_wait3A_187 = arith.constant 0 : i32
      %dma_wait3A_188 = tpu.memref_slice %arg11[%add3A_73, %dma_wait3A_187] : memref<40x128xi32, #tpu.memory_space<vmem>> -> memref<1x64xi32, #tpu.memory_space<vmem>>
      %dma_wait3A_189 = tpu.memref_squeeze %dma_wait3A_188 : memref<1x64xi32, #tpu.memory_space<vmem>> -> memref<64xi32, #tpu.memory_space<vmem>>
      %dma_wait3A_190 = arith.constant 0 : i32
      %dma_wait3A_191 = arith.constant 0 : i32
      %dma_wait3A_192 = tpu.memref_slice %arg3[%dma_wait3A_190, %dma_wait3A_191] : memref<10000x64xf32, #tpu.memory_space<hbm>> -> memref<10000x64xf32, #tpu.memory_space<hbm>>
      tpu.wait_indirect_dma semaphore(%arg20 : memref<!tpu.dma_semaphore, #tpu.memory_space<semaphore_mem>>) src(%dma_wait3A_192 : memref<10000x64xf32, #tpu.memory_space<hbm>>) dst(%dma_wait3A_186 : memref<64x64xf32, #tpu.memory_space<vmem>>)
      %mul3A_193 = arith.constant 128 : i32
      %mul3A_194 = arith.muli %add3A_73, %mul3A_193 : i32
      %add3A_195 = arith.constant 64 : i32
      %add3A_196 = arith.addi %mul3A_194, %add3A_195 : i32
      %dma_wait3A_197 = arith.constant 64 : i32
      %dma_wait3A_198 = arith.constant 0 : i32
      %dma_wait3A_199 = tpu.memref_slice %arg14[%dma_wait3A_197, %dma_wait3A_198] : memref<128x64xf32, #tpu.memory_space<vmem>> -> memref<64x64xf32, #tpu.memory_space<vmem>>
      %dma_wait3A_200 = tpu.memref_slice %arg10[%add3A_196] : memref<5120xi32, #tpu.memory_space<vmem>> -> memref<64xi32, #tpu.memory_space<vmem>>
      %dma_wait3A_201 = arith.constant 0 : i32
      %dma_wait3A_202 = arith.constant 0 : i32
      %dma_wait3A_203 = tpu.memref_slice %arg2[%dma_wait3A_201, %dma_wait3A_202] : memref<10000x64xf32, #tpu.memory_space<hbm>> -> memref<10000x64xf32, #tpu.memory_space<hbm>>
      tpu.wait_indirect_dma semaphore(%arg20 : memref<!tpu.dma_semaphore, #tpu.memory_space<semaphore_mem>>) src(%dma_wait3A_203 : memref<10000x64xf32, #tpu.memory_space<hbm>>) dst(%dma_wait3A_199 : memref<64x64xf32, #tpu.memory_space<vmem>>)
      %dma_wait3A_204 = arith.constant 64 : i32
      %dma_wait3A_205 = arith.constant 0 : i32
      %dma_wait3A_206 = tpu.memref_slice %arg15[%dma_wait3A_204, %dma_wait3A_205] : memref<128x64xf32, #tpu.memory_space<vmem>> -> memref<64x64xf32, #tpu.memory_space<vmem>>
      %dma_wait3A_207 = arith.constant 64 : i32
      %dma_wait3A_208 = tpu.memref_slice %arg11[%add3A_73, %dma_wait3A_207] : memref<40x128xi32, #tpu.memory_space<vmem>> -> memref<1x64xi32, #tpu.memory_space<vmem>>
      %dma_wait3A_209 = tpu.memref_squeeze %dma_wait3A_208 : memref<1x64xi32, #tpu.memory_space<vmem>> -> memref<64xi32, #tpu.memory_space<vmem>>
      %dma_wait3A_210 = arith.constant 0 : i32
      %dma_wait3A_211 = arith.constant 0 : i32
      %dma_wait3A_212 = tpu.memref_slice %arg3[%dma_wait3A_210, %dma_wait3A_211] : memref<10000x64xf32, #tpu.memory_space<hbm>> -> memref<10000x64xf32, #tpu.memory_space<hbm>>
      tpu.wait_indirect_dma semaphore(%arg20 : memref<!tpu.dma_semaphore, #tpu.memory_space<semaphore_mem>>) src(%dma_wait3A_212 : memref<10000x64xf32, #tpu.memory_space<hbm>>) dst(%dma_wait3A_206 : memref<64x64xf32, #tpu.memory_space<vmem>>)
      %gt3A_213 = arith.constant 0 : i32
      %gt3A_214 = arith.cmpi sgt, %scan3A_67, %gt3A_213 : i32
      %convert_element_type3A_215 = arith.extui %gt3A_214 : i1 to i32
      %cond3A_216 = arith.constant 0 : i32
      %cond3A_217 = arith.cmpi ne, %convert_element_type3A_215, %cond3A_216 : i32
      scf.if %cond3A_217 {
        %dma_wait3A_230 = arith.constant 0 : i32
        %dma_wait3A_231 = arith.constant 0 : i32
        %dma_wait3A_232 = tpu.memref_slice %arg11[%dma_wait3A_230, %dma_wait3A_231] : memref<40x128xi32, #tpu.memory_space<vmem>> -> memref<1x128xi32, #tpu.memory_space<vmem>>
        %dma_wait3A_233 = tpu.memref_squeeze %dma_wait3A_232 : memref<1x128xi32, #tpu.memory_space<vmem>> -> memref<128xi32, #tpu.memory_space<vmem>>
        %dma_wait3A_234 = arith.constant 0 : i32
        %dma_wait3A_235 = arith.constant 0 : i32
        %dma_wait3A_236 = tpu.memref_slice %arg9[%dma_wait3A_234, %dma_wait3A_235] : memref<10000x80xf32, #tpu.memory_space<vmem_shared>> -> memref<10000x80xf32, #tpu.memory_space<vmem_shared>>
        tpu.wait_indirect_dma semaphore(%arg22 : memref<!tpu.dma_semaphore, #tpu.memory_space<semaphore_mem>>) src(%arg17 : memref<128x80xf32, #tpu.memory_space<vmem>>) dst(%dma_wait3A_236 : memref<10000x80xf32, #tpu.memory_space<vmem_shared>>)
      } else {
      }
      %mul3A_218 = arith.constant 128 : i32
      %mul3A_219 = arith.muli %add3A_73, %mul3A_218 : i32
      %add3A_220 = arith.addi %mul3A_2, %mul3A_219 : i32
      %parallel_loop3A_221 = arith.constant 0 : i32
      %parallel_loop3A_222 = arith.constant 128 : i32
      %parallel_loop3A_223 = arith.constant 1 : i32
      scf.for %parallel_loop3A_230 = %parallel_loop3A_221 to %parallel_loop3A_222 step %parallel_loop3A_223  : i32 {
        %parallel_loop3A_231 = arith.constant 1 : i32
        %parallel_loop3A_232 = vector.broadcast %parallel_loop3A_231 : i32 to vector<16xi32>
        %parallel_loop3A_233 = arith.addi %add3A_220, %parallel_loop3A_230 : i32
        %parallel_loop3A_234 = vector.broadcast %parallel_loop3A_233 : i32 to vector<16xi32>
        %parallel_loop3A_235 = arith.muli %parallel_loop3A_232, %parallel_loop3A_234 : vector<16xi32>
        %parallel_loop3A_236 = arith.constant 160000 : i32
        %parallel_loop3A_237 = vector.broadcast %parallel_loop3A_236 : i32 to vector<16xi32>
        %parallel_loop3A_238 = arith.cmpi slt, %parallel_loop3A_235, %parallel_loop3A_237 : vector<16xi32>
        %parallel_loop3A_239 = arith.constant 1 : i32
        %parallel_loop3A_240 = vector.broadcast %parallel_loop3A_239 : i32 to vector<16xi32>
        %parallel_loop3A_241 = vector.broadcast %parallel_loop3A_230 : i32 to vector<16xi32>
        %parallel_loop3A_242 = arith.muli %parallel_loop3A_240, %parallel_loop3A_241 : vector<16xi32>
        %parallel_loop3A_243 = arith.index_cast %parallel_loop3A_230 : i32 to index
        %parallel_loop3A_244 = arith.constant 0 : index
        %parallel_loop3A_245 = tpu.vector_load %arg14[%parallel_loop3A_243, %parallel_loop3A_244] {strides = array<i32>} : memref<128x64xf32, #tpu.memory_space<vmem>>, vector<16xf32>,
        %parallel_loop3A_246 = arith.index_cast %parallel_loop3A_230 : i32 to index
        %parallel_loop3A_247 = arith.constant 0 : index
        %parallel_loop3A_248 = tpu.vector_load %arg15[%parallel_loop3A_246, %parallel_loop3A_247] {strides = array<i32>} : memref<128x64xf32, #tpu.memory_space<vmem>>, vector<16xf32>,
        %parallel_loop3A_249 = arith.addf %parallel_loop3A_245, %parallel_loop3A_248 : vector<16xf32>
        %parallel_loop3A_250 = arith.constant 2.000000e-01 : f32
        %parallel_loop3A_251 = vector.broadcast %parallel_loop3A_250 : f32 to vector<16xf32>
        %parallel_loop3A_252 = arith.mulf %parallel_loop3A_251, %parallel_loop3A_249 : vector<16xf32>
        %parallel_loop3A_253 = arith.maximumf %parallel_loop3A_249, %parallel_loop3A_252 : vector<16xf32>
        %parallel_loop3A_254 = arith.constant 0 : i32
        %parallel_loop3A_255 = arith.index_cast %parallel_loop3A_254 : i32 to index
        %parallel_loop3A_256 = arith.constant 0 : index
        %parallel_loop3A_257 = tpu.vector_load %arg18[%parallel_loop3A_255, %parallel_loop3A_256] {strides = array<i32>} : memref<4x16xf32, #tpu.memory_space<vmem>>, vector<16xf32>,
        %parallel_loop3A_258 = arith.mulf %parallel_loop3A_253, %parallel_loop3A_257 : vector<16xf32>
        %parallel_loop3A_259 = arith.constant 4 : i32
        %parallel_loop3A_260 = vector.broadcast %parallel_loop3A_259 : i32 to vector<16xi32>
        %parallel_loop3A_261 = arith.xori %iota3A, %parallel_loop3A_260 : vector<16xi32>
        %parallel_loop3A_262 = arith.constant 0 : i32
        %parallel_loop3A_263 = vector.broadcast %parallel_loop3A_262 : i32 to vector<16xi32>
        %parallel_loop3A_264 = arith.cmpi slt, %parallel_loop3A_261, %parallel_loop3A_263 : vector<16xi32>
        %parallel_loop3A_265 = arith.constant 16 : i32
        %parallel_loop3A_266 = vector.broadcast %parallel_loop3A_265 : i32 to vector<16xi32>
        %parallel_loop3A_267 = arith.addi %parallel_loop3A_261, %parallel_loop3A_266 : vector<16xi32>
        %parallel_loop3A_268 = arith.select %parallel_loop3A_264, %parallel_loop3A_267, %parallel_loop3A_261 : vector<16xi1>, vector<16xi32>
        %parallel_loop3A_269 = vector.shape_cast %parallel_loop3A_268 : vector<16xi32> to vector<16x1xi32>
        %parallel_loop3A_270 = vector.shape_cast %parallel_loop3A_269 : vector<16x1xi32> to vector<16xi32>
        %parallel_loop3A_271 = tpu.dynamic_gather %parallel_loop3A_258[%parallel_loop3A_270] in [0] : vector<16xf32>, vector<16xi32> -> vector<16xf32>
        %parallel_loop3A_272 = arith.addf %parallel_loop3A_258, %parallel_loop3A_271 : vector<16xf32>
        %parallel_loop3A_273 = arith.constant 2 : i32
        %parallel_loop3A_274 = vector.broadcast %parallel_loop3A_273 : i32 to vector<16xi32>
        %parallel_loop3A_275 = arith.xori %iota3A, %parallel_loop3A_274 : vector<16xi32>
        %parallel_loop3A_276 = arith.constant 0 : i32
        %parallel_loop3A_277 = vector.broadcast %parallel_loop3A_276 : i32 to vector<16xi32>
        %parallel_loop3A_278 = arith.cmpi slt, %parallel_loop3A_275, %parallel_loop3A_277 : vector<16xi32>
        %parallel_loop3A_279 = arith.constant 16 : i32
        %parallel_loop3A_280 = vector.broadcast %parallel_loop3A_279 : i32 to vector<16xi32>
        %parallel_loop3A_281 = arith.addi %parallel_loop3A_275, %parallel_loop3A_280 : vector<16xi32>
        %parallel_loop3A_282 = arith.select %parallel_loop3A_278, %parallel_loop3A_281, %parallel_loop3A_275 : vector<16xi1>, vector<16xi32>
        %parallel_loop3A_283 = vector.shape_cast %parallel_loop3A_282 : vector<16xi32> to vector<16x1xi32>
        %parallel_loop3A_284 = vector.shape_cast %parallel_loop3A_283 : vector<16x1xi32> to vector<16xi32>
        %parallel_loop3A_285 = tpu.dynamic_gather %parallel_loop3A_272[%parallel_loop3A_284] in [0] : vector<16xf32>, vector<16xi32> -> vector<16xf32>
        %parallel_loop3A_286 = arith.addf %parallel_loop3A_272, %parallel_loop3A_285 : vector<16xf32>
        %parallel_loop3A_287 = arith.constant 1 : i32
        %parallel_loop3A_288 = vector.broadcast %parallel_loop3A_287 : i32 to vector<16xi32>
        %parallel_loop3A_289 = arith.xori %iota3A, %parallel_loop3A_288 : vector<16xi32>
        %parallel_loop3A_290 = arith.constant 0 : i32
        %parallel_loop3A_291 = vector.broadcast %parallel_loop3A_290 : i32 to vector<16xi32>
        %parallel_loop3A_292 = arith.cmpi slt, %parallel_loop3A_289, %parallel_loop3A_291 : vector<16xi32>
        %parallel_loop3A_293 = arith.constant 16 : i32
        %parallel_loop3A_294 = vector.broadcast %parallel_loop3A_293 : i32 to vector<16xi32>
        %parallel_loop3A_295 = arith.addi %parallel_loop3A_289, %parallel_loop3A_294 : vector<16xi32>
        %parallel_loop3A_296 = arith.select %parallel_loop3A_292, %parallel_loop3A_295, %parallel_loop3A_289 : vector<16xi1>, vector<16xi32>
        %parallel_loop3A_297 = vector.shape_cast %parallel_loop3A_296 : vector<16xi32> to vector<16x1xi32>
        %parallel_loop3A_298 = vector.shape_cast %parallel_loop3A_297 : vector<16x1xi32> to vector<16xi32>
        %parallel_loop3A_299 = tpu.dynamic_gather %parallel_loop3A_286[%parallel_loop3A_298] in [0] : vector<16xf32>, vector<16xi32> -> vector<16xf32>
        %parallel_loop3A_300 = arith.addf %parallel_loop3A_286, %parallel_loop3A_299 : vector<16xf32>
        %parallel_loop3A_301 = math.exp %parallel_loop3A_300 : vector<16xf32>
        %parallel_loop3A_302 = arith.constant 0.000000e+00 : f32
        %parallel_loop3A_303 = vector.broadcast %parallel_loop3A_302 : f32 to vector<16xf32>
        %parallel_loop3A_304 = arith.select %parallel_loop3A_238, %parallel_loop3A_301, %parallel_loop3A_303 : vector<16xi1>, vector<16xf32>
        %parallel_loop3A_305 = arith.mulf %parallel_loop3A_245, %parallel_loop3A_304 : vector<16xf32>
        %parallel_loop3A_306 = arith.index_cast %parallel_loop3A_230 : i32 to index
        %parallel_loop3A_307 = arith.constant 0 : index
        %parallel_loop3A_308 = tpu.vector_load %arg17[%parallel_loop3A_306, %parallel_loop3A_307] {strides = array<i32>} : memref<128x80xf32, #tpu.memory_space<vmem>>, vector<16xf32>,
        tpu.vector_store %arg17[%parallel_loop3A_306, %parallel_loop3A_307], %parallel_loop3A_305 {strides = array<i32>} : memref<128x80xf32, #tpu.memory_space<vmem>>, vector<16xf32>,
        %parallel_loop3A_309 = arith.constant 8 : i32
        %parallel_loop3A_310 = vector.broadcast %parallel_loop3A_309 : i32 to vector<16xi32>
        %parallel_loop3A_311 = arith.divsi %iota3A, %parallel_loop3A_310 : vector<16xi32>
        %parallel_loop3A_312 = arith.constant 0 : i32
        %parallel_loop3A_313 = vector.broadcast %parallel_loop3A_312 : i32 to vector<16xi32>
        %parallel_loop3A_314 = arith.cmpi sgt, %iota3A, %parallel_loop3A_313 : vector<16xi32>
        %parallel_loop3A_315 = arith.extui %parallel_loop3A_314 : vector<16xi1> to vector<16xi32>
        %parallel_loop3A_316 = arith.constant 0 : i32
        %parallel_loop3A_317 = vector.broadcast %parallel_loop3A_316 : i32 to vector<16xi32>
        %parallel_loop3A_318 = arith.cmpi slt, %iota3A, %parallel_loop3A_317 : vector<16xi32>
        %parallel_loop3A_319 = arith.extui %parallel_loop3A_318 : vector<16xi1> to vector<16xi32>
        %parallel_loop3A_320 = arith.subi %parallel_loop3A_315, %parallel_loop3A_319 : vector<16xi32>
        %parallel_loop3A_321 = arith.constant 0 : i32
        %parallel_loop3A_322 = arith.cmpi sgt, %parallel_loop3A_309, %parallel_loop3A_321 : i32
        %parallel_loop3A_323 = arith.extui %parallel_loop3A_322 : i1 to i32
        %parallel_loop3A_324 = arith.constant 0 : i32
        %parallel_loop3A_325 = arith.cmpi slt, %parallel_loop3A_309, %parallel_loop3A_324 : i32
        %parallel_loop3A_326 = arith.extui %parallel_loop3A_325 : i1 to i32
        %parallel_loop3A_327 = arith.subi %parallel_loop3A_323, %parallel_loop3A_326 : i32
        %parallel_loop3A_328 = vector.broadcast %parallel_loop3A_327 : i32 to vector<16xi32>
        %parallel_loop3A_329 = arith.cmpi ne, %parallel_loop3A_320, %parallel_loop3A_328 : vector<16xi32>
        %parallel_loop3A_330 = vector.broadcast %parallel_loop3A_309 : i32 to vector<16xi32>
        %parallel_loop3A_331 = arith.remsi %iota3A, %parallel_loop3A_330 : vector<16xi32>
        %parallel_loop3A_332 = arith.constant 0 : i32
        %parallel_loop3A_333 = vector.broadcast %parallel_loop3A_332 : i32 to vector<16xi32>
        %parallel_loop3A_334 = arith.cmpi ne, %parallel_loop3A_331, %parallel_loop3A_333 : vector<16xi32>
        %parallel_loop3A_335 = arith.andi %parallel_loop3A_329, %parallel_loop3A_334 : vector<16xi1>
        %parallel_loop3A_336 = arith.constant 1 : i32
        %parallel_loop3A_337 = vector.broadcast %parallel_loop3A_336 : i32 to vector<16xi32>
        %parallel_loop3A_338 = arith.subi %parallel_loop3A_311, %parallel_loop3A_337 : vector<16xi32>
        %parallel_loop3A_339 = arith.select %parallel_loop3A_335, %parallel_loop3A_338, %parallel_loop3A_311 : vector<16xi1>, vector<16xi32>
        %parallel_loop3A_340 = arith.constant 64 : i32
        %parallel_loop3A_341 = vector.broadcast %parallel_loop3A_340 : i32 to vector<16xi32>
        %parallel_loop3A_342 = arith.addi %parallel_loop3A_341, %parallel_loop3A_339 : vector<16xi32>
        %parallel_loop3A_343 = arith.constant 8 : i32
        %parallel_loop3A_344 = arith.constant 0 : i32
        %parallel_loop3A_345 = arith.cmpi eq, %parallel_loop3A_343, %parallel_loop3A_344 : i32
        %parallel_loop3A_346 = arith.constant 1 : i32
        %parallel_loop3A_347 = arith.select %parallel_loop3A_345, %parallel_loop3A_346, %parallel_loop3A_343 : i32
        %parallel_loop3A_348 = vector.broadcast %parallel_loop3A_347 : i32 to vector<16xi32>
        %parallel_loop3A_349 = arith.remsi %iota3A, %parallel_loop3A_348 : vector<16xi32>
        %parallel_loop3A_350 = arith.constant 0 : i32
        %parallel_loop3A_351 = vector.broadcast %parallel_loop3A_350 : i32 to vector<16xi32>
        %parallel_loop3A_352 = arith.cmpi ne, %parallel_loop3A_349, %parallel_loop3A_351 : vector<16xi32>
        %parallel_loop3A_353 = arith.constant 0 : i32
        %parallel_loop3A_354 = vector.broadcast %parallel_loop3A_353 : i32 to vector<16xi32>
        %parallel_loop3A_355 = arith.cmpi slt, %parallel_loop3A_349, %parallel_loop3A_354 : vector<16xi32>
        %parallel_loop3A_356 = arith.constant 0 : i32
        %parallel_loop3A_357 = arith.cmpi slt, %parallel_loop3A_347, %parallel_loop3A_356 : i32
        %parallel_loop3A_358 = vector.broadcast %parallel_loop3A_357 : i1 to vector<16xi1>
        %parallel_loop3A_359 = vector.broadcast %parallel_loop3A_358 : vector<16xi1> to vector<16xi1>
        %parallel_loop3A_360 = arith.xori %parallel_loop3A_355, %parallel_loop3A_359 : vector<16xi1>
        %parallel_loop3A_361 = arith.andi %parallel_loop3A_360, %parallel_loop3A_352 : vector<16xi1>
        %parallel_loop3A_362 = vector.broadcast %parallel_loop3A_347 : i32 to vector<16xi32>
        %parallel_loop3A_363 = arith.addi %parallel_loop3A_349, %parallel_loop3A_362 : vector<16xi32>
        %parallel_loop3A_364 = arith.select %parallel_loop3A_361, %parallel_loop3A_363, %parallel_loop3A_349 : vector<16xi1>, vector<16xi32>
        %parallel_loop3A_365 = arith.constant 0 : i32
        %parallel_loop3A_366 = vector.broadcast %parallel_loop3A_365 : i32 to vector<16xi32>
        %parallel_loop3A_367 = arith.cmpi eq, %parallel_loop3A_364, %parallel_loop3A_366 : vector<16xi32>
        tpu.vector_store_idx %arg17[%parallel_loop3A_242, %parallel_loop3A_342], %parallel_loop3A_304 masked %parallel_loop3A_367 : memref<128x80xf32, #tpu.memory_space<vmem>>[vector<16xi32>, vector<16xi32>], vector<16xf32>, vector<16xi1>
        %parallel_loop3A_368 = arith.index_cast %parallel_loop3A_230 : i32 to index
        %parallel_loop3A_369 = arith.constant 16 : index
        %parallel_loop3A_370 = tpu.vector_load %arg14[%parallel_loop3A_368, %parallel_loop3A_369] {strides = array<i32>} : memref<128x64xf32, #tpu.memory_space<vmem>>, vector<16xf32>,
        %parallel_loop3A_371 = arith.index_cast %parallel_loop3A_230 : i32 to index
        %parallel_loop3A_372 = arith.constant 16 : index
        %parallel_loop3A_373 = tpu.vector_load %arg15[%parallel_loop3A_371, %parallel_loop3A_372] {strides = array<i32>} : memref<128x64xf32, #tpu.memory_space<vmem>>, vector<16xf32>,
        %parallel_loop3A_374 = arith.addf %parallel_loop3A_370, %parallel_loop3A_373 : vector<16xf32>
        %parallel_loop3A_375 = arith.constant 2.000000e-01 : f32
        %parallel_loop3A_376 = vector.broadcast %parallel_loop3A_375 : f32 to vector<16xf32>
        %parallel_loop3A_377 = arith.mulf %parallel_loop3A_376, %parallel_loop3A_374 : vector<16xf32>
        %parallel_loop3A_378 = arith.maximumf %parallel_loop3A_374, %parallel_loop3A_377 : vector<16xf32>
        %parallel_loop3A_379 = arith.constant 1 : i32
        %parallel_loop3A_380 = arith.index_cast %parallel_loop3A_379 : i32 to index
        %parallel_loop3A_381 = arith.constant 0 : index
        %parallel_loop3A_382 = tpu.vector_load %arg18[%parallel_loop3A_380, %parallel_loop3A_381] {strides = array<i32>} : memref<4x16xf32, #tpu.memory_space<vmem>>, vector<16xf32>,
        %parallel_loop3A_383 = arith.mulf %parallel_loop3A_378, %parallel_loop3A_382 : vector<16xf32>
        %parallel_loop3A_384 = arith.constant 4 : i32
        %parallel_loop3A_385 = vector.broadcast %parallel_loop3A_384 : i32 to vector<16xi32>
        %parallel_loop3A_386 = arith.xori %iota3A, %parallel_loop3A_385 : vector<16xi32>
        %parallel_loop3A_387 = arith.constant 0 : i32
        %parallel_loop3A_388 = vector.broadcast %parallel_loop3A_387 : i32 to vector<16xi32>
        %parallel_loop3A_389 = arith.cmpi slt, %parallel_loop3A_386, %parallel_loop3A_388 : vector<16xi32>
        %parallel_loop3A_390 = arith.constant 16 : i32
        %parallel_loop3A_391 = vector.broadcast %parallel_loop3A_390 : i32 to vector<16xi32>
        %parallel_loop3A_392 = arith.addi %parallel_loop3A_386, %parallel_loop3A_391 : vector<16xi32>
        %parallel_loop3A_393 = arith.select %parallel_loop3A_389, %parallel_loop3A_392, %parallel_loop3A_386 : vector<16xi1>, vector<16xi32>
        %parallel_loop3A_394 = vector.shape_cast %parallel_loop3A_393 : vector<16xi32> to vector<16x1xi32>
        %parallel_loop3A_395 = vector.shape_cast %parallel_loop3A_394 : vector<16x1xi32> to vector<16xi32>
        %parallel_loop3A_396 = tpu.dynamic_gather %parallel_loop3A_383[%parallel_loop3A_395] in [0] : vector<16xf32>, vector<16xi32> -> vector<16xf32>
        %parallel_loop3A_397 = arith.addf %parallel_loop3A_383, %parallel_loop3A_396 : vector<16xf32>
        %parallel_loop3A_398 = arith.constant 2 : i32
        %parallel_loop3A_399 = vector.broadcast %parallel_loop3A_398 : i32 to vector<16xi32>
        %parallel_loop3A_400 = arith.xori %iota3A, %parallel_loop3A_399 : vector<16xi32>
        %parallel_loop3A_401 = arith.constant 0 : i32
        %parallel_loop3A_402 = vector.broadcast %parallel_loop3A_401 : i32 to vector<16xi32>
        %parallel_loop3A_403 = arith.cmpi slt, %parallel_loop3A_400, %parallel_loop3A_402 : vector<16xi32>
        %parallel_loop3A_404 = arith.constant 16 : i32
        %parallel_loop3A_405 = vector.broadcast %parallel_loop3A_404 : i32 to vector<16xi32>
        %parallel_loop3A_406 = arith.addi %parallel_loop3A_400, %parallel_loop3A_405 : vector<16xi32>
        %parallel_loop3A_407 = arith.select %parallel_loop3A_403, %parallel_loop3A_406, %parallel_loop3A_400 : vector<16xi1>, vector<16xi32>
        %parallel_loop3A_408 = vector.shape_cast %parallel_loop3A_407 : vector<16xi32> to vector<16x1xi32>
        %parallel_loop3A_409 = vector.shape_cast %parallel_loop3A_408 : vector<16x1xi32> to vector<16xi32>
        %parallel_loop3A_410 = tpu.dynamic_gather %parallel_loop3A_397[%parallel_loop3A_409] in [0] : vector<16xf32>, vector<16xi32> -> vector<16xf32>
        %parallel_loop3A_411 = arith.addf %parallel_loop3A_397, %parallel_loop3A_410 : vector<16xf32>
        %parallel_loop3A_412 = arith.constant 1 : i32
        %parallel_loop3A_413 = vector.broadcast %parallel_loop3A_412 : i32 to vector<16xi32>
        %parallel_loop3A_414 = arith.xori %iota3A, %parallel_loop3A_413 : vector<16xi32>
        %parallel_loop3A_415 = arith.constant 0 : i32
        %parallel_loop3A_416 = vector.broadcast %parallel_loop3A_415 : i32 to vector<16xi32>
        %parallel_loop3A_417 = arith.cmpi slt, %parallel_loop3A_414, %parallel_loop3A_416 : vector<16xi32>
        %parallel_loop3A_418 = arith.constant 16 : i32
        %parallel_loop3A_419 = vector.broadcast %parallel_loop3A_418 : i32 to vector<16xi32>
        %parallel_loop3A_420 = arith.addi %parallel_loop3A_414, %parallel_loop3A_419 : vector<16xi32>
        %parallel_loop3A_421 = arith.select %parallel_loop3A_417, %parallel_loop3A_420, %parallel_loop3A_414 : vector<16xi1>, vector<16xi32>
        %parallel_loop3A_422 = vector.shape_cast %parallel_loop3A_421 : vector<16xi32> to vector<16x1xi32>
        %parallel_loop3A_423 = vector.shape_cast %parallel_loop3A_422 : vector<16x1xi32> to vector<16xi32>
        %parallel_loop3A_424 = tpu.dynamic_gather %parallel_loop3A_411[%parallel_loop3A_423] in [0] : vector<16xf32>, vector<16xi32> -> vector<16xf32>
        %parallel_loop3A_425 = arith.addf %parallel_loop3A_411, %parallel_loop3A_424 : vector<16xf32>
        %parallel_loop3A_426 = math.exp %parallel_loop3A_425 : vector<16xf32>
        %parallel_loop3A_427 = arith.constant 0.000000e+00 : f32
        %parallel_loop3A_428 = vector.broadcast %parallel_loop3A_427 : f32 to vector<16xf32>
        %parallel_loop3A_429 = arith.select %parallel_loop3A_238, %parallel_loop3A_426, %parallel_loop3A_428 : vector<16xi1>, vector<16xf32>
        %parallel_loop3A_430 = arith.mulf %parallel_loop3A_370, %parallel_loop3A_429 : vector<16xf32>
        %parallel_loop3A_431 = arith.index_cast %parallel_loop3A_230 : i32 to index
        %parallel_loop3A_432 = arith.constant 16 : index
        %parallel_loop3A_433 = tpu.vector_load %arg17[%parallel_loop3A_431, %parallel_loop3A_432] {strides = array<i32>} : memref<128x80xf32, #tpu.memory_space<vmem>>, vector<16xf32>,
        tpu.vector_store %arg17[%parallel_loop3A_431, %parallel_loop3A_432], %parallel_loop3A_430 {strides = array<i32>} : memref<128x80xf32, #tpu.memory_space<vmem>>, vector<16xf32>,
        %parallel_loop3A_434 = arith.constant 8 : i32
        %parallel_loop3A_435 = vector.broadcast %parallel_loop3A_434 : i32 to vector<16xi32>
        %parallel_loop3A_436 = arith.divsi %iota3A, %parallel_loop3A_435 : vector<16xi32>
        %parallel_loop3A_437 = arith.constant 0 : i32
        %parallel_loop3A_438 = vector.broadcast %parallel_loop3A_437 : i32 to vector<16xi32>
        %parallel_loop3A_439 = arith.cmpi sgt, %iota3A, %parallel_loop3A_438 : vector<16xi32>
        %parallel_loop3A_440 = arith.extui %parallel_loop3A_439 : vector<16xi1> to vector<16xi32>
        %parallel_loop3A_441 = arith.constant 0 : i32
        %parallel_loop3A_442 = vector.broadcast %parallel_loop3A_441 : i32 to vector<16xi32>
        %parallel_loop3A_443 = arith.cmpi slt, %iota3A, %parallel_loop3A_442 : vector<16xi32>
        %parallel_loop3A_444 = arith.extui %parallel_loop3A_443 : vector<16xi1> to vector<16xi32>
        %parallel_loop3A_445 = arith.subi %parallel_loop3A_440, %parallel_loop3A_444 : vector<16xi32>
        %parallel_loop3A_446 = arith.constant 0 : i32
        %parallel_loop3A_447 = arith.cmpi sgt, %parallel_loop3A_434, %parallel_loop3A_446 : i32
        %parallel_loop3A_448 = arith.extui %parallel_loop3A_447 : i1 to i32
        %parallel_loop3A_449 = arith.constant 0 : i32
        %parallel_loop3A_450 = arith.cmpi slt, %parallel_loop3A_434, %parallel_loop3A_449 : i32
        %parallel_loop3A_451 = arith.extui %parallel_loop3A_450 : i1 to i32
        %parallel_loop3A_452 = arith.subi %parallel_loop3A_448, %parallel_loop3A_451 : i32
        %parallel_loop3A_453 = vector.broadcast %parallel_loop3A_452 : i32 to vector<16xi32>
        %parallel_loop3A_454 = arith.cmpi ne, %parallel_loop3A_445, %parallel_loop3A_453 : vector<16xi32>
        %parallel_loop3A_455 = vector.broadcast %parallel_loop3A_434 : i32 to vector<16xi32>
        %parallel_loop3A_456 = arith.remsi %iota3A, %parallel_loop3A_455 : vector<16xi32>
        %parallel_loop3A_457 = arith.constant 0 : i32
        %parallel_loop3A_458 = vector.broadcast %parallel_loop3A_457 : i32 to vector<16xi32>
        %parallel_loop3A_459 = arith.cmpi ne, %parallel_loop3A_456, %parallel_loop3A_458 : vector<16xi32>
        %parallel_loop3A_460 = arith.andi %parallel_loop3A_454, %parallel_loop3A_459 : vector<16xi1>
        %parallel_loop3A_461 = arith.constant 1 : i32
        %parallel_loop3A_462 = vector.broadcast %parallel_loop3A_461 : i32 to vector<16xi32>
        %parallel_loop3A_463 = arith.subi %parallel_loop3A_436, %parallel_loop3A_462 : vector<16xi32>
        %parallel_loop3A_464 = arith.select %parallel_loop3A_460, %parallel_loop3A_463, %parallel_loop3A_436 : vector<16xi1>, vector<16xi32>
        %parallel_loop3A_465 = arith.constant 66 : i32
        %parallel_loop3A_466 = vector.broadcast %parallel_loop3A_465 : i32 to vector<16xi32>
        %parallel_loop3A_467 = arith.addi %parallel_loop3A_466, %parallel_loop3A_464 : vector<16xi32>
        %parallel_loop3A_468 = arith.constant 8 : i32
        %parallel_loop3A_469 = arith.constant 0 : i32
        %parallel_loop3A_470 = arith.cmpi eq, %parallel_loop3A_468, %parallel_loop3A_469 : i32
        %parallel_loop3A_471 = arith.constant 1 : i32
        %parallel_loop3A_472 = arith.select %parallel_loop3A_470, %parallel_loop3A_471, %parallel_loop3A_468 : i32
        %parallel_loop3A_473 = vector.broadcast %parallel_loop3A_472 : i32 to vector<16xi32>
        %parallel_loop3A_474 = arith.remsi %iota3A, %parallel_loop3A_473 : vector<16xi32>
        %parallel_loop3A_475 = arith.constant 0 : i32
        %parallel_loop3A_476 = vector.broadcast %parallel_loop3A_475 : i32 to vector<16xi32>
        %parallel_loop3A_477 = arith.cmpi ne, %parallel_loop3A_474, %parallel_loop3A_476 : vector<16xi32>
        %parallel_loop3A_478 = arith.constant 0 : i32
        %parallel_loop3A_479 = vector.broadcast %parallel_loop3A_478 : i32 to vector<16xi32>
        %parallel_loop3A_480 = arith.cmpi slt, %parallel_loop3A_474, %parallel_loop3A_479 : vector<16xi32>
        %parallel_loop3A_481 = arith.constant 0 : i32
        %parallel_loop3A_482 = arith.cmpi slt, %parallel_loop3A_472, %parallel_loop3A_481 : i32
        %parallel_loop3A_483 = vector.broadcast %parallel_loop3A_482 : i1 to vector<16xi1>
        %parallel_loop3A_484 = vector.broadcast %parallel_loop3A_483 : vector<16xi1> to vector<16xi1>
        %parallel_loop3A_485 = arith.xori %parallel_loop3A_480, %parallel_loop3A_484 : vector<16xi1>
        %parallel_loop3A_486 = arith.andi %parallel_loop3A_485, %parallel_loop3A_477 : vector<16xi1>
        %parallel_loop3A_487 = vector.broadcast %parallel_loop3A_472 : i32 to vector<16xi32>
        %parallel_loop3A_488 = arith.addi %parallel_loop3A_474, %parallel_loop3A_487 : vector<16xi32>
        %parallel_loop3A_489 = arith.select %parallel_loop3A_486, %parallel_loop3A_488, %parallel_loop3A_474 : vector<16xi1>, vector<16xi32>
        %parallel_loop3A_490 = arith.constant 0 : i32
        %parallel_loop3A_491 = vector.broadcast %parallel_loop3A_490 : i32 to vector<16xi32>
        %parallel_loop3A_492 = arith.cmpi eq, %parallel_loop3A_489, %parallel_loop3A_491 : vector<16xi32>
        tpu.vector_store_idx %arg17[%parallel_loop3A_242, %parallel_loop3A_467], %parallel_loop3A_429 masked %parallel_loop3A_492 : memref<128x80xf32, #tpu.memory_space<vmem>>[vector<16xi32>, vector<16xi32>], vector<16xf32>, vector<16xi1>
        %parallel_loop3A_493 = arith.index_cast %parallel_loop3A_230 : i32 to index
        %parallel_loop3A_494 = arith.constant 32 : index
        %parallel_loop3A_495 = tpu.vector_load %arg14[%parallel_loop3A_493, %parallel_loop3A_494] {strides = array<i32>} : memref<128x64xf32, #tpu.memory_space<vmem>>, vector<16xf32>,
        %parallel_loop3A_496 = arith.index_cast %parallel_loop3A_230 : i32 to index
        %parallel_loop3A_497 = arith.constant 32 : index
        %parallel_loop3A_498 = tpu.vector_load %arg15[%parallel_loop3A_496, %parallel_loop3A_497] {strides = array<i32>} : memref<128x64xf32, #tpu.memory_space<vmem>>, vector<16xf32>,
        %parallel_loop3A_499 = arith.addf %parallel_loop3A_495, %parallel_loop3A_498 : vector<16xf32>
        %parallel_loop3A_500 = arith.constant 2.000000e-01 : f32
        %parallel_loop3A_501 = vector.broadcast %parallel_loop3A_500 : f32 to vector<16xf32>
        %parallel_loop3A_502 = arith.mulf %parallel_loop3A_501, %parallel_loop3A_499 : vector<16xf32>
        %parallel_loop3A_503 = arith.maximumf %parallel_loop3A_499, %parallel_loop3A_502 : vector<16xf32>
        %parallel_loop3A_504 = arith.constant 2 : i32
        %parallel_loop3A_505 = arith.index_cast %parallel_loop3A_504 : i32 to index
        %parallel_loop3A_506 = arith.constant 0 : index
        %parallel_loop3A_507 = tpu.vector_load %arg18[%parallel_loop3A_505, %parallel_loop3A_506] {strides = array<i32>} : memref<4x16xf32, #tpu.memory_space<vmem>>, vector<16xf32>,
        %parallel_loop3A_508 = arith.mulf %parallel_loop3A_503, %parallel_loop3A_507 : vector<16xf32>
        %parallel_loop3A_509 = arith.constant 4 : i32
        %parallel_loop3A_510 = vector.broadcast %parallel_loop3A_509 : i32 to vector<16xi32>
        %parallel_loop3A_511 = arith.xori %iota3A, %parallel_loop3A_510 : vector<16xi32>
        %parallel_loop3A_512 = arith.constant 0 : i32
        %parallel_loop3A_513 = vector.broadcast %parallel_loop3A_512 : i32 to vector<16xi32>
        %parallel_loop3A_514 = arith.cmpi slt, %parallel_loop3A_511, %parallel_loop3A_513 : vector<16xi32>
        %parallel_loop3A_515 = arith.constant 16 : i32
        %parallel_loop3A_516 = vector.broadcast %parallel_loop3A_515 : i32 to vector<16xi32>
        %parallel_loop3A_517 = arith.addi %parallel_loop3A_511, %parallel_loop3A_516 : vector<16xi32>
        %parallel_loop3A_518 = arith.select %parallel_loop3A_514, %parallel_loop3A_517, %parallel_loop3A_511 : vector<16xi1>, vector<16xi32>
        %parallel_loop3A_519 = vector.shape_cast %parallel_loop3A_518 : vector<16xi32> to vector<16x1xi32>
        %parallel_loop3A_520 = vector.shape_cast %parallel_loop3A_519 : vector<16x1xi32> to vector<16xi32>
        %parallel_loop3A_521 = tpu.dynamic_gather %parallel_loop3A_508[%parallel_loop3A_520] in [0] : vector<16xf32>, vector<16xi32> -> vector<16xf32>
        %parallel_loop3A_522 = arith.addf %parallel_loop3A_508, %parallel_loop3A_521 : vector<16xf32>
        %parallel_loop3A_523 = arith.constant 2 : i32
        %parallel_loop3A_524 = vector.broadcast %parallel_loop3A_523 : i32 to vector<16xi32>
        %parallel_loop3A_525 = arith.xori %iota3A, %parallel_loop3A_524 : vector<16xi32>
        %parallel_loop3A_526 = arith.constant 0 : i32
        %parallel_loop3A_527 = vector.broadcast %parallel_loop3A_526 : i32 to vector<16xi32>
        %parallel_loop3A_528 = arith.cmpi slt, %parallel_loop3A_525, %parallel_loop3A_527 : vector<16xi32>
        %parallel_loop3A_529 = arith.constant 16 : i32
        %parallel_loop3A_530 = vector.broadcast %parallel_loop3A_529 : i32 to vector<16xi32>
        %parallel_loop3A_531 = arith.addi %parallel_loop3A_525, %parallel_loop3A_530 : vector<16xi32>
        %parallel_loop3A_532 = arith.select %parallel_loop3A_528, %parallel_loop3A_531, %parallel_loop3A_525 : vector<16xi1>, vector<16xi32>
        %parallel_loop3A_533 = vector.shape_cast %parallel_loop3A_532 : vector<16xi32> to vector<16x1xi32>
        %parallel_loop3A_534 = vector.shape_cast %parallel_loop3A_533 : vector<16x1xi32> to vector<16xi32>
        %parallel_loop3A_535 = tpu.dynamic_gather %parallel_loop3A_522[%parallel_loop3A_534] in [0] : vector<16xf32>, vector<16xi32> -> vector<16xf32>
        %parallel_loop3A_536 = arith.addf %parallel_loop3A_522, %parallel_loop3A_535 : vector<16xf32>
        %parallel_loop3A_537 = arith.constant 1 : i32
        %parallel_loop3A_538 = vector.broadcast %parallel_loop3A_537 : i32 to vector<16xi32>
        %parallel_loop3A_539 = arith.xori %iota3A, %parallel_loop3A_538 : vector<16xi32>
        %parallel_loop3A_540 = arith.constant 0 : i32
        %parallel_loop3A_541 = vector.broadcast %parallel_loop3A_540 : i32 to vector<16xi32>
        %parallel_loop3A_542 = arith.cmpi slt, %parallel_loop3A_539, %parallel_loop3A_541 : vector<16xi32>
        %parallel_loop3A_543 = arith.constant 16 : i32
        %parallel_loop3A_544 = vector.broadcast %parallel_loop3A_543 : i32 to vector<16xi32>
        %parallel_loop3A_545 = arith.addi %parallel_loop3A_539, %parallel_loop3A_544 : vector<16xi32>
        %parallel_loop3A_546 = arith.select %parallel_loop3A_542, %parallel_loop3A_545, %parallel_loop3A_539 : vector<16xi1>, vector<16xi32>
        %parallel_loop3A_547 = vector.shape_cast %parallel_loop3A_546 : vector<16xi32> to vector<16x1xi32>
        %parallel_loop3A_548 = vector.shape_cast %parallel_loop3A_547 : vector<16x1xi32> to vector<16xi32>
        %parallel_loop3A_549 = tpu.dynamic_gather %parallel_loop3A_536[%parallel_loop3A_548] in [0] : vector<16xf32>, vector<16xi32> -> vector<16xf32>
        %parallel_loop3A_550 = arith.addf %parallel_loop3A_536, %parallel_loop3A_549 : vector<16xf32>
        %parallel_loop3A_551 = math.exp %parallel_loop3A_550 : vector<16xf32>
        %parallel_loop3A_552 = arith.constant 0.000000e+00 : f32
        %parallel_loop3A_553 = vector.broadcast %parallel_loop3A_552 : f32 to vector<16xf32>
        %parallel_loop3A_554 = arith.select %parallel_loop3A_238, %parallel_loop3A_551, %parallel_loop3A_553 : vector<16xi1>, vector<16xf32>
        %parallel_loop3A_555 = arith.mulf %parallel_loop3A_495, %parallel_loop3A_554 : vector<16xf32>
        %parallel_loop3A_556 = arith.index_cast %parallel_loop3A_230 : i32 to index
        %parallel_loop3A_557 = arith.constant 32 : index
        %parallel_loop3A_558 = tpu.vector_load %arg17[%parallel_loop3A_556, %parallel_loop3A_557] {strides = array<i32>} : memref<128x80xf32, #tpu.memory_space<vmem>>, vector<16xf32>,
        tpu.vector_store %arg17[%parallel_loop3A_556, %parallel_loop3A_557], %parallel_loop3A_555 {strides = array<i32>} : memref<128x80xf32, #tpu.memory_space<vmem>>, vector<16xf32>,
        %parallel_loop3A_559 = arith.constant 8 : i32
        %parallel_loop3A_560 = vector.broadcast %parallel_loop3A_559 : i32 to vector<16xi32>
        %parallel_loop3A_561 = arith.divsi %iota3A, %parallel_loop3A_560 : vector<16xi32>
        %parallel_loop3A_562 = arith.constant 0 : i32
        %parallel_loop3A_563 = vector.broadcast %parallel_loop3A_562 : i32 to vector<16xi32>
        %parallel_loop3A_564 = arith.cmpi sgt, %iota3A, %parallel_loop3A_563 : vector<16xi32>
        %parallel_loop3A_565 = arith.extui %parallel_loop3A_564 : vector<16xi1> to vector<16xi32>
        %parallel_loop3A_566 = arith.constant 0 : i32
        %parallel_loop3A_567 = vector.broadcast %parallel_loop3A_566 : i32 to vector<16xi32>
        %parallel_loop3A_568 = arith.cmpi slt, %iota3A, %parallel_loop3A_567 : vector<16xi32>
        %parallel_loop3A_569 = arith.extui %parallel_loop3A_568 : vector<16xi1> to vector<16xi32>
        %parallel_loop3A_570 = arith.subi %parallel_loop3A_565, %parallel_loop3A_569 : vector<16xi32>
        %parallel_loop3A_571 = arith.constant 0 : i32
        %parallel_loop3A_572 = arith.cmpi sgt, %parallel_loop3A_559, %parallel_loop3A_571 : i32
        %parallel_loop3A_573 = arith.extui %parallel_loop3A_572 : i1 to i32
        %parallel_loop3A_574 = arith.constant 0 : i32
        %parallel_loop3A_575 = arith.cmpi slt, %parallel_loop3A_559, %parallel_loop3A_574 : i32
        %parallel_loop3A_576 = arith.extui %parallel_loop3A_575 : i1 to i32
        %parallel_loop3A_577 = arith.subi %parallel_loop3A_573, %parallel_loop3A_576 : i32
        %parallel_loop3A_578 = vector.broadcast %parallel_loop3A_577 : i32 to vector<16xi32>
        %parallel_loop3A_579 = arith.cmpi ne, %parallel_loop3A_570, %parallel_loop3A_578 : vector<16xi32>
        %parallel_loop3A_580 = vector.broadcast %parallel_loop3A_559 : i32 to vector<16xi32>
        %parallel_loop3A_581 = arith.remsi %iota3A, %parallel_loop3A_580 : vector<16xi32>
        %parallel_loop3A_582 = arith.constant 0 : i32
        %parallel_loop3A_583 = vector.broadcast %parallel_loop3A_582 : i32 to vector<16xi32>
        %parallel_loop3A_584 = arith.cmpi ne, %parallel_loop3A_581, %parallel_loop3A_583 : vector<16xi32>
        %parallel_loop3A_585 = arith.andi %parallel_loop3A_579, %parallel_loop3A_584 : vector<16xi1>
        %parallel_loop3A_586 = arith.constant 1 : i32
        %parallel_loop3A_587 = vector.broadcast %parallel_loop3A_586 : i32 to vector<16xi32>
        %parallel_loop3A_588 = arith.subi %parallel_loop3A_561, %parallel_loop3A_587 : vector<16xi32>
        %parallel_loop3A_589 = arith.select %parallel_loop3A_585, %parallel_loop3A_588, %parallel_loop3A_561 : vector<16xi1>, vector<16xi32>
        %parallel_loop3A_590 = arith.constant 68 : i32
        %parallel_loop3A_591 = vector.broadcast %parallel_loop3A_590 : i32 to vector<16xi32>
        %parallel_loop3A_592 = arith.addi %parallel_loop3A_591, %parallel_loop3A_589 : vector<16xi32>
        %parallel_loop3A_593 = arith.constant 8 : i32
        %parallel_loop3A_594 = arith.constant 0 : i32
        %parallel_loop3A_595 = arith.cmpi eq, %parallel_loop3A_593, %parallel_loop3A_594 : i32
        %parallel_loop3A_596 = arith.constant 1 : i32
        %parallel_loop3A_597 = arith.select %parallel_loop3A_595, %parallel_loop3A_596, %parallel_loop3A_593 : i32
        %parallel_loop3A_598 = vector.broadcast %parallel_loop3A_597 : i32 to vector<16xi32>
        %parallel_loop3A_599 = arith.remsi %iota3A, %parallel_loop3A_598 : vector<16xi32>
        %parallel_loop3A_600 = arith.constant 0 : i32
        %parallel_loop3A_601 = vector.broadcast %parallel_loop3A_600 : i32 to vector<16xi32>
        %parallel_loop3A_602 = arith.cmpi ne, %parallel_loop3A_599, %parallel_loop3A_601 : vector<16xi32>
        %parallel_loop3A_603 = arith.constant 0 : i32
        %parallel_loop3A_604 = vector.broadcast %parallel_loop3A_603 : i32 to vector<16xi32>
        %parallel_loop3A_605 = arith.cmpi slt, %parallel_loop3A_599, %parallel_loop3A_604 : vector<16xi32>
        %parallel_loop3A_606 = arith.constant 0 : i32
        %parallel_loop3A_607 = arith.cmpi slt, %parallel_loop3A_597, %parallel_loop3A_606 : i32
        %parallel_loop3A_608 = vector.broadcast %parallel_loop3A_607 : i1 to vector<16xi1>
        %parallel_loop3A_609 = vector.broadcast %parallel_loop3A_608 : vector<16xi1> to vector<16xi1>
        %parallel_loop3A_610 = arith.xori %parallel_loop3A_605, %parallel_loop3A_609 : vector<16xi1>
        %parallel_loop3A_611 = arith.andi %parallel_loop3A_610, %parallel_loop3A_602 : vector<16xi1>
        %parallel_loop3A_612 = vector.broadcast %parallel_loop3A_597 : i32 to vector<16xi32>
        %parallel_loop3A_613 = arith.addi %parallel_loop3A_599, %parallel_loop3A_612 : vector<16xi32>
        %parallel_loop3A_614 = arith.select %parallel_loop3A_611, %parallel_loop3A_613, %parallel_loop3A_599 : vector<16xi1>, vector<16xi32>
        %parallel_loop3A_615 = arith.constant 0 : i32
        %parallel_loop3A_616 = vector.broadcast %parallel_loop3A_615 : i32 to vector<16xi32>
        %parallel_loop3A_617 = arith.cmpi eq, %parallel_loop3A_614, %parallel_loop3A_616 : vector<16xi32>
        tpu.vector_store_idx %arg17[%parallel_loop3A_242, %parallel_loop3A_592], %parallel_loop3A_554 masked %parallel_loop3A_617 : memref<128x80xf32, #tpu.memory_space<vmem>>[vector<16xi32>, vector<16xi32>], vector<16xf32>, vector<16xi1>
        %parallel_loop3A_618 = arith.index_cast %parallel_loop3A_230 : i32 to index
        %parallel_loop3A_619 = arith.constant 48 : index
        %parallel_loop3A_620 = tpu.vector_load %arg14[%parallel_loop3A_618, %parallel_loop3A_619] {strides = array<i32>} : memref<128x64xf32, #tpu.memory_space<vmem>>, vector<16xf32>,
        %parallel_loop3A_621 = arith.index_cast %parallel_loop3A_230 : i32 to index
        %parallel_loop3A_622 = arith.constant 48 : index
        %parallel_loop3A_623 = tpu.vector_load %arg15[%parallel_loop3A_621, %parallel_loop3A_622] {strides = array<i32>} : memref<128x64xf32, #tpu.memory_space<vmem>>, vector<16xf32>,
        %parallel_loop3A_624 = arith.addf %parallel_loop3A_620, %parallel_loop3A_623 : vector<16xf32>
        %parallel_loop3A_625 = arith.constant 2.000000e-01 : f32
        %parallel_loop3A_626 = vector.broadcast %parallel_loop3A_625 : f32 to vector<16xf32>
        %parallel_loop3A_627 = arith.mulf %parallel_loop3A_626, %parallel_loop3A_624 : vector<16xf32>
        %parallel_loop3A_628 = arith.maximumf %parallel_loop3A_624, %parallel_loop3A_627 : vector<16xf32>
        %parallel_loop3A_629 = arith.constant 3 : i32
        %parallel_loop3A_630 = arith.index_cast %parallel_loop3A_629 : i32 to index
        %parallel_loop3A_631 = arith.constant 0 : index
        %parallel_loop3A_632 = tpu.vector_load %arg18[%parallel_loop3A_630, %parallel_loop3A_631] {strides = array<i32>} : memref<4x16xf32, #tpu.memory_space<vmem>>, vector<16xf32>,
        %parallel_loop3A_633 = arith.mulf %parallel_loop3A_628, %parallel_loop3A_632 : vector<16xf32>
        %parallel_loop3A_634 = arith.constant 4 : i32
        %parallel_loop3A_635 = vector.broadcast %parallel_loop3A_634 : i32 to vector<16xi32>
        %parallel_loop3A_636 = arith.xori %iota3A, %parallel_loop3A_635 : vector<16xi32>
        %parallel_loop3A_637 = arith.constant 0 : i32
        %parallel_loop3A_638 = vector.broadcast %parallel_loop3A_637 : i32 to vector<16xi32>
        %parallel_loop3A_639 = arith.cmpi slt, %parallel_loop3A_636, %parallel_loop3A_638 : vector<16xi32>
        %parallel_loop3A_640 = arith.constant 16 : i32
        %parallel_loop3A_641 = vector.broadcast %parallel_loop3A_640 : i32 to vector<16xi32>
        %parallel_loop3A_642 = arith.addi %parallel_loop3A_636, %parallel_loop3A_641 : vector<16xi32>
        %parallel_loop3A_643 = arith.select %parallel_loop3A_639, %parallel_loop3A_642, %parallel_loop3A_636 : vector<16xi1>, vector<16xi32>
        %parallel_loop3A_644 = vector.shape_cast %parallel_loop3A_643 : vector<16xi32> to vector<16x1xi32>
        %parallel_loop3A_645 = vector.shape_cast %parallel_loop3A_644 : vector<16x1xi32> to vector<16xi32>
        %parallel_loop3A_646 = tpu.dynamic_gather %parallel_loop3A_633[%parallel_loop3A_645] in [0] : vector<16xf32>, vector<16xi32> -> vector<16xf32>
        %parallel_loop3A_647 = arith.addf %parallel_loop3A_633, %parallel_loop3A_646 : vector<16xf32>
        %parallel_loop3A_648 = arith.constant 2 : i32
        %parallel_loop3A_649 = vector.broadcast %parallel_loop3A_648 : i32 to vector<16xi32>
        %parallel_loop3A_650 = arith.xori %iota3A, %parallel_loop3A_649 : vector<16xi32>
        %parallel_loop3A_651 = arith.constant 0 : i32
        %parallel_loop3A_652 = vector.broadcast %parallel_loop3A_651 : i32 to vector<16xi32>
        %parallel_loop3A_653 = arith.cmpi slt, %parallel_loop3A_650, %parallel_loop3A_652 : vector<16xi32>
        %parallel_loop3A_654 = arith.constant 16 : i32
        %parallel_loop3A_655 = vector.broadcast %parallel_loop3A_654 : i32 to vector<16xi32>
        %parallel_loop3A_656 = arith.addi %parallel_loop3A_650, %parallel_loop3A_655 : vector<16xi32>
        %parallel_loop3A_657 = arith.select %parallel_loop3A_653, %parallel_loop3A_656, %parallel_loop3A_650 : vector<16xi1>, vector<16xi32>
        %parallel_loop3A_658 = vector.shape_cast %parallel_loop3A_657 : vector<16xi32> to vector<16x1xi32>
        %parallel_loop3A_659 = vector.shape_cast %parallel_loop3A_658 : vector<16x1xi32> to vector<16xi32>
        %parallel_loop3A_660 = tpu.dynamic_gather %parallel_loop3A_647[%parallel_loop3A_659] in [0] : vector<16xf32>, vector<16xi32> -> vector<16xf32>
        %parallel_loop3A_661 = arith.addf %parallel_loop3A_647, %parallel_loop3A_660 : vector<16xf32>
        %parallel_loop3A_662 = arith.constant 1 : i32
        %parallel_loop3A_663 = vector.broadcast %parallel_loop3A_662 : i32 to vector<16xi32>
        %parallel_loop3A_664 = arith.xori %iota3A, %parallel_loop3A_663 : vector<16xi32>
        %parallel_loop3A_665 = arith.constant 0 : i32
        %parallel_loop3A_666 = vector.broadcast %parallel_loop3A_665 : i32 to vector<16xi32>
        %parallel_loop3A_667 = arith.cmpi slt, %parallel_loop3A_664, %parallel_loop3A_666 : vector<16xi32>
        %parallel_loop3A_668 = arith.constant 16 : i32
        %parallel_loop3A_669 = vector.broadcast %parallel_loop3A_668 : i32 to vector<16xi32>
        %parallel_loop3A_670 = arith.addi %parallel_loop3A_664, %parallel_loop3A_669 : vector<16xi32>
        %parallel_loop3A_671 = arith.select %parallel_loop3A_667, %parallel_loop3A_670, %parallel_loop3A_664 : vector<16xi1>, vector<16xi32>
        %parallel_loop3A_672 = vector.shape_cast %parallel_loop3A_671 : vector<16xi32> to vector<16x1xi32>
        %parallel_loop3A_673 = vector.shape_cast %parallel_loop3A_672 : vector<16x1xi32> to vector<16xi32>
        %parallel_loop3A_674 = tpu.dynamic_gather %parallel_loop3A_661[%parallel_loop3A_673] in [0] : vector<16xf32>, vector<16xi32> -> vector<16xf32>
        %parallel_loop3A_675 = arith.addf %parallel_loop3A_661, %parallel_loop3A_674 : vector<16xf32>
        %parallel_loop3A_676 = math.exp %parallel_loop3A_675 : vector<16xf32>
        %parallel_loop3A_677 = arith.constant 0.000000e+00 : f32
        %parallel_loop3A_678 = vector.broadcast %parallel_loop3A_677 : f32 to vector<16xf32>
        %parallel_loop3A_679 = arith.select %parallel_loop3A_238, %parallel_loop3A_676, %parallel_loop3A_678 : vector<16xi1>, vector<16xf32>
        %parallel_loop3A_680 = arith.mulf %parallel_loop3A_620, %parallel_loop3A_679 : vector<16xf32>
        %parallel_loop3A_681 = arith.index_cast %parallel_loop3A_230 : i32 to index
        %parallel_loop3A_682 = arith.constant 48 : index
        %parallel_loop3A_683 = tpu.vector_load %arg17[%parallel_loop3A_681, %parallel_loop3A_682] {strides = array<i32>} : memref<128x80xf32, #tpu.memory_space<vmem>>, vector<16xf32>,
        tpu.vector_store %arg17[%parallel_loop3A_681, %parallel_loop3A_682], %parallel_loop3A_680 {strides = array<i32>} : memref<128x80xf32, #tpu.memory_space<vmem>>, vector<16xf32>,
        %parallel_loop3A_684 = arith.constant 8 : i32
        %parallel_loop3A_685 = vector.broadcast %parallel_loop3A_684 : i32 to vector<16xi32>
        %parallel_loop3A_686 = arith.divsi %iota3A, %parallel_loop3A_685 : vector<16xi32>
        %parallel_loop3A_687 = arith.constant 0 : i32
        %parallel_loop3A_688 = vector.broadcast %parallel_loop3A_687 : i32 to vector<16xi32>
        %parallel_loop3A_689 = arith.cmpi sgt, %iota3A, %parallel_loop3A_688 : vector<16xi32>
        %parallel_loop3A_690 = arith.extui %parallel_loop3A_689 : vector<16xi1> to vector<16xi32>
        %parallel_loop3A_691 = arith.constant 0 : i32
        %parallel_loop3A_692 = vector.broadcast %parallel_loop3A_691 : i32 to vector<16xi32>
        %parallel_loop3A_693 = arith.cmpi slt, %iota3A, %parallel_loop3A_692 : vector<16xi32>
        %parallel_loop3A_694 = arith.extui %parallel_loop3A_693 : vector<16xi1> to vector<16xi32>
        %parallel_loop3A_695 = arith.subi %parallel_loop3A_690, %parallel_loop3A_694 : vector<16xi32>
        %parallel_loop3A_696 = arith.constant 0 : i32
        %parallel_loop3A_697 = arith.cmpi sgt, %parallel_loop3A_684, %parallel_loop3A_696 : i32
        %parallel_loop3A_698 = arith.extui %parallel_loop3A_697 : i1 to i32
        %parallel_loop3A_699 = arith.constant 0 : i32
        %parallel_loop3A_700 = arith.cmpi slt, %parallel_loop3A_684, %parallel_loop3A_699 : i32
        %parallel_loop3A_701 = arith.extui %parallel_loop3A_700 : i1 to i32
        %parallel_loop3A_702 = arith.subi %parallel_loop3A_698, %parallel_loop3A_701 : i32
        %parallel_loop3A_703 = vector.broadcast %parallel_loop3A_702 : i32 to vector<16xi32>
        %parallel_loop3A_704 = arith.cmpi ne, %parallel_loop3A_695, %parallel_loop3A_703 : vector<16xi32>
        %parallel_loop3A_705 = vector.broadcast %parallel_loop3A_684 : i32 to vector<16xi32>
        %parallel_loop3A_706 = arith.remsi %iota3A, %parallel_loop3A_705 : vector<16xi32>
        %parallel_loop3A_707 = arith.constant 0 : i32
        %parallel_loop3A_708 = vector.broadcast %parallel_loop3A_707 : i32 to vector<16xi32>
        %parallel_loop3A_709 = arith.cmpi ne, %parallel_loop3A_706, %parallel_loop3A_708 : vector<16xi32>
        %parallel_loop3A_710 = arith.andi %parallel_loop3A_704, %parallel_loop3A_709 : vector<16xi1>
        %parallel_loop3A_711 = arith.constant 1 : i32
        %parallel_loop3A_712 = vector.broadcast %parallel_loop3A_711 : i32 to vector<16xi32>
        %parallel_loop3A_713 = arith.subi %parallel_loop3A_686, %parallel_loop3A_712 : vector<16xi32>
        %parallel_loop3A_714 = arith.select %parallel_loop3A_710, %parallel_loop3A_713, %parallel_loop3A_686 : vector<16xi1>, vector<16xi32>
        %parallel_loop3A_715 = arith.constant 70 : i32
        %parallel_loop3A_716 = vector.broadcast %parallel_loop3A_715 : i32 to vector<16xi32>
        %parallel_loop3A_717 = arith.addi %parallel_loop3A_716, %parallel_loop3A_714 : vector<16xi32>
        %parallel_loop3A_718 = arith.constant 8 : i32
        %parallel_loop3A_719 = arith.constant 0 : i32
        %parallel_loop3A_720 = arith.cmpi eq, %parallel_loop3A_718, %parallel_loop3A_719 : i32
        %parallel_loop3A_721 = arith.constant 1 : i32
        %parallel_loop3A_722 = arith.select %parallel_loop3A_720, %parallel_loop3A_721, %parallel_loop3A_718 : i32
        %parallel_loop3A_723 = vector.broadcast %parallel_loop3A_722 : i32 to vector<16xi32>
        %parallel_loop3A_724 = arith.remsi %iota3A, %parallel_loop3A_723 : vector<16xi32>
        %parallel_loop3A_725 = arith.constant 0 : i32
        %parallel_loop3A_726 = vector.broadcast %parallel_loop3A_725 : i32 to vector<16xi32>
        %parallel_loop3A_727 = arith.cmpi ne, %parallel_loop3A_724, %parallel_loop3A_726 : vector<16xi32>
        %parallel_loop3A_728 = arith.constant 0 : i32
        %parallel_loop3A_729 = vector.broadcast %parallel_loop3A_728 : i32 to vector<16xi32>
        %parallel_loop3A_730 = arith.cmpi slt, %parallel_loop3A_724, %parallel_loop3A_729 : vector<16xi32>
        %parallel_loop3A_731 = arith.constant 0 : i32
        %parallel_loop3A_732 = arith.cmpi slt, %parallel_loop3A_722, %parallel_loop3A_731 : i32
        %parallel_loop3A_733 = vector.broadcast %parallel_loop3A_732 : i1 to vector<16xi1>
        %parallel_loop3A_734 = vector.broadcast %parallel_loop3A_733 : vector<16xi1> to vector<16xi1>
        %parallel_loop3A_735 = arith.xori %parallel_loop3A_730, %parallel_loop3A_734 : vector<16xi1>
        %parallel_loop3A_736 = arith.andi %parallel_loop3A_735, %parallel_loop3A_727 : vector<16xi1>
        %parallel_loop3A_737 = vector.broadcast %parallel_loop3A_722 : i32 to vector<16xi32>
        %parallel_loop3A_738 = arith.addi %parallel_loop3A_724, %parallel_loop3A_737 : vector<16xi32>
        %parallel_loop3A_739 = arith.select %parallel_loop3A_736, %parallel_loop3A_738, %parallel_loop3A_724 : vector<16xi1>, vector<16xi32>
        %parallel_loop3A_740 = arith.constant 0 : i32
        %parallel_loop3A_741 = vector.broadcast %parallel_loop3A_740 : i32 to vector<16xi32>
        %parallel_loop3A_742 = arith.cmpi eq, %parallel_loop3A_739, %parallel_loop3A_741 : vector<16xi32>
        tpu.vector_store_idx %arg17[%parallel_loop3A_242, %parallel_loop3A_717], %parallel_loop3A_679 masked %parallel_loop3A_742 : memref<128x80xf32, #tpu.memory_space<vmem>>[vector<16xi32>, vector<16xi32>], vector<16xf32>, vector<16xi1>
      } {sc.loop_unroll_factor = 1 : i64, sc.parallel_access}
      %dma_start3A_224 = arith.constant 0 : i32
      %dma_start3A_225 = tpu.memref_slice %arg11[%add3A_73, %dma_start3A_224] : memref<40x128xi32, #tpu.memory_space<vmem>> -> memref<1x128xi32, #tpu.memory_space<vmem>>
      %dma_start3A_226 = tpu.memref_squeeze %dma_start3A_225 : memref<1x128xi32, #tpu.memory_space<vmem>> -> memref<128xi32, #tpu.memory_space<vmem>>
      %dma_start3A_227 = arith.constant 0 : i32
      %dma_start3A_228 = arith.constant 0 : i32
      %dma_start3A_229 = tpu.memref_slice %arg9[%dma_start3A_227, %dma_start3A_228] : memref<10000x80xf32, #tpu.memory_space<vmem_shared>> -> memref<10000x80xf32, #tpu.memory_space<vmem_shared>>
      tpu.enqueue_indirect_dma source(%arg17 : memref<128x80xf32, #tpu.memory_space<vmem>>) target(%dma_start3A_229 : memref<10000x80xf32, #tpu.memory_space<vmem_shared>>) offsets(%dma_start3A_226 : memref<128xi32, #tpu.memory_space<vmem>>) semaphore(%arg22 : memref<!tpu.dma_semaphore, #tpu.memory_space<semaphore_mem>>) {add = true}
    }
    %scan3A_48 = arith.constant 20 : i32
    %dma_wait3A = arith.constant 0 : i32
    %dma_wait3A_49 = arith.constant 0 : i32
    %dma_wait3A_50 = tpu.memref_slice %arg11[%dma_wait3A, %dma_wait3A_49] : memref<40x128xi32, #tpu.memory_space<vmem>> -> memref<1x128xi32, #tpu.memory_space<vmem>>
    %dma_wait3A_51 = tpu.memref_squeeze %dma_wait3A_50 : memref<1x128xi32, #tpu.memory_space<vmem>> -> memref<128xi32, #tpu.memory_space<vmem>>
    %dma_wait3A_52 = arith.constant 0 : i32
    %dma_wait3A_53 = arith.constant 0 : i32
    %dma_wait3A_54 = tpu.memref_slice %arg9[%dma_wait3A_52, %dma_wait3A_53] : memref<10000x80xf32, #tpu.memory_space<vmem_shared>> -> memref<10000x80xf32, #tpu.memory_space<vmem_shared>>
    tpu.wait_indirect_dma semaphore(%arg21 : memref<!tpu.dma_semaphore, #tpu.memory_space<semaphore_mem>>) src(%arg16 : memref<128x80xf32, #tpu.memory_space<vmem>>) dst(%dma_wait3A_54 : memref<10000x80xf32, #tpu.memory_space<vmem_shared>>)
    %dma_wait3A_55 = arith.constant 0 : i32
    %dma_wait3A_56 = arith.constant 0 : i32
    %dma_wait3A_57 = tpu.memref_slice %arg11[%dma_wait3A_55, %dma_wait3A_56] : memref<40x128xi32, #tpu.memory_space<vmem>> -> memref<1x128xi32, #tpu.memory_space<vmem>>
    %dma_wait3A_58 = tpu.memref_squeeze %dma_wait3A_57 : memref<1x128xi32, #tpu.memory_space<vmem>> -> memref<128xi32, #tpu.memory_space<vmem>>
    %dma_wait3A_59 = arith.constant 0 : i32
    %dma_wait3A_60 = arith.constant 0 : i32
    %dma_wait3A_61 = tpu.memref_slice %arg9[%dma_wait3A_59, %dma_wait3A_60] : memref<10000x80xf32, #tpu.memory_space<vmem_shared>> -> memref<10000x80xf32, #tpu.memory_space<vmem_shared>>
    tpu.wait_indirect_dma semaphore(%arg22 : memref<!tpu.dma_semaphore, #tpu.memory_space<semaphore_mem>>) src(%arg17 : memref<128x80xf32, #tpu.memory_space<vmem>>) dst(%dma_wait3A_61 : memref<10000x80xf32, #tpu.memory_space<vmem_shared>>)
    %barrier3A_62 = arith.constant 0 : index
    tpu.barrier barrier_id(%barrier3A_62)
    %mul3A_63 = arith.constant 625 : i32
    %mul3A_64 = arith.muli %arg1, %mul3A_63 : i32
    %mul3A_65 = arith.constant 625 : i32
    %mul3A_66 = arith.muli %arg1, %mul3A_65 : i32
    "tpu.region"() ({
      %run_scoped3A = tpu.sem_alloc : memref<!tpu.dma_semaphore, #tpu.memory_space<semaphore_mem>>
      %dma_start3A_67 = arith.constant 0 : i32
      %dma_start3A_68 = tpu.memref_slice %arg8[%arg0, %mul3A_66, %dma_start3A_67] : memref<2x10000x80xf32, #tpu.memory_space<hbm>> -> memref<1x625x80xf32, #tpu.memory_space<hbm>>
      %dma_start3A_69 = tpu.memref_squeeze %dma_start3A_68 : memref<1x625x80xf32, #tpu.memory_space<hbm>> -> memref<625x80xf32, #tpu.memory_space<hbm>>
      %dma_start3A_70 = arith.constant 0 : i32
      %dma_start3A_71 = tpu.memref_slice %arg9[%mul3A_64, %dma_start3A_70] : memref<10000x80xf32, #tpu.memory_space<vmem_shared>> -> memref<625x80xf32, #tpu.memory_space<vmem_shared>>
      tpu.enqueue_dma source(%dma_start3A_71 : memref<625x80xf32, #tpu.memory_space<vmem_shared>>) target(%dma_start3A_69 : memref<625x80xf32, #tpu.memory_space<hbm>>) target_semaphore(%run_scoped3A : memref<!tpu.dma_semaphore, #tpu.memory_space<semaphore_mem>>)
      %dma_wait3A_72 = arith.constant 0 : i32
      %dma_wait3A_73 = tpu.memref_slice %arg8[%arg0, %mul3A_66, %dma_wait3A_72] : memref<2x10000x80xf32, #tpu.memory_space<hbm>> -> memref<1x625x80xf32, #tpu.memory_space<hbm>>
      %dma_wait3A_74 = tpu.memref_squeeze %dma_wait3A_73 : memref<1x625x80xf32, #tpu.memory_space<hbm>> -> memref<625x80xf32, #tpu.memory_space<hbm>>
      %dma_wait3A_75 = arith.constant 0 : i32
      %dma_wait3A_76 = tpu.memref_slice %arg9[%mul3A_64, %dma_wait3A_75] : memref<10000x80xf32, #tpu.memory_space<vmem_shared>> -> memref<625x80xf32, #tpu.memory_space<vmem_shared>>
      tpu.wait_dma2 semaphore(%run_scoped3A : memref<!tpu.dma_semaphore, #tpu.memory_space<semaphore_mem>>) src(%dma_wait3A_76 : memref<625x80xf32, #tpu.memory_space<vmem_shared>>) dst(%dma_wait3A_74 : memref<625x80xf32, #tpu.memory_space<hbm>>)
      tpu.yield
    }) : () -> ()
    return
  }
}

#map = affine_map<(d0, d1) -> (0, 0)>
#map1 = affine_map<(d0, d1) -> (0)>
#map2 = affine_map<(d0, d1) -> (0, 0, 0)>
module attributes {stable_mosaic.version = 14 : i64} {
  func.func @edge_k(%arg0: i32, %arg1: i32, %arg2: memref<10000x48xf32, #tpu.memory_space<hbm>>, %arg3: memref<10000x48xf32, #tpu.memory_space<hbm>>, %arg4: memref<163840xi32, #tpu.memory_space<hbm>>, %arg5: memref<1280x128xi32, #tpu.memory_space<hbm>>, %arg6: memref<3x16xf32, #tpu.memory_space<hbm>>, %arg7: memref<10000x64xf32, #tpu.memory_space<hbm>>, %arg8: memref<2x10000x64xf32, #tpu.memory_space<hbm>>, %arg9: memref<10000x64xf32, #tpu.memory_space<vmem_shared>>, %arg10: memref<5120xi32, #tpu.memory_space<vmem>>, %arg11: memref<40x128xi32, #tpu.memory_space<vmem>>, %arg12: memref<128x48xf32, #tpu.memory_space<vmem>>, %arg13: memref<128x48xf32, #tpu.memory_space<vmem>>, %arg14: memref<128x48xf32, #tpu.memory_space<vmem>>, %arg15: memref<128x48xf32, #tpu.memory_space<vmem>>, %arg16: memref<128x64xf32, #tpu.memory_space<vmem>>, %arg17: memref<128x64xf32, #tpu.memory_space<vmem>>, %arg18: memref<3x16xf32, #tpu.memory_space<vmem>>, %arg19: memref<!tpu.dma_semaphore, #tpu.memory_space<semaphore_mem>>, %arg20: memref<!tpu.dma_semaphore, #tpu.memory_space<semaphore_mem>>, %arg21: memref<!tpu.dma_semaphore, #tpu.memory_space<semaphore_mem>>, %arg22: memref<!tpu.dma_semaphore, #tpu.memory_space<semaphore_mem>>) attributes {dimension_semantics = [#tpu.dimension_semantics<core_parallel>, #tpu.dimension_semantics<subcore_parallel>], iteration_bounds = array<i64: 2, 16>, scalar_prefetch = 0 : i64, scratch_operands = 14 : i64, tpu.core_type = #tpu.core_type<sc_vector_subcore>, window_params = [{transform_indices = #map}, {transform_indices = #map}, {transform_indices = #map1}, {transform_indices = #map}, {transform_indices = #map}, {transform_indices = #map}, {transform_indices = #map2}]} {
    %mul3A = arith.constant 2 : i32
    %mul3A_0 = arith.muli %arg1, %mul3A : i32
    %add3A = arith.addi %mul3A_0, %arg0 : i32
    %mul3A_1 = arith.constant 5120 : i32
    %mul3A_2 = arith.muli %add3A, %mul3A_1 : i32
    "tpu.region"() ({
      %run_scoped3A = tpu.sem_alloc : memref<!tpu.dma_semaphore, #tpu.memory_space<semaphore_mem>>
      tpu.enqueue_dma source(%arg6 : memref<3x16xf32, #tpu.memory_space<hbm>>) target(%arg18 : memref<3x16xf32, #tpu.memory_space<vmem>>) target_semaphore(%run_scoped3A : memref<!tpu.dma_semaphore, #tpu.memory_space<semaphore_mem>>)
      tpu.wait_dma2 semaphore(%run_scoped3A : memref<!tpu.dma_semaphore, #tpu.memory_space<semaphore_mem>>) src(%arg6 : memref<3x16xf32, #tpu.memory_space<hbm>>) dst(%arg18 : memref<3x16xf32, #tpu.memory_space<vmem>>)
      tpu.yield
    }) : () -> ()
    %mul3A_3 = arith.constant 625 : i32
    %mul3A_4 = arith.muli %arg1, %mul3A_3 : i32
    %mul3A_5 = arith.constant 625 : i32
    %mul3A_6 = arith.muli %arg1, %mul3A_5 : i32
    "tpu.region"() ({
      %run_scoped3A = tpu.sem_alloc : memref<!tpu.dma_semaphore, #tpu.memory_space<semaphore_mem>>
      %dma_start3A_67 = arith.constant 0 : i32
      %dma_start3A_68 = tpu.memref_slice %arg9[%mul3A_6, %dma_start3A_67] : memref<10000x64xf32, #tpu.memory_space<vmem_shared>> -> memref<625x64xf32, #tpu.memory_space<vmem_shared>>
      %dma_start3A_69 = arith.constant 0 : i32
      %dma_start3A_70 = tpu.memref_slice %arg7[%mul3A_4, %dma_start3A_69] : memref<10000x64xf32, #tpu.memory_space<hbm>> -> memref<625x64xf32, #tpu.memory_space<hbm>>
      tpu.enqueue_dma source(%dma_start3A_70 : memref<625x64xf32, #tpu.memory_space<hbm>>) target(%dma_start3A_68 : memref<625x64xf32, #tpu.memory_space<vmem_shared>>) target_semaphore(%run_scoped3A : memref<!tpu.dma_semaphore, #tpu.memory_space<semaphore_mem>>)
      %dma_wait3A_71 = arith.constant 0 : i32
      %dma_wait3A_72 = tpu.memref_slice %arg9[%mul3A_6, %dma_wait3A_71] : memref<10000x64xf32, #tpu.memory_space<vmem_shared>> -> memref<625x64xf32, #tpu.memory_space<vmem_shared>>
      %dma_wait3A_73 = arith.constant 0 : i32
      %dma_wait3A_74 = tpu.memref_slice %arg7[%mul3A_4, %dma_wait3A_73] : memref<10000x64xf32, #tpu.memory_space<hbm>> -> memref<625x64xf32, #tpu.memory_space<hbm>>
      tpu.wait_dma2 semaphore(%run_scoped3A : memref<!tpu.dma_semaphore, #tpu.memory_space<semaphore_mem>>) src(%dma_wait3A_74 : memref<625x64xf32, #tpu.memory_space<hbm>>) dst(%dma_wait3A_72 : memref<625x64xf32, #tpu.memory_space<vmem_shared>>)
      tpu.yield
    }) : () -> ()
    "tpu.region"() ({
      %run_scoped3A = tpu.sem_alloc : memref<!tpu.dma_semaphore, #tpu.memory_space<semaphore_mem>>
      %dma_start3A_67 = arith.constant 0 : i32
      %dma_start3A_68 = arith.constant 0 : i32
      %dma_start3A_69 = tpu.memref_slice %arg7[%dma_start3A_67, %dma_start3A_68] : memref<10000x64xf32, #tpu.memory_space<hbm>> -> memref<128x64xf32, #tpu.memory_space<hbm>>
      %dma_start3A_70 = arith.constant 0 : i32
      %dma_start3A_71 = arith.constant 0 : i32
      %dma_start3A_72 = tpu.memref_slice %arg7[%dma_start3A_70, %dma_start3A_71] : memref<10000x64xf32, #tpu.memory_space<hbm>> -> memref<128x64xf32, #tpu.memory_space<hbm>>
      tpu.enqueue_dma source(%dma_start3A_72 : memref<128x64xf32, #tpu.memory_space<hbm>>) target(%arg16 : memref<128x64xf32, #tpu.memory_space<vmem>>) target_semaphore(%run_scoped3A : memref<!tpu.dma_semaphore, #tpu.memory_space<semaphore_mem>>)
      %dma_wait3A_73 = arith.constant 0 : i32
      %dma_wait3A_74 = arith.constant 0 : i32
      %dma_wait3A_75 = tpu.memref_slice %arg7[%dma_wait3A_73, %dma_wait3A_74] : memref<10000x64xf32, #tpu.memory_space<hbm>> -> memref<128x64xf32, #tpu.memory_space<hbm>>
      %dma_wait3A_76 = arith.constant 0 : i32
      %dma_wait3A_77 = arith.constant 0 : i32
      %dma_wait3A_78 = tpu.memref_slice %arg7[%dma_wait3A_76, %dma_wait3A_77] : memref<10000x64xf32, #tpu.memory_space<hbm>> -> memref<128x64xf32, #tpu.memory_space<hbm>>
      tpu.wait_dma2 semaphore(%run_scoped3A : memref<!tpu.dma_semaphore, #tpu.memory_space<semaphore_mem>>) src(%dma_wait3A_78 : memref<128x64xf32, #tpu.memory_space<hbm>>) dst(%arg16 : memref<128x64xf32, #tpu.memory_space<vmem>>)
      tpu.yield
    }) : () -> ()
    "tpu.region"() ({
      %run_scoped3A = tpu.sem_alloc : memref<!tpu.dma_semaphore, #tpu.memory_space<semaphore_mem>>
      %dma_start3A_67 = arith.constant 0 : i32
      %dma_start3A_68 = arith.constant 0 : i32
      %dma_start3A_69 = tpu.memref_slice %arg7[%dma_start3A_67, %dma_start3A_68] : memref<10000x64xf32, #tpu.memory_space<hbm>> -> memref<128x64xf32, #tpu.memory_space<hbm>>
      %dma_start3A_70 = arith.constant 0 : i32
      %dma_start3A_71 = arith.constant 0 : i32
      %dma_start3A_72 = tpu.memref_slice %arg7[%dma_start3A_70, %dma_start3A_71] : memref<10000x64xf32, #tpu.memory_space<hbm>> -> memref<128x64xf32, #tpu.memory_space<hbm>>
      tpu.enqueue_dma source(%dma_start3A_72 : memref<128x64xf32, #tpu.memory_space<hbm>>) target(%arg17 : memref<128x64xf32, #tpu.memory_space<vmem>>) target_semaphore(%run_scoped3A : memref<!tpu.dma_semaphore, #tpu.memory_space<semaphore_mem>>)
      %dma_wait3A_73 = arith.constant 0 : i32
      %dma_wait3A_74 = arith.constant 0 : i32
      %dma_wait3A_75 = tpu.memref_slice %arg7[%dma_wait3A_73, %dma_wait3A_74] : memref<10000x64xf32, #tpu.memory_space<hbm>> -> memref<128x64xf32, #tpu.memory_space<hbm>>
      %dma_wait3A_76 = arith.constant 0 : i32
      %dma_wait3A_77 = arith.constant 0 : i32
      %dma_wait3A_78 = tpu.memref_slice %arg7[%dma_wait3A_76, %dma_wait3A_77] : memref<10000x64xf32, #tpu.memory_space<hbm>> -> memref<128x64xf32, #tpu.memory_space<hbm>>
      tpu.wait_dma2 semaphore(%run_scoped3A : memref<!tpu.dma_semaphore, #tpu.memory_space<semaphore_mem>>) src(%dma_wait3A_78 : memref<128x64xf32, #tpu.memory_space<hbm>>) dst(%arg17 : memref<128x64xf32, #tpu.memory_space<vmem>>)
      tpu.yield
    }) : () -> ()
    "tpu.region"() ({
      %run_scoped3A = tpu.sem_alloc : memref<!tpu.dma_semaphore, #tpu.memory_space<semaphore_mem>>
      %dma_start3A_67 = tpu.memref_slice %arg4[%mul3A_2] : memref<163840xi32, #tpu.memory_space<hbm>> -> memref<5120xi32, #tpu.memory_space<hbm>>
      %dma_start3A_68 = tpu.memref_slice %arg4[%mul3A_2] : memref<163840xi32, #tpu.memory_space<hbm>> -> memref<5120xi32, #tpu.memory_space<hbm>>
      tpu.enqueue_dma source(%dma_start3A_68 : memref<5120xi32, #tpu.memory_space<hbm>>) target(%arg10 : memref<5120xi32, #tpu.memory_space<vmem>>) target_semaphore(%run_scoped3A : memref<!tpu.dma_semaphore, #tpu.memory_space<semaphore_mem>>)
      %dma_wait3A_69 = tpu.memref_slice %arg4[%mul3A_2] : memref<163840xi32, #tpu.memory_space<hbm>> -> memref<5120xi32, #tpu.memory_space<hbm>>
      %dma_wait3A_70 = tpu.memref_slice %arg4[%mul3A_2] : memref<163840xi32, #tpu.memory_space<hbm>> -> memref<5120xi32, #tpu.memory_space<hbm>>
      tpu.wait_dma2 semaphore(%run_scoped3A : memref<!tpu.dma_semaphore, #tpu.memory_space<semaphore_mem>>) src(%dma_wait3A_70 : memref<5120xi32, #tpu.memory_space<hbm>>) dst(%arg10 : memref<5120xi32, #tpu.memory_space<vmem>>)
      tpu.yield
    }) : () -> ()
    %mul3A_7 = arith.constant 40 : i32
    %mul3A_8 = arith.muli %add3A, %mul3A_7 : i32
    "tpu.region"() ({
      %run_scoped3A = tpu.sem_alloc : memref<!tpu.dma_semaphore, #tpu.memory_space<semaphore_mem>>
      %dma_start3A_67 = arith.constant 0 : i32
      %dma_start3A_68 = tpu.memref_slice %arg5[%mul3A_8, %dma_start3A_67] : memref<1280x128xi32, #tpu.memory_space<hbm>> -> memref<40x128xi32, #tpu.memory_space<hbm>>
      %dma_start3A_69 = arith.constant 0 : i32
      %dma_start3A_70 = tpu.memref_slice %arg5[%mul3A_8, %dma_start3A_69] : memref<1280x128xi32, #tpu.memory_space<hbm>> -> memref<40x128xi32, #tpu.memory_space<hbm>>
      tpu.enqueue_dma source(%dma_start3A_70 : memref<40x128xi32, #tpu.memory_space<hbm>>) target(%arg11 : memref<40x128xi32, #tpu.memory_space<vmem>>) target_semaphore(%run_scoped3A : memref<!tpu.dma_semaphore, #tpu.memory_space<semaphore_mem>>)
      %dma_wait3A_71 = arith.constant 0 : i32
      %dma_wait3A_72 = tpu.memref_slice %arg5[%mul3A_8, %dma_wait3A_71] : memref<1280x128xi32, #tpu.memory_space<hbm>> -> memref<40x128xi32, #tpu.memory_space<hbm>>
      %dma_wait3A_73 = arith.constant 0 : i32
      %dma_wait3A_74 = tpu.memref_slice %arg5[%mul3A_8, %dma_wait3A_73] : memref<1280x128xi32, #tpu.memory_space<hbm>> -> memref<40x128xi32, #tpu.memory_space<hbm>>
      tpu.wait_dma2 semaphore(%run_scoped3A : memref<!tpu.dma_semaphore, #tpu.memory_space<semaphore_mem>>) src(%dma_wait3A_74 : memref<40x128xi32, #tpu.memory_space<hbm>>) dst(%arg11 : memref<40x128xi32, #tpu.memory_space<vmem>>)
      tpu.yield
    }) : () -> ()
    %barrier3A = arith.constant 0 : index
    tpu.barrier barrier_id(%barrier3A)
    %iota3A = tpu.iota {dimensions = array<i32: 0>} : vector<16xi32>
    %dma_start3A = arith.constant 0 : i32
    %dma_start3A_9 = arith.constant 0 : i32
    %dma_start3A_10 = tpu.memref_slice %arg12[%dma_start3A, %dma_start3A_9] : memref<128x48xf32, #tpu.memory_space<vmem>> -> memref<64x48xf32, #tpu.memory_space<vmem>>
    %dma_start3A_11 = arith.constant 0 : i32
    %dma_start3A_12 = tpu.memref_slice %arg10[%dma_start3A_11] : memref<5120xi32, #tpu.memory_space<vmem>> -> memref<64xi32, #tpu.memory_space<vmem>>
    %dma_start3A_13 = arith.constant 0 : i32
    %dma_start3A_14 = arith.constant 0 : i32
    %dma_start3A_15 = tpu.memref_slice %arg2[%dma_start3A_13, %dma_start3A_14] : memref<10000x48xf32, #tpu.memory_space<hbm>> -> memref<10000x48xf32, #tpu.memory_space<hbm>>
    tpu.enqueue_indirect_dma source(%dma_start3A_15 : memref<10000x48xf32, #tpu.memory_space<hbm>>) target(%dma_start3A_10 : memref<64x48xf32, #tpu.memory_space<vmem>>) offsets(%dma_start3A_12 : memref<64xi32, #tpu.memory_space<vmem>>) semaphore(%arg19 : memref<!tpu.dma_semaphore, #tpu.memory_space<semaphore_mem>>)
    %dma_start3A_16 = arith.constant 0 : i32
    %dma_start3A_17 = arith.constant 0 : i32
    %dma_start3A_18 = arith.constant 0 : i32
    %dma_start3A_19 = tpu.memref_slice %arg13[%dma_start3A_17, %dma_start3A_18] : memref<128x48xf32, #tpu.memory_space<vmem>> -> memref<64x48xf32, #tpu.memory_space<vmem>>
    %dma_start3A_20 = arith.constant 0 : i32
    %dma_start3A_21 = tpu.memref_slice %arg11[%dma_start3A_16, %dma_start3A_20] : memref<40x128xi32, #tpu.memory_space<vmem>> -> memref<1x64xi32, #tpu.memory_space<vmem>>
    %dma_start3A_22 = tpu.memref_squeeze %dma_start3A_21 : memref<1x64xi32, #tpu.memory_space<vmem>> -> memref<64xi32, #tpu.memory_space<vmem>>
    %dma_start3A_23 = arith.constant 0 : i32
    %dma_start3A_24 = arith.constant 0 : i32
    %dma_start3A_25 = tpu.memref_slice %arg3[%dma_start3A_23, %dma_start3A_24] : memref<10000x48xf32, #tpu.memory_space<hbm>> -> memref<10000x48xf32, #tpu.memory_space<hbm>>
    tpu.enqueue_indirect_dma source(%dma_start3A_25 : memref<10000x48xf32, #tpu.memory_space<hbm>>) target(%dma_start3A_19 : memref<64x48xf32, #tpu.memory_space<vmem>>) offsets(%dma_start3A_22 : memref<64xi32, #tpu.memory_space<vmem>>) semaphore(%arg19 : memref<!tpu.dma_semaphore, #tpu.memory_space<semaphore_mem>>)
    %dma_start3A_26 = arith.constant 64 : i32
    %dma_start3A_27 = arith.constant 0 : i32
    %dma_start3A_28 = tpu.memref_slice %arg12[%dma_start3A_26, %dma_start3A_27] : memref<128x48xf32, #tpu.memory_space<vmem>> -> memref<64x48xf32, #tpu.memory_space<vmem>>
    %dma_start3A_29 = arith.constant 64 : i32
    %dma_start3A_30 = tpu.memref_slice %arg10[%dma_start3A_29] : memref<5120xi32, #tpu.memory_space<vmem>> -> memref<64xi32, #tpu.memory_space<vmem>>
    %dma_start3A_31 = arith.constant 0 : i32
    %dma_start3A_32 = arith.constant 0 : i32
    %dma_start3A_33 = tpu.memref_slice %arg2[%dma_start3A_31, %dma_start3A_32] : memref<10000x48xf32, #tpu.memory_space<hbm>> -> memref<10000x48xf32, #tpu.memory_space<hbm>>
    tpu.enqueue_indirect_dma source(%dma_start3A_33 : memref<10000x48xf32, #tpu.memory_space<hbm>>) target(%dma_start3A_28 : memref<64x48xf32, #tpu.memory_space<vmem>>) offsets(%dma_start3A_30 : memref<64xi32, #tpu.memory_space<vmem>>) semaphore(%arg19 : memref<!tpu.dma_semaphore, #tpu.memory_space<semaphore_mem>>)
    %dma_start3A_34 = arith.constant 0 : i32
    %dma_start3A_35 = arith.constant 64 : i32
    %dma_start3A_36 = arith.constant 0 : i32
    %dma_start3A_37 = tpu.memref_slice %arg13[%dma_start3A_35, %dma_start3A_36] : memref<128x48xf32, #tpu.memory_space<vmem>> -> memref<64x48xf32, #tpu.memory_space<vmem>>
    %dma_start3A_38 = arith.constant 64 : i32
    %dma_start3A_39 = tpu.memref_slice %arg11[%dma_start3A_34, %dma_start3A_38] : memref<40x128xi32, #tpu.memory_space<vmem>> -> memref<1x64xi32, #tpu.memory_space<vmem>>
    %dma_start3A_40 = tpu.memref_squeeze %dma_start3A_39 : memref<1x64xi32, #tpu.memory_space<vmem>> -> memref<64xi32, #tpu.memory_space<vmem>>
    %dma_start3A_41 = arith.constant 0 : i32
    %dma_start3A_42 = arith.constant 0 : i32
    %dma_start3A_43 = tpu.memref_slice %arg3[%dma_start3A_41, %dma_start3A_42] : memref<10000x48xf32, #tpu.memory_space<hbm>> -> memref<10000x48xf32, #tpu.memory_space<hbm>>
    tpu.enqueue_indirect_dma source(%dma_start3A_43 : memref<10000x48xf32, #tpu.memory_space<hbm>>) target(%dma_start3A_37 : memref<64x48xf32, #tpu.memory_space<vmem>>) offsets(%dma_start3A_40 : memref<64xi32, #tpu.memory_space<vmem>>) semaphore(%arg19 : memref<!tpu.dma_semaphore, #tpu.memory_space<semaphore_mem>>)
    %scan3A = arith.constant 0 : i32
    %scan3A_44 = arith.constant 0 : i32
    %scan3A_45 = arith.constant 20 : i32
    %scan3A_46 = arith.addi %scan3A_44, %scan3A_45 : i32
    %scan3A_47 = arith.constant 1 : i32
    scf.for %scan3A_67 = %scan3A_44 to %scan3A_46 step %scan3A_47  : i32 {
      %mul3A_68 = arith.constant 2 : i32
      %mul3A_69 = arith.muli %mul3A_68, %scan3A_67 : i32
      %mul3A_70 = arith.constant 2 : i32
      %mul3A_71 = arith.muli %mul3A_70, %scan3A_67 : i32
      %add3A_72 = arith.constant 1 : i32
      %add3A_73 = arith.addi %mul3A_71, %add3A_72 : i32
      %mul3A_74 = arith.constant 128 : i32
      %mul3A_75 = arith.muli %add3A_73, %mul3A_74 : i32
      %add3A_76 = arith.constant 0 : i32
      %add3A_77 = arith.addi %mul3A_75, %add3A_76 : i32
      %dma_start3A_78 = arith.constant 0 : i32
      %dma_start3A_79 = arith.constant 0 : i32
      %dma_start3A_80 = tpu.memref_slice %arg14[%dma_start3A_78, %dma_start3A_79] : memref<128x48xf32, #tpu.memory_space<vmem>> -> memref<64x48xf32, #tpu.memory_space<vmem>>
      %dma_start3A_81 = tpu.memref_slice %arg10[%add3A_77] : memref<5120xi32, #tpu.memory_space<vmem>> -> memref<64xi32, #tpu.memory_space<vmem>>
      %dma_start3A_82 = arith.constant 0 : i32
      %dma_start3A_83 = arith.constant 0 : i32
      %dma_start3A_84 = tpu.memref_slice %arg2[%dma_start3A_82, %dma_start3A_83] : memref<10000x48xf32, #tpu.memory_space<hbm>> -> memref<10000x48xf32, #tpu.memory_space<hbm>>
      tpu.enqueue_indirect_dma source(%dma_start3A_84 : memref<10000x48xf32, #tpu.memory_space<hbm>>) target(%dma_start3A_80 : memref<64x48xf32, #tpu.memory_space<vmem>>) offsets(%dma_start3A_81 : memref<64xi32, #tpu.memory_space<vmem>>) semaphore(%arg20 : memref<!tpu.dma_semaphore, #tpu.memory_space<semaphore_mem>>)
      %dma_start3A_85 = arith.constant 0 : i32
      %dma_start3A_86 = arith.constant 0 : i32
      %dma_start3A_87 = tpu.memref_slice %arg15[%dma_start3A_85, %dma_start3A_86] : memref<128x48xf32, #tpu.memory_space<vmem>> -> memref<64x48xf32, #tpu.memory_space<vmem>>
      %dma_start3A_88 = arith.constant 0 : i32
      %dma_start3A_89 = tpu.memref_slice %arg11[%add3A_73, %dma_start3A_88] : memref<40x128xi32, #tpu.memory_space<vmem>> -> memref<1x64xi32, #tpu.memory_space<vmem>>
      %dma_start3A_90 = tpu.memref_squeeze %dma_start3A_89 : memref<1x64xi32, #tpu.memory_space<vmem>> -> memref<64xi32, #tpu.memory_space<vmem>>
      %dma_start3A_91 = arith.constant 0 : i32
      %dma_start3A_92 = arith.constant 0 : i32
      %dma_start3A_93 = tpu.memref_slice %arg3[%dma_start3A_91, %dma_start3A_92] : memref<10000x48xf32, #tpu.memory_space<hbm>> -> memref<10000x48xf32, #tpu.memory_space<hbm>>
      tpu.enqueue_indirect_dma source(%dma_start3A_93 : memref<10000x48xf32, #tpu.memory_space<hbm>>) target(%dma_start3A_87 : memref<64x48xf32, #tpu.memory_space<vmem>>) offsets(%dma_start3A_90 : memref<64xi32, #tpu.memory_space<vmem>>) semaphore(%arg20 : memref<!tpu.dma_semaphore, #tpu.memory_space<semaphore_mem>>)
      %mul3A_94 = arith.constant 128 : i32
      %mul3A_95 = arith.muli %add3A_73, %mul3A_94 : i32
      %add3A_96 = arith.constant 64 : i32
      %add3A_97 = arith.addi %mul3A_95, %add3A_96 : i32
      %dma_start3A_98 = arith.constant 64 : i32
      %dma_start3A_99 = arith.constant 0 : i32
      %dma_start3A_100 = tpu.memref_slice %arg14[%dma_start3A_98, %dma_start3A_99] : memref<128x48xf32, #tpu.memory_space<vmem>> -> memref<64x48xf32, #tpu.memory_space<vmem>>
      %dma_start3A_101 = tpu.memref_slice %arg10[%add3A_97] : memref<5120xi32, #tpu.memory_space<vmem>> -> memref<64xi32, #tpu.memory_space<vmem>>
      %dma_start3A_102 = arith.constant 0 : i32
      %dma_start3A_103 = arith.constant 0 : i32
      %dma_start3A_104 = tpu.memref_slice %arg2[%dma_start3A_102, %dma_start3A_103] : memref<10000x48xf32, #tpu.memory_space<hbm>> -> memref<10000x48xf32, #tpu.memory_space<hbm>>
      tpu.enqueue_indirect_dma source(%dma_start3A_104 : memref<10000x48xf32, #tpu.memory_space<hbm>>) target(%dma_start3A_100 : memref<64x48xf32, #tpu.memory_space<vmem>>) offsets(%dma_start3A_101 : memref<64xi32, #tpu.memory_space<vmem>>) semaphore(%arg20 : memref<!tpu.dma_semaphore, #tpu.memory_space<semaphore_mem>>)
      %dma_start3A_105 = arith.constant 64 : i32
      %dma_start3A_106 = arith.constant 0 : i32
      %dma_start3A_107 = tpu.memref_slice %arg15[%dma_start3A_105, %dma_start3A_106] : memref<128x48xf32, #tpu.memory_space<vmem>> -> memref<64x48xf32, #tpu.memory_space<vmem>>
      %dma_start3A_108 = arith.constant 64 : i32
      %dma_start3A_109 = tpu.memref_slice %arg11[%add3A_73, %dma_start3A_108] : memref<40x128xi32, #tpu.memory_space<vmem>> -> memref<1x64xi32, #tpu.memory_space<vmem>>
      %dma_start3A_110 = tpu.memref_squeeze %dma_start3A_109 : memref<1x64xi32, #tpu.memory_space<vmem>> -> memref<64xi32, #tpu.memory_space<vmem>>
      %dma_start3A_111 = arith.constant 0 : i32
      %dma_start3A_112 = arith.constant 0 : i32
      %dma_start3A_113 = tpu.memref_slice %arg3[%dma_start3A_111, %dma_start3A_112] : memref<10000x48xf32, #tpu.memory_space<hbm>> -> memref<10000x48xf32, #tpu.memory_space<hbm>>
      tpu.enqueue_indirect_dma source(%dma_start3A_113 : memref<10000x48xf32, #tpu.memory_space<hbm>>) target(%dma_start3A_107 : memref<64x48xf32, #tpu.memory_space<vmem>>) offsets(%dma_start3A_110 : memref<64xi32, #tpu.memory_space<vmem>>) semaphore(%arg20 : memref<!tpu.dma_semaphore, #tpu.memory_space<semaphore_mem>>)
      %mul3A_114 = arith.constant 128 : i32
      %mul3A_115 = arith.muli %mul3A_69, %mul3A_114 : i32
      %add3A_116 = arith.constant 0 : i32
      %add3A_117 = arith.addi %mul3A_115, %add3A_116 : i32
      %dma_wait3A_118 = arith.constant 0 : i32
      %dma_wait3A_119 = arith.constant 0 : i32
      %dma_wait3A_120 = tpu.memref_slice %arg12[%dma_wait3A_118, %dma_wait3A_119] : memref<128x48xf32, #tpu.memory_space<vmem>> -> memref<64x48xf32, #tpu.memory_space<vmem>>
      %dma_wait3A_121 = tpu.memref_slice %arg10[%add3A_117] : memref<5120xi32, #tpu.memory_space<vmem>> -> memref<64xi32, #tpu.memory_space<vmem>>
      %dma_wait3A_122 = arith.constant 0 : i32
      %dma_wait3A_123 = arith.constant 0 : i32
      %dma_wait3A_124 = tpu.memref_slice %arg2[%dma_wait3A_122, %dma_wait3A_123] : memref<10000x48xf32, #tpu.memory_space<hbm>> -> memref<10000x48xf32, #tpu.memory_space<hbm>>
      tpu.wait_indirect_dma semaphore(%arg19 : memref<!tpu.dma_semaphore, #tpu.memory_space<semaphore_mem>>) src(%dma_wait3A_124 : memref<10000x48xf32, #tpu.memory_space<hbm>>) dst(%dma_wait3A_120 : memref<64x48xf32, #tpu.memory_space<vmem>>)
      %dma_wait3A_125 = arith.constant 0 : i32
      %dma_wait3A_126 = arith.constant 0 : i32
      %dma_wait3A_127 = tpu.memref_slice %arg13[%dma_wait3A_125, %dma_wait3A_126] : memref<128x48xf32, #tpu.memory_space<vmem>> -> memref<64x48xf32, #tpu.memory_space<vmem>>
      %dma_wait3A_128 = arith.constant 0 : i32
      %dma_wait3A_129 = tpu.memref_slice %arg11[%mul3A_69, %dma_wait3A_128] : memref<40x128xi32, #tpu.memory_space<vmem>> -> memref<1x64xi32, #tpu.memory_space<vmem>>
      %dma_wait3A_130 = tpu.memref_squeeze %dma_wait3A_129 : memref<1x64xi32, #tpu.memory_space<vmem>> -> memref<64xi32, #tpu.memory_space<vmem>>
      %dma_wait3A_131 = arith.constant 0 : i32
      %dma_wait3A_132 = arith.constant 0 : i32
      %dma_wait3A_133 = tpu.memref_slice %arg3[%dma_wait3A_131, %dma_wait3A_132] : memref<10000x48xf32, #tpu.memory_space<hbm>> -> memref<10000x48xf32, #tpu.memory_space<hbm>>
      tpu.wait_indirect_dma semaphore(%arg19 : memref<!tpu.dma_semaphore, #tpu.memory_space<semaphore_mem>>) src(%dma_wait3A_133 : memref<10000x48xf32, #tpu.memory_space<hbm>>) dst(%dma_wait3A_127 : memref<64x48xf32, #tpu.memory_space<vmem>>)
      %mul3A_134 = arith.constant 128 : i32
      %mul3A_135 = arith.muli %mul3A_69, %mul3A_134 : i32
      %add3A_136 = arith.constant 64 : i32
      %add3A_137 = arith.addi %mul3A_135, %add3A_136 : i32
      %dma_wait3A_138 = arith.constant 64 : i32
      %dma_wait3A_139 = arith.constant 0 : i32
      %dma_wait3A_140 = tpu.memref_slice %arg12[%dma_wait3A_138, %dma_wait3A_139] : memref<128x48xf32, #tpu.memory_space<vmem>> -> memref<64x48xf32, #tpu.memory_space<vmem>>
      %dma_wait3A_141 = tpu.memref_slice %arg10[%add3A_137] : memref<5120xi32, #tpu.memory_space<vmem>> -> memref<64xi32, #tpu.memory_space<vmem>>
      %dma_wait3A_142 = arith.constant 0 : i32
      %dma_wait3A_143 = arith.constant 0 : i32
      %dma_wait3A_144 = tpu.memref_slice %arg2[%dma_wait3A_142, %dma_wait3A_143] : memref<10000x48xf32, #tpu.memory_space<hbm>> -> memref<10000x48xf32, #tpu.memory_space<hbm>>
      tpu.wait_indirect_dma semaphore(%arg19 : memref<!tpu.dma_semaphore, #tpu.memory_space<semaphore_mem>>) src(%dma_wait3A_144 : memref<10000x48xf32, #tpu.memory_space<hbm>>) dst(%dma_wait3A_140 : memref<64x48xf32, #tpu.memory_space<vmem>>)
      %dma_wait3A_145 = arith.constant 64 : i32
      %dma_wait3A_146 = arith.constant 0 : i32
      %dma_wait3A_147 = tpu.memref_slice %arg13[%dma_wait3A_145, %dma_wait3A_146] : memref<128x48xf32, #tpu.memory_space<vmem>> -> memref<64x48xf32, #tpu.memory_space<vmem>>
      %dma_wait3A_148 = arith.constant 64 : i32
      %dma_wait3A_149 = tpu.memref_slice %arg11[%mul3A_69, %dma_wait3A_148] : memref<40x128xi32, #tpu.memory_space<vmem>> -> memref<1x64xi32, #tpu.memory_space<vmem>>
      %dma_wait3A_150 = tpu.memref_squeeze %dma_wait3A_149 : memref<1x64xi32, #tpu.memory_space<vmem>> -> memref<64xi32, #tpu.memory_space<vmem>>
      %dma_wait3A_151 = arith.constant 0 : i32
      %dma_wait3A_152 = arith.constant 0 : i32
      %dma_wait3A_153 = tpu.memref_slice %arg3[%dma_wait3A_151, %dma_wait3A_152] : memref<10000x48xf32, #tpu.memory_space<hbm>> -> memref<10000x48xf32, #tpu.memory_space<hbm>>
      tpu.wait_indirect_dma semaphore(%arg19 : memref<!tpu.dma_semaphore, #tpu.memory_space<semaphore_mem>>) src(%dma_wait3A_153 : memref<10000x48xf32, #tpu.memory_space<hbm>>) dst(%dma_wait3A_147 : memref<64x48xf32, #tpu.memory_space<vmem>>)
      %gt3A = arith.constant 0 : i32
      %gt3A_154 = arith.cmpi sgt, %scan3A_67, %gt3A : i32
      %convert_element_type3A = arith.extui %gt3A_154 : i1 to i32
      %cond3A = arith.constant 0 : i32
      %cond3A_155 = arith.cmpi ne, %convert_element_type3A, %cond3A : i32
      scf.if %cond3A_155 {
        %dma_wait3A_230 = arith.constant 0 : i32
        %dma_wait3A_231 = arith.constant 0 : i32
        %dma_wait3A_232 = tpu.memref_slice %arg11[%dma_wait3A_230, %dma_wait3A_231] : memref<40x128xi32, #tpu.memory_space<vmem>> -> memref<1x128xi32, #tpu.memory_space<vmem>>
        %dma_wait3A_233 = tpu.memref_squeeze %dma_wait3A_232 : memref<1x128xi32, #tpu.memory_space<vmem>> -> memref<128xi32, #tpu.memory_space<vmem>>
        %dma_wait3A_234 = arith.constant 0 : i32
        %dma_wait3A_235 = arith.constant 0 : i32
        %dma_wait3A_236 = tpu.memref_slice %arg9[%dma_wait3A_234, %dma_wait3A_235] : memref<10000x64xf32, #tpu.memory_space<vmem_shared>> -> memref<10000x64xf32, #tpu.memory_space<vmem_shared>>
        tpu.wait_indirect_dma semaphore(%arg21 : memref<!tpu.dma_semaphore, #tpu.memory_space<semaphore_mem>>) src(%arg16 : memref<128x64xf32, #tpu.memory_space<vmem>>) dst(%dma_wait3A_236 : memref<10000x64xf32, #tpu.memory_space<vmem_shared>>)
      } else {
      }
      %mul3A_156 = arith.constant 128 : i32
      %mul3A_157 = arith.muli %mul3A_69, %mul3A_156 : i32
      %add3A_158 = arith.addi %mul3A_2, %mul3A_157 : i32
      %parallel_loop3A = arith.constant 0 : i32
      %parallel_loop3A_159 = arith.constant 128 : i32
      %parallel_loop3A_160 = arith.constant 1 : i32
      scf.for %parallel_loop3A_230 = %parallel_loop3A to %parallel_loop3A_159 step %parallel_loop3A_160  : i32 {
        %parallel_loop3A_231 = arith.constant 1 : i32
        %parallel_loop3A_232 = vector.broadcast %parallel_loop3A_231 : i32 to vector<16xi32>
        %parallel_loop3A_233 = arith.addi %add3A_158, %parallel_loop3A_230 : i32
        %parallel_loop3A_234 = vector.broadcast %parallel_loop3A_233 : i32 to vector<16xi32>
        %parallel_loop3A_235 = arith.muli %parallel_loop3A_232, %parallel_loop3A_234 : vector<16xi32>
        %parallel_loop3A_236 = arith.constant 160000 : i32
        %parallel_loop3A_237 = vector.broadcast %parallel_loop3A_236 : i32 to vector<16xi32>
        %parallel_loop3A_238 = arith.cmpi slt, %parallel_loop3A_235, %parallel_loop3A_237 : vector<16xi32>
        %parallel_loop3A_239 = arith.constant 1 : i32
        %parallel_loop3A_240 = vector.broadcast %parallel_loop3A_239 : i32 to vector<16xi32>
        %parallel_loop3A_241 = vector.broadcast %parallel_loop3A_230 : i32 to vector<16xi32>
        %parallel_loop3A_242 = arith.muli %parallel_loop3A_240, %parallel_loop3A_241 : vector<16xi32>
        %parallel_loop3A_243 = arith.index_cast %parallel_loop3A_230 : i32 to index
        %parallel_loop3A_244 = arith.constant 0 : index
        %parallel_loop3A_245 = tpu.vector_load %arg12[%parallel_loop3A_243, %parallel_loop3A_244] {strides = array<i32>} : memref<128x48xf32, #tpu.memory_space<vmem>>, vector<16xf32>,
        %parallel_loop3A_246 = arith.index_cast %parallel_loop3A_230 : i32 to index
        %parallel_loop3A_247 = arith.constant 0 : index
        %parallel_loop3A_248 = tpu.vector_load %arg13[%parallel_loop3A_246, %parallel_loop3A_247] {strides = array<i32>} : memref<128x48xf32, #tpu.memory_space<vmem>>, vector<16xf32>,
        %parallel_loop3A_249 = arith.addf %parallel_loop3A_245, %parallel_loop3A_248 : vector<16xf32>
        %parallel_loop3A_250 = arith.constant 2.000000e-01 : f32
        %parallel_loop3A_251 = vector.broadcast %parallel_loop3A_250 : f32 to vector<16xf32>
        %parallel_loop3A_252 = arith.mulf %parallel_loop3A_251, %parallel_loop3A_249 : vector<16xf32>
        %parallel_loop3A_253 = arith.maximumf %parallel_loop3A_249, %parallel_loop3A_252 : vector<16xf32>
        %parallel_loop3A_254 = arith.constant 0 : i32
        %parallel_loop3A_255 = arith.index_cast %parallel_loop3A_254 : i32 to index
        %parallel_loop3A_256 = arith.constant 0 : index
        %parallel_loop3A_257 = tpu.vector_load %arg18[%parallel_loop3A_255, %parallel_loop3A_256] {strides = array<i32>} : memref<3x16xf32, #tpu.memory_space<vmem>>, vector<16xf32>,
        %parallel_loop3A_258 = arith.mulf %parallel_loop3A_253, %parallel_loop3A_257 : vector<16xf32>
        %parallel_loop3A_259 = arith.index_cast %parallel_loop3A_230 : i32 to index
        %parallel_loop3A_260 = arith.constant 16 : index
        %parallel_loop3A_261 = tpu.vector_load %arg12[%parallel_loop3A_259, %parallel_loop3A_260] {strides = array<i32>} : memref<128x48xf32, #tpu.memory_space<vmem>>, vector<16xf32>,
        %parallel_loop3A_262 = arith.index_cast %parallel_loop3A_230 : i32 to index
        %parallel_loop3A_263 = arith.constant 16 : index
        %parallel_loop3A_264 = tpu.vector_load %arg13[%parallel_loop3A_262, %parallel_loop3A_263] {strides = array<i32>} : memref<128x48xf32, #tpu.memory_space<vmem>>, vector<16xf32>,
        %parallel_loop3A_265 = arith.addf %parallel_loop3A_261, %parallel_loop3A_264 : vector<16xf32>
        %parallel_loop3A_266 = arith.constant 2.000000e-01 : f32
        %parallel_loop3A_267 = vector.broadcast %parallel_loop3A_266 : f32 to vector<16xf32>
        %parallel_loop3A_268 = arith.mulf %parallel_loop3A_267, %parallel_loop3A_265 : vector<16xf32>
        %parallel_loop3A_269 = arith.maximumf %parallel_loop3A_265, %parallel_loop3A_268 : vector<16xf32>
        %parallel_loop3A_270 = arith.constant 1 : i32
        %parallel_loop3A_271 = arith.index_cast %parallel_loop3A_270 : i32 to index
        %parallel_loop3A_272 = arith.constant 0 : index
        %parallel_loop3A_273 = tpu.vector_load %arg18[%parallel_loop3A_271, %parallel_loop3A_272] {strides = array<i32>} : memref<3x16xf32, #tpu.memory_space<vmem>>, vector<16xf32>,
        %parallel_loop3A_274 = arith.mulf %parallel_loop3A_269, %parallel_loop3A_273 : vector<16xf32>
        %parallel_loop3A_275 = arith.addf %parallel_loop3A_258, %parallel_loop3A_274 : vector<16xf32>
        %parallel_loop3A_276 = arith.index_cast %parallel_loop3A_230 : i32 to index
        %parallel_loop3A_277 = arith.constant 32 : index
        %parallel_loop3A_278 = tpu.vector_load %arg12[%parallel_loop3A_276, %parallel_loop3A_277] {strides = array<i32>} : memref<128x48xf32, #tpu.memory_space<vmem>>, vector<16xf32>,
        %parallel_loop3A_279 = arith.index_cast %parallel_loop3A_230 : i32 to index
        %parallel_loop3A_280 = arith.constant 32 : index
        %parallel_loop3A_281 = tpu.vector_load %arg13[%parallel_loop3A_279, %parallel_loop3A_280] {strides = array<i32>} : memref<128x48xf32, #tpu.memory_space<vmem>>, vector<16xf32>,
        %parallel_loop3A_282 = arith.addf %parallel_loop3A_278, %parallel_loop3A_281 : vector<16xf32>
        %parallel_loop3A_283 = arith.constant 2.000000e-01 : f32
        %parallel_loop3A_284 = vector.broadcast %parallel_loop3A_283 : f32 to vector<16xf32>
        %parallel_loop3A_285 = arith.mulf %parallel_loop3A_284, %parallel_loop3A_282 : vector<16xf32>
        %parallel_loop3A_286 = arith.maximumf %parallel_loop3A_282, %parallel_loop3A_285 : vector<16xf32>
        %parallel_loop3A_287 = arith.constant 2 : i32
        %parallel_loop3A_288 = arith.index_cast %parallel_loop3A_287 : i32 to index
        %parallel_loop3A_289 = arith.constant 0 : index
        %parallel_loop3A_290 = tpu.vector_load %arg18[%parallel_loop3A_288, %parallel_loop3A_289] {strides = array<i32>} : memref<3x16xf32, #tpu.memory_space<vmem>>, vector<16xf32>,
        %parallel_loop3A_291 = arith.mulf %parallel_loop3A_286, %parallel_loop3A_290 : vector<16xf32>
        %parallel_loop3A_292 = arith.addf %parallel_loop3A_275, %parallel_loop3A_291 : vector<16xf32>
        %parallel_loop3A_293 = arith.constant 8 : i32
        %parallel_loop3A_294 = vector.broadcast %parallel_loop3A_293 : i32 to vector<16xi32>
        %parallel_loop3A_295 = arith.xori %iota3A, %parallel_loop3A_294 : vector<16xi32>
        %parallel_loop3A_296 = arith.constant 0 : i32
        %parallel_loop3A_297 = vector.broadcast %parallel_loop3A_296 : i32 to vector<16xi32>
        %parallel_loop3A_298 = arith.cmpi slt, %parallel_loop3A_295, %parallel_loop3A_297 : vector<16xi32>
        %parallel_loop3A_299 = arith.constant 16 : i32
        %parallel_loop3A_300 = vector.broadcast %parallel_loop3A_299 : i32 to vector<16xi32>
        %parallel_loop3A_301 = arith.addi %parallel_loop3A_295, %parallel_loop3A_300 : vector<16xi32>
        %parallel_loop3A_302 = arith.select %parallel_loop3A_298, %parallel_loop3A_301, %parallel_loop3A_295 : vector<16xi1>, vector<16xi32>
        %parallel_loop3A_303 = vector.shape_cast %parallel_loop3A_302 : vector<16xi32> to vector<16x1xi32>
        %parallel_loop3A_304 = vector.shape_cast %parallel_loop3A_303 : vector<16x1xi32> to vector<16xi32>
        %parallel_loop3A_305 = tpu.dynamic_gather %parallel_loop3A_292[%parallel_loop3A_304] in [0] : vector<16xf32>, vector<16xi32> -> vector<16xf32>
        %parallel_loop3A_306 = arith.addf %parallel_loop3A_292, %parallel_loop3A_305 : vector<16xf32>
        %parallel_loop3A_307 = arith.constant 4 : i32
        %parallel_loop3A_308 = vector.broadcast %parallel_loop3A_307 : i32 to vector<16xi32>
        %parallel_loop3A_309 = arith.xori %iota3A, %parallel_loop3A_308 : vector<16xi32>
        %parallel_loop3A_310 = arith.constant 0 : i32
        %parallel_loop3A_311 = vector.broadcast %parallel_loop3A_310 : i32 to vector<16xi32>
        %parallel_loop3A_312 = arith.cmpi slt, %parallel_loop3A_309, %parallel_loop3A_311 : vector<16xi32>
        %parallel_loop3A_313 = arith.constant 16 : i32
        %parallel_loop3A_314 = vector.broadcast %parallel_loop3A_313 : i32 to vector<16xi32>
        %parallel_loop3A_315 = arith.addi %parallel_loop3A_309, %parallel_loop3A_314 : vector<16xi32>
        %parallel_loop3A_316 = arith.select %parallel_loop3A_312, %parallel_loop3A_315, %parallel_loop3A_309 : vector<16xi1>, vector<16xi32>
        %parallel_loop3A_317 = vector.shape_cast %parallel_loop3A_316 : vector<16xi32> to vector<16x1xi32>
        %parallel_loop3A_318 = vector.shape_cast %parallel_loop3A_317 : vector<16x1xi32> to vector<16xi32>
        %parallel_loop3A_319 = tpu.dynamic_gather %parallel_loop3A_306[%parallel_loop3A_318] in [0] : vector<16xf32>, vector<16xi32> -> vector<16xf32>
        %parallel_loop3A_320 = arith.addf %parallel_loop3A_306, %parallel_loop3A_319 : vector<16xf32>
        %parallel_loop3A_321 = arith.constant 2 : i32
        %parallel_loop3A_322 = vector.broadcast %parallel_loop3A_321 : i32 to vector<16xi32>
        %parallel_loop3A_323 = arith.xori %iota3A, %parallel_loop3A_322 : vector<16xi32>
        %parallel_loop3A_324 = arith.constant 0 : i32
        %parallel_loop3A_325 = vector.broadcast %parallel_loop3A_324 : i32 to vector<16xi32>
        %parallel_loop3A_326 = arith.cmpi slt, %parallel_loop3A_323, %parallel_loop3A_325 : vector<16xi32>
        %parallel_loop3A_327 = arith.constant 16 : i32
        %parallel_loop3A_328 = vector.broadcast %parallel_loop3A_327 : i32 to vector<16xi32>
        %parallel_loop3A_329 = arith.addi %parallel_loop3A_323, %parallel_loop3A_328 : vector<16xi32>
        %parallel_loop3A_330 = arith.select %parallel_loop3A_326, %parallel_loop3A_329, %parallel_loop3A_323 : vector<16xi1>, vector<16xi32>
        %parallel_loop3A_331 = vector.shape_cast %parallel_loop3A_330 : vector<16xi32> to vector<16x1xi32>
        %parallel_loop3A_332 = vector.shape_cast %parallel_loop3A_331 : vector<16x1xi32> to vector<16xi32>
        %parallel_loop3A_333 = tpu.dynamic_gather %parallel_loop3A_320[%parallel_loop3A_332] in [0] : vector<16xf32>, vector<16xi32> -> vector<16xf32>
        %parallel_loop3A_334 = arith.addf %parallel_loop3A_320, %parallel_loop3A_333 : vector<16xf32>
        %parallel_loop3A_335 = arith.constant 1 : i32
        %parallel_loop3A_336 = vector.broadcast %parallel_loop3A_335 : i32 to vector<16xi32>
        %parallel_loop3A_337 = arith.xori %iota3A, %parallel_loop3A_336 : vector<16xi32>
        %parallel_loop3A_338 = arith.constant 0 : i32
        %parallel_loop3A_339 = vector.broadcast %parallel_loop3A_338 : i32 to vector<16xi32>
        %parallel_loop3A_340 = arith.cmpi slt, %parallel_loop3A_337, %parallel_loop3A_339 : vector<16xi32>
        %parallel_loop3A_341 = arith.constant 16 : i32
        %parallel_loop3A_342 = vector.broadcast %parallel_loop3A_341 : i32 to vector<16xi32>
        %parallel_loop3A_343 = arith.addi %parallel_loop3A_337, %parallel_loop3A_342 : vector<16xi32>
        %parallel_loop3A_344 = arith.select %parallel_loop3A_340, %parallel_loop3A_343, %parallel_loop3A_337 : vector<16xi1>, vector<16xi32>
        %parallel_loop3A_345 = vector.shape_cast %parallel_loop3A_344 : vector<16xi32> to vector<16x1xi32>
        %parallel_loop3A_346 = vector.shape_cast %parallel_loop3A_345 : vector<16x1xi32> to vector<16xi32>
        %parallel_loop3A_347 = tpu.dynamic_gather %parallel_loop3A_334[%parallel_loop3A_346] in [0] : vector<16xf32>, vector<16xi32> -> vector<16xf32>
        %parallel_loop3A_348 = arith.addf %parallel_loop3A_334, %parallel_loop3A_347 : vector<16xf32>
        %parallel_loop3A_349 = math.exp %parallel_loop3A_348 : vector<16xf32>
        %parallel_loop3A_350 = arith.constant 0.000000e+00 : f32
        %parallel_loop3A_351 = vector.broadcast %parallel_loop3A_350 : f32 to vector<16xf32>
        %parallel_loop3A_352 = arith.select %parallel_loop3A_238, %parallel_loop3A_349, %parallel_loop3A_351 : vector<16xi1>, vector<16xf32>
        %parallel_loop3A_353 = arith.mulf %parallel_loop3A_245, %parallel_loop3A_352 : vector<16xf32>
        %parallel_loop3A_354 = arith.index_cast %parallel_loop3A_230 : i32 to index
        %parallel_loop3A_355 = arith.constant 0 : index
        %parallel_loop3A_356 = tpu.vector_load %arg16[%parallel_loop3A_354, %parallel_loop3A_355] {strides = array<i32>} : memref<128x64xf32, #tpu.memory_space<vmem>>, vector<16xf32>,
        tpu.vector_store %arg16[%parallel_loop3A_354, %parallel_loop3A_355], %parallel_loop3A_353 {strides = array<i32>} : memref<128x64xf32, #tpu.memory_space<vmem>>, vector<16xf32>,
        %parallel_loop3A_357 = arith.mulf %parallel_loop3A_261, %parallel_loop3A_352 : vector<16xf32>
        %parallel_loop3A_358 = arith.index_cast %parallel_loop3A_230 : i32 to index
        %parallel_loop3A_359 = arith.constant 16 : index
        %parallel_loop3A_360 = tpu.vector_load %arg16[%parallel_loop3A_358, %parallel_loop3A_359] {strides = array<i32>} : memref<128x64xf32, #tpu.memory_space<vmem>>, vector<16xf32>,
        tpu.vector_store %arg16[%parallel_loop3A_358, %parallel_loop3A_359], %parallel_loop3A_357 {strides = array<i32>} : memref<128x64xf32, #tpu.memory_space<vmem>>, vector<16xf32>,
        %parallel_loop3A_361 = arith.mulf %parallel_loop3A_278, %parallel_loop3A_352 : vector<16xf32>
        %parallel_loop3A_362 = arith.index_cast %parallel_loop3A_230 : i32 to index
        %parallel_loop3A_363 = arith.constant 32 : index
        %parallel_loop3A_364 = tpu.vector_load %arg16[%parallel_loop3A_362, %parallel_loop3A_363] {strides = array<i32>} : memref<128x64xf32, #tpu.memory_space<vmem>>, vector<16xf32>,
        tpu.vector_store %arg16[%parallel_loop3A_362, %parallel_loop3A_363], %parallel_loop3A_361 {strides = array<i32>} : memref<128x64xf32, #tpu.memory_space<vmem>>, vector<16xf32>,
        %parallel_loop3A_365 = arith.constant 48 : i32
        %parallel_loop3A_366 = vector.broadcast %parallel_loop3A_365 : i32 to vector<16xi32>
        %parallel_loop3A_367 = arith.constant 0 : i32
        %parallel_loop3A_368 = vector.broadcast %parallel_loop3A_367 : i32 to vector<16xi32>
        %parallel_loop3A_369 = arith.cmpi eq, %iota3A, %parallel_loop3A_368 : vector<16xi32>
        tpu.vector_store_idx %arg16[%parallel_loop3A_242, %parallel_loop3A_366], %parallel_loop3A_352 masked %parallel_loop3A_369 : memref<128x64xf32, #tpu.memory_space<vmem>>[vector<16xi32>, vector<16xi32>], vector<16xf32>, vector<16xi1>
      } {sc.loop_unroll_factor = 1 : i64, sc.parallel_access}
      %dma_start3A_161 = arith.constant 0 : i32
      %dma_start3A_162 = tpu.memref_slice %arg11[%mul3A_69, %dma_start3A_161] : memref<40x128xi32, #tpu.memory_space<vmem>> -> memref<1x128xi32, #tpu.memory_space<vmem>>
      %dma_start3A_163 = tpu.memref_squeeze %dma_start3A_162 : memref<1x128xi32, #tpu.memory_space<vmem>> -> memref<128xi32, #tpu.memory_space<vmem>>
      %dma_start3A_164 = arith.constant 0 : i32
      %dma_start3A_165 = arith.constant 0 : i32
      %dma_start3A_166 = tpu.memref_slice %arg9[%dma_start3A_164, %dma_start3A_165] : memref<10000x64xf32, #tpu.memory_space<vmem_shared>> -> memref<10000x64xf32, #tpu.memory_space<vmem_shared>>
      tpu.enqueue_indirect_dma source(%arg16 : memref<128x64xf32, #tpu.memory_space<vmem>>) target(%dma_start3A_166 : memref<10000x64xf32, #tpu.memory_space<vmem_shared>>) offsets(%dma_start3A_163 : memref<128xi32, #tpu.memory_space<vmem>>) semaphore(%arg21 : memref<!tpu.dma_semaphore, #tpu.memory_space<semaphore_mem>>) {add = true}
      %add3A_167 = arith.constant 2 : i32
      %add3A_168 = arith.addi %mul3A_69, %add3A_167 : i32
      %lt3A = arith.constant 40 : i32
      %lt3A_169 = arith.cmpi slt, %add3A_168, %lt3A : i32
      %convert_element_type3A_170 = arith.extui %lt3A_169 : i1 to i32
      %cond3A_171 = arith.constant 0 : i32
      %cond3A_172 = arith.cmpi ne, %convert_element_type3A_170, %cond3A_171 : i32
      scf.if %cond3A_172 {
        %add3A_230 = arith.constant 2 : i32
        %add3A_231 = arith.addi %mul3A_69, %add3A_230 : i32
        %mul3A_232 = arith.constant 128 : i32
        %mul3A_233 = arith.muli %add3A_231, %mul3A_232 : i32
        %add3A_234 = arith.constant 0 : i32
        %add3A_235 = arith.addi %mul3A_233, %add3A_234 : i32
        %dma_start3A_236 = arith.constant 0 : i32
        %dma_start3A_237 = arith.constant 0 : i32
        %dma_start3A_238 = tpu.memref_slice %arg12[%dma_start3A_236, %dma_start3A_237] : memref<128x48xf32, #tpu.memory_space<vmem>> -> memref<64x48xf32, #tpu.memory_space<vmem>>
        %dma_start3A_239 = tpu.memref_slice %arg10[%add3A_235] : memref<5120xi32, #tpu.memory_space<vmem>> -> memref<64xi32, #tpu.memory_space<vmem>>
        %dma_start3A_240 = arith.constant 0 : i32
        %dma_start3A_241 = arith.constant 0 : i32
        %dma_start3A_242 = tpu.memref_slice %arg2[%dma_start3A_240, %dma_start3A_241] : memref<10000x48xf32, #tpu.memory_space<hbm>> -> memref<10000x48xf32, #tpu.memory_space<hbm>>
        tpu.enqueue_indirect_dma source(%dma_start3A_242 : memref<10000x48xf32, #tpu.memory_space<hbm>>) target(%dma_start3A_238 : memref<64x48xf32, #tpu.memory_space<vmem>>) offsets(%dma_start3A_239 : memref<64xi32, #tpu.memory_space<vmem>>) semaphore(%arg19 : memref<!tpu.dma_semaphore, #tpu.memory_space<semaphore_mem>>)
        %dma_start3A_243 = arith.constant 0 : i32
        %dma_start3A_244 = arith.constant 0 : i32
        %dma_start3A_245 = tpu.memref_slice %arg13[%dma_start3A_243, %dma_start3A_244] : memref<128x48xf32, #tpu.memory_space<vmem>> -> memref<64x48xf32, #tpu.memory_space<vmem>>
        %dma_start3A_246 = arith.constant 0 : i32
        %dma_start3A_247 = tpu.memref_slice %arg11[%add3A_231, %dma_start3A_246] : memref<40x128xi32, #tpu.memory_space<vmem>> -> memref<1x64xi32, #tpu.memory_space<vmem>>
        %dma_start3A_248 = tpu.memref_squeeze %dma_start3A_247 : memref<1x64xi32, #tpu.memory_space<vmem>> -> memref<64xi32, #tpu.memory_space<vmem>>
        %dma_start3A_249 = arith.constant 0 : i32
        %dma_start3A_250 = arith.constant 0 : i32
        %dma_start3A_251 = tpu.memref_slice %arg3[%dma_start3A_249, %dma_start3A_250] : memref<10000x48xf32, #tpu.memory_space<hbm>> -> memref<10000x48xf32, #tpu.memory_space<hbm>>
        tpu.enqueue_indirect_dma source(%dma_start3A_251 : memref<10000x48xf32, #tpu.memory_space<hbm>>) target(%dma_start3A_245 : memref<64x48xf32, #tpu.memory_space<vmem>>) offsets(%dma_start3A_248 : memref<64xi32, #tpu.memory_space<vmem>>) semaphore(%arg19 : memref<!tpu.dma_semaphore, #tpu.memory_space<semaphore_mem>>)
        %mul3A_252 = arith.constant 128 : i32
        %mul3A_253 = arith.muli %add3A_231, %mul3A_252 : i32
        %add3A_254 = arith.constant 64 : i32
        %add3A_255 = arith.addi %mul3A_253, %add3A_254 : i32
        %dma_start3A_256 = arith.constant 64 : i32
        %dma_start3A_257 = arith.constant 0 : i32
        %dma_start3A_258 = tpu.memref_slice %arg12[%dma_start3A_256, %dma_start3A_257] : memref<128x48xf32, #tpu.memory_space<vmem>> -> memref<64x48xf32, #tpu.memory_space<vmem>>
        %dma_start3A_259 = tpu.memref_slice %arg10[%add3A_255] : memref<5120xi32, #tpu.memory_space<vmem>> -> memref<64xi32, #tpu.memory_space<vmem>>
        %dma_start3A_260 = arith.constant 0 : i32
        %dma_start3A_261 = arith.constant 0 : i32
        %dma_start3A_262 = tpu.memref_slice %arg2[%dma_start3A_260, %dma_start3A_261] : memref<10000x48xf32, #tpu.memory_space<hbm>> -> memref<10000x48xf32, #tpu.memory_space<hbm>>
        tpu.enqueue_indirect_dma source(%dma_start3A_262 : memref<10000x48xf32, #tpu.memory_space<hbm>>) target(%dma_start3A_258 : memref<64x48xf32, #tpu.memory_space<vmem>>) offsets(%dma_start3A_259 : memref<64xi32, #tpu.memory_space<vmem>>) semaphore(%arg19 : memref<!tpu.dma_semaphore, #tpu.memory_space<semaphore_mem>>)
        %dma_start3A_263 = arith.constant 64 : i32
        %dma_start3A_264 = arith.constant 0 : i32
        %dma_start3A_265 = tpu.memref_slice %arg13[%dma_start3A_263, %dma_start3A_264] : memref<128x48xf32, #tpu.memory_space<vmem>> -> memref<64x48xf32, #tpu.memory_space<vmem>>
        %dma_start3A_266 = arith.constant 64 : i32
        %dma_start3A_267 = tpu.memref_slice %arg11[%add3A_231, %dma_start3A_266] : memref<40x128xi32, #tpu.memory_space<vmem>> -> memref<1x64xi32, #tpu.memory_space<vmem>>
        %dma_start3A_268 = tpu.memref_squeeze %dma_start3A_267 : memref<1x64xi32, #tpu.memory_space<vmem>> -> memref<64xi32, #tpu.memory_space<vmem>>
        %dma_start3A_269 = arith.constant 0 : i32
        %dma_start3A_270 = arith.constant 0 : i32
        %dma_start3A_271 = tpu.memref_slice %arg3[%dma_start3A_269, %dma_start3A_270] : memref<10000x48xf32, #tpu.memory_space<hbm>> -> memref<10000x48xf32, #tpu.memory_space<hbm>>
        tpu.enqueue_indirect_dma source(%dma_start3A_271 : memref<10000x48xf32, #tpu.memory_space<hbm>>) target(%dma_start3A_265 : memref<64x48xf32, #tpu.memory_space<vmem>>) offsets(%dma_start3A_268 : memref<64xi32, #tpu.memory_space<vmem>>) semaphore(%arg19 : memref<!tpu.dma_semaphore, #tpu.memory_space<semaphore_mem>>)
      } else {
      }
      %mul3A_173 = arith.constant 128 : i32
      %mul3A_174 = arith.muli %add3A_73, %mul3A_173 : i32
      %add3A_175 = arith.constant 0 : i32
      %add3A_176 = arith.addi %mul3A_174, %add3A_175 : i32
      %dma_wait3A_177 = arith.constant 0 : i32
      %dma_wait3A_178 = arith.constant 0 : i32
      %dma_wait3A_179 = tpu.memref_slice %arg14[%dma_wait3A_177, %dma_wait3A_178] : memref<128x48xf32, #tpu.memory_space<vmem>> -> memref<64x48xf32, #tpu.memory_space<vmem>>
      %dma_wait3A_180 = tpu.memref_slice %arg10[%add3A_176] : memref<5120xi32, #tpu.memory_space<vmem>> -> memref<64xi32, #tpu.memory_space<vmem>>
      %dma_wait3A_181 = arith.constant 0 : i32
      %dma_wait3A_182 = arith.constant 0 : i32
      %dma_wait3A_183 = tpu.memref_slice %arg2[%dma_wait3A_181, %dma_wait3A_182] : memref<10000x48xf32, #tpu.memory_space<hbm>> -> memref<10000x48xf32, #tpu.memory_space<hbm>>
      tpu.wait_indirect_dma semaphore(%arg20 : memref<!tpu.dma_semaphore, #tpu.memory_space<semaphore_mem>>) src(%dma_wait3A_183 : memref<10000x48xf32, #tpu.memory_space<hbm>>) dst(%dma_wait3A_179 : memref<64x48xf32, #tpu.memory_space<vmem>>)
      %dma_wait3A_184 = arith.constant 0 : i32
      %dma_wait3A_185 = arith.constant 0 : i32
      %dma_wait3A_186 = tpu.memref_slice %arg15[%dma_wait3A_184, %dma_wait3A_185] : memref<128x48xf32, #tpu.memory_space<vmem>> -> memref<64x48xf32, #tpu.memory_space<vmem>>
      %dma_wait3A_187 = arith.constant 0 : i32
      %dma_wait3A_188 = tpu.memref_slice %arg11[%add3A_73, %dma_wait3A_187] : memref<40x128xi32, #tpu.memory_space<vmem>> -> memref<1x64xi32, #tpu.memory_space<vmem>>
      %dma_wait3A_189 = tpu.memref_squeeze %dma_wait3A_188 : memref<1x64xi32, #tpu.memory_space<vmem>> -> memref<64xi32, #tpu.memory_space<vmem>>
      %dma_wait3A_190 = arith.constant 0 : i32
      %dma_wait3A_191 = arith.constant 0 : i32
      %dma_wait3A_192 = tpu.memref_slice %arg3[%dma_wait3A_190, %dma_wait3A_191] : memref<10000x48xf32, #tpu.memory_space<hbm>> -> memref<10000x48xf32, #tpu.memory_space<hbm>>
      tpu.wait_indirect_dma semaphore(%arg20 : memref<!tpu.dma_semaphore, #tpu.memory_space<semaphore_mem>>) src(%dma_wait3A_192 : memref<10000x48xf32, #tpu.memory_space<hbm>>) dst(%dma_wait3A_186 : memref<64x48xf32, #tpu.memory_space<vmem>>)
      %mul3A_193 = arith.constant 128 : i32
      %mul3A_194 = arith.muli %add3A_73, %mul3A_193 : i32
      %add3A_195 = arith.constant 64 : i32
      %add3A_196 = arith.addi %mul3A_194, %add3A_195 : i32
      %dma_wait3A_197 = arith.constant 64 : i32
      %dma_wait3A_198 = arith.constant 0 : i32
      %dma_wait3A_199 = tpu.memref_slice %arg14[%dma_wait3A_197, %dma_wait3A_198] : memref<128x48xf32, #tpu.memory_space<vmem>> -> memref<64x48xf32, #tpu.memory_space<vmem>>
      %dma_wait3A_200 = tpu.memref_slice %arg10[%add3A_196] : memref<5120xi32, #tpu.memory_space<vmem>> -> memref<64xi32, #tpu.memory_space<vmem>>
      %dma_wait3A_201 = arith.constant 0 : i32
      %dma_wait3A_202 = arith.constant 0 : i32
      %dma_wait3A_203 = tpu.memref_slice %arg2[%dma_wait3A_201, %dma_wait3A_202] : memref<10000x48xf32, #tpu.memory_space<hbm>> -> memref<10000x48xf32, #tpu.memory_space<hbm>>
      tpu.wait_indirect_dma semaphore(%arg20 : memref<!tpu.dma_semaphore, #tpu.memory_space<semaphore_mem>>) src(%dma_wait3A_203 : memref<10000x48xf32, #tpu.memory_space<hbm>>) dst(%dma_wait3A_199 : memref<64x48xf32, #tpu.memory_space<vmem>>)
      %dma_wait3A_204 = arith.constant 64 : i32
      %dma_wait3A_205 = arith.constant 0 : i32
      %dma_wait3A_206 = tpu.memref_slice %arg15[%dma_wait3A_204, %dma_wait3A_205] : memref<128x48xf32, #tpu.memory_space<vmem>> -> memref<64x48xf32, #tpu.memory_space<vmem>>
      %dma_wait3A_207 = arith.constant 64 : i32
      %dma_wait3A_208 = tpu.memref_slice %arg11[%add3A_73, %dma_wait3A_207] : memref<40x128xi32, #tpu.memory_space<vmem>> -> memref<1x64xi32, #tpu.memory_space<vmem>>
      %dma_wait3A_209 = tpu.memref_squeeze %dma_wait3A_208 : memref<1x64xi32, #tpu.memory_space<vmem>> -> memref<64xi32, #tpu.memory_space<vmem>>
      %dma_wait3A_210 = arith.constant 0 : i32
      %dma_wait3A_211 = arith.constant 0 : i32
      %dma_wait3A_212 = tpu.memref_slice %arg3[%dma_wait3A_210, %dma_wait3A_211] : memref<10000x48xf32, #tpu.memory_space<hbm>> -> memref<10000x48xf32, #tpu.memory_space<hbm>>
      tpu.wait_indirect_dma semaphore(%arg20 : memref<!tpu.dma_semaphore, #tpu.memory_space<semaphore_mem>>) src(%dma_wait3A_212 : memref<10000x48xf32, #tpu.memory_space<hbm>>) dst(%dma_wait3A_206 : memref<64x48xf32, #tpu.memory_space<vmem>>)
      %gt3A_213 = arith.constant 0 : i32
      %gt3A_214 = arith.cmpi sgt, %scan3A_67, %gt3A_213 : i32
      %convert_element_type3A_215 = arith.extui %gt3A_214 : i1 to i32
      %cond3A_216 = arith.constant 0 : i32
      %cond3A_217 = arith.cmpi ne, %convert_element_type3A_215, %cond3A_216 : i32
      scf.if %cond3A_217 {
        %dma_wait3A_230 = arith.constant 0 : i32
        %dma_wait3A_231 = arith.constant 0 : i32
        %dma_wait3A_232 = tpu.memref_slice %arg11[%dma_wait3A_230, %dma_wait3A_231] : memref<40x128xi32, #tpu.memory_space<vmem>> -> memref<1x128xi32, #tpu.memory_space<vmem>>
        %dma_wait3A_233 = tpu.memref_squeeze %dma_wait3A_232 : memref<1x128xi32, #tpu.memory_space<vmem>> -> memref<128xi32, #tpu.memory_space<vmem>>
        %dma_wait3A_234 = arith.constant 0 : i32
        %dma_wait3A_235 = arith.constant 0 : i32
        %dma_wait3A_236 = tpu.memref_slice %arg9[%dma_wait3A_234, %dma_wait3A_235] : memref<10000x64xf32, #tpu.memory_space<vmem_shared>> -> memref<10000x64xf32, #tpu.memory_space<vmem_shared>>
        tpu.wait_indirect_dma semaphore(%arg22 : memref<!tpu.dma_semaphore, #tpu.memory_space<semaphore_mem>>) src(%arg17 : memref<128x64xf32, #tpu.memory_space<vmem>>) dst(%dma_wait3A_236 : memref<10000x64xf32, #tpu.memory_space<vmem_shared>>)
      } else {
      }
      %mul3A_218 = arith.constant 128 : i32
      %mul3A_219 = arith.muli %add3A_73, %mul3A_218 : i32
      %add3A_220 = arith.addi %mul3A_2, %mul3A_219 : i32
      %parallel_loop3A_221 = arith.constant 0 : i32
      %parallel_loop3A_222 = arith.constant 128 : i32
      %parallel_loop3A_223 = arith.constant 1 : i32
      scf.for %parallel_loop3A_230 = %parallel_loop3A_221 to %parallel_loop3A_222 step %parallel_loop3A_223  : i32 {
        %parallel_loop3A_231 = arith.constant 1 : i32
        %parallel_loop3A_232 = vector.broadcast %parallel_loop3A_231 : i32 to vector<16xi32>
        %parallel_loop3A_233 = arith.addi %add3A_220, %parallel_loop3A_230 : i32
        %parallel_loop3A_234 = vector.broadcast %parallel_loop3A_233 : i32 to vector<16xi32>
        %parallel_loop3A_235 = arith.muli %parallel_loop3A_232, %parallel_loop3A_234 : vector<16xi32>
        %parallel_loop3A_236 = arith.constant 160000 : i32
        %parallel_loop3A_237 = vector.broadcast %parallel_loop3A_236 : i32 to vector<16xi32>
        %parallel_loop3A_238 = arith.cmpi slt, %parallel_loop3A_235, %parallel_loop3A_237 : vector<16xi32>
        %parallel_loop3A_239 = arith.constant 1 : i32
        %parallel_loop3A_240 = vector.broadcast %parallel_loop3A_239 : i32 to vector<16xi32>
        %parallel_loop3A_241 = vector.broadcast %parallel_loop3A_230 : i32 to vector<16xi32>
        %parallel_loop3A_242 = arith.muli %parallel_loop3A_240, %parallel_loop3A_241 : vector<16xi32>
        %parallel_loop3A_243 = arith.index_cast %parallel_loop3A_230 : i32 to index
        %parallel_loop3A_244 = arith.constant 0 : index
        %parallel_loop3A_245 = tpu.vector_load %arg14[%parallel_loop3A_243, %parallel_loop3A_244] {strides = array<i32>} : memref<128x48xf32, #tpu.memory_space<vmem>>, vector<16xf32>,
        %parallel_loop3A_246 = arith.index_cast %parallel_loop3A_230 : i32 to index
        %parallel_loop3A_247 = arith.constant 0 : index
        %parallel_loop3A_248 = tpu.vector_load %arg15[%parallel_loop3A_246, %parallel_loop3A_247] {strides = array<i32>} : memref<128x48xf32, #tpu.memory_space<vmem>>, vector<16xf32>,
        %parallel_loop3A_249 = arith.addf %parallel_loop3A_245, %parallel_loop3A_248 : vector<16xf32>
        %parallel_loop3A_250 = arith.constant 2.000000e-01 : f32
        %parallel_loop3A_251 = vector.broadcast %parallel_loop3A_250 : f32 to vector<16xf32>
        %parallel_loop3A_252 = arith.mulf %parallel_loop3A_251, %parallel_loop3A_249 : vector<16xf32>
        %parallel_loop3A_253 = arith.maximumf %parallel_loop3A_249, %parallel_loop3A_252 : vector<16xf32>
        %parallel_loop3A_254 = arith.constant 0 : i32
        %parallel_loop3A_255 = arith.index_cast %parallel_loop3A_254 : i32 to index
        %parallel_loop3A_256 = arith.constant 0 : index
        %parallel_loop3A_257 = tpu.vector_load %arg18[%parallel_loop3A_255, %parallel_loop3A_256] {strides = array<i32>} : memref<3x16xf32, #tpu.memory_space<vmem>>, vector<16xf32>,
        %parallel_loop3A_258 = arith.mulf %parallel_loop3A_253, %parallel_loop3A_257 : vector<16xf32>
        %parallel_loop3A_259 = arith.index_cast %parallel_loop3A_230 : i32 to index
        %parallel_loop3A_260 = arith.constant 16 : index
        %parallel_loop3A_261 = tpu.vector_load %arg14[%parallel_loop3A_259, %parallel_loop3A_260] {strides = array<i32>} : memref<128x48xf32, #tpu.memory_space<vmem>>, vector<16xf32>,
        %parallel_loop3A_262 = arith.index_cast %parallel_loop3A_230 : i32 to index
        %parallel_loop3A_263 = arith.constant 16 : index
        %parallel_loop3A_264 = tpu.vector_load %arg15[%parallel_loop3A_262, %parallel_loop3A_263] {strides = array<i32>} : memref<128x48xf32, #tpu.memory_space<vmem>>, vector<16xf32>,
        %parallel_loop3A_265 = arith.addf %parallel_loop3A_261, %parallel_loop3A_264 : vector<16xf32>
        %parallel_loop3A_266 = arith.constant 2.000000e-01 : f32
        %parallel_loop3A_267 = vector.broadcast %parallel_loop3A_266 : f32 to vector<16xf32>
        %parallel_loop3A_268 = arith.mulf %parallel_loop3A_267, %parallel_loop3A_265 : vector<16xf32>
        %parallel_loop3A_269 = arith.maximumf %parallel_loop3A_265, %parallel_loop3A_268 : vector<16xf32>
        %parallel_loop3A_270 = arith.constant 1 : i32
        %parallel_loop3A_271 = arith.index_cast %parallel_loop3A_270 : i32 to index
        %parallel_loop3A_272 = arith.constant 0 : index
        %parallel_loop3A_273 = tpu.vector_load %arg18[%parallel_loop3A_271, %parallel_loop3A_272] {strides = array<i32>} : memref<3x16xf32, #tpu.memory_space<vmem>>, vector<16xf32>,
        %parallel_loop3A_274 = arith.mulf %parallel_loop3A_269, %parallel_loop3A_273 : vector<16xf32>
        %parallel_loop3A_275 = arith.addf %parallel_loop3A_258, %parallel_loop3A_274 : vector<16xf32>
        %parallel_loop3A_276 = arith.index_cast %parallel_loop3A_230 : i32 to index
        %parallel_loop3A_277 = arith.constant 32 : index
        %parallel_loop3A_278 = tpu.vector_load %arg14[%parallel_loop3A_276, %parallel_loop3A_277] {strides = array<i32>} : memref<128x48xf32, #tpu.memory_space<vmem>>, vector<16xf32>,
        %parallel_loop3A_279 = arith.index_cast %parallel_loop3A_230 : i32 to index
        %parallel_loop3A_280 = arith.constant 32 : index
        %parallel_loop3A_281 = tpu.vector_load %arg15[%parallel_loop3A_279, %parallel_loop3A_280] {strides = array<i32>} : memref<128x48xf32, #tpu.memory_space<vmem>>, vector<16xf32>,
        %parallel_loop3A_282 = arith.addf %parallel_loop3A_278, %parallel_loop3A_281 : vector<16xf32>
        %parallel_loop3A_283 = arith.constant 2.000000e-01 : f32
        %parallel_loop3A_284 = vector.broadcast %parallel_loop3A_283 : f32 to vector<16xf32>
        %parallel_loop3A_285 = arith.mulf %parallel_loop3A_284, %parallel_loop3A_282 : vector<16xf32>
        %parallel_loop3A_286 = arith.maximumf %parallel_loop3A_282, %parallel_loop3A_285 : vector<16xf32>
        %parallel_loop3A_287 = arith.constant 2 : i32
        %parallel_loop3A_288 = arith.index_cast %parallel_loop3A_287 : i32 to index
        %parallel_loop3A_289 = arith.constant 0 : index
        %parallel_loop3A_290 = tpu.vector_load %arg18[%parallel_loop3A_288, %parallel_loop3A_289] {strides = array<i32>} : memref<3x16xf32, #tpu.memory_space<vmem>>, vector<16xf32>,
        %parallel_loop3A_291 = arith.mulf %parallel_loop3A_286, %parallel_loop3A_290 : vector<16xf32>
        %parallel_loop3A_292 = arith.addf %parallel_loop3A_275, %parallel_loop3A_291 : vector<16xf32>
        %parallel_loop3A_293 = arith.constant 8 : i32
        %parallel_loop3A_294 = vector.broadcast %parallel_loop3A_293 : i32 to vector<16xi32>
        %parallel_loop3A_295 = arith.xori %iota3A, %parallel_loop3A_294 : vector<16xi32>
        %parallel_loop3A_296 = arith.constant 0 : i32
        %parallel_loop3A_297 = vector.broadcast %parallel_loop3A_296 : i32 to vector<16xi32>
        %parallel_loop3A_298 = arith.cmpi slt, %parallel_loop3A_295, %parallel_loop3A_297 : vector<16xi32>
        %parallel_loop3A_299 = arith.constant 16 : i32
        %parallel_loop3A_300 = vector.broadcast %parallel_loop3A_299 : i32 to vector<16xi32>
        %parallel_loop3A_301 = arith.addi %parallel_loop3A_295, %parallel_loop3A_300 : vector<16xi32>
        %parallel_loop3A_302 = arith.select %parallel_loop3A_298, %parallel_loop3A_301, %parallel_loop3A_295 : vector<16xi1>, vector<16xi32>
        %parallel_loop3A_303 = vector.shape_cast %parallel_loop3A_302 : vector<16xi32> to vector<16x1xi32>
        %parallel_loop3A_304 = vector.shape_cast %parallel_loop3A_303 : vector<16x1xi32> to vector<16xi32>
        %parallel_loop3A_305 = tpu.dynamic_gather %parallel_loop3A_292[%parallel_loop3A_304] in [0] : vector<16xf32>, vector<16xi32> -> vector<16xf32>
        %parallel_loop3A_306 = arith.addf %parallel_loop3A_292, %parallel_loop3A_305 : vector<16xf32>
        %parallel_loop3A_307 = arith.constant 4 : i32
        %parallel_loop3A_308 = vector.broadcast %parallel_loop3A_307 : i32 to vector<16xi32>
        %parallel_loop3A_309 = arith.xori %iota3A, %parallel_loop3A_308 : vector<16xi32>
        %parallel_loop3A_310 = arith.constant 0 : i32
        %parallel_loop3A_311 = vector.broadcast %parallel_loop3A_310 : i32 to vector<16xi32>
        %parallel_loop3A_312 = arith.cmpi slt, %parallel_loop3A_309, %parallel_loop3A_311 : vector<16xi32>
        %parallel_loop3A_313 = arith.constant 16 : i32
        %parallel_loop3A_314 = vector.broadcast %parallel_loop3A_313 : i32 to vector<16xi32>
        %parallel_loop3A_315 = arith.addi %parallel_loop3A_309, %parallel_loop3A_314 : vector<16xi32>
        %parallel_loop3A_316 = arith.select %parallel_loop3A_312, %parallel_loop3A_315, %parallel_loop3A_309 : vector<16xi1>, vector<16xi32>
        %parallel_loop3A_317 = vector.shape_cast %parallel_loop3A_316 : vector<16xi32> to vector<16x1xi32>
        %parallel_loop3A_318 = vector.shape_cast %parallel_loop3A_317 : vector<16x1xi32> to vector<16xi32>
        %parallel_loop3A_319 = tpu.dynamic_gather %parallel_loop3A_306[%parallel_loop3A_318] in [0] : vector<16xf32>, vector<16xi32> -> vector<16xf32>
        %parallel_loop3A_320 = arith.addf %parallel_loop3A_306, %parallel_loop3A_319 : vector<16xf32>
        %parallel_loop3A_321 = arith.constant 2 : i32
        %parallel_loop3A_322 = vector.broadcast %parallel_loop3A_321 : i32 to vector<16xi32>
        %parallel_loop3A_323 = arith.xori %iota3A, %parallel_loop3A_322 : vector<16xi32>
        %parallel_loop3A_324 = arith.constant 0 : i32
        %parallel_loop3A_325 = vector.broadcast %parallel_loop3A_324 : i32 to vector<16xi32>
        %parallel_loop3A_326 = arith.cmpi slt, %parallel_loop3A_323, %parallel_loop3A_325 : vector<16xi32>
        %parallel_loop3A_327 = arith.constant 16 : i32
        %parallel_loop3A_328 = vector.broadcast %parallel_loop3A_327 : i32 to vector<16xi32>
        %parallel_loop3A_329 = arith.addi %parallel_loop3A_323, %parallel_loop3A_328 : vector<16xi32>
        %parallel_loop3A_330 = arith.select %parallel_loop3A_326, %parallel_loop3A_329, %parallel_loop3A_323 : vector<16xi1>, vector<16xi32>
        %parallel_loop3A_331 = vector.shape_cast %parallel_loop3A_330 : vector<16xi32> to vector<16x1xi32>
        %parallel_loop3A_332 = vector.shape_cast %parallel_loop3A_331 : vector<16x1xi32> to vector<16xi32>
        %parallel_loop3A_333 = tpu.dynamic_gather %parallel_loop3A_320[%parallel_loop3A_332] in [0] : vector<16xf32>, vector<16xi32> -> vector<16xf32>
        %parallel_loop3A_334 = arith.addf %parallel_loop3A_320, %parallel_loop3A_333 : vector<16xf32>
        %parallel_loop3A_335 = arith.constant 1 : i32
        %parallel_loop3A_336 = vector.broadcast %parallel_loop3A_335 : i32 to vector<16xi32>
        %parallel_loop3A_337 = arith.xori %iota3A, %parallel_loop3A_336 : vector<16xi32>
        %parallel_loop3A_338 = arith.constant 0 : i32
        %parallel_loop3A_339 = vector.broadcast %parallel_loop3A_338 : i32 to vector<16xi32>
        %parallel_loop3A_340 = arith.cmpi slt, %parallel_loop3A_337, %parallel_loop3A_339 : vector<16xi32>
        %parallel_loop3A_341 = arith.constant 16 : i32
        %parallel_loop3A_342 = vector.broadcast %parallel_loop3A_341 : i32 to vector<16xi32>
        %parallel_loop3A_343 = arith.addi %parallel_loop3A_337, %parallel_loop3A_342 : vector<16xi32>
        %parallel_loop3A_344 = arith.select %parallel_loop3A_340, %parallel_loop3A_343, %parallel_loop3A_337 : vector<16xi1>, vector<16xi32>
        %parallel_loop3A_345 = vector.shape_cast %parallel_loop3A_344 : vector<16xi32> to vector<16x1xi32>
        %parallel_loop3A_346 = vector.shape_cast %parallel_loop3A_345 : vector<16x1xi32> to vector<16xi32>
        %parallel_loop3A_347 = tpu.dynamic_gather %parallel_loop3A_334[%parallel_loop3A_346] in [0] : vector<16xf32>, vector<16xi32> -> vector<16xf32>
        %parallel_loop3A_348 = arith.addf %parallel_loop3A_334, %parallel_loop3A_347 : vector<16xf32>
        %parallel_loop3A_349 = math.exp %parallel_loop3A_348 : vector<16xf32>
        %parallel_loop3A_350 = arith.constant 0.000000e+00 : f32
        %parallel_loop3A_351 = vector.broadcast %parallel_loop3A_350 : f32 to vector<16xf32>
        %parallel_loop3A_352 = arith.select %parallel_loop3A_238, %parallel_loop3A_349, %parallel_loop3A_351 : vector<16xi1>, vector<16xf32>
        %parallel_loop3A_353 = arith.mulf %parallel_loop3A_245, %parallel_loop3A_352 : vector<16xf32>
        %parallel_loop3A_354 = arith.index_cast %parallel_loop3A_230 : i32 to index
        %parallel_loop3A_355 = arith.constant 0 : index
        %parallel_loop3A_356 = tpu.vector_load %arg17[%parallel_loop3A_354, %parallel_loop3A_355] {strides = array<i32>} : memref<128x64xf32, #tpu.memory_space<vmem>>, vector<16xf32>,
        tpu.vector_store %arg17[%parallel_loop3A_354, %parallel_loop3A_355], %parallel_loop3A_353 {strides = array<i32>} : memref<128x64xf32, #tpu.memory_space<vmem>>, vector<16xf32>,
        %parallel_loop3A_357 = arith.mulf %parallel_loop3A_261, %parallel_loop3A_352 : vector<16xf32>
        %parallel_loop3A_358 = arith.index_cast %parallel_loop3A_230 : i32 to index
        %parallel_loop3A_359 = arith.constant 16 : index
        %parallel_loop3A_360 = tpu.vector_load %arg17[%parallel_loop3A_358, %parallel_loop3A_359] {strides = array<i32>} : memref<128x64xf32, #tpu.memory_space<vmem>>, vector<16xf32>,
        tpu.vector_store %arg17[%parallel_loop3A_358, %parallel_loop3A_359], %parallel_loop3A_357 {strides = array<i32>} : memref<128x64xf32, #tpu.memory_space<vmem>>, vector<16xf32>,
        %parallel_loop3A_361 = arith.mulf %parallel_loop3A_278, %parallel_loop3A_352 : vector<16xf32>
        %parallel_loop3A_362 = arith.index_cast %parallel_loop3A_230 : i32 to index
        %parallel_loop3A_363 = arith.constant 32 : index
        %parallel_loop3A_364 = tpu.vector_load %arg17[%parallel_loop3A_362, %parallel_loop3A_363] {strides = array<i32>} : memref<128x64xf32, #tpu.memory_space<vmem>>, vector<16xf32>,
        tpu.vector_store %arg17[%parallel_loop3A_362, %parallel_loop3A_363], %parallel_loop3A_361 {strides = array<i32>} : memref<128x64xf32, #tpu.memory_space<vmem>>, vector<16xf32>,
        %parallel_loop3A_365 = arith.constant 48 : i32
        %parallel_loop3A_366 = vector.broadcast %parallel_loop3A_365 : i32 to vector<16xi32>
        %parallel_loop3A_367 = arith.constant 0 : i32
        %parallel_loop3A_368 = vector.broadcast %parallel_loop3A_367 : i32 to vector<16xi32>
        %parallel_loop3A_369 = arith.cmpi eq, %iota3A, %parallel_loop3A_368 : vector<16xi32>
        tpu.vector_store_idx %arg17[%parallel_loop3A_242, %parallel_loop3A_366], %parallel_loop3A_352 masked %parallel_loop3A_369 : memref<128x64xf32, #tpu.memory_space<vmem>>[vector<16xi32>, vector<16xi32>], vector<16xf32>, vector<16xi1>
      } {sc.loop_unroll_factor = 1 : i64, sc.parallel_access}
      %dma_start3A_224 = arith.constant 0 : i32
      %dma_start3A_225 = tpu.memref_slice %arg11[%add3A_73, %dma_start3A_224] : memref<40x128xi32, #tpu.memory_space<vmem>> -> memref<1x128xi32, #tpu.memory_space<vmem>>
      %dma_start3A_226 = tpu.memref_squeeze %dma_start3A_225 : memref<1x128xi32, #tpu.memory_space<vmem>> -> memref<128xi32, #tpu.memory_space<vmem>>
      %dma_start3A_227 = arith.constant 0 : i32
      %dma_start3A_228 = arith.constant 0 : i32
      %dma_start3A_229 = tpu.memref_slice %arg9[%dma_start3A_227, %dma_start3A_228] : memref<10000x64xf32, #tpu.memory_space<vmem_shared>> -> memref<10000x64xf32, #tpu.memory_space<vmem_shared>>
      tpu.enqueue_indirect_dma source(%arg17 : memref<128x64xf32, #tpu.memory_space<vmem>>) target(%dma_start3A_229 : memref<10000x64xf32, #tpu.memory_space<vmem_shared>>) offsets(%dma_start3A_226 : memref<128xi32, #tpu.memory_space<vmem>>) semaphore(%arg22 : memref<!tpu.dma_semaphore, #tpu.memory_space<semaphore_mem>>) {add = true}
    }
    %scan3A_48 = arith.constant 20 : i32
    %dma_wait3A = arith.constant 0 : i32
    %dma_wait3A_49 = arith.constant 0 : i32
    %dma_wait3A_50 = tpu.memref_slice %arg11[%dma_wait3A, %dma_wait3A_49] : memref<40x128xi32, #tpu.memory_space<vmem>> -> memref<1x128xi32, #tpu.memory_space<vmem>>
    %dma_wait3A_51 = tpu.memref_squeeze %dma_wait3A_50 : memref<1x128xi32, #tpu.memory_space<vmem>> -> memref<128xi32, #tpu.memory_space<vmem>>
    %dma_wait3A_52 = arith.constant 0 : i32
    %dma_wait3A_53 = arith.constant 0 : i32
    %dma_wait3A_54 = tpu.memref_slice %arg9[%dma_wait3A_52, %dma_wait3A_53] : memref<10000x64xf32, #tpu.memory_space<vmem_shared>> -> memref<10000x64xf32, #tpu.memory_space<vmem_shared>>
    tpu.wait_indirect_dma semaphore(%arg21 : memref<!tpu.dma_semaphore, #tpu.memory_space<semaphore_mem>>) src(%arg16 : memref<128x64xf32, #tpu.memory_space<vmem>>) dst(%dma_wait3A_54 : memref<10000x64xf32, #tpu.memory_space<vmem_shared>>)
    %dma_wait3A_55 = arith.constant 0 : i32
    %dma_wait3A_56 = arith.constant 0 : i32
    %dma_wait3A_57 = tpu.memref_slice %arg11[%dma_wait3A_55, %dma_wait3A_56] : memref<40x128xi32, #tpu.memory_space<vmem>> -> memref<1x128xi32, #tpu.memory_space<vmem>>
    %dma_wait3A_58 = tpu.memref_squeeze %dma_wait3A_57 : memref<1x128xi32, #tpu.memory_space<vmem>> -> memref<128xi32, #tpu.memory_space<vmem>>
    %dma_wait3A_59 = arith.constant 0 : i32
    %dma_wait3A_60 = arith.constant 0 : i32
    %dma_wait3A_61 = tpu.memref_slice %arg9[%dma_wait3A_59, %dma_wait3A_60] : memref<10000x64xf32, #tpu.memory_space<vmem_shared>> -> memref<10000x64xf32, #tpu.memory_space<vmem_shared>>
    tpu.wait_indirect_dma semaphore(%arg22 : memref<!tpu.dma_semaphore, #tpu.memory_space<semaphore_mem>>) src(%arg17 : memref<128x64xf32, #tpu.memory_space<vmem>>) dst(%dma_wait3A_61 : memref<10000x64xf32, #tpu.memory_space<vmem_shared>>)
    %barrier3A_62 = arith.constant 0 : index
    tpu.barrier barrier_id(%barrier3A_62)
    %mul3A_63 = arith.constant 625 : i32
    %mul3A_64 = arith.muli %arg1, %mul3A_63 : i32
    %mul3A_65 = arith.constant 625 : i32
    %mul3A_66 = arith.muli %arg1, %mul3A_65 : i32
    "tpu.region"() ({
      %run_scoped3A = tpu.sem_alloc : memref<!tpu.dma_semaphore, #tpu.memory_space<semaphore_mem>>
      %dma_start3A_67 = arith.constant 0 : i32
      %dma_start3A_68 = tpu.memref_slice %arg8[%arg0, %mul3A_66, %dma_start3A_67] : memref<2x10000x64xf32, #tpu.memory_space<hbm>> -> memref<1x625x64xf32, #tpu.memory_space<hbm>>
      %dma_start3A_69 = tpu.memref_squeeze %dma_start3A_68 : memref<1x625x64xf32, #tpu.memory_space<hbm>> -> memref<625x64xf32, #tpu.memory_space<hbm>>
      %dma_start3A_70 = arith.constant 0 : i32
      %dma_start3A_71 = tpu.memref_slice %arg9[%mul3A_64, %dma_start3A_70] : memref<10000x64xf32, #tpu.memory_space<vmem_shared>> -> memref<625x64xf32, #tpu.memory_space<vmem_shared>>
      tpu.enqueue_dma source(%dma_start3A_71 : memref<625x64xf32, #tpu.memory_space<vmem_shared>>) target(%dma_start3A_69 : memref<625x64xf32, #tpu.memory_space<hbm>>) target_semaphore(%run_scoped3A : memref<!tpu.dma_semaphore, #tpu.memory_space<semaphore_mem>>)
      %dma_wait3A_72 = arith.constant 0 : i32
      %dma_wait3A_73 = tpu.memref_slice %arg8[%arg0, %mul3A_66, %dma_wait3A_72] : memref<2x10000x64xf32, #tpu.memory_space<hbm>> -> memref<1x625x64xf32, #tpu.memory_space<hbm>>
      %dma_wait3A_74 = tpu.memref_squeeze %dma_wait3A_73 : memref<1x625x64xf32, #tpu.memory_space<hbm>> -> memref<625x64xf32, #tpu.memory_space<hbm>>
      %dma_wait3A_75 = arith.constant 0 : i32
      %dma_wait3A_76 = tpu.memref_slice %arg9[%mul3A_64, %dma_wait3A_75] : memref<10000x64xf32, #tpu.memory_space<vmem_shared>> -> memref<625x64xf32, #tpu.memory_space<vmem_shared>>
      tpu.wait_dma2 semaphore(%run_scoped3A : memref<!tpu.dma_semaphore, #tpu.memory_space<semaphore_mem>>) src(%dma_wait3A_76 : memref<625x64xf32, #tpu.memory_space<vmem_shared>>) dst(%dma_wait3A_74 : memref<625x64xf32, #tpu.memory_space<hbm>>)
      tpu.yield
    }) : () -> ()
    return
  }
}

module attributes {stable_mosaic.version = 14 : i64} {
  func.func @_mm2_body(%arg0: i32, %arg1: memref<2000x256xf32, #tpu.memory_space<vmem>>, %arg2: memref<256x64xf32, #tpu.memory_space<vmem>>, %arg3: memref<256x64xf32, #tpu.memory_space<vmem>>, %arg4: memref<2000x64xf32, #tpu.memory_space<vmem>>, %arg5: memref<2000x64xf32, #tpu.memory_space<vmem>>) attributes {dimension_semantics = [#tpu.dimension_semantics<arbitrary>], iteration_bounds = array<i64: 5>, scalar_prefetch = 0 : i64, scratch_operands = 0 : i64, tpu.core_type = #tpu.core_type<tc>, window_params = [{transform_indices = @transform_0, window_bounds = array<i64: 2000, 256>}, {pipeline_mode = #tpu.pipeline_mode<synchronous>, transform_indices = @transform_1, window_bounds = array<i64: 256, 64>}, {pipeline_mode = #tpu.pipeline_mode<synchronous>, transform_indices = @transform_2, window_bounds = array<i64: 256, 64>}, {transform_indices = @transform_3, window_bounds = array<i64: 2000, 64>}, {transform_indices = @transform_4, window_bounds = array<i64: 2000, 64>}]} {
    %get3A = arith.constant 0 : index
    %get3A_0 = arith.constant 0 : index
    %get3A_1 = vector.load %arg1[%get3A, %get3A_0] : memref<2000x256xf32, #tpu.memory_space<vmem>>, vector<2000x256xf32>
    %get3A_2 = arith.constant 0 : index
    %get3A_3 = arith.constant 0 : index
    %get3A_4 = vector.load %arg2[%get3A_2, %get3A_3] : memref<256x64xf32, #tpu.memory_space<vmem>>, vector<256x64xf32>
    %dot_general3A = arith.constant dense<0.000000e+00> : vector<2000x64xf32>
    %dot_general3A_5 = tpu.matmul %get3A_1, %get3A_4, %dot_general3A {dimension_numbers = #tpu.dot_dimension_numbers<[1], [0], [0], [1], [0, 0, 1, 1], [], []>, transpose_lhs_hint = false} : vector<2000x256xf32>, vector<256x64xf32>, vector<2000x64xf32> -> vector<2000x64xf32>
    %swap3A = arith.constant 0 : index
    %swap3A_6 = arith.constant 0 : index
    %swap3A_7 = vector.load %arg4[%swap3A, %swap3A_6] : memref<2000x64xf32, #tpu.memory_space<vmem>>, vector<2000x64xf32>
    tpu.vector_store %arg4[%swap3A, %swap3A_6], %dot_general3A_5 {strides = array<i32>} : memref<2000x64xf32, #tpu.memory_space<vmem>>, vector<2000x64xf32>,
    %get3A_8 = arith.constant 0 : index
    %get3A_9 = arith.constant 0 : index
    %get3A_10 = vector.load %arg3[%get3A_8, %get3A_9] : memref<256x64xf32, #tpu.memory_space<vmem>>, vector<256x64xf32>
    %dot_general3A_11 = arith.constant dense<0.000000e+00> : vector<2000x64xf32>
    %dot_general3A_12 = tpu.matmul %get3A_1, %get3A_10, %dot_general3A_11 {dimension_numbers = #tpu.dot_dimension_numbers<[1], [0], [0], [1], [0, 0, 1, 1], [], []>, transpose_lhs_hint = false} : vector<2000x256xf32>, vector<256x64xf32>, vector<2000x64xf32> -> vector<2000x64xf32>
    %swap3A_13 = arith.constant 0 : index
    %swap3A_14 = arith.constant 0 : index
    %swap3A_15 = vector.load %arg5[%swap3A_13, %swap3A_14] : memref<2000x64xf32, #tpu.memory_space<vmem>>, vector<2000x64xf32>
    tpu.vector_store %arg5[%swap3A_13, %swap3A_14], %dot_general3A_12 {strides = array<i32>} : memref<2000x64xf32, #tpu.memory_space<vmem>>, vector<2000x64xf32>,
    return
  }
  func.func @transform_0(%arg0: i32) -> (i32, i32) {
    %c0_i32 = arith.constant 0 : i32
    %c0_i32_0 = arith.constant 0 : i32
    return %arg0, %c0_i32 : i32, i32
  }
  func.func @transform_1(%arg0: i32) -> (i32, i32) {
    %c0_i32 = arith.constant 0 : i32
    %c0_i32_0 = arith.constant 0 : i32
    %c0_i32_1 = arith.constant 0 : i32
    return %c0_i32, %c0_i32_0 : i32, i32
  }
  func.func @transform_2(%arg0: i32) -> (i32, i32) {
    %c0_i32 = arith.constant 0 : i32
    %c0_i32_0 = arith.constant 0 : i32
    %c0_i32_1 = arith.constant 0 : i32
    return %c0_i32, %c0_i32_0 : i32, i32
  }
  func.func @transform_3(%arg0: i32) -> (i32, i32) {
    %c0_i32 = arith.constant 0 : i32
    %c0_i32_0 = arith.constant 0 : i32
    return %arg0, %c0_i32 : i32, i32
  }
  func.func @transform_4(%arg0: i32) -> (i32, i32) {
    %c0_i32 = arith.constant 0 : i32
    %c0_i32_0 = arith.constant 0 : i32
    return %arg0, %c0_i32 : i32, i32
  }
}

module attributes {stable_mosaic.version = 14 : i64} {
  func.func @_mid_body(%arg0: i32, %arg1: memref<2x2000x80xf32, #tpu.memory_space<vmem>>, %arg2: memref<1x64xf32, #tpu.memory_space<vmem>>, %arg3: memref<64x48xf32, #tpu.memory_space<vmem>>, %arg4: memref<64x48xf32, #tpu.memory_space<vmem>>, %arg5: memref<2000x48xf32, #tpu.memory_space<vmem>>, %arg6: memref<2000x48xf32, #tpu.memory_space<vmem>>) attributes {dimension_semantics = [#tpu.dimension_semantics<arbitrary>], iteration_bounds = array<i64: 5>, scalar_prefetch = 0 : i64, scratch_operands = 0 : i64, tpu.core_type = #tpu.core_type<tc>, window_params = [{transform_indices = @transform_0, window_bounds = array<i64: 2, 2000, 80>}, {pipeline_mode = #tpu.pipeline_mode<synchronous>, transform_indices = @transform_1, window_bounds = array<i64: 1, 64>}, {pipeline_mode = #tpu.pipeline_mode<synchronous>, transform_indices = @transform_2, window_bounds = array<i64: 64, 48>}, {pipeline_mode = #tpu.pipeline_mode<synchronous>, transform_indices = @transform_3, window_bounds = array<i64: 64, 48>}, {transform_indices = @transform_4, window_bounds = array<i64: 2000, 48>}, {transform_indices = @transform_5, window_bounds = array<i64: 2000, 48>}]} {
    %get3A = arith.constant 0 : index
    %get3A_0 = arith.constant 0 : index
    %get3A_1 = arith.constant 0 : index
    %get3A_2 = vector.load %arg1[%get3A, %get3A_0, %get3A_1] : memref<2x2000x80xf32, #tpu.memory_space<vmem>>, vector<1x2000x80xf32>
    %get3A_3 = vector.shape_cast %get3A_2 : vector<1x2000x80xf32> to vector<2000x80xf32>
    %get3A_4 = arith.constant 1 : index
    %get3A_5 = arith.constant 0 : index
    %get3A_6 = arith.constant 0 : index
    %get3A_7 = vector.load %arg1[%get3A_4, %get3A_5, %get3A_6] : memref<2x2000x80xf32, #tpu.memory_space<vmem>>, vector<1x2000x80xf32>
    %get3A_8 = vector.shape_cast %get3A_7 : vector<1x2000x80xf32> to vector<2000x80xf32>
    %add3A = arith.addf %get3A_3, %get3A_8 : vector<2000x80xf32>
    %slice3A = vector.extract_strided_slice %add3A {offsets = [0, 0], sizes = [2000, 64], strides = [1, 1]} : vector<2000x80xf32> to vector<2000x64xf32>
    %slice3A_9 = vector.extract_strided_slice %add3A {offsets = [0, 64], sizes = [2000, 8], strides = [1, 1]} : vector<2000x80xf32> to vector<2000x8xf32>
    %broadcast_in_dim3A = vector.shape_cast %slice3A_9 : vector<2000x8xf32> to vector<2000x8x1xf32>
    %broadcast_in_dim3A_10 = vector.shape_cast %broadcast_in_dim3A : vector<2000x8x1xf32> to vector<2000x8x1xf32>
    %broadcast_in_dim3A_11 = vector.broadcast %broadcast_in_dim3A_10 : vector<2000x8x1xf32> to vector<2000x8x8xf32>
    %reshape3A = vector.shape_cast %broadcast_in_dim3A_11 : vector<2000x8x8xf32> to vector<2000x64xf32>
    %add3A_12 = arith.constant 1.000000e-16 : f32
    %add3A_13 = vector.broadcast %add3A_12 : f32 to vector<2000x64xf32>
    %add3A_14 = arith.addf %reshape3A, %add3A_13 : vector<2000x64xf32>
    %div3A = arith.divf %slice3A, %add3A_14 : vector<2000x64xf32>
    %get3A_15 = arith.constant 0 : index
    %get3A_16 = arith.constant 0 : index
    %get3A_17 = vector.load %arg2[%get3A_15, %get3A_16] : memref<1x64xf32, #tpu.memory_space<vmem>>, vector<1x64xf32>
    %add3A_18 = vector.broadcast %get3A_17 : vector<1x64xf32> to vector<2000x64xf32>
    %add3A_19 = arith.addf %div3A, %add3A_18 : vector<2000x64xf32>
    %gt3A = arith.constant 0.000000e+00 : f32
    %gt3A_20 = vector.broadcast %gt3A : f32 to vector<2000x64xf32>
    %gt3A_21 = arith.cmpf ogt, %add3A_19, %gt3A_20 : vector<2000x64xf32>
    %min3A = arith.constant 0.000000e+00 : f32
    %min3A_22 = vector.broadcast %min3A : f32 to vector<2000x64xf32>
    %min3A_23 = arith.minimumf %add3A_19, %min3A_22 : vector<2000x64xf32>
    %exp3A = math.exp %min3A_23 : vector<2000x64xf32>
    %sub3A = arith.constant 1.000000e+00 : f32
    %sub3A_24 = vector.broadcast %sub3A : f32 to vector<2000x64xf32>
    %sub3A_25 = arith.subf %exp3A, %sub3A_24 : vector<2000x64xf32>
    %select_n3A = arith.select %gt3A_21, %add3A_19, %sub3A_25 : vector<2000x64xi1>, vector<2000x64xf32>
    %get3A_26 = arith.constant 0 : index
    %get3A_27 = arith.constant 0 : index
    %get3A_28 = vector.load %arg3[%get3A_26, %get3A_27] : memref<64x48xf32, #tpu.memory_space<vmem>>, vector<64x48xf32>
    %dot_general3A = arith.constant dense<0.000000e+00> : vector<2000x48xf32>
    %dot_general3A_29 = tpu.matmul %select_n3A, %get3A_28, %dot_general3A {dimension_numbers = #tpu.dot_dimension_numbers<[1], [0], [0], [1], [0, 0, 1, 1], [], []>, transpose_lhs_hint = false} : vector<2000x64xf32>, vector<64x48xf32>, vector<2000x48xf32> -> vector<2000x48xf32>
    %swap3A = arith.constant 0 : index
    %swap3A_30 = arith.constant 0 : index
    %swap3A_31 = vector.load %arg5[%swap3A, %swap3A_30] : memref<2000x48xf32, #tpu.memory_space<vmem>>, vector<2000x48xf32>
    tpu.vector_store %arg5[%swap3A, %swap3A_30], %dot_general3A_29 {strides = array<i32>} : memref<2000x48xf32, #tpu.memory_space<vmem>>, vector<2000x48xf32>,
    %get3A_32 = arith.constant 0 : index
    %get3A_33 = arith.constant 0 : index
    %get3A_34 = vector.load %arg4[%get3A_32, %get3A_33] : memref<64x48xf32, #tpu.memory_space<vmem>>, vector<64x48xf32>
    %dot_general3A_35 = arith.constant dense<0.000000e+00> : vector<2000x48xf32>
    %dot_general3A_36 = tpu.matmul %select_n3A, %get3A_34, %dot_general3A_35 {dimension_numbers = #tpu.dot_dimension_numbers<[1], [0], [0], [1], [0, 0, 1, 1], [], []>, transpose_lhs_hint = false} : vector<2000x64xf32>, vector<64x48xf32>, vector<2000x48xf32> -> vector<2000x48xf32>
    %swap3A_37 = arith.constant 0 : index
    %swap3A_38 = arith.constant 0 : index
    %swap3A_39 = vector.load %arg6[%swap3A_37, %swap3A_38] : memref<2000x48xf32, #tpu.memory_space<vmem>>, vector<2000x48xf32>
    tpu.vector_store %arg6[%swap3A_37, %swap3A_38], %dot_general3A_36 {strides = array<i32>} : memref<2000x48xf32, #tpu.memory_space<vmem>>, vector<2000x48xf32>,
    return
  }
  func.func @transform_0(%arg0: i32) -> (i32, i32, i32) {
    %c0_i32 = arith.constant 0 : i32
    %c0_i32_0 = arith.constant 0 : i32
    %c0_i32_1 = arith.constant 0 : i32
    return %c0_i32, %arg0, %c0_i32_0 : i32, i32, i32
  }
  func.func @transform_1(%arg0: i32) -> (i32, i32) {
    %c0_i32 = arith.constant 0 : i32
    %c0_i32_0 = arith.constant 0 : i32
    %c0_i32_1 = arith.constant 0 : i32
    return %c0_i32, %c0_i32_0 : i32, i32
  }
  func.func @transform_2(%arg0: i32) -> (i32, i32) {
    %c0_i32 = arith.constant 0 : i32
    %c0_i32_0 = arith.constant 0 : i32
    %c0_i32_1 = arith.constant 0 : i32
    return %c0_i32, %c0_i32_0 : i32, i32
  }
  func.func @transform_3(%arg0: i32) -> (i32, i32) {
    %c0_i32 = arith.constant 0 : i32
    %c0_i32_0 = arith.constant 0 : i32
    %c0_i32_1 = arith.constant 0 : i32
    return %c0_i32, %c0_i32_0 : i32, i32
  }
  func.func @transform_4(%arg0: i32) -> (i32, i32) {
    %c0_i32 = arith.constant 0 : i32
    %c0_i32_0 = arith.constant 0 : i32
    return %arg0, %c0_i32 : i32, i32
  }
  func.func @transform_5(%arg0: i32) -> (i32, i32) {
    %c0_i32 = arith.constant 0 : i32
    %c0_i32_0 = arith.constant 0 : i32
    return %arg0, %c0_i32 : i32, i32
  }
}

module attributes {stable_mosaic.version = 14 : i64} {
  func.func @_fin_body(%arg0: i32, %arg1: memref<2x2000x64xf32, #tpu.memory_space<vmem>>, %arg2: memref<1x48xf32, #tpu.memory_space<vmem>>, %arg3: memref<2000x40xf32, #tpu.memory_space<vmem>>) attributes {dimension_semantics = [#tpu.dimension_semantics<arbitrary>], iteration_bounds = array<i64: 5>, scalar_prefetch = 0 : i64, scratch_operands = 0 : i64, tpu.core_type = #tpu.core_type<tc>, window_params = [{transform_indices = @transform_0, window_bounds = array<i64: 2, 2000, 64>}, {pipeline_mode = #tpu.pipeline_mode<synchronous>, transform_indices = @transform_1, window_bounds = array<i64: 1, 48>}, {transform_indices = @transform_2, window_bounds = array<i64: 2000, 40>}]} {
    %get3A = arith.constant 0 : index
    %get3A_0 = arith.constant 0 : index
    %get3A_1 = arith.constant 0 : index
    %get3A_2 = vector.load %arg1[%get3A, %get3A_0, %get3A_1] : memref<2x2000x64xf32, #tpu.memory_space<vmem>>, vector<1x2000x64xf32>
    %get3A_3 = vector.shape_cast %get3A_2 : vector<1x2000x64xf32> to vector<2000x64xf32>
    %get3A_4 = arith.constant 1 : index
    %get3A_5 = arith.constant 0 : index
    %get3A_6 = arith.constant 0 : index
    %get3A_7 = vector.load %arg1[%get3A_4, %get3A_5, %get3A_6] : memref<2x2000x64xf32, #tpu.memory_space<vmem>>, vector<1x2000x64xf32>
    %get3A_8 = vector.shape_cast %get3A_7 : vector<1x2000x64xf32> to vector<2000x64xf32>
    %add3A = arith.addf %get3A_3, %get3A_8 : vector<2000x64xf32>
    %slice3A = vector.extract_strided_slice %add3A {offsets = [0, 48], sizes = [2000, 1], strides = [1, 1]} : vector<2000x64xf32> to vector<2000x1xf32>
    %slice3A_9 = vector.extract_strided_slice %add3A {offsets = [0, 0], sizes = [2000, 48], strides = [1, 1]} : vector<2000x64xf32> to vector<2000x48xf32>
    %add3A_10 = arith.constant 1.000000e-16 : f32
    %add3A_11 = vector.broadcast %add3A_10 : f32 to vector<2000x1xf32>
    %add3A_12 = arith.addf %slice3A, %add3A_11 : vector<2000x1xf32>
    %div3A = vector.broadcast %add3A_12 : vector<2000x1xf32> to vector<2000x48xf32>
    %div3A_13 = arith.divf %slice3A_9, %div3A : vector<2000x48xf32>
    %get3A_14 = arith.constant 0 : index
    %get3A_15 = arith.constant 0 : index
    %get3A_16 = vector.load %arg2[%get3A_14, %get3A_15] : memref<1x48xf32, #tpu.memory_space<vmem>>, vector<1x48xf32>
    %add3A_17 = vector.broadcast %get3A_16 : vector<1x48xf32> to vector<2000x48xf32>
    %add3A_18 = arith.addf %div3A_13, %add3A_17 : vector<2000x48xf32>
    %iota3A = tpu.iota {dimensions = array<i32: 1>} : vector<2000x48xi32>
    %lt3A = arith.constant 40 : i32
    %lt3A_19 = vector.broadcast %lt3A : i32 to vector<2000x48xi32>
    %lt3A_20 = arith.cmpi slt, %iota3A, %lt3A_19 : vector<2000x48xi32>
    %jit3A = arith.constant -1.000000e+30 : f32
    %broadcast_in_dim3A = vector.broadcast %jit3A : f32 to vector<2000x48xf32>
    %select_n3A = arith.select %lt3A_20, %add3A_18, %broadcast_in_dim3A : vector<2000x48xi1>, vector<2000x48xf32>
    %reduce_max3A = arith.constant dense<0xFF800000> : vector<2000xf32>
    %reduce_max3A_21 = vector.multi_reduction <maximumf>, %select_n3A, %reduce_max3A [1] : vector<2000x48xf32> to vector<2000xf32>
    %broadcast_in_dim3A_22 = vector.shape_cast %reduce_max3A_21 : vector<2000xf32> to vector<2000x1xf32>
    %sub3A = vector.broadcast %broadcast_in_dim3A_22 : vector<2000x1xf32> to vector<2000x48xf32>
    %sub3A_23 = arith.subf %add3A_18, %sub3A : vector<2000x48xf32>
    %exp3A = math.exp %sub3A_23 : vector<2000x48xf32>
    %jit3A_24 = arith.constant 0.000000e+00 : f32
    %broadcast_in_dim3A_25 = vector.broadcast %jit3A_24 : f32 to vector<2000x48xf32>
    %select_n3A_26 = arith.select %lt3A_20, %exp3A, %broadcast_in_dim3A_25 : vector<2000x48xi1>, vector<2000x48xf32>
    %reduce_sum3A = arith.constant dense<0.000000e+00> : vector<2000xf32>
    %reduce_sum3A_27 = vector.multi_reduction <add>, %select_n3A_26, %reduce_sum3A [1] : vector<2000x48xf32> to vector<2000xf32>
    %broadcast_in_dim3A_28 = vector.shape_cast %reduce_sum3A_27 : vector<2000xf32> to vector<2000x1xf32>
    %log3A = math.log %broadcast_in_dim3A_28 : vector<2000x1xf32>
    %sub3A_29 = vector.broadcast %log3A : vector<2000x1xf32> to vector<2000x48xf32>
    %sub3A_30 = arith.subf %sub3A_23, %sub3A_29 : vector<2000x48xf32>
    %slice3A_31 = vector.extract_strided_slice %sub3A_30 {offsets = [0, 0], sizes = [2000, 40], strides = [1, 1]} : vector<2000x48xf32> to vector<2000x40xf32>
    %swap3A = arith.constant 0 : index
    %swap3A_32 = arith.constant 0 : index
    %swap3A_33 = vector.load %arg3[%swap3A, %swap3A_32] : memref<2000x40xf32, #tpu.memory_space<vmem>>, vector<2000x40xf32>
    tpu.vector_store %arg3[%swap3A, %swap3A_32], %slice3A_31 {strides = array<i32>} : memref<2000x40xf32, #tpu.memory_space<vmem>>, vector<2000x40xf32>,
    return
  }
  func.func @transform_0(%arg0: i32) -> (i32, i32, i32) {
    %c0_i32 = arith.constant 0 : i32
    %c0_i32_0 = arith.constant 0 : i32
    %c0_i32_1 = arith.constant 0 : i32
    return %c0_i32, %arg0, %c0_i32_0 : i32, i32, i32
  }
  func.func @transform_1(%arg0: i32) -> (i32, i32) {
    %c0_i32 = arith.constant 0 : i32
    %c0_i32_0 = arith.constant 0 : i32
    %c0_i32_1 = arith.constant 0 : i32
    return %c0_i32, %c0_i32_0 : i32, i32
  }
  func.func @transform_2(%arg0: i32) -> (i32, i32) {
    %c0_i32 = arith.constant 0 : i32
    %c0_i32_0 = arith.constant 0 : i32
    return %arg0, %c0_i32 : i32, i32
  }
}

</mosaic_0001>

<sc_bundles>
// kernel: kernel.10.cloned.1.call-start
scs
__scs_entry_jumppad:
0x0: {  	(pc) =	sbr.rel $0x88, $3  }
0x1: {  	(tag) =	ssettag $0x0;
	lr =	simm.s32 $0x1  }
0x2: {  	[smem:$0x3F97] =	sst lr;
	_ =	strace $0xD0000000  }
0x3: {  	_ = 	snop  }
0x4: {  	_ = 	snop  }
0x5: {  	_ = 	snop  }
0x6: {  	_ = 	snop  }
0x7: {  	_ = 	snop  }
__scs_overlays_trampoline_lowered:
0x8: {  	[smem:$0x3FA6] =	sst s0  }
0x9: {  	[smem:$0x3FA7] =	sst s1  }
0xa: {  	[smem:$0x3FA8] =	sst s2  }
0xb: {  	[smem:$0x3FA9] =	sst s3  }
0xc: {  	[smem:$0x3FAA] =	sst s4  }
0xd: {  	[smem:$0x3FAB] =	sst s5  }
0xe: {  	[smem:$0x3FAC] =	sst s6  }
0xf: {  	[smem:$0x3FAD] =	sst s7  }
0x10: {  	[smem:$0x3FAE] =	sst s8  }
0x11: {  	[smem:$0x3FAF] =	sst s9;
	s0 =	simm.s32 @!p0 $0x0  }
0x12: {  	s1 =	sld [smem:$0x3F95];
	s0 =	simm.s32 @p0 $0x1  }
0x13: {  	[smem:$0x3FB0] =	sst s0;
	s0 =	simm.s32 @!p1 $0x0  }
0x14: {  	s2 =	sld [smem:$0x3F94];
	s0 =	simm.s32 @p1 $0x1  }
0x15: {  	[smem:$0x3FB1] =	sst s0;
	s0 =	simm.s32 @!p2 $0x0  }
0x16: {  	s3 =	sld [smem:$0x3FDB];
	s0 =	simm.s32 @p2 $0x1  }
0x17: {  	s4 =	simm.s32 $0x1BF5;
	[smem:$0x3FB3] =	sst s0  }
0x18: {  	s0 =	sld [smem:$0x3F96];
	_ =	swait.ge [sflag:s4], $0x0  }
0x19: {  	s7 =	sld [smem:$0x3F97]  }
0x1a: {  	s8 =	sadd.s32 $0xFFFFE003, lr  }
0x1b: {  	s9 =	sadd.s32 $0xFFFFFEF7, lr;
	s5 =	simm.s32 $0xFFFFFFFF;
	p2 =	slt.u32 s8, $0xFFFFF086  }
0x1c: {  	p1 =	slt.u32 s9, $0xF7A;
	s5 =	simm.s32 @!p2 $0x0  }
0x1d: {  	s5 =	simm.s32 @p1 $0x1;
	p0 =	seq.s32 s7, s2  }
0x1e: {  	s7 =	smul.u32 @!p0 $0xF7A, s2;
	p2 =	seq.s32 @!p0 s5, $0x0  }
0x1f: {  	s9 =	smul.u32 $0xF7A, s1;
	s8 =	simm.s32 @!p0 $0x1BF5;
	p2 =	por !p2, p0  }
0x20: {  	[sflag:s8] =	ssyncset.s32 @!p0 $0xFFFFF086;
	s6 =	sadd.s32 @!p0 s3, s7;
	s7 =	simm.s32 @!p0 $0x108  }
0x21: {  	s3 =	sadd.s32 s3, s9;
	s6 =	sadd.s32 @!p0 $0x88, s6;
	s7 =	simm.s32 @p2 $0x1082  }
0x22: {  	[simem:s7], [sflag:s8] =	dma.local @!p0 [hbm:s6], $0xF7A  }
0x23: {  	s9 =	sor.u32 $0xD0000000, s2;
	s6 =	simm.s32 $0x108;
	_ =	swait.ge @!p0 [sflag:s8], $0x0  }
0x24: {  	s3 =	sadd.s32 $0x88, s3;
	s6 =	simm.s32 @!p1 $0x1082;
	[sflag:s4] =	ssyncset.s32 $0xFFFFF086  }
0x25: {  	[simem:s6], [sflag:s4] =	dma.local [hbm:s3], $0xF7A  }
0x26: {  	[smem:$0x3F97] =	sst s1;
	(tag) =	ssettag s2;
	_ =	strace s9  }
0x27: {  	s1 =	sld [smem:$0x3FA7]  }
0x28: {  	s2 =	sld [smem:$0x3FA8]  }
0x29: {  	s4 =	sld [smem:$0x3FAA]  }
0x2a: {  	p0 =	seq.s32 s5, $0x0;
	s5 =	sld [smem:$0x3FAB]  }
0x2b: {  	s6 =	sld [smem:$0x3FAC]  }
0x2c: {  	s7 =	sld [smem:$0x3FAD]  }
0x2d: {  	s3 =	simm.s32 $0x108;
	s8 =	sld [smem:$0x3FAE]  }
0x2e: {  	s3 =	simm.s32 @!p0 $0x1082;
	s9 =	sld [smem:$0x3FAF]  }
0x2f: {  	lr =	sadd.s32 s0, s3;
	s0 =	sld [smem:$0x3FA6]  }
0x30: {  	s3 =	sld [smem:$0x3FA9]  }
0x31: {  	[smem:$0x3FB2] =	sst s10  }
0x32: {  	s10 =	sld [smem:$0x3FB0];
	_ =	sdelay $0x3  }
0x33: {  	p0 =	seq.s32 s10, $0x1;
	s10 =	sld [smem:$0x3FB2];
	_ =	sdelay $0x3  }
0x34: {  	[smem:$0x3FB2] =	sst s10  }
0x35: {  	s10 =	sld [smem:$0x3FB1];
	_ =	sdelay $0x3  }
0x36: {  	p1 =	seq.s32 s10, $0x1;
	s10 =	sld [smem:$0x3FB2];
	_ =	sdelay $0x3  }
0x37: {  	[smem:$0x3FB2] =	sst s10  }
0x38: {  	s10 =	sld [smem:$0x3FB3]  }
0x39: {  	_ = 	snop;
	(pc) =	sbr.ind lr, $3  }
0x3a: {  	_ = 	snop  }
0x3b: {  	_ = 	snop  }
0x3c: {  	p2 =	seq.s32 s10, $0x1;
	s10 =	sld [smem:$0x3FB2]  }
0x3d: {  	_ =	shalt  }
0x3e: {  	_ =	shalt  }
0x3f: {  	_ =	shalt  }
0x40: {  	_ =	shalt  }
0x41: {  	_ =	shalt  }
0x42: {  	_ =	shalt  }
0x43: {  	_ =	shalt  }
0x44: {  	_ =	shalt  }
0x45: {  	_ =	shalt  }
0x46: {  	_ =	shalt  }
0x47: {  	_ =	shalt  }
0x48: {  	_ =	shalt  }
0x49: {  	_ =	shalt  }
0x4a: {  	_ =	shalt  }
0x4b: {  	_ =	shalt  }
0x4c: {  	_ =	shalt  }
0x4d: {  	_ =	shalt  }
0x4e: {  	_ =	shalt  }
0x4f: {  	_ =	shalt  }
0x50: {  	_ =	shalt  }
0x51: {  	_ =	shalt  }
0x52: {  	_ =	shalt  }
0x53: {  	_ =	shalt  }
0x54: {  	_ =	shalt  }
0x55: {  	_ =	shalt  }
0x56: {  	_ =	shalt  }
0x57: {  	_ =	shalt  }
0x58: {  	_ =	shalt  }
0x59: {  	_ =	shalt  }
0x5a: {  	_ =	shalt  }
0x5b: {  	_ =	shalt  }
0x5c: {  	_ =	shalt  }
0x5d: {  	_ =	shalt  }
0x5e: {  	_ =	shalt  }
0x5f: {  	_ =	shalt  }
0x60: {  	_ =	shalt  }
0x61: {  	_ =	shalt  }
0x62: {  	_ =	shalt  }
0x63: {  	_ =	shalt  }
0x64: {  	_ =	shalt  }
0x65: {  	_ =	shalt  }
0x66: {  	_ =	shalt  }
0x67: {  	_ =	shalt  }
0x68: {  	_ =	shalt  }
0x69: {  	_ =	shalt  }
0x6a: {  	_ =	shalt  }
0x6b: {  	_ =	shalt  }
0x6c: {  	_ =	shalt  }
0x6d: {  	_ =	shalt  }
0x6e: {  	_ =	shalt  }
0x6f: {  	_ =	shalt  }
0x70: {  	_ =	shalt  }
0x71: {  	_ =	shalt  }
0x72: {  	_ =	shalt  }
0x73: {  	_ =	shalt  }
0x74: {  	_ =	shalt  }
0x75: {  	_ =	shalt  }
0x76: {  	_ =	shalt  }
0x77: {  	_ =	shalt  }
0x78: {  	_ =	shalt  }
0x79: {  	_ =	shalt  }
0x7a: {  	_ =	shalt  }
0x7b: {  	_ =	shalt  }
0x7c: {  	_ =	shalt  }
0x7d: {  	_ =	shalt  }
0x7e: {  	_ =	shalt  }
0x7f: {  	_ =	shalt  }
0x80: {  	_ =	shalt  }
0x81: {  	_ =	shalt  }
0x82: {  	_ =	shalt  }
0x83: {  	_ =	shalt  }
0x84: {  	_ =	shalt  }
0x85: {  	_ =	shalt  }
0x86: {  	_ =	shalt  }
0x87: {  	_ =	shalt  }
.Lfunc_end0:
.L_simem_size_0:
called_computation.1_lowered:
.L_overlay_start_0:
0x88: {  	s2 =	sld [smem:$0x3FD9]  }
0x89: {  	s3 =	sld [smem:$0x3FFE];
	_ =	sdelay $0x1  }
0x8a: {  	s1 =	srdreg.scid  }
0x8b: {  	s0 =	sand.u32 $0x1, s1  }
0x8c: {  	s17 =	sshll.u32 s0, $0xA;
	s2 =	sadd.s32 s3, s2  }
0x8d: {  	s2 =	sadd.s32 s2, s17  }
0x8e: {  	[smem:$0x3FBE] =	sst s2  }
0x8f: {  	_ = 	snop  }
0x90: {  	s2 =	sld [smem:$0x3FD0];
	(tm) =	ssettm $0x1  }
0x91: {  	s18 =	sld [smem:$0x3FFB];
	_ =	sdelay $0x3  }
0x92: {  	_ =	strace s18  }
0x93: {  	s3 =	sld [smem:$0x3FFC];
	_ =	sdelay $0x3  }
0x94: {  	_ =	strace s3  }
0x95: {  	s3 =	sld [smem:$0x3FFD];
	_ =	sdelay $0x3  }
0x96: {  	_ =	strace s3  }
0x97: {  	_ =	strace $0x8FFFFFFF  }
0x98: {  	s19 =	sld [smem:$0x3FDB];
	_ =	sdelay $0x1  }
0x99: {  	s4 =	simm.s32 $_scs_section_size  }
0x9a: {  	s5 =	simm.s32 $_size__tile_overlayer_lowered;
	s6 =	simm.s32 $_tile_overlayer_lowered  }
0x9b: {  	s22 =	simm.s32 $0x1BFF;
	s21 =	sshll.u32 s6, $0x1;
	s3 =	sadd.s32 s4, s19  }
0x9c: {  	s7 =	simm.s32 $0x0;
	s20 =	sshll.u32 s5, $0x1;
	s5 =	sadd.s32 s21, s3  }
0x9d: {  	[timem:s7], [sflag:s22] =	dma.local [hbm:s5], s20  }
0x9e: {  	_ =	swait.ge [sflag:s22], s20  }
0x9f: {  	s4 =	ssub.s32 $0x0, s20;
	[sflag:s22] =	ssyncset.done $0x0  }
0xa0: {  	[sflag:s22] =	ssyncadd.s32 s4;
	_ =	sdelay $0x1  }
0xa1: {  	s23 =	simm.s32 $0x1B8B  }
0xa2: {  	_ =	swait.ge [sflag:s23], $0x1  }
0xa3: {  	[sflag:s23] =	ssyncset.done $0x0  }
0xa4: {  	s25 =	simm.s32 $0x1B8E;
	s24 =	sld [smem:$0x3FFE];
	[sflag:s23] =	ssyncadd.s32 $0xFFFFFFFF  }
0xa5: {  	s26 =	simm.s32 $execute0_lowered;
	[smem:$0x3FD2] =	sst s25  }
0xa6: {  	s5 =	sshll.u32 s26, $0x1;
	_ =	strace $0x80000049;
	[dreg:$0x1] =	wrdreg $0xFFFFFFFF  }
0xa7: {  	s28 =	simm.s32 $_size_execute0_lowered;
	s3 =	sadd.s32 s3, s5;
	[dreg:$0x0] =	wrdreg $0x0  }
0xa8: {  	s5 =	sshll.u32 s28, $0x1;
	[dreg:$0x2] =	wrdreg s3  }
0xa9: {  	[dreg:$0x3] =	wrdreg s5  }
0xaa: {  	[dreg:$0x4] =	wrdreg $0xC0  }
0xab: {  	_ =	task [dreg:s7], $0x5FFFF  }
0xac: {  	[dreg:$0x1] =	wrdreg $0xFFFFFFFF  }
0xad: {  	[dreg:$0x0] =	wrdreg $0x60  }
0xae: {  	[dreg:$0x2] =	wrdreg s24  }
0xaf: {  	[dreg:$0x3] =	wrdreg s2  }
0xb0: {  	[dreg:$0x4] =	wrdreg $0x0  }
0xb1: {  	[dreg:$0x5] =	wrdreg $0x9  }
0xb2: {  	_ =	task.clear_ibuf [dreg:s7], $0x6FFFF;
	_ =	strace $0x90000049  }
0xb3: {  	s29 =	simm.s32 $0x9;
	_ =	strace $0x8000004B  }
0xb4: {  	_ =	swait.ge [sflag:s29], $0x1  }
0xb5: {  	[sflag:s29] =	ssyncadd.s32 $0xFFFFFFFF  }
0xb6: {  	_ =	strace $0x9000004B  }
0xb7: {  	_ =	sfence  }
0xb8: {  	s30 =	sld [smem:$0x0];
	_ =	sdelay $0x2  }
0xb9: {  	s31 =	sshll.u32 s1, $0xD;
	s1 =	sshrl.u32 s1, $0x2  }
0xba: {  	s3 =	sand.u32 $0x4000, s31;
	s1 =	sadd.s32 s1, s30  }
0xbb: {  	s0 =	sor.u32 s3, s0;
	s1 =	sshll.u32 s1, $0x11  }
0xbc: {  	s0 =	sor.u32 s1, s0  }
0xbd: {  	s0 =	sadd.s32 $0x8F2B, s0  }
0xbe: {  	[sflag:s0] =	ssyncadd.remote.s32 $0x1  }
0xbf: {  	_ =	sfence.sel $0xFFFF  }
0xc0: {  	[dreg:$0x0] =	wrdreg $0xFFFFFFFF;
	(pc) =	sbr.abs _section_cstart, $3  }
0xc1: {  	[dreg:$0x1] =	wrdreg $0xFFFFFFFF  }
0xc2: {  	_ =	task.clear_ibuf [dreg:s7], $0x2FFFF;
	_ =	strace $0x9FFFFFFF  }
0xc3: {  	(tm) =	ssettm $0x7FFFFFFF  }
tec
execute0_lowered:
.L_overlay_start_1:
0x0: {  	(tag) =	ssettag $0x1  }
0x1: {  	s0 =	srdreg.scid  }
0x2: {  	s13 =	stileid.u32;
	s1 =	rddreg [dreg:$0x0]  }
0x3: {  	s6 =	rddreg [dreg:$0x1];
	s3 =	simm.s32 $0x0;
	s15 =	simm.s32 $0x14440  }
0x4: {  	s31 =	simm.s32 $0xF440;
	s30 =	simm.s32 $0x0;
	s0 =	sand.u32 $0x1, s0  }
0x5: {  	s2 =	sshll.u32 s13, $0x1;
	s9 =	smul.u32 $0x9C40, s13;
	[smem:$0x7FF] =	sst s3  }
0x6: {  	s4 =	sadd.s32 $0x15200, s1;
	s5 =	sadd.s32 $0x6600, s1;
	s11 =	sadd.s32 $0x77200, s1  }
0x7: {  	s14 =	sadd.s32 $0x23E00, s1;
	s12 =	smul.u32 $0x2800, s13;
	s7 =	sor.u32 s0, s2  }
0x8: {  	s2 =	rddreg [dreg:$0x2];
	s10 =	smul.u32 $0x9C400, s0;
	_ =	strace $0x8000004A  }
0x9: {  	[dreg:$0x4] =	wrdreg s11;
	s21 =	ssub.s32 $0x2, s0;
	s0 =	smul.u32 $0x1400, s0  }
0xa: {  	s25 =	sshll.u32 s13, $0x6;
	[dreg:$0x5] =	wrdreg s14;
	s8 =	smul.u32 $0x280, s7  }
0xb: {  	s22 =	sshrl.u32 s21, $0x1;
	s7 =	smul.u32 $0x1400, s7;
	s23 =	sshrl.u32 s9, $0x3  }
0xc: {  	v0 =	vimm.s32 $0xFEDCBA98;
	v1 =	vimm.s32 $0x76543210;
	v2 =	vimm.s32 $0xBA98FEDC;
	s10 =	sadd.s32 s9, s10;
	s9 =	sadd.s32 s9, s2;
	s11 =	sadd.s32 s14, s23  }
0xd: {  	v3 =	vimm.s32 $0x32107654;
	v4 =	vimm.s32 $0xDCFE98BA;
	s24 =	sadd.s32 s0, s12;
	s14 =	simm.s32 $0x12440;
	s0 =	simm.s32 $0x10040  }
0xe: {  	v5 =	vimm.s32 $0x54761032;
	v6 =	vimm.s32 $0xEFCDAB89;
	s12 =	simm.s32 $0x11840;
	s8 =	sadd.s32 s8, s1;
	[dreg:$0x6] =	wrdreg s11  }
0xf: {  	v7 =	vimm.s32 $0x67452301;
	v0 =	vunpack.c.l.s4.s8 v0;
	v1 =	vunpack.c.l.s4.s8 v1;
	s10 =	sshrl.u32 s10, $0x3;
	s7 =	sshrl.u32 s7, $0x3;
	[dreg:$0x9] =	wrdreg s24  }
0x10: {  	v2 =	vunpack.c.l.s4.s8 v2;
	v3 =	vunpack.c.l.s4.s8 v3;
	v4 =	vunpack.c.l.s4.s8 v4;
	s29 =	sor.u32 $0x80, s24;
	s9 =	sshrl.u32 s9, $0x3;
	s24 =	simm.s32 $0x40  }
0x11: {  	v5 =	vunpack.c.l.s4.s8 v5;
	v6 =	vunpack.c.l.s4.s8 v6;
	v7 =	vunpack.c.l.s4.s8 v7;
	s1 =	sadd.s32 s10, s1;
	s10 =	ssub.s32 s21, s22;
	[dreg:$0xc] =	wrdreg s29  }
0x12: {  	v0 =	vunpack.c.0.s8.s32 v0;
	v1 =	vunpack.c.0.s8.s32 v1;
	v2 =	vunpack.c.0.s8.s32 v2;
	s8 =	sadd.s32 $0x1600, s8;
	s26 =	sadd.s32 s6, s7;
	[dreg:$0xd] =	wrdreg s9  }
0x13: {  	v3 =	vunpack.c.0.s8.s32 v3;
	v4 =	vunpack.c.0.s8.s32 v4;
	v5 =	vunpack.c.0.s8.s32 v5;
	s22 =	simm.s32 $0x5;
	s21 =	simm.s32 $0x1;
	[dreg:$0x7] =	wrdreg s8  }
0x14: {  	v6 =	vunpack.c.0.s8.s32 v6;
	v7 =	vunpack.c.0.s8.s32 v7;
	v0 =	vand.u32 $0xF, v0;
	s1 =	sadd.s32 $0x37800, s1;
	s8 =	sor.u32 $0x1C05, s25;
	[dreg:$0xa] =	wrdreg s26  }
0x15: {  	v0 =	vcombine.low v0, v1;
	v1 =	vcombine.low v3, v2;
	s28 =	smax.u32 s10, $0x1;
	s25 =	simm.s32 $0x80;
	[dreg:$0x8] =	wrdreg s1  }
0x16: {  	v2 =	vcombine.low v5, v4;
	v3 =	vcombine.low v7, v6;
	s26 =	simm.s32 $0x2;
	[dreg:$0xb] =	wrdreg s28;
	s1 =	simm.s32 $0x10C40  }
.LBB2_1:
0x17: {  	s6 =	rddreg [dreg:$0x4];
	s7 =	simm.s32 $0x16440  }
0x18: {  	[tilespmem:s7], [sflag:$0x5] =	stream.linear.gather [hbm4b:s6+s3], $0x30, $0x38;
	[tilespmem:$0x16470] =	vst v63  }
0x19: {  	_ =	swait.ge [sflag:s22], $0x30  }
0x1a: {  	[sflag:s22] =	ssyncset.done $0x0  }
0x1b: {  	s7 =	rddreg [dreg:$0x6];
	[sflag:s22] =	ssyncadd.s32 $0xFFFFFFD0  }
0x1c: {  	[spmem:s9], [sflag:s8] =	dma.local [hbm:s7], $0x1388  }
0x1d: {  	_ =	swait.ge [sflag:s22], $0x1388  }
0x1e: {  	[sflag:s22] =	ssyncset.done $0x0  }
0x1f: {  	s9 =	rddreg [dreg:$0x5];
	[sflag:s22] =	ssyncadd.s32 $0xFFFFEC78  }
0x20: {  	[tilespmem:s14], [sflag:$0x5] =	stream.linear.gather [hbm4b:s9+s3], $0x2000, $0x38;
	[tilespmem:$0x16470] =	vst v63  }
0x21: {  	_ =	swait.ge [sflag:s22], $0x2000  }
0x22: {  	[sflag:s22] =	ssyncset.done $0x0  }
0x23: {  	[sflag:s22] =	ssyncadd.s32 $0xFFFFE000  }
0x24: {  	[tilespmem:s15], [sflag:$0x5] =	stream.linear.gather [hbm4b:s9+s3], $0x2000, $0x38;
	[tilespmem:$0x16470] =	vst v63  }
0x25: {  	_ =	swait.ge [sflag:s22], $0x2000  }
0x26: {  	[sflag:s22] =	ssyncset.done $0x0  }
0x27: {  	s11 =	simm.s32 $0x9C40;
	s10 =	rddreg [dreg:$0xa];
	[sflag:s22] =	ssyncadd.s32 $0xFFFFE000  }
0x28: {  	[tilespmem:s11], [sflag:$0x5] =	stream.linear.gather [hbm4b:s10+s3], $0x1400, $0x38;
	[tilespmem:$0x16470] =	vst v63  }
0x29: {  	_ =	swait.ge [sflag:s22], $0x1400  }
0x2a: {  	[sflag:s22] =	ssyncset.done $0x0  }
0x2b: {  	s16 =	simm.s32 $0xB040;
	s13 =	rddreg [dreg:$0x7];
	[sflag:s22] =	ssyncadd.s32 $0xFFFFEC00  }
0x2c: {  	[tilespmem:s16], [sflag:$0x5] =	stream.linear.gather [hbm4b:s13+s3], $0x1400, $0x38;
	[tilespmem:$0x16470] =	vst v63  }
0x2d: {  	_ =	swait.ge [sflag:s22], $0x1400  }
0x2e: {  	[sflag:s22] =	ssyncset.done $0x0  }
0x2f: {  	[sflag:s22] =	ssyncadd.s32 $0xFFFFEC00  }
0x30: {  	s17 =	simm.s32 $0xC440;
	[bflag:$0x0] =	sbarrier.arrive $0xFFFF  }
0x31: {  	[tilespmem:s17], [sflag:$0x1] =	stream.indirect.gather [hbm4b:s4+s24], $0x30, s11, s24, $0xb8;
	[tilespmem:$0x16470] =	vst v63  }
0x32: {  	s23 =	smov.u32 s8;
	s18 =	simm.s32 $0xDC40;
	s19 =	simm.s32 $0x9C80  }
0x33: {  	[tilespmem:s18], [sflag:$0x1] =	stream.indirect.gather [hbm4b:s5+s24], $0x30, s16, s24, $0xb8;
	[tilespmem:$0x16470] =	vst v63  }
0x34: {  	s20 =	simm.s32 $0xD040;
	s28 =	simm.s32 $0xB080;
	s11 =	rddreg [dreg:$0x9]  }
0x35: {  	[tilespmem:s20], [sflag:$0x1] =	stream.indirect.gather [hbm4b:s4+s24], $0x30, s19, s24, $0xb8;
	[tilespmem:$0x16470] =	vst v63  }
0x36: {  	s29 =	simm.s32 $0xE840;
	s9 =	simm.s32 $0x0;
	s18 =	rddreg [dreg:$0xc]  }
0x37: {  	[tilespmem:s29], [sflag:$0x1] =	stream.indirect.gather [hbm4b:s5+s24], $0x30, s28, s24, $0xb8;
	[tilespmem:$0x16470] =	vst v63  }
.LBB2_2:
0x38: {  	s19 =	sshll.u32 s9, $0x8  }
0x39: {  	s6 =	sadd.s32 $0x9CC0, s19  }
0x3a: {  	[tilespmem:s31], [sflag:$0x2] =	stream.indirect.gather [hbm4b:s4+s24], $0x30, s6, s24, $0xb8;
	[tilespmem:$0x16470] =	vst v63  }
0x3b: {  	s10 =	sadd.s32 $0xB0C0, s19  }
0x3c: {  	[tilespmem:s1], [sflag:$0x2] =	stream.indirect.gather [hbm4b:s5+s24], $0x30, s10, s24, $0xb8;
	[tilespmem:$0x16470] =	vst v63  }
0x3d: {  	s8 =	sadd.s32 $0x9D00, s19  }
0x3e: {  	[tilespmem:s0], [sflag:$0x2] =	stream.indirect.gather [hbm4b:s4+s24], $0x30, s8, s24, $0xb8;
	[tilespmem:$0x16470] =	vst v63  }
0x3f: {  	s13 =	sadd.s32 $0xB100, s19  }
0x40: {  	[tilespmem:s12], [sflag:$0x2] =	stream.indirect.gather [hbm4b:s5+s24], $0x30, s13, s24, $0xb8;
	[tilespmem:$0x16470] =	vst v63  }
0x41: {  	_ =	swait.ge [sflag:s21], $0xC00  }
0x42: {  	[sflag:s21] =	ssyncset.done $0x0  }
0x43: {  	[sflag:s21] =	ssyncadd.s32 $0xFFFFF400  }
0x44: {  	_ =	swait.ge [sflag:s21], $0xC00  }
0x45: {  	[sflag:s21] =	ssyncset.done $0x0  }
0x46: {  	[sflag:s21] =	ssyncadd.s32 $0xFFFFF400  }
0x47: {  	_ =	swait.ge [sflag:s21], $0xC00  }
0x48: {  	[sflag:s21] =	ssyncset.done $0x0  }
0x49: {  	[sflag:s21] =	ssyncadd.s32 $0xFFFFF400  }
0x4a: {  	_ =	swait.ge [sflag:s21], $0xC00  }
0x4b: {  	p0 =	seq.s32 s9, $0x0;
	[sflag:s21] =	ssyncset.done $0x0  }
0x4c: {  	s6 =	simm.s32 @!p0 $0x3;
	[sflag:s21] =	ssyncadd.s32 $0xFFFFF400  }
0x4d: {  	_ =	swait.ge @!p0 [sflag:s6], $0x2000  }
0x4e: {  	[sflag:s6] =	ssyncset.done @!p0 $0x0  }
0x4f: {  	s16 =	simm.s32 $0xC460;
	[sflag:s6] =	ssyncadd.s32 @!p0 $0xFFFFE000  }
0x50: {  	s7 =	simm.s32 $0xDC60;
	v19 =	vld [tilespmem:s16+$0xFFFFFFE0]  }
0x51: {  	v4 =	vld [tilespmem:s7+$0xFFFFFFE0]  }
0x52: {  	v18 =	vld [tilespmem:s16+$0xFFFFFFF0]  }
0x53: {  	v5 =	vld [tilespmem:s7+$0xFFFFFFF0]  }
0x54: {  	v17 =	vld [tilespmem:s16+$0x0]  }
0x55: {  	v6 =	vld [tilespmem:s7+$0x0];
	_ =	sdelay $0x2  }
0x56: {  	v7 =	vld [tilespmem:$0x16440];
	v4 =	vadd.f32 v4, v19  }
0x57: {  	v9 =	vld [tilespmem:$0x16450];
	v8 =	vadd.f32 v5, v18  }
0x58: {  	s20 =	simm.s32 $0xDC90;
	v11 =	vld [tilespmem:$0x16460];
	v6 =	vadd.f32 v6, v17;
	v10 =	vmul.f32 $2.000000030e-01, v4  }
0x59: {  	s17 =	simm.s32 $0xC490;
	v13 =	vld [tilespmem:s20+$0xFFFFFFE0];
	v12 =	vmul.f32 $2.000000030e-01, v8  }
0x5a: {  	v5 =	vld [tilespmem:s17+$0xFFFFFFE0];
	v4 =	vmax.f32 v4, v10;
	v10 =	vmul.f32 $2.000000030e-01, v6  }
0x5b: {  	v8 =	vmax.f32 v8, v12;
	v4 =	vmul.f32 v4, v7;
	v7 =	vld [tilespmem:s17+$0xFFFFFFF0]  }
0x5c: {  	v8 =	vmul.f32 v8, v9;
	v9 =	vmax.f32 v6, v10;
	v10 =	vld [tilespmem:s20+$0xFFFFFFF0]  }
0x5d: {  	v6 =	vld [tilespmem:s17+$0x0]  }
0x5e: {  	v9 =	vmul.f32 v9, v11;
	v4 =	vadd.f32 v8, v4;
	v8 =	vld [tilespmem:s20+$0x0];
	_ =	sdelay $0x1  }
0x5f: {  	v16 =	vld [tilespmem:$0x16460];
	v11 =	vadd.f32 v13, v5;
	v9 =	vadd.f32 v9, v4  }
0x60: {  	v12 =	vld [tilespmem:$0x16440]  }
0x61: {  	s7 =	simm.s32 $0xC4C0;
	v13 =	vld [tilespmem:$0x16450];
	v15 =	vmul.f32 $2.000000030e-01, v11;
	v10 =	vadd.f32 v10, v7;
	v14 =	vperm.xlane v9, v0  }
0x62: {  	s8 =	simm.s32 $0xDCC0;
	v4 =	vld [tilespmem:s7+$0x0];
	v20 =	vadd.f32 v8, v6  }
0x63: {  	v11 =	vmax.f32 v11, v15;
	v15 =	vld [tilespmem:s8+$0xFFFFFFE0];
	v21 =	vmul.f32 $2.000000030e-01, v10;
	v9 =	vadd.f32 v9, v14  }
0x64: {  	v8 =	vld [tilespmem:s7+$0xFFFFFFE0];
	v14 =	vmul.f32 $2.000000030e-01, v20  }
0x65: {  	v21 =	vmax.f32 v10, v21;
	v22 =	vperm.xlane v9, v1;
	v10 =	vld [tilespmem:s7+$0xFFFFFFF0]  }
0x66: {  	v11 =	vmul.f32 v11, v12;
	v12 =	vmul.f32 v21, v13;
	v13 =	vmax.f32 v20, v14;
	v14 =	vld [tilespmem:s8+$0xFFFFFFF0]  }
0x67: {  	v9 =	vadd.f32 v9, v22;
	v13 =	vmul.f32 v13, v16;
	v16 =	vld [tilespmem:s8+$0x0]  }
0x68: {  	v11 =	vadd.f32 v12, v11  }
0x69: {  	v12 =	vperm.xlane v9, v2  }
0x6a: {  	v11 =	vadd.f32 v13, v11;
	v13 =	vadd.f32 v15, v8;
	v15 =	vld [tilespmem:$0x16440]  }
0x6b: {  	v20 =	vld [tilespmem:$0x16450];
	v12 =	vadd.f32 v9, v12;
	v14 =	vadd.f32 v14, v10  }
0x6c: {  	v23 =	vld [tilespmem:$0x16460];
	s16 =	simm.s32 $0xDCF0;
	v21 =	vperm.xlane v11, v0;
	v22 =	vmul.f32 $2.000000030e-01, v13;
	v16 =	vadd.f32 v16, v4  }
0x6d: {  	s13 =	simm.s32 $0xC4F0;
	v26 =	vld [tilespmem:s16+$0xFFFFFFE0];
	v24 =	vperm.xlane v12, v3;
	v25 =	vmul.f32 $2.000000030e-01, v14  }
0x6e: {  	v21 =	vadd.f32 v11, v21;
	v11 =	vld [tilespmem:s13+$0xFFFFFFE0];
	v13 =	vmax.f32 v13, v22;
	v22 =	vmul.f32 $2.000000030e-01, v16  }
0x6f: {  	v24 =	vadd.f32 v12, v24;
	v13 =	vmul.f32 v13, v15;
	v14 =	vmax.f32 v14, v25;
	v12 =	vld [tilespmem:s13+$0xFFFFFFF0]  }
0x70: {  	v15 =	vperm.xlane v21, v1;
	v14 =	vmul.f32 v14, v20;
	v16 =	vmax.f32 v16, v22;
	v22 =	vld [tilespmem:s16+$0xFFFFFFF0]  }
0x71: {  	v9 =	vld [tilespmem:s13+$0x0];
	v20 =	vmul.f32 $1.442695020e+00, v24  }
0x72: {  	v16 =	vmul.f32 v16, v23;
	v15 =	vadd.f32 v21, v15;
	v21 =	vld [tilespmem:s16+$0x0];
	v13 =	vadd.f32 v14, v13  }
0x73: {  	(erf) = vpow2.f32 v20  }
0x74: {  	v14 =	vperm.xlane v15, v2;
	v13 =	vadd.f32 v16, v13  }
0x75: {  	s17 =	simm.s32 $0x0;
	v23 =	vld [tilespmem:$0x16440];
	v20 =	vadd.f32 v26, v11;
	v22 =	vadd.f32 v22, v12  }
0x76: {  	v24 =	vld [tilespmem:$0x16450];
	v15 =	vadd.f32 v15, v14;
	v14 =	vmov s17;
	v16 =	vperm.xlane v13, v0  }
0x77: {  	v25 =	vmul.f32 $2.000000030e-01, v20;
	v14 =	vor.u32 $0x30, v14;
	v21 =	vadd.f32 v21, v9  }
0x78: {  	s28 =	simm.s32 $0xC520;
	v26 =	vld [tilespmem:$0x16460];
	v28 =	vmul.f32 $2.000000030e-01, v22;
	v27 =	vperm.xlane v15, v3;
	v29 =	vadd.f32 v13, v16  }
0x79: {  	v20 =	vmax.f32 v20, v25;
	v16 =	vbroadcast v14, $0x0;
	v14 =	vld [tilespmem:s28+$0x0];
	v25 =	vmul.f32 $2.000000030e-01, v21  }
0x7a: {  	s29 =	simm.s32 $0xDD20;
	v13 =	vld [tilespmem:s28+$0xFFFFFFE0];
	v22 =	vmax.f32 v22, v28;
	v15 =	vadd.f32 v15, v27;
	v27 =	vperm.xlane v29, v1  }
0x7b: {  	s20 =	sadd.s32 $0x0, s11;
	v23 =	vmul.f32 v20, v23;
	v24 =	vmul.f32 v22, v24;
	v22 =	vld [tilespmem:s29+$0xFFFFFFE0]  }
0x7c: {  	p1 =	slt.s32 s20, $0x27100;
	v25 =	vmax.f32 v21, v25;
	v20 =	vpop (erf);
	v62 =	vmul.f32 $1.442695020e+00, v15;
	v21 =	vadd.f32 v29, v27;
	v15 =	vld [tilespmem:s28+$0xFFFFFFF0]  }
0x7d: {  	v26 =	vmul.f32 v25, v26;
	v27 =	vadd.f32 v24, v23;
	v24 =	vld [tilespmem:s29+$0xFFFFFFF0];
	v20 =	vpsel !p1, $0x0, v20  }
0x7e: {  	s6 =	simm.s32 $0x2;
	v23 =	vld [tilespmem:s29+$0x0];
	v63 =	vmul.f32 v20, v19;
	(erf) = vpow2.f32 v62  }
0x7f: {  	s20 =	simm.s32 $0x4;
	s7 =	simm.s32 $0x5;
	s17 =	simm.s32 $0x12460;
	v25 =	vperm.xlane v21, v2;
	v18 =	vmul.f32 v20, v18  }
0x80: {  	s8 =	simm.s32 $0x1;
	s13 =	simm.s32 $0x40;
	s16 =	simm.s32 $0x3;
	v19 =	vadd.f32 v26, v27;
	v17 =	vmul.f32 v20, v17;
	[tilespmem:s17+$0xFFFFFFE0] =	vst v63  }
.LBB2_3:
0x81: {  	p1 =	sne.s32 s7, $0x7F;
	v22 =	vadd.f32 v22, v13;
	v26 =	vld [tilespmem:$0x16440];
	v21 =	vadd.f32 v21, v25;
	v25 =	vmov s13;
	[tilespmem:s17+$0xFFFFFFF0] =	vst v18;
	v27 =	vmovc v9;
	v9 =	vmovc v14  }
0x82: {  	v18 =	vadd.f32 v24, v15;
	v24 =	vld [tilespmem:$0x16450];
	v28 =	vperm.xlane v19, v0;
	v25 =	vor.u32 $0x30, v25;
	[tilespmem:s17+$0x0] =	vst v17;
	v17 =	vmovc v10  }
0x83: {  	s28 =	sadd.s32 $0x30, s28;
	v29 =	vmul.f32 $2.000000030e-01, v22;
	v23 =	vadd.f32 v23, v9;
	v30 =	vld [tilespmem:$0x16460];
	v31 =	vperm.xlane v21, v3;
	[tilespmem:v16+s14+$0x0] =	vst.idx.msk $0x1, v20  }
0x84: {  	v10 =	vmovc v12;
	v12 =	vmovc v15;
	v16 =	vbroadcast v25, $0x0;
	v14 =	vld [tilespmem:s28+$0x0];
	v20 =	vmul.f32 $2.000000030e-01, v18;
	v19 =	vadd.f32 v19, v28  }
0x85: {  	s29 =	sadd.s32 $0x30, s29;
	v28 =	vld [tilespmem:s28+$0xFFFFFFE0];
	v15 =	vmax.f32 v22, v29;
	v25 =	vmul.f32 $2.000000030e-01, v23;
	v21 =	vadd.f32 v21, v31  }
0x86: {  	s13 =	sadd.s32 s8, s11;
	s8 =	smov.u32 s6;
	s6 =	smov.u32 s16;
	v22 =	vld [tilespmem:s29+$0xFFFFFFE0];
	v26 =	vmul.f32 v15, v26;
	v18 =	vmax.f32 v18, v20;
	v20 =	vperm.xlane v19, v1  }
.Ltmp0:
0x87: {  	s16 =	smov.u32 s20;
	p2 =	slt.s32 s13, $0x27100;
	v15 =	vld [tilespmem:s28+$0xFFFFFFF0];
	v18 =	vmul.f32 v18, v24;
	v23 =	vmax.f32 v23, v25;
	v25 =	vmul.f32 $1.442695020e+00, v21;
	v29 =	vpop (erf);
	(pc) =	sbr.rel @p1 .LBB2_3-.Ltmp0, $4  }
0x88: {  	s20 =	smov.u32 s7;
	v24 =	vld [tilespmem:s29+$0xFFFFFFF0];
	v30 =	vmul.f32 v23, v30;
	v21 =	vadd.f32 v19, v20;
	v20 =	vpsel !p2, $0x0, v29  }
0x89: {  	v23 =	vld [tilespmem:s29+$0x0];
	v19 =	vadd.f32 v18, v26;
	(erf) = vpow2.f32 v25;
	v26 =	vmul.f32 v20, v5;
	v5 =	vmovc v8;
	v8 =	vmovc v11  }
0x8a: {  	s17 =	sadd.s32 $0x40, s17;
	v18 =	vmul.f32 v20, v7;
	v11 =	vmovc v13;
	v7 =	vmovc v17;
	v25 =	vperm.xlane v21, v2;
	v13 =	vmov v28  }
0x8b: {  	s7 =	sadd.s32 $0x1, s7;
	s13 =	sshll.u32 s8, $0x6;
	v17 =	vmul.f32 v20, v6;
	v6 =	vmovc v4;
	v4 =	vmov v27;
	v19 =	vadd.f32 v30, v19;
	[tilespmem:s17+$0xFFFFFFE0] =	vst v26  }
0x8c: {  	v26 =	vld [tilespmem:$0x16440]  }
0x8d: {  	v22 =	vadd.f32 v22, v13;
	v27 =	vld [tilespmem:$0x16450];
	v24 =	vadd.f32 v24, v15;
	_ =	sdelay $0x1  }
0x8e: {  	v29 =	vld [tilespmem:$0x16460];
	v28 =	vmul.f32 $2.000000030e-01, v22;
	v23 =	vadd.f32 v23, v14;
	v30 =	vmul.f32 $2.000000030e-01, v24;
	_ =	sdelay $0x1  }
0x8f: {  	v22 =	vmax.f32 v22, v28;
	v59 =	vmul.f32 $2.000000030e-01, v23;
	v24 =	vmax.f32 v24, v30  }
0x90: {  	v22 =	vmul.f32 v22, v26;
	v24 =	vmul.f32 v24, v27  }
0x91: {  	v23 =	vmax.f32 v23, v59  }
0x92: {  	v23 =	vmul.f32 v23, v29;
	v22 =	vadd.f32 v24, v22  }
0x93: {  	v26 =	vperm.xlane v19, v0  }
0x94: {  	v22 =	vadd.f32 v23, v22  }
0x95: {  	v19 =	vadd.f32 v19, v26  }
0x96: {  	v24 =	vperm.xlane v22, v0  }
0x97: {  	v23 =	vperm.xlane v19, v1  }
0x98: {  	v21 =	vadd.f32 v21, v25;
	v22 =	vadd.f32 v22, v24  }
0x99: {  	v19 =	vadd.f32 v19, v23  }
0x9a: {  	v23 =	vperm.xlane v21, v3;
	v25 =	vperm.xlane v22, v1  }
0x9b: {  	v24 =	vperm.xlane v19, v2  }
0x9c: {  	v21 =	vadd.f32 v21, v23;
	v22 =	vadd.f32 v22, v25  }
0x9d: {  	v19 =	vadd.f32 v19, v24  }
0x9e: {  	v21 =	vmul.f32 $1.442695020e+00, v21;
	v24 =	vperm.xlane v22, v2  }
0x9f: {  	v23 =	vperm.xlane v19, v3  }
0xa0: {  	(erf) = vpow2.f32 v21;
	v21 =	vadd.f32 v22, v24  }
0xa1: {  	v19 =	vadd.f32 v19, v23  }
0xa2: {  	v22 =	vperm.xlane v21, v3  }
0xa3: {  	v19 =	vmul.f32 $1.442695020e+00, v19;
	_ =	sdelay $0x1  }
0xa4: {  	s7 =	sadd.s32 s8, s11;
	v23 =	vmov s13;
	(erf) = vpow2.f32 v19;
	v19 =	vadd.f32 v21, v22  }
0xa5: {  	p1 =	slt.s32 s7, $0x27100;
	v21 =	vor.u32 $0x30, v23;
	v22 =	vpop (erf)  }
0xa6: {  	[tilespmem:s17+$0xFFFFFFF0] =	vst v18;
	v18 =	vbroadcast v21, $0x0;
	v19 =	vmul.f32 $1.442695020e+00, v19;
	v21 =	vpsel !p1, $0x0, v22  }
0xa7: {  	[tilespmem:s17+$0x0] =	vst v17;
	s13 =	sshll.u32 s6, $0x6;
	v5 =	vmul.f32 v21, v5  }
0xa8: {  	s29 =	sadd.s32 $0x40, s17;
	s7 =	sadd.s32 s6, s11;
	[tilespmem:v16+s14+$0x0] =	vst.idx.msk $0x1, v20;
	v16 =	vmov s13;
	v7 =	vmul.f32 v21, v7;
	(erf) = vpow2.f32 v19  }
0xa9: {  	p3 =	slt.s32 s7, $0x27100;
	v17 =	vpop (erf);
	[tilespmem:s29+$0xFFFFFFE0] =	vst v5;
	v5 =	vmul.f32 v21, v6;
	v6 =	vor.u32 $0x30, v16  }
0xaa: {  	[tilespmem:s29+$0xFFFFFFF0] =	vst v7;
	v7 =	vpsel !p3, $0x0, v17;
	v6 =	vbroadcast v6, $0x0  }
0xab: {  	s13 =	sshll.u32 s16, $0x6;
	[tilespmem:s29+$0x0] =	vst v5;
	v5 =	vmul.f32 v7, v8  }
0xac: {  	s17 =	sadd.s32 $0x40, s29;
	v8 =	vmul.f32 v7, v10;
	v10 =	vmov s13;
	s29 =	sadd.s32 s16, s11;
	[tilespmem:v18+s14+$0x0] =	vst.idx.msk $0x1, v21  }
0xad: {  	v16 =	vpop (erf);
	v4 =	vmul.f32 v7, v4;
	p4 =	slt.s32 s29, $0x27100;
	[tilespmem:s17+$0xFFFFFFE0] =	vst v5;
	v5 =	vor.u32 $0x30, v10  }
0xae: {  	[tilespmem:s17+$0xFFFFFFF0] =	vst v8;
	v8 =	vpsel !p4, $0x0, v16;
	v5 =	vbroadcast v5, $0x0  }
0xaf: {  	s8 =	sshll.u32 s20, $0x6;
	[tilespmem:s17+$0x0] =	vst v4;
	v4 =	vmul.f32 v8, v11  }
0xb0: {  	s7 =	sadd.s32 $0x40, s17;
	s13 =	sadd.s32 s20, s11;
	[tilespmem:v6+s14+$0x0] =	vst.idx.msk $0x1, v7;
	v6 =	vmul.f32 v8, v12;
	v7 =	vmov s8  }
0xb1: {  	p5 =	slt.s32 s13, $0x27100;
	[tilespmem:s7+$0xFFFFFFE0] =	vst v4;
	v4 =	vmul.f32 v8, v9;
	v9 =	vpop (erf);
	v7 =	vor.u32 $0x30, v7  }
0xb2: {  	[tilespmem:s7+$0xFFFFFFF0] =	vst v6;
	v6 =	vbroadcast v7, $0x0;
	v7 =	vpsel !p5, $0x0, v9  }
0xb3: {  	[tilespmem:s7+$0x0] =	vst v4;
	v4 =	vmul.f32 v7, v13  }
0xb4: {  	s16 =	sadd.s32 $0x40, s7;
	[tilespmem:v5+s14+$0x0] =	vst.idx.msk $0x1, v8;
	v5 =	vmul.f32 v7, v15  }
0xb5: {  	[tilespmem:s16+$0xFFFFFFE0] =	vst v4;
	v4 =	vmul.f32 v7, v14  }
0xb6: {  	[tilespmem:s16+$0xFFFFFFF0] =	vst v5  }
0xb7: {  	s17 =	sand.u32 $0x3FFFFF00, s19;
	[tilespmem:s16+$0x0] =	vst v4  }
0xb8: {  	p1 =	seq.s32 s9, $0x13;
	s6 =	sadd.s32 $0xB040, s17;
	[tilespmem:v6+s14+$0x0] =	vst.idx.msk $0x1, v7  }
0xb9: {  	[spmem:s2] =	stream.indirect.scatter.add.f32 [tilespmem:s14], [sflag:$0x3], $0x40, s6, s25, $0xb8;
	[tilespmem:$0x16470] =	vst v63  }
0xba: {  	s8 =	simm.s32 @!p1 $0xC440;
	s7 =	simm.s32 @!p1 $0x40;
	s6 =	sadd.s32 @!p1 $0x9D40, s19  }
0xbb: {  	[tilespmem:s8], [sflag:$0x1] =	stream.indirect.gather @!p1 [hbm4b:s4+s7], $0x30, s6, s7, $0xb8;
	[tilespmem:$0x16470] =	vst v63  }
0xbc: {  	s6 =	sadd.s32 @!p1 $0xB140, s19;
	s8 =	simm.s32 @!p1 $0xDC40  }
0xbd: {  	[tilespmem:s8], [sflag:$0x1] =	stream.indirect.gather @!p1 [hbm4b:s5+s7], $0x30, s6, s7, $0xb8;
	[tilespmem:$0x16470] =	vst v63  }
0xbe: {  	s6 =	sadd.s32 @!p1 $0x9D80, s19;
	s8 =	simm.s32 @!p1 $0xD040  }
0xbf: {  	[tilespmem:s8], [sflag:$0x1] =	stream.indirect.gather @!p1 [hbm4b:s4+s7], $0x30, s6, s7, $0xb8;
	[tilespmem:$0x16470] =	vst v63  }
0xc0: {  	s6 =	sadd.s32 @!p1 $0xB180, s19;
	s8 =	simm.s32 @!p1 $0xE840  }
0xc1: {  	[tilespmem:s8], [sflag:$0x1] =	stream.indirect.gather @!p1 [hbm4b:s5+s7], $0x30, s6, s7, $0xb8;
	[tilespmem:$0x16470] =	vst v63  }
0xc2: {  	_ =	swait.ge [sflag:s26], $0xC00  }
0xc3: {  	[sflag:s26] =	ssyncset.done $0x0  }
0xc4: {  	[sflag:s26] =	ssyncadd.s32 $0xFFFFF400  }
0xc5: {  	_ =	swait.ge [sflag:s26], $0xC00  }
0xc6: {  	[sflag:s26] =	ssyncset.done $0x0  }
0xc7: {  	[sflag:s26] =	ssyncadd.s32 $0xFFFFF400  }
0xc8: {  	_ =	swait.ge [sflag:s26], $0xC00  }
0xc9: {  	[sflag:s26] =	ssyncset.done $0x0  }
0xca: {  	[sflag:s26] =	ssyncadd.s32 $0xFFFFF400  }
0xcb: {  	_ =	swait.ge [sflag:s26], $0xC00  }
0xcc: {  	[sflag:s26] =	ssyncset.done $0x0  }
0xcd: {  	s6 =	simm.s32 @!p0 $0x4;
	[sflag:s26] =	ssyncadd.s32 $0xFFFFF400  }
0xce: {  	_ =	swait.ge @!p0 [sflag:s6], $0x2000  }
0xcf: {  	[sflag:s6] =	ssyncset.done @!p0 $0x0  }
0xd0: {  	s20 =	simm.s32 $0xF460;
	[sflag:s6] =	ssyncadd.s32 @!p0 $0xFFFFE000  }
0xd1: {  	s29 =	simm.s32 $0x10C60;
	v19 =	vld [tilespmem:s20+$0xFFFFFFE0]  }
0xd2: {  	v4 =	vld [tilespmem:s29+$0xFFFFFFE0]  }
0xd3: {  	v18 =	vld [tilespmem:s20+$0xFFFFFFF0]  }
0xd4: {  	v5 =	vld [tilespmem:s29+$0xFFFFFFF0]  }
0xd5: {  	v17 =	vld [tilespmem:s20+$0x0]  }
0xd6: {  	v6 =	vld [tilespmem:s29+$0x0];
	_ =	sdelay $0x2  }
0xd7: {  	v7 =	vld [tilespmem:$0x16440];
	v4 =	vadd.f32 v4, v19  }
0xd8: {  	v9 =	vld [tilespmem:$0x16450];
	v8 =	vadd.f32 v5, v18  }
0xd9: {  	s8 =	simm.s32 $0x10C90;
	v11 =	vld [tilespmem:$0x16460];
	v6 =	vadd.f32 v6, v17;
	v10 =	vmul.f32 $2.000000030e-01, v4  }
0xda: {  	s7 =	simm.s32 $0xF490;
	v13 =	vld [tilespmem:s8+$0xFFFFFFE0];
	v12 =	vmul.f32 $2.000000030e-01, v8  }
0xdb: {  	v5 =	vld [tilespmem:s7+$0xFFFFFFE0];
	v4 =	vmax.f32 v4, v10;
	v10 =	vmul.f32 $2.000000030e-01, v6  }
0xdc: {  	v8 =	vmax.f32 v8, v12;
	v4 =	vmul.f32 v4, v7;
	v7 =	vld [tilespmem:s7+$0xFFFFFFF0]  }
0xdd: {  	v8 =	vmul.f32 v8, v9;
	v9 =	vmax.f32 v6, v10;
	v10 =	vld [tilespmem:s8+$0xFFFFFFF0]  }
0xde: {  	v6 =	vld [tilespmem:s7+$0x0]  }
0xdf: {  	v9 =	vmul.f32 v9, v11;
	v4 =	vadd.f32 v8, v4;
	v8 =	vld [tilespmem:s8+$0x0];
	_ =	sdelay $0x1  }
0xe0: {  	v16 =	vld [tilespmem:$0x16460];
	v11 =	vadd.f32 v13, v5;
	v9 =	vadd.f32 v9, v4  }
0xe1: {  	v12 =	vld [tilespmem:$0x16440]  }
0xe2: {  	s13 =	simm.s32 $0xF4C0;
	v13 =	vld [tilespmem:$0x16450];
	v15 =	vmul.f32 $2.000000030e-01, v11;
	v10 =	vadd.f32 v10, v7;
	v14 =	vperm.xlane v9, v0  }
0xe3: {  	s16 =	simm.s32 $0x10CC0;
	v4 =	vld [tilespmem:s13+$0x0];
	v20 =	vadd.f32 v8, v6  }
0xe4: {  	v11 =	vmax.f32 v11, v15;
	v15 =	vld [tilespmem:s16+$0xFFFFFFE0];
	v21 =	vmul.f32 $2.000000030e-01, v10;
	v9 =	vadd.f32 v9, v14  }
0xe5: {  	v8 =	vld [tilespmem:s13+$0xFFFFFFE0];
	v14 =	vmul.f32 $2.000000030e-01, v20  }
0xe6: {  	v21 =	vmax.f32 v10, v21;
	v22 =	vperm.xlane v9, v1;
	v10 =	vld [tilespmem:s13+$0xFFFFFFF0]  }
0xe7: {  	v11 =	vmul.f32 v11, v12;
	v12 =	vmul.f32 v21, v13;
	v13 =	vmax.f32 v20, v14;
	v14 =	vld [tilespmem:s16+$0xFFFFFFF0]  }
0xe8: {  	v9 =	vadd.f32 v9, v22;
	v13 =	vmul.f32 v13, v16;
	v16 =	vld [tilespmem:s16+$0x0]  }
0xe9: {  	v11 =	vadd.f32 v12, v11  }
0xea: {  	v12 =	vperm.xlane v9, v2  }
0xeb: {  	v11 =	vadd.f32 v13, v11;
	v13 =	vadd.f32 v15, v8;
	v15 =	vld [tilespmem:$0x16440]  }
0xec: {  	v20 =	vld [tilespmem:$0x16450];
	v12 =	vadd.f32 v9, v12;
	v14 =	vadd.f32 v14, v10  }
0xed: {  	s19 =	simm.s32 $0x10CF0;
	v23 =	vld [tilespmem:$0x16460];
	v21 =	vperm.xlane v11, v0;
	v22 =	vmul.f32 $2.000000030e-01, v13;
	v16 =	vadd.f32 v16, v4  }
0xee: {  	s17 =	simm.s32 $0xF4F0;
	v26 =	vld [tilespmem:s19+$0xFFFFFFE0];
	v24 =	vperm.xlane v12, v3;
	v25 =	vmul.f32 $2.000000030e-01, v14  }
0xef: {  	v21 =	vadd.f32 v11, v21;
	v11 =	vld [tilespmem:s17+$0xFFFFFFE0];
	v13 =	vmax.f32 v13, v22;
	v22 =	vmul.f32 $2.000000030e-01, v16  }
0xf0: {  	v24 =	vadd.f32 v12, v24;
	v13 =	vmul.f32 v13, v15;
	v14 =	vmax.f32 v14, v25;
	v12 =	vld [tilespmem:s17+$0xFFFFFFF0]  }
0xf1: {  	v15 =	vperm.xlane v21, v1;
	v14 =	vmul.f32 v14, v20;
	v16 =	vmax.f32 v16, v22;
	v22 =	vld [tilespmem:s19+$0xFFFFFFF0]  }
0xf2: {  	v9 =	vld [tilespmem:s17+$0x0];
	v20 =	vmul.f32 $1.442695020e+00, v24  }
0xf3: {  	v16 =	vmul.f32 v16, v23;
	v15 =	vadd.f32 v21, v15;
	v21 =	vld [tilespmem:s19+$0x0];
	v13 =	vadd.f32 v14, v13  }
0xf4: {  	(erf) = vpow2.f32 v20  }
0xf5: {  	v14 =	vperm.xlane v15, v2;
	v13 =	vadd.f32 v16, v13  }
0xf6: {  	s20 =	simm.s32 $0x0;
	v23 =	vld [tilespmem:$0x16440];
	v20 =	vadd.f32 v26, v11;
	v22 =	vadd.f32 v22, v12  }
0xf7: {  	v24 =	vld [tilespmem:$0x16450];
	v15 =	vadd.f32 v15, v14;
	v14 =	vmov s20;
	v16 =	vperm.xlane v13, v0  }
0xf8: {  	v25 =	vmul.f32 $2.000000030e-01, v20;
	v14 =	vor.u32 $0x30, v14;
	v21 =	vadd.f32 v21, v9  }
0xf9: {  	v26 =	vld [tilespmem:$0x16460];
	s20 =	simm.s32 $0xF520;
	v60 =	vmul.f32 $2.000000030e-01, v22;
	v27 =	vperm.xlane v15, v3;
	v61 =	vadd.f32 v13, v16  }
0xfa: {  	v20 =	vmax.f32 v20, v25;
	v16 =	vbroadcast v14, $0x0;
	v14 =	vld [tilespmem:s20+$0x0];
	v25 =	vmul.f32 $2.000000030e-01, v21  }
0xfb: {  	s28 =	simm.s32 $0x10D20;
	v13 =	vld [tilespmem:s20+$0xFFFFFFE0];
	v22 =	vmax.f32 v22, v60;
	v15 =	vadd.f32 v15, v27;
	v27 =	vperm.xlane v61, v1  }
0xfc: {  	s29 =	sadd.s32 $0x0, s18;
	v23 =	vmul.f32 v20, v23;
	v24 =	vmul.f32 v22, v24;
	v22 =	vld [tilespmem:s28+$0xFFFFFFE0]  }
0xfd: {  	p6 =	slt.s32 s29, $0x27100;
	v25 =	vmax.f32 v21, v25;
	v20 =	vpop (erf);
	v62 =	vmul.f32 $1.442695020e+00, v15;
	v21 =	vadd.f32 v61, v27;
	v15 =	vld [tilespmem:s20+$0xFFFFFFF0]  }
0xfe: {  	v26 =	vmul.f32 v25, v26;
	v27 =	vadd.f32 v24, v23;
	v24 =	vld [tilespmem:s28+$0xFFFFFFF0];
	v20 =	vpsel !p6, $0x0, v20  }
0xff: {  	s6 =	simm.s32 $0x2;
	v23 =	vld [tilespmem:s28+$0x0];
	v63 =	vmul.f32 v20, v19;
	(erf) = vpow2.f32 v62  }
0x100: {  	s7 =	simm.s32 $0x5;
	s8 =	simm.s32 $0x1;
	s17 =	simm.s32 $0x14460;
	v25 =	vperm.xlane v21, v2;
	v18 =	vmul.f32 v20, v18  }
0x101: {  	s13 =	simm.s32 $0x40;
	s16 =	simm.s32 $0x3;
	s19 =	simm.s32 $0x4;
	v19 =	vadd.f32 v26, v27;
	v17 =	vmul.f32 v20, v17;
	[tilespmem:s17+$0xFFFFFFE0] =	vst v63  }
.LBB2_5:
0x102: {  	p0 =	sne.s32 s7, $0x7F;
	v22 =	vadd.f32 v22, v13;
	v26 =	vld [tilespmem:$0x16440];
	v21 =	vadd.f32 v21, v25;
	v25 =	vmov s13;
	[tilespmem:s17+$0xFFFFFFF0] =	vst v18;
	v27 =	vmovc v9;
	v9 =	vmovc v14  }
0x103: {  	v18 =	vadd.f32 v24, v15;
	v24 =	vld [tilespmem:$0x16450];
	v28 =	vperm.xlane v19, v0;
	v25 =	vor.u32 $0x30, v25;
	[tilespmem:s17+$0x0] =	vst v17;
	v17 =	vmovc v10  }
0x104: {  	s20 =	sadd.s32 $0x30, s20;
	v29 =	vmul.f32 $2.000000030e-01, v22;
	v23 =	vadd.f32 v23, v9;
	v30 =	vld [tilespmem:$0x16460];
	v31 =	vperm.xlane v21, v3;
	[tilespmem:v16+s15+$0x0] =	vst.idx.msk $0x1, v20  }
0x105: {  	v10 =	vmovc v12;
	v12 =	vmovc v15;
	v16 =	vbroadcast v25, $0x0;
	v14 =	vld [tilespmem:s20+$0x0];
	v20 =	vmul.f32 $2.000000030e-01, v18;
	v19 =	vadd.f32 v19, v28  }
0x106: {  	s28 =	sadd.s32 $0x30, s28;
	v28 =	vld [tilespmem:s20+$0xFFFFFFE0];
	v15 =	vmax.f32 v22, v29;
	v25 =	vmul.f32 $2.000000030e-01, v23;
	v21 =	vadd.f32 v21, v31  }
0x107: {  	s13 =	sadd.s32 s8, s18;
	s8 =	smov.u32 s6;
	s6 =	smov.u32 s16;
	v22 =	vld [tilespmem:s28+$0xFFFFFFE0];
	v26 =	vmul.f32 v15, v26;
	v18 =	vmax.f32 v18, v20;
	v20 =	vperm.xlane v19, v1  }
.Ltmp1:
0x108: {  	s16 =	smov.u32 s19;
	p1 =	slt.s32 s13, $0x27100;
	v15 =	vld [tilespmem:s20+$0xFFFFFFF0];
	v18 =	vmul.f32 v18, v24;
	v23 =	vmax.f32 v23, v25;
	v25 =	vmul.f32 $1.442695020e+00, v21;
	v29 =	vpop (erf);
	(pc) =	sbr.rel @p0 .LBB2_5-.Ltmp1, $4  }
0x109: {  	s19 =	smov.u32 s7;
	v24 =	vld [tilespmem:s28+$0xFFFFFFF0];
	v30 =	vmul.f32 v23, v30;
	v21 =	vadd.f32 v19, v20;
	v20 =	vpsel !p1, $0x0, v29  }
0x10a: {  	v23 =	vld [tilespmem:s28+$0x0];
	v19 =	vadd.f32 v18, v26;
	(erf) = vpow2.f32 v25;
	v26 =	vmul.f32 v20, v5;
	v5 =	vmovc v8;
	v8 =	vmovc v11  }
0x10b: {  	s17 =	sadd.s32 $0x40, s17;
	v18 =	vmul.f32 v20, v7;
	v11 =	vmovc v13;
	v7 =	vmovc v17;
	v25 =	vperm.xlane v21, v2;
	v13 =	vmov v28  }
0x10c: {  	s7 =	sadd.s32 $0x1, s7;
	s13 =	sshll.u32 s8, $0x6;
	v17 =	vmul.f32 v20, v6;
	v6 =	vmovc v4;
	v4 =	vmov v27;
	v19 =	vadd.f32 v30, v19;
	[tilespmem:s17+$0xFFFFFFE0] =	vst v26  }
0x10d: {  	v26 =	vld [tilespmem:$0x16440]  }
0x10e: {  	v22 =	vadd.f32 v22, v13;
	v27 =	vld [tilespmem:$0x16450];
	v24 =	vadd.f32 v24, v15;
	_ =	sdelay $0x1  }
0x10f: {  	v29 =	vld [tilespmem:$0x16460];
	v28 =	vmul.f32 $2.000000030e-01, v22;
	v23 =	vadd.f32 v23, v14;
	v30 =	vmul.f32 $2.000000030e-01, v24;
	_ =	sdelay $0x1  }
0x110: {  	v22 =	vmax.f32 v22, v28;
	v35 =	vmul.f32 $2.000000030e-01, v23;
	v24 =	vmax.f32 v24, v30  }
0x111: {  	v22 =	vmul.f32 v22, v26;
	v24 =	vmul.f32 v24, v27  }
0x112: {  	v23 =	vmax.f32 v23, v35  }
0x113: {  	v36 =	vperm.xlane v19, v0;
	v23 =	vmul.f32 v23, v29;
	v22 =	vadd.f32 v24, v22;
	_ =	sdelay $0x1  }
0x114: {  	v19 =	vadd.f32 v19, v36;
	v22 =	vadd.f32 v23, v22;
	_ =	sdelay $0x1  }
0x115: {  	v37 =	vperm.xlane v19, v1;
	v38 =	vperm.xlane v22, v0  }
0x116: {  	v21 =	vadd.f32 v21, v25  }
0x117: {  	v19 =	vadd.f32 v19, v37;
	v22 =	vadd.f32 v22, v38  }
0x118: {  	v39 =	vperm.xlane v21, v3  }
0x119: {  	v40 =	vperm.xlane v19, v2;
	v41 =	vperm.xlane v22, v1  }
0x11a: {  	v21 =	vadd.f32 v21, v39  }
0x11b: {  	v19 =	vadd.f32 v19, v40;
	v22 =	vadd.f32 v22, v41  }
0x11c: {  	v21 =	vmul.f32 $1.442695020e+00, v21  }
0x11d: {  	v42 =	vperm.xlane v19, v3;
	v43 =	vperm.xlane v22, v2;
	_ =	sdelay $0x1  }
0x11e: {  	(erf) = vpow2.f32 v21;
	v19 =	vadd.f32 v19, v42;
	v44 =	vadd.f32 v22, v43;
	_ =	sdelay $0x1  }
0x11f: {  	v19 =	vmul.f32 $1.442695020e+00, v19;
	v22 =	vperm.xlane v44, v3;
	_ =	sdelay $0x1  }
0x120: {  	v45 =	vmov s13;
	s7 =	sadd.s32 s8, s18;
	(erf) = vpow2.f32 v19;
	v46 =	vadd.f32 v44, v22  }
0x121: {  	v47 =	vor.u32 $0x30, v45;
	p0 =	slt.s32 s7, $0x27100;
	v48 =	vpop (erf)  }
0x122: {  	[tilespmem:s17+$0xFFFFFFF0] =	vst v18;
	v49 =	vbroadcast v47, $0x0;
	v50 =	vpsel !p0, $0x0, v48;
	v19 =	vmul.f32 $1.442695020e+00, v46  }
0x123: {  	s20 =	sshll.u32 s6, $0x6;
	[tilespmem:s17+$0x0] =	vst v17;
	v5 =	vmul.f32 v50, v5  }
0x124: {  	s28 =	sadd.s32 $0x40, s17;
	s29 =	sadd.s32 s6, s18;
	v51 =	vmov s20;
	[tilespmem:v16+s15+$0x0] =	vst.idx.msk $0x1, v20;
	v7 =	vmul.f32 v50, v7;
	(erf) = vpow2.f32 v19  }
0x125: {  	p4 =	slt.s32 s29, $0x27100;
	v53 =	vor.u32 $0x30, v51;
	[tilespmem:s28+$0xFFFFFFE0] =	vst v5;
	v5 =	vmul.f32 v50, v6;
	v52 =	vpop (erf)  }
0x126: {  	[tilespmem:s28+$0xFFFFFFF0] =	vst v7;
	v6 =	vbroadcast v53, $0x0;
	v54 =	vpsel !p4, $0x0, v52  }
0x127: {  	s7 =	sshll.u32 s16, $0x6;
	[tilespmem:s28+$0x0] =	vst v5;
	v5 =	vmul.f32 v54, v8  }
0x128: {  	s13 =	sadd.s32 $0x40, s28;
	s17 =	sadd.s32 s16, s18;
	v56 =	vmov s7;
	[tilespmem:v49+s15+$0x0] =	vst.idx.msk $0x1, v50;
	v55 =	vmul.f32 v54, v10  }
0x129: {  	p5 =	slt.s32 s17, $0x27100;
	v4 =	vmul.f32 v54, v4;
	[tilespmem:s13+$0xFFFFFFE0] =	vst v5;
	v5 =	vor.u32 $0x30, v56;
	v57 =	vpop (erf)  }
0x12a: {  	[tilespmem:s13+$0xFFFFFFF0] =	vst v55;
	v5 =	vbroadcast v5, $0x0;
	v58 =	vpsel !p5, $0x0, v57  }
0x12b: {  	s20 =	sshll.u32 s19, $0x6;
	[tilespmem:s13+$0x0] =	vst v4;
	v4 =	vmul.f32 v58, v11  }
0x12c: {  	s7 =	sadd.s32 $0x40, s13;
	v60 =	vmov s20;
	s28 =	sadd.s32 s19, s18;
	[tilespmem:v6+s15+$0x0] =	vst.idx.msk $0x1, v54;
	v59 =	vmul.f32 v58, v12  }
0x12d: {  	v7 =	vor.u32 $0x30, v60;
	p6 =	slt.s32 s28, $0x27100;
	[tilespmem:s7+$0xFFFFFFE0] =	vst v4;
	v4 =	vmul.f32 v58, v9;
	v61 =	vpop (erf)  }
0x12e: {  	v62 =	vbroadcast v7, $0x0;
	[tilespmem:s7+$0xFFFFFFF0] =	vst v59;
	v63 =	vpsel !p6, $0x0, v61  }
0x12f: {  	s9 =	sadd.s32 $0x1, s9;
	[tilespmem:s7+$0x0] =	vst v4;
	v4 =	vmul.f32 v63, v13  }
0x130: {  	s29 =	sadd.s32 $0x40, s7;
	p0 =	sne.s32 s9, $0x14;
	[tilespmem:v5+s15+$0x0] =	vst.idx.msk $0x1, v58;
	v5 =	vmul.f32 v63, v15  }
.Ltmp2:
0x131: {  	[tilespmem:s29+$0xFFFFFFE0] =	vst v4;
	v4 =	vmul.f32 v63, v14;
	(pc) =	sbr.rel @p0 .LBB2_2-.Ltmp2, $4  }
0x132: {  	[tilespmem:s29+$0xFFFFFFF0] =	vst v5  }
0x133: {  	[tilespmem:s29+$0x0] =	vst v4  }
0x134: {  	s11 =	sadd.s32 $0x100, s11;
	s18 =	sadd.s32 $0x100, s18;
	[tilespmem:v62+s15+$0x0] =	vst.idx.msk $0x1, v63  }
0x135: {  	[spmem:s2] =	stream.indirect.scatter.add.f32 [tilespmem:s15], [sflag:$0x4], $0x40, s10, s25, $0xb8;
	[tilespmem:$0x16470] =	vst v63  }
0x136: {  	s6 =	simm.s32 $0x3  }
0x137: {  	_ =	swait.ge [sflag:s6], $0x2000  }
0x138: {  	[sflag:s6] =	ssyncset.done $0x0  }
0x139: {  	s20 =	simm.s32 $0x4;
	[sflag:s6] =	ssyncadd.s32 $0xFFFFE000  }
0x13a: {  	_ =	swait.ge [sflag:s20], $0x2000  }
0x13b: {  	[sflag:s20] =	ssyncset.done $0x0  }
0x13c: {  	[sflag:s20] =	ssyncadd.s32 $0xFFFFE000  }
0x13d: {  	[bflag:$0x0] =	sbarrier.arrive $0xFFFF  }
0x13e: {  	s28 =	rddreg [dreg:$0x8]  }
0x13f: {  	s9 =	rddreg [dreg:$0xd]  }
0x140: {  	[hbm:s28], [sflag:s23] =	dma.local [spmem:s9], $0x1388  }
0x141: {  	_ =	swait.ge [sflag:s22], $0x1388  }
0x142: {  	s30 =	sadd.s32 $0x1, s30;
	s29 =	rddreg [dreg:$0xb]  }
0x143: {  	p0 =	sne.s32 s30, s29  }
.Ltmp3:
0x144: {  	_ = 	snop;
	(pc) =	sbr.rel @p0 .LBB2_1-.Ltmp3, $3  }
0x145: {  	_ =	sdelay $0x1  }
0x146: {  	[sflag:s22] =	ssyncset.done $0x0  }
0x147: {  	s8 =	smov.u32 s23;
	[sflag:s22] =	ssyncadd.s32 $0xFFFFEC78  }
0x148: {  	_ =	sfence.sel $0x180000  }
0x149: {  	[bflag:$0x0] =	sbarrier.arrive $0xFFFF  }
0x14a: {  	_ =	strace $0x9000004A  }
0x14b: {  	s0 =	stileid.u32;
	[bflag:$0x2] =	sbarrier.arrive $0xFFFF  }
0x14c: {  	p0 =	sne.s32 s0, $0x0;
	s0 =	rddreg [dreg:$0x3]  }
0x14d: {  	s0 =	sadd.s32 @!p0 $0x100000, s0  }
0x14e: {  	[sflag:s0] =	ssyncadd.tile.s32 @!p0 $0x1;
	_ =	shalt  }
.Lfunc_end2:
_tile_overlayer_lowered:
.L_overlay_start_2:
0x14f: {  	(tag) =	ssettag $0x2  }
0x150: {  	s0 =	rddreg [dreg:$0x0];
	s2 =	stileid.u32  }
0x151: {  	s1 =	rddreg [dreg:$0x1];
	p0 =	sne.s32 s2, $0x0  }
0x152: {  	s3 =	rddreg [dreg:$0x2];
	[bflag:$0x3] =	sbarrier.arrive $0xFFFF;
	s2 =	simm.s32 @!p0 $0x1C05  }
0x153: {  	[timem:s3], [sflag:s2] =	dma.local @!p0 [hbm:s0], s1  }
0x154: {  	s0 =	simm.s32 @!p0 $0x5  }
0x155: {  	_ =	swait.ge @!p0 [sflag:s0], s1  }
0x156: {  	s1 =	ssub.s32 @!p0 $0x0, s1;
	[sflag:s0] =	ssyncset.done @!p0 $0x0  }
0x157: {  	[sflag:s0] =	ssyncadd.s32 @!p0 s1  }
0x158: {  	[bflag:$0x3] =	sbarrier.arrive $0xFFFF  }
0x159: {  	_ =	shalt  }

// kernel: kernel.7.cloned.1.call-start
scs
__scs_entry_jumppad:
0x0: {  	(pc) =	sbr.rel $0x88, $3  }
0x1: {  	(tag) =	ssettag $0x0;
	lr =	simm.s32 $0x1  }
0x2: {  	[smem:$0x3F97] =	sst lr;
	_ =	strace $0xD0000000  }
0x3: {  	_ = 	snop  }
0x4: {  	_ = 	snop  }
0x5: {  	_ = 	snop  }
0x6: {  	_ = 	snop  }
0x7: {  	_ = 	snop  }
__scs_overlays_trampoline_lowered:
0x8: {  	[smem:$0x3FA6] =	sst s0  }
0x9: {  	[smem:$0x3FA7] =	sst s1  }
0xa: {  	[smem:$0x3FA8] =	sst s2  }
0xb: {  	[smem:$0x3FA9] =	sst s3  }
0xc: {  	[smem:$0x3FAA] =	sst s4  }
0xd: {  	[smem:$0x3FAB] =	sst s5  }
0xe: {  	[smem:$0x3FAC] =	sst s6  }
0xf: {  	[smem:$0x3FAD] =	sst s7  }
0x10: {  	[smem:$0x3FAE] =	sst s8  }
0x11: {  	[smem:$0x3FAF] =	sst s9;
	s0 =	simm.s32 @!p0 $0x0  }
0x12: {  	s1 =	sld [smem:$0x3F95];
	s0 =	simm.s32 @p0 $0x1  }
0x13: {  	[smem:$0x3FB0] =	sst s0;
	s0 =	simm.s32 @!p1 $0x0  }
0x14: {  	s2 =	sld [smem:$0x3F94];
	s0 =	simm.s32 @p1 $0x1  }
0x15: {  	[smem:$0x3FB1] =	sst s0;
	s0 =	simm.s32 @!p2 $0x0  }
0x16: {  	s3 =	sld [smem:$0x3FDB];
	s0 =	simm.s32 @p2 $0x1  }
0x17: {  	s4 =	simm.s32 $0x1BF5;
	[smem:$0x3FB3] =	sst s0  }
0x18: {  	s0 =	sld [smem:$0x3F96];
	_ =	swait.ge [sflag:s4], $0x0  }
0x19: {  	s7 =	sld [smem:$0x3F97]  }
0x1a: {  	s8 =	sadd.s32 $0xFFFFE003, lr  }
0x1b: {  	s9 =	sadd.s32 $0xFFFFFEF7, lr;
	s5 =	simm.s32 $0xFFFFFFFF;
	p2 =	slt.u32 s8, $0xFFFFF086  }
0x1c: {  	p1 =	slt.u32 s9, $0xF7A;
	s5 =	simm.s32 @!p2 $0x0  }
0x1d: {  	s5 =	simm.s32 @p1 $0x1;
	p0 =	seq.s32 s7, s2  }
0x1e: {  	s7 =	smul.u32 @!p0 $0xF7A, s2;
	p2 =	seq.s32 @!p0 s5, $0x0  }
0x1f: {  	s9 =	smul.u32 $0xF7A, s1;
	s8 =	simm.s32 @!p0 $0x1BF5;
	p2 =	por !p2, p0  }
0x20: {  	[sflag:s8] =	ssyncset.s32 @!p0 $0xFFFFF086;
	s6 =	sadd.s32 @!p0 s3, s7;
	s7 =	simm.s32 @!p0 $0x108  }
0x21: {  	s3 =	sadd.s32 s3, s9;
	s6 =	sadd.s32 @!p0 $0x88, s6;
	s7 =	simm.s32 @p2 $0x1082  }
0x22: {  	[simem:s7], [sflag:s8] =	dma.local @!p0 [hbm:s6], $0xF7A  }
0x23: {  	s9 =	sor.u32 $0xD0000000, s2;
	s6 =	simm.s32 $0x108;
	_ =	swait.ge @!p0 [sflag:s8], $0x0  }
0x24: {  	s3 =	sadd.s32 $0x88, s3;
	s6 =	simm.s32 @!p1 $0x1082;
	[sflag:s4] =	ssyncset.s32 $0xFFFFF086  }
0x25: {  	[simem:s6], [sflag:s4] =	dma.local [hbm:s3], $0xF7A  }
0x26: {  	[smem:$0x3F97] =	sst s1;
	(tag) =	ssettag s2;
	_ =	strace s9  }
0x27: {  	s1 =	sld [smem:$0x3FA7]  }
0x28: {  	s2 =	sld [smem:$0x3FA8]  }
0x29: {  	s4 =	sld [smem:$0x3FAA]  }
0x2a: {  	p0 =	seq.s32 s5, $0x0;
	s5 =	sld [smem:$0x3FAB]  }
0x2b: {  	s6 =	sld [smem:$0x3FAC]  }
0x2c: {  	s7 =	sld [smem:$0x3FAD]  }
0x2d: {  	s3 =	simm.s32 $0x108;
	s8 =	sld [smem:$0x3FAE]  }
0x2e: {  	s3 =	simm.s32 @!p0 $0x1082;
	s9 =	sld [smem:$0x3FAF]  }
0x2f: {  	lr =	sadd.s32 s0, s3;
	s0 =	sld [smem:$0x3FA6]  }
0x30: {  	s3 =	sld [smem:$0x3FA9]  }
0x31: {  	[smem:$0x3FB2] =	sst s10  }
0x32: {  	s10 =	sld [smem:$0x3FB0];
	_ =	sdelay $0x3  }
0x33: {  	p0 =	seq.s32 s10, $0x1;
	s10 =	sld [smem:$0x3FB2];
	_ =	sdelay $0x3  }
0x34: {  	[smem:$0x3FB2] =	sst s10  }
0x35: {  	s10 =	sld [smem:$0x3FB1];
	_ =	sdelay $0x3  }
0x36: {  	p1 =	seq.s32 s10, $0x1;
	s10 =	sld [smem:$0x3FB2];
	_ =	sdelay $0x3  }
0x37: {  	[smem:$0x3FB2] =	sst s10  }
0x38: {  	s10 =	sld [smem:$0x3FB3]  }
0x39: {  	_ = 	snop;
	(pc) =	sbr.ind lr, $3  }
0x3a: {  	_ = 	snop  }
0x3b: {  	_ = 	snop  }
0x3c: {  	p2 =	seq.s32 s10, $0x1;
	s10 =	sld [smem:$0x3FB2]  }
0x3d: {  	_ =	shalt  }
0x3e: {  	_ =	shalt  }
0x3f: {  	_ =	shalt  }
0x40: {  	_ =	shalt  }
0x41: {  	_ =	shalt  }
0x42: {  	_ =	shalt  }
0x43: {  	_ =	shalt  }
0x44: {  	_ =	shalt  }
0x45: {  	_ =	shalt  }
0x46: {  	_ =	shalt  }
0x47: {  	_ =	shalt  }
0x48: {  	_ =	shalt  }
0x49: {  	_ =	shalt  }
0x4a: {  	_ =	shalt  }
0x4b: {  	_ =	shalt  }
0x4c: {  	_ =	shalt  }
0x4d: {  	_ =	shalt  }
0x4e: {  	_ =	shalt  }
0x4f: {  	_ =	shalt  }
0x50: {  	_ =	shalt  }
0x51: {  	_ =	shalt  }
0x52: {  	_ =	shalt  }
0x53: {  	_ =	shalt  }
0x54: {  	_ =	shalt  }
0x55: {  	_ =	shalt  }
0x56: {  	_ =	shalt  }
0x57: {  	_ =	shalt  }
0x58: {  	_ =	shalt  }
0x59: {  	_ =	shalt  }
0x5a: {  	_ =	shalt  }
0x5b: {  	_ =	shalt  }
0x5c: {  	_ =	shalt  }
0x5d: {  	_ =	shalt  }
0x5e: {  	_ =	shalt  }
0x5f: {  	_ =	shalt  }
0x60: {  	_ =	shalt  }
0x61: {  	_ =	shalt  }
0x62: {  	_ =	shalt  }
0x63: {  	_ =	shalt  }
0x64: {  	_ =	shalt  }
0x65: {  	_ =	shalt  }
0x66: {  	_ =	shalt  }
0x67: {  	_ =	shalt  }
0x68: {  	_ =	shalt  }
0x69: {  	_ =	shalt  }
0x6a: {  	_ =	shalt  }
0x6b: {  	_ =	shalt  }
0x6c: {  	_ =	shalt  }
0x6d: {  	_ =	shalt  }
0x6e: {  	_ =	shalt  }
0x6f: {  	_ =	shalt  }
0x70: {  	_ =	shalt  }
0x71: {  	_ =	shalt  }
0x72: {  	_ =	shalt  }
0x73: {  	_ =	shalt  }
0x74: {  	_ =	shalt  }
0x75: {  	_ =	shalt  }
0x76: {  	_ =	shalt  }
0x77: {  	_ =	shalt  }
0x78: {  	_ =	shalt  }
0x79: {  	_ =	shalt  }
0x7a: {  	_ =	shalt  }
0x7b: {  	_ =	shalt  }
0x7c: {  	_ =	shalt  }
0x7d: {  	_ =	shalt  }
0x7e: {  	_ =	shalt  }
0x7f: {  	_ =	shalt  }
0x80: {  	_ =	shalt  }
0x81: {  	_ =	shalt  }
0x82: {  	_ =	shalt  }
0x83: {  	_ =	shalt  }
0x84: {  	_ =	shalt  }
0x85: {  	_ =	shalt  }
0x86: {  	_ =	shalt  }
0x87: {  	_ =	shalt  }
.Lfunc_end0:
.L_simem_size_0:
called_computation_lowered:
.L_overlay_start_0:
0x88: {  	s2 =	sld [smem:$0x3FD9]  }
0x89: {  	s3 =	sld [smem:$0x3FFE];
	_ =	sdelay $0x1  }
0x8a: {  	s1 =	srdreg.scid  }
0x8b: {  	s0 =	sand.u32 $0x1, s1  }
0x8c: {  	s17 =	sshll.u32 s0, $0xA;
	s2 =	sadd.s32 s3, s2  }
0x8d: {  	s2 =	sadd.s32 s2, s17  }
0x8e: {  	[smem:$0x3FBE] =	sst s2  }
0x8f: {  	_ = 	snop  }
0x90: {  	s2 =	sld [smem:$0x3FD0];
	(tm) =	ssettm $0x1  }
0x91: {  	s18 =	sld [smem:$0x3FFB];
	_ =	sdelay $0x3  }
0x92: {  	_ =	strace s18  }
0x93: {  	s3 =	sld [smem:$0x3FFC];
	_ =	sdelay $0x3  }
0x94: {  	_ =	strace s3  }
0x95: {  	s3 =	sld [smem:$0x3FFD];
	_ =	sdelay $0x3  }
0x96: {  	_ =	strace s3  }
0x97: {  	_ =	strace $0x8FFFFFFF  }
0x98: {  	s19 =	sld [smem:$0x3FDB];
	_ =	sdelay $0x1  }
0x99: {  	s4 =	simm.s32 $_scs_section_size  }
0x9a: {  	s5 =	simm.s32 $_size__tile_overlayer_lowered;
	s6 =	simm.s32 $_tile_overlayer_lowered  }
0x9b: {  	s22 =	simm.s32 $0x1BFF;
	s21 =	sshll.u32 s6, $0x1;
	s3 =	sadd.s32 s4, s19  }
0x9c: {  	s7 =	simm.s32 $0x0;
	s20 =	sshll.u32 s5, $0x1;
	s5 =	sadd.s32 s21, s3  }
0x9d: {  	[timem:s7], [sflag:s22] =	dma.local [hbm:s5], s20  }
0x9e: {  	_ =	swait.ge [sflag:s22], s20  }
0x9f: {  	s4 =	ssub.s32 $0x0, s20;
	[sflag:s22] =	ssyncset.done $0x0  }
0xa0: {  	[sflag:s22] =	ssyncadd.s32 s4;
	_ =	sdelay $0x1  }
0xa1: {  	s23 =	simm.s32 $0x1B8B  }
0xa2: {  	_ =	swait.ge [sflag:s23], $0x1  }
0xa3: {  	[sflag:s23] =	ssyncset.done $0x0  }
0xa4: {  	s25 =	simm.s32 $0x1B8E;
	s24 =	sld [smem:$0x3FFE];
	[sflag:s23] =	ssyncadd.s32 $0xFFFFFFFF  }
0xa5: {  	s26 =	simm.s32 $execute0_lowered;
	[smem:$0x3FD2] =	sst s25  }
0xa6: {  	s5 =	sshll.u32 s26, $0x1;
	_ =	strace $0x80000046;
	[dreg:$0x1] =	wrdreg $0xFFFFFFFF  }
0xa7: {  	s28 =	simm.s32 $_size_execute0_lowered;
	s3 =	sadd.s32 s3, s5;
	[dreg:$0x0] =	wrdreg $0x0  }
0xa8: {  	s5 =	sshll.u32 s28, $0x1;
	[dreg:$0x2] =	wrdreg s3  }
0xa9: {  	[dreg:$0x3] =	wrdreg s5  }
0xaa: {  	[dreg:$0x4] =	wrdreg $0xC0  }
0xab: {  	_ =	task [dreg:s7], $0x5FFFF  }
0xac: {  	[dreg:$0x1] =	wrdreg $0xFFFFFFFF  }
0xad: {  	[dreg:$0x0] =	wrdreg $0x60  }
0xae: {  	[dreg:$0x2] =	wrdreg s24  }
0xaf: {  	[dreg:$0x3] =	wrdreg s2  }
0xb0: {  	[dreg:$0x4] =	wrdreg $0x0  }
0xb1: {  	[dreg:$0x5] =	wrdreg $0x9  }
0xb2: {  	_ =	task.clear_ibuf [dreg:s7], $0x6FFFF;
	_ =	strace $0x90000046  }
0xb3: {  	s29 =	simm.s32 $0x9;
	_ =	strace $0x80000048  }
0xb4: {  	_ =	swait.ge [sflag:s29], $0x1  }
0xb5: {  	[sflag:s29] =	ssyncadd.s32 $0xFFFFFFFF  }
0xb6: {  	_ =	strace $0x90000048  }
0xb7: {  	_ =	sfence  }
0xb8: {  	s30 =	sld [smem:$0x0];
	_ =	sdelay $0x2  }
0xb9: {  	s31 =	sshll.u32 s1, $0xD;
	s1 =	sshrl.u32 s1, $0x2  }
0xba: {  	s3 =	sand.u32 $0x4000, s31;
	s1 =	sadd.s32 s1, s30  }
0xbb: {  	s0 =	sor.u32 s3, s0;
	s1 =	sshll.u32 s1, $0x11  }
0xbc: {  	s0 =	sor.u32 s1, s0  }
0xbd: {  	s0 =	sadd.s32 $0x8F2B, s0  }
0xbe: {  	[sflag:s0] =	ssyncadd.remote.s32 $0x1  }
0xbf: {  	_ =	sfence.sel $0xFFFF  }
0xc0: {  	[dreg:$0x0] =	wrdreg $0xFFFFFFFF;
	(pc) =	sbr.abs _section_cstart, $3  }
0xc1: {  	[dreg:$0x1] =	wrdreg $0xFFFFFFFF  }
0xc2: {  	_ =	task.clear_ibuf [dreg:s7], $0x2FFFF;
	_ =	strace $0x9FFFFFFF  }
0xc3: {  	(tm) =	ssettm $0x7FFFFFFF  }
tec
execute0_lowered:
.L_overlay_start_1:
0x0: {  	(tag) =	ssettag $0x1  }
0x1: {  	s1 =	rddreg [dreg:$0x0]  }
0x2: {  	s0 =	srdreg.scid;
	s3 =	rddreg [dreg:$0x1]  }
0x3: {  	s9 =	stileid.u32;
	s8 =	rddreg [dreg:$0x2]  }
0x4: {  	s6 =	simm.s32 $0x0;
	s19 =	simm.s32 $0x16B50;
	s20 =	simm.s32 $0x19350  }
0x5: {  	s0 =	sand.u32 $0x1, s0;
	s2 =	sshll.u32 s9, $0x1;
	s5 =	smul.u32 $0xC350, s9  }
0x6: {  	[smem:$0x7FF] =	sst s6;
	s7 =	sadd.s32 $0x1A000, s1;
	s22 =	sadd.s32 $0x6600, s1  }
0x7: {  	s23 =	sadd.s32 $0x2DA00, s1;
	s28 =	smul.u32 $0x2800, s9;
	s2 =	sor.u32 s0, s2  }
0x8: {  	s21 =	smul.u32 $0xC3500, s0;
	_ =	strace $0x80000047;
	[dreg:$0x4] =	wrdreg s7  }
0x9: {  	v0 =	vimm.s32 $0xBA98FEDC;
	v1 =	vimm.s32 $0x32107654;
	[dreg:$0x5] =	wrdreg s22;
	s24 =	ssub.s32 $0x2, s0;
	s0 =	smul.u32 $0x1400, s0  }
0xa: {  	v2 =	vimm.s32 $0xDCFE98BA;
	v3 =	vimm.s32 $0x54761032;
	s10 =	sadd.s32 $0x2DC00, s1;
	[dreg:$0x6] =	wrdreg s23;
	s4 =	smul.u32 $0x280, s2  }
0xb: {  	v4 =	vimm.s32 $0xEFCDAB89;
	v0 =	vunpack.c.l.s4.s8 v0;
	v1 =	vunpack.c.l.s4.s8 v1;
	[dreg:$0x7] =	wrdreg s10;
	s2 =	smul.u32 $0x1400, s2;
	s26 =	sadd.s32 s5, s8  }
0xc: {  	v5 =	vimm.s32 $0x67452301;
	v2 =	vunpack.c.l.s4.s8 v2;
	v3 =	vunpack.c.l.s4.s8 v3;
	s6 =	sadd.s32 s5, s21;
	s5 =	sshrl.u32 s5, $0x3;
	s0 =	sadd.s32 s0, s28  }
0xd: {  	s31 =	sshll.u32 s9, $0x6;
	v4 =	vunpack.c.l.s4.s8 v4;
	v0 =	vunpack.c.0.s8.s32 v0;
	v1 =	vunpack.c.0.s8.s32 v1;
	s5 =	sadd.s32 s10, s5;
	[dreg:$0xd] =	wrdreg s0  }
0xe: {  	v5 =	vunpack.c.l.s4.s8 v5;
	v2 =	vunpack.c.0.s8.s32 v2;
	v3 =	vunpack.c.0.s8.s32 v3;
	s2 =	sshrl.u32 s2, $0x3;
	s0 =	sor.u32 $0x80, s0;
	[dreg:$0x8] =	wrdreg s5  }
0xf: {  	s4 =	sadd.s32 s4, s1;
	v0 =	vcombine.low v1, v0;
	s2 =	sadd.s32 s3, s2;
	[dreg:$0xe] =	wrdreg s0  }
0x10: {  	s25 =	sshrl.u32 s24, $0x1;
	v1 =	vcombine.low v3, v2;
	v2 =	vunpack.c.0.s8.s32 v4;
	v3 =	vunpack.c.0.s8.s32 v5;
	s29 =	sadd.s32 $0x1600, s4;
	[dreg:$0x9] =	wrdreg s2  }
0x11: {  	s6 =	sshrl.u32 s6, $0x3;
	s4 =	sor.u32 $0x1C05, s31;
	[dreg:$0xa] =	wrdreg s29  }
0x12: {  	vm0 =	vcmask $0x2320;
	vm1 =	vcmask $0x300;
	s1 =	sadd.s32 s6, s1;
	s5 =	sshrl.u32 s26, $0x3;
	v2 =	vcombine.low v3, v2;
	[dreg:$0xf] =	wrdreg s4  }
0x13: {  	vm0 =	vmor vm1, vm0;
	s6 =	ssub.s32 s24, s25;
	s1 =	sadd.s32 $0x46400, s1;
	v0 =	vand.u32 $0xF, v0;
	v3 =	vlaneseq.u32;
	[dreg:$0x10] =	wrdreg s5  }
0x14: {  	s3 =	simm.s32 $0x5;
	s30 =	smax.u32 s6, $0x1;
	v1 =	vand.u32 $0xF, v1;
	[dreg:$0xb] =	wrdreg s1;
	v3 =	vshrl.u32 v3, $0x3;
	v2 =	vand.u32 $0xF, v2  }
0x15: {  	s26 =	simm.s32 $0x2;
	[dreg:$0xc] =	wrdreg s30;
	s1 =	simm.s32 $0x0;
	v4 =	vor.u32 $0x2, v3;
	v5 =	vor.u32 $0x4, v3;
	v6 =	vor.u32 $0x6, v3  }
.LBB2_1:
0x16: {  	[dreg:$0x11] =	wrdreg s1  }
0x17: {  	s0 =	simm.s32 $0x0;
	s12 =	rddreg [dreg:$0x6];
	s2 =	simm.s32 $0x1BB50  }
0x18: {  	[tilespmem:s2], [sflag:$0x5] =	stream.linear.gather [hbm4b:s12+s0], $0x40, $0x38;
	[tilespmem:$0x1BB90] =	vst v63  }
0x19: {  	_ =	swait.ge [sflag:s3], $0x40  }
0x1a: {  	[sflag:s3] =	ssyncset.done $0x0  }
0x1b: {  	s13 =	rddreg [dreg:$0x8];
	[sflag:s3] =	ssyncadd.s32 $0xFFFFFFC0  }
0x1c: {  	[spmem:s5], [sflag:s4] =	dma.local [hbm:s13], $0x186A  }
0x1d: {  	_ =	swait.ge [sflag:s3], $0x186A  }
0x1e: {  	[sflag:s3] =	ssyncset.done $0x0  }
0x1f: {  	s14 =	rddreg [dreg:$0x7];
	[sflag:s3] =	ssyncadd.s32 $0xFFFFE796  }
0x20: {  	[tilespmem:s19], [sflag:$0x5] =	stream.linear.gather [hbm4b:s14+s0], $0x2800, $0x38;
	[tilespmem:$0x1BB90] =	vst v63  }
0x21: {  	_ =	swait.ge [sflag:s3], $0x2800  }
0x22: {  	[sflag:s3] =	ssyncset.done $0x0  }
0x23: {  	[sflag:s3] =	ssyncadd.s32 $0xFFFFD800  }
0x24: {  	[tilespmem:s20], [sflag:$0x5] =	stream.linear.gather [hbm4b:s14+s0], $0x2800, $0x38;
	[tilespmem:$0x1BB90] =	vst v63  }
0x25: {  	_ =	swait.ge [sflag:s3], $0x2800  }
0x26: {  	[sflag:s3] =	ssyncset.done $0x0  }
0x27: {  	s16 =	simm.s32 $0xC350;
	s15 =	rddreg [dreg:$0x9];
	[sflag:s3] =	ssyncadd.s32 $0xFFFFD800  }
0x28: {  	[tilespmem:s16], [sflag:$0x5] =	stream.linear.gather [hbm4b:s15+s0], $0x1400, $0x38;
	[tilespmem:$0x1BB90] =	vst v63  }
0x29: {  	_ =	swait.ge [sflag:s3], $0x1400  }
0x2a: {  	[sflag:s3] =	ssyncset.done $0x0  }
0x2b: {  	s18 =	simm.s32 $0xD750;
	s17 =	rddreg [dreg:$0xa];
	[sflag:s3] =	ssyncadd.s32 $0xFFFFEC00  }
0x2c: {  	[tilespmem:s18], [sflag:$0x5] =	stream.linear.gather [hbm4b:s17+s0], $0x1400, $0x38;
	[tilespmem:$0x1BB90] =	vst v63  }
0x2d: {  	_ =	swait.ge [sflag:s3], $0x1400  }
0x2e: {  	[sflag:s3] =	ssyncset.done $0x0  }
0x2f: {  	[sflag:s3] =	ssyncadd.s32 $0xFFFFEC00  }
0x30: {  	[bflag:$0x0] =	sbarrier.arrive $0xFFFF  }
0x31: {  	s22 =	simm.s32 $0x40;
	s23 =	simm.s32 $0xEB50;
	s21 =	rddreg [dreg:$0x4]  }
0x32: {  	[tilespmem:s23], [sflag:$0x1] =	stream.indirect.gather [hbm4b:s21+s22], $0x40, s16, s22, $0xb8;
	[tilespmem:$0x1BB90] =	vst v63  }
0x33: {  	s25 =	simm.s32 $0x10B50;
	s24 =	rddreg [dreg:$0x5]  }
0x34: {  	[tilespmem:s25], [sflag:$0x1] =	stream.indirect.gather [hbm4b:s24+s22], $0x40, s18, s22, $0xb8;
	[tilespmem:$0x1BB90] =	vst v63  }
0x35: {  	s28 =	simm.s32 $0xC390;
	s29 =	simm.s32 $0xFB50  }
0x36: {  	[tilespmem:s29], [sflag:$0x1] =	stream.indirect.gather [hbm4b:s21+s22], $0x40, s28, s22, $0xb8;
	[tilespmem:$0x1BB90] =	vst v63  }
0x37: {  	s30 =	simm.s32 $0xD790;
	s31 =	simm.s32 $0x11B50;
	s14 =	rddreg [dreg:$0xe]  }
0x38: {  	[tilespmem:s31], [sflag:$0x1] =	stream.indirect.gather [hbm4b:s24+s22], $0x40, s30, s22, $0xb8;
	[tilespmem:$0x1BB90] =	vst v63  }
0x39: {  	s13 =	rddreg [dreg:$0xd];
	s22 =	simm.s32 $0x0  }
.LBB2_2:
0x3a: {  	s9 =	sshll.u32 s22, $0x8;
	s1 =	rddreg [dreg:$0x4]  }
0x3b: {  	s3 =	simm.s32 $0x40;
	s2 =	simm.s32 $0x12B50;
	s0 =	sadd.s32 $0xC3D0, s9  }
0x3c: {  	[tilespmem:s2], [sflag:$0x2] =	stream.indirect.gather [hbm4b:s1+s3], $0x40, s0, s3, $0xb8;
	[tilespmem:$0x1BB90] =	vst v63  }
0x3d: {  	s21 =	rddreg [dreg:$0x5];
	s23 =	simm.s32 $0x14B50;
	s4 =	sadd.s32 $0xD7D0, s9  }
0x3e: {  	[tilespmem:s23], [sflag:$0x2] =	stream.indirect.gather [hbm4b:s21+s3], $0x40, s4, s3, $0xb8;
	[tilespmem:$0x1BB90] =	vst v63  }
0x3f: {  	s25 =	simm.s32 $0x13B50;
	s5 =	simm.s32 $0x1;
	s24 =	sadd.s32 $0xC410, s9  }
0x40: {  	[tilespmem:s25], [sflag:$0x2] =	stream.indirect.gather [hbm4b:s1+s3], $0x40, s24, s3, $0xb8;
	[tilespmem:$0x1BB90] =	vst v63  }
0x41: {  	[dreg:$0x12] =	wrdreg s4;
	s4 =	simm.s32 $0x15B50;
	s1 =	sadd.s32 $0xD810, s9  }
0x42: {  	[tilespmem:s4], [sflag:$0x2] =	stream.indirect.gather [hbm4b:s21+s3], $0x40, s1, s3, $0xb8;
	[tilespmem:$0x1BB90] =	vst v63  }
0x43: {  	_ =	swait.ge [sflag:s5], $0x1000  }
0x44: {  	[sflag:s5] =	ssyncset.done $0x0  }
0x45: {  	[sflag:s5] =	ssyncadd.s32 $0xFFFFF000  }
0x46: {  	_ =	swait.ge [sflag:s5], $0x1000  }
0x47: {  	[sflag:s5] =	ssyncset.done $0x0  }
0x48: {  	[sflag:s5] =	ssyncadd.s32 $0xFFFFF000  }
0x49: {  	_ =	swait.ge [sflag:s5], $0x1000  }
0x4a: {  	[sflag:s5] =	ssyncset.done $0x0  }
0x4b: {  	[sflag:s5] =	ssyncadd.s32 $0xFFFFF000  }
0x4c: {  	_ =	swait.ge [sflag:s5], $0x1000  }
0x4d: {  	p0 =	seq.s32 s22, $0x0;
	[sflag:s5] =	ssyncset.done $0x0  }
0x4e: {  	s0 =	simm.s32 @!p0 $0x3;
	[sflag:s5] =	ssyncadd.s32 $0xFFFFF000  }
0x4f: {  	s1 =	simm.s32 @!p0 $0x0;
	_ =	swait.ge @!p0 [sflag:s0], $0x2800  }
0x50: {  	s1 =	simm.s32 @p0 $0x1;
	[sflag:s0] =	ssyncset.done @!p0 $0x0  }
0x51: {  	s25 =	simm.s32 $0xEB70;
	[smem:$0x7FB] =	sst s1;
	[sflag:s0] =	ssyncadd.s32 @!p0 $0xFFFFD800  }
0x52: {  	s15 =	simm.s32 $0x10B70;
	v7 =	vld [tilespmem:s25+$0xFFFFFFE0]  }
0x53: {  	v8 =	vld [tilespmem:s15+$0xFFFFFFE0];
	_ =	sdelay $0x4  }
0x54: {  	v9 =	vld [tilespmem:$0x1BB50];
	v8 =	vadd.f32 v8, v7;
	_ =	sdelay $0x1  }
0x55: {  	v10 =	vmul.f32 $2.000000030e-01, v8;
	_ =	sdelay $0x1  }
0x56: {  	v8 =	vmax.f32 v8, v10  }
0x57: {  	v8 =	vmul.f32 v8, v9;
	_ =	sdelay $0x1  }
0x58: {  	v9 =	vperm.xlane v8, v0;
	_ =	sdelay $0x1  }
0x59: {  	v8 =	vadd.f32 v8, v9;
	_ =	sdelay $0x1  }
0x5a: {  	v9 =	vperm.xlane v8, v1;
	_ =	sdelay $0x1  }
0x5b: {  	v8 =	vadd.f32 v8, v9  }
0x5c: {  	s0 =	simm.s32 $0x10BB0  }
0x5d: {  	s2 =	simm.s32 $0xEBB0;
	v11 =	vld [tilespmem:s0+$0xFFFFFFE0];
	v9 =	vperm.xlane v8, v2  }
0x5e: {  	v10 =	vld [tilespmem:s2+$0xFFFFFFE0]  }
0x5f: {  	v8 =	vadd.f32 v8, v9;
	_ =	sdelay $0x1  }
0x60: {  	v8 =	vmul.f32 $1.442695020e+00, v8;
	_ =	sdelay $0x1  }
0x61: {  	v9 =	vadd.f32 v11, v10;
	(erf) = vpow2.f32 v8;
	v8 =	vld [tilespmem:$0x1BB50];
	_ =	sdelay $0x1  }
0x62: {  	s6 =	simm.s32 $0x0;
	v12 =	vmul.f32 $2.000000030e-01, v9  }
0x63: {  	v11 =	vmov s6  }
0x64: {  	v11 =	vmul.u32 $0x50, v11;
	v9 =	vmax.f32 v9, v12  }
0x65: {  	v8 =	vmul.f32 v9, v8  }
0x66: {  	v11 =	vadd.s32 $0x40, v11  }
0x67: {  	v15 =	vbroadcast v11, $0x0;
	v9 =	vperm.xlane v8, v0  }
0x68: {  	s7 =	sadd.s32 $0x0, s13  }
0x69: {  	p1 =	slt.s32 s7, $0x27100;
	v11 =	vor.u32 v3, v15;
	v12 =	vpop (erf);
	v8 =	vadd.f32 v8, v9  }
0x6a: {  	v9 =	vpsel !p1, $0x0, v12  }
0x6b: {  	v7 =	vmul.f32 v9, v7;
	v12 =	vperm.xlane v8, v1  }
0x6c: {  	s10 =	simm.s32 $0x16B70;
	s3 =	simm.s32 $0xEBF0  }
0x6d: {  	s1 =	simm.s32 $0x10BF0;
	v13 =	vld [tilespmem:s3+$0xFFFFFFE0];
	[tilespmem:s10+$0xFFFFFFE0] =	vst v7;
	v7 =	vadd.f32 v8, v12  }
0x6e: {  	v8 =	vld [tilespmem:s1+$0xFFFFFFE0];
	[tilespmem:v11+s19+$0x0] =	vst.idx.msk vm0, v9  }
0x6f: {  	v9 =	vld [tilespmem:s25+$0xFFFFFFF0];
	v11 =	vperm.xlane v7, v2  }
0x70: {  	v12 =	vld [tilespmem:s15+$0xFFFFFFF0]  }
0x71: {  	v7 =	vadd.f32 v7, v11;
	_ =	sdelay $0x1  }
0x72: {  	v11 =	vld [tilespmem:$0x1BB50];
	v8 =	vadd.f32 v8, v13;
	v7 =	vmul.f32 $1.442695020e+00, v7;
	_ =	sdelay $0x1  }
0x73: {  	v14 =	vld [tilespmem:$0x1BB60];
	v12 =	vadd.f32 v12, v9;
	v16 =	vmul.f32 $2.000000030e-01, v8;
	(erf) = vpow2.f32 v7;
	_ =	sdelay $0x1  }
0x74: {  	s8 =	simm.s32 $0x1;
	v7 =	vmul.f32 $2.000000030e-01, v12;
	v8 =	vmax.f32 v8, v16  }
0x75: {  	v16 =	vmov s8;
	v8 =	vmul.f32 v8, v11  }
0x76: {  	v11 =	vmul.u32 $0x50, v16;
	v7 =	vmax.f32 v12, v7  }
0x77: {  	v12 =	vmul.f32 v7, v14;
	v14 =	vperm.xlane v8, v0  }
0x78: {  	v7 =	vadd.s32 $0x40, v11  }
0x79: {  	v7 =	vbroadcast v7, $0x0;
	v11 =	vperm.xlane v12, v0;
	v8 =	vadd.f32 v8, v14  }
0x7a: {  	s11 =	sadd.s32 $0x1, s13  }
0x7b: {  	p6 =	slt.s32 s11, $0x27100;
	v11 =	vadd.f32 v12, v11;
	v12 =	vor.u32 v3, v7;
	v16 =	vperm.xlane v8, v1;
	v14 =	vpop (erf)  }
0x7c: {  	v14 =	vpsel !p6, $0x0, v14  }
0x7d: {  	v17 =	vperm.xlane v11, v1;
	v8 =	vadd.f32 v8, v16;
	v10 =	vmul.f32 v14, v10  }
0x7e: {  	s16 =	simm.s32 $0xEC30;
	s11 =	simm.s32 $0x16BC0  }
0x7f: {  	s31 =	simm.s32 $0x10C30;
	v16 =	vld [tilespmem:s16+$0xFFFFFFE0];
	v11 =	vadd.f32 v11, v17;
	[tilespmem:s11+$0xFFFFFFE0] =	vst v10;
	v10 =	vperm.xlane v8, v2  }
0x80: {  	v17 =	vld [tilespmem:s31+$0xFFFFFFE0];
	[tilespmem:v12+s19+$0x0] =	vst.idx.msk vm0, v14  }
0x81: {  	v12 =	vperm.xlane v11, v2;
	v8 =	vadd.f32 v8, v10;
	v10 =	vld [tilespmem:s2+$0xFFFFFFF0]  }
0x82: {  	v14 =	vld [tilespmem:s0+$0xFFFFFFF0]  }
0x83: {  	v11 =	vadd.f32 v11, v12  }
0x84: {  	v8 =	vmul.f32 $1.442695020e+00, v8  }
0x85: {  	v11 =	vmul.f32 $1.442695020e+00, v11  }
0x86: {  	v12 =	vadd.f32 v17, v16;
	(erf) = vpow2.f32 v8;
	v8 =	vld [tilespmem:$0x1BB50]  }
0x87: {  	(erf) = vpow2.f32 v11;
	v11 =	vadd.f32 v14, v10  }
0x88: {  	v17 =	vmul.f32 $2.000000030e-01, v12;
	v14 =	vld [tilespmem:$0x1BB60]  }
0x89: {  	s12 =	simm.s32 $0x2;
	v18 =	vmul.f32 $2.000000030e-01, v11  }
0x8a: {  	v12 =	vmax.f32 v12, v17;
	v17 =	vmov s12  }
0x8b: {  	v12 =	vmul.f32 v12, v8;
	v8 =	vmax.f32 v11, v18;
	v11 =	vmul.u32 $0x50, v17;
	_ =	sdelay $0x1  }
0x8c: {  	v14 =	vmul.f32 v8, v14  }
0x8d: {  	p1 =	por p1, p1;
	v17 =	vperm.xlane v12, v0  }
0x8e: {  	p1 =	por p1, p1;
	v8 =	vadd.s32 $0x40, v11;
	v18 =	vperm.xlane v14, v0;
	v11 =	vpop (erf)  }
0x8f: {  	p2 =	por p1, p1;
	v8 =	vbroadcast v8, $0x0;
	v12 =	vadd.f32 v12, v17;
	v17 =	vor.u32 v4, v15;
	v19 =	vpop (erf)  }
0x90: {  	s17 =	sadd.s32 $0x2, s13;
	s29 =	simm.s32 $0xEC70;
	v14 =	vadd.f32 v14, v18;
	v18 =	vpsel !p2, $0x0, v19  }
0x91: {  	s28 =	simm.s32 $0x10C70;
	p4 =	slt.s32 s17, $0x27100;
	v21 =	vld [tilespmem:s29+$0xFFFFFFE0];
	v19 =	vor.u32 v3, v8;
	v20 =	vperm.xlane v12, v1;
	v9 =	vmul.f32 v18, v9  }
0x92: {  	v23 =	vld [tilespmem:s28+$0xFFFFFFE0];
	v11 =	vpsel !p4, $0x0, v11;
	v22 =	vperm.xlane v14, v1  }
0x93: {  	v13 =	vmul.f32 v11, v13;
	v20 =	vadd.f32 v12, v20;
	[tilespmem:s10+$0xFFFFFFF0] =	vst v9  }
0x94: {  	s12 =	simm.s32 $0x16C10;
	v9 =	vld [tilespmem:$0x1BB50];
	v14 =	vadd.f32 v14, v22;
	[tilespmem:v17+s19+$0x0] =	vst.idx.msk vm0, v18  }
0x95: {  	[tilespmem:s12+$0xFFFFFFE0] =	vst v13;
	v13 =	vperm.xlane v20, v2;
	v12 =	vld [tilespmem:s25+$0x0]  }
0x96: {  	[tilespmem:v19+s19+$0x0] =	vst.idx.msk vm0, v11;
	v17 =	vperm.xlane v14, v2;
	v18 =	vld [tilespmem:s15+$0x0]  }
0x97: {  	v19 =	vadd.f32 v23, v21;
	v13 =	vadd.f32 v20, v13;
	v11 =	vld [tilespmem:s3+$0xFFFFFFF0]  }
0x98: {  	v20 =	vld [tilespmem:s1+$0xFFFFFFF0];
	v14 =	vadd.f32 v14, v17  }
0x99: {  	v17 =	vmul.f32 $2.000000030e-01, v19;
	v13 =	vmul.f32 $1.442695020e+00, v13  }
0x9a: {  	v14 =	vmul.f32 $1.442695020e+00, v14  }
0x9b: {  	v17 =	vmax.f32 v19, v17;
	(erf) = vpow2.f32 v13  }
0x9c: {  	v13 =	vadd.f32 v18, v12;
	v18 =	vld [tilespmem:$0x1BB70];
	v9 =	vmul.f32 v17, v9;
	(erf) = vpow2.f32 v14  }
0x9d: {  	v17 =	vld [tilespmem:$0x1BB60];
	v14 =	vadd.f32 v20, v11  }
0x9e: {  	v19 =	vmul.f32 $2.000000030e-01, v13;
	v20 =	vperm.xlane v9, v0  }
0x9f: {  	v22 =	vmul.f32 $2.000000030e-01, v14  }
0xa0: {  	s18 =	simm.s32 $0x3;
	v13 =	vmax.f32 v13, v19;
	v19 =	vadd.f32 v9, v20  }
0xa1: {  	v13 =	vmul.f32 v13, v18;
	v18 =	vmov s18;
	v9 =	vmax.f32 v14, v22  }
0xa2: {  	v14 =	vmul.u32 $0x50, v18;
	v17 =	vmul.f32 v9, v17;
	v18 =	vperm.xlane v19, v1  }
0xa3: {  	p0 =	por p6, p6;
	v9 =	vperm.xlane v13, v0  }
0xa4: {  	p0 =	por p0, p0;
	v14 =	vadd.s32 $0x40, v14;
	v22 =	vperm.xlane v17, v0;
	v18 =	vadd.f32 v19, v18;
	v20 =	vpop (erf)  }
0xa5: {  	p1 =	por p0, p0;
	v13 =	vadd.f32 v13, v9;
	v9 =	vbroadcast v14, $0x0;
	v14 =	vor.u32 v4, v7;
	v19 =	vpop (erf)  }
0xa6: {  	s30 =	simm.s32 $0x10CB0;
	s21 =	sadd.s32 $0x3, s13;
	v22 =	vadd.f32 v17, v22;
	v25 =	vperm.xlane v18, v2;
	v19 =	vpsel !p1, $0x0, v19  }
0xa7: {  	p3 =	slt.s32 s21, $0x27100;
	v26 =	vld [tilespmem:s30+$0xFFFFFFE0];
	s18 =	simm.s32 $0xECB0;
	v23 =	vperm.xlane v13, v1;
	v24 =	vor.u32 v3, v9;
	v10 =	vmul.f32 v19, v10  }
0xa8: {  	v17 =	vld [tilespmem:s18+$0xFFFFFFE0];
	v20 =	vpsel !p3, $0x0, v20;
	v27 =	vperm.xlane v22, v1  }
0xa9: {  	v16 =	vmul.f32 v20, v16;
	v18 =	vadd.f32 v18, v25;
	v13 =	vadd.f32 v13, v23;
	[tilespmem:s11+$0xFFFFFFF0] =	vst v10  }
0xaa: {  	s6 =	simm.s32 $0x16C60;
	v10 =	vld [tilespmem:$0x1BB50];
	v22 =	vadd.f32 v22, v27;
	[tilespmem:v14+s19+$0x0] =	vst.idx.msk vm0, v19  }
0xab: {  	[tilespmem:s6+$0xFFFFFFE0] =	vst v16;
	v16 =	vmul.f32 $1.442695020e+00, v18;
	v19 =	vperm.xlane v13, v2;
	v14 =	vld [tilespmem:s2+$0x0]  }
0xac: {  	[tilespmem:v24+s19+$0x0] =	vst.idx.msk vm0, v20;
	v18 =	vperm.xlane v22, v2;
	v20 =	vld [tilespmem:s0+$0x0]  }
0xad: {  	v23 =	vadd.f32 v26, v17;
	(erf) = vpow2.f32 v16;
	v19 =	vadd.f32 v13, v19;
	v13 =	vld [tilespmem:s16+$0xFFFFFFF0]  }
0xae: {  	s23 =	simm.s32 $0x4;
	v16 =	vld [tilespmem:s31+$0xFFFFFFF0];
	v18 =	vadd.f32 v22, v18  }
0xaf: {  	v24 =	vmul.f32 $2.000000030e-01, v23;
	v22 =	vmov s23;
	v19 =	vmul.f32 $1.442695020e+00, v19  }
0xb0: {  	v22 =	vmul.u32 $0x50, v22;
	v18 =	vmul.f32 $1.442695020e+00, v18  }
0xb1: {  	v23 =	vmax.f32 v23, v24;
	(erf) = vpow2.f32 v19;
	v19 =	vadd.f32 v20, v14;
	v20 =	vld [tilespmem:$0x1BB70]  }
0xb2: {  	(erf) = vpow2.f32 v18;
	v18 =	vmul.f32 v23, v10  }
0xb3: {  	v22 =	vadd.s32 $0x40, v22;
	v16 =	vadd.f32 v16, v13;
	v23 =	vld [tilespmem:$0x1BB60];
	v24 =	vmul.f32 $2.000000030e-01, v19  }
0xb4: {  	v10 =	vbroadcast v22, $0x0;
	v22 =	vperm.xlane v18, v0  }
0xb5: {  	s24 =	sadd.s32 $0x4, s13;
	v25 =	vmul.f32 $2.000000030e-01, v16;
	v19 =	vmax.f32 v19, v24  }
0xb6: {  	p5 =	slt.s32 s24, $0x27100;
	v19 =	vmul.f32 v19, v20;
	v20 =	vadd.f32 v18, v22;
	v18 =	vpop (erf)  }
0xb7: {  	v22 =	vor.u32 v3, v10;
	v16 =	vmax.f32 v16, v25;
	v24 =	vpsel !p5, $0x0, v18  }
0xb8: {  	v16 =	vmul.f32 v16, v23;
	v21 =	vmul.f32 v24, v21  }
0xb9: {  	p2 =	por p2, p2;
	v18 =	vperm.xlane v19, v0;
	v25 =	vperm.xlane v20, v1  }
0xba: {  	s21 =	simm.s32 $0x16CB0;
	p4 =	por p4, p4;
	v28 =	vor.u32 v4, v8;
	p2 =	por p2, p2;
	v23 =	vor.u32 v5, v15;
	v27 =	vperm.xlane v16, v0;
	v26 =	vpop (erf)  }
0xbb: {  	s7 =	simm.s32 $0xECF0;
	p6 =	por p4, p4;
	v19 =	vadd.f32 v19, v18;
	v20 =	vadd.f32 v20, v25;
	[tilespmem:s21+$0xFFFFFFE0] =	vst v21;
	v26 =	vpsel !p2, $0x0, v26  }
0xbc: {  	s17 =	simm.s32 $0x10CF0;
	p4 =	por p6, p6;
	v18 =	vld [tilespmem:s7+$0xFFFFFFE0];
	[tilespmem:v22+s19+$0x0] =	vst.idx.msk vm0, v24;
	v22 =	vadd.f32 v16, v27;
	v21 =	vpop (erf);
	v12 =	vmul.f32 v26, v12  }
0xbd: {  	v25 =	vld [tilespmem:s17+$0xFFFFFFE0];
	v24 =	vperm.xlane v19, v1;
	v27 =	vperm.xlane v20, v2;
	v21 =	vpsel !p4, $0x0, v21  }
0xbe: {  	v29 =	vld [tilespmem:$0x1BB50];
	v30 =	vperm.xlane v22, v1;
	v11 =	vmul.f32 v21, v11;
	[tilespmem:s10+$0x0] =	vst v12  }
0xbf: {  	v16 =	vld [tilespmem:s29+$0xFFFFFFF0];
	v24 =	vadd.f32 v19, v24;
	v19 =	vadd.f32 v20, v27;
	[tilespmem:v23+s19+$0x0] =	vst.idx.msk vm0, v26  }
0xc0: {  	[tilespmem:s12+$0xFFFFFFF0] =	vst v11;
	v12 =	vld [tilespmem:s25+$0x10];
	v11 =	vadd.f32 v22, v30  }
0xc1: {  	v20 =	vperm.xlane v24, v2;
	v23 =	vmul.f32 $1.442695020e+00, v19;
	[tilespmem:v28+s19+$0x0] =	vst.idx.msk vm0, v21;
	v21 =	vld [tilespmem:s15+$0x10]  }
0xc2: {  	v22 =	vadd.f32 v25, v18;
	v19 =	vld [tilespmem:s3+$0x0];
	v25 =	vperm.xlane v11, v2  }
0xc3: {  	s5 =	simm.s32 $0x5;
	v20 =	vadd.f32 v24, v20;
	(erf) = vpow2.f32 v23;
	v23 =	vld [tilespmem:s28+$0xFFFFFFF0]  }
0xc4: {  	v26 =	vld [tilespmem:s1+$0x0];
	v24 =	vmov s5;
	v27 =	vmul.f32 $2.000000030e-01, v22;
	v11 =	vadd.f32 v11, v25  }
0xc5: {  	v24 =	vmul.u32 $0x50, v24;
	v20 =	vmul.f32 $1.442695020e+00, v20  }
0xc6: {  	v22 =	vmax.f32 v22, v27;
	v21 =	vadd.f32 v21, v12;
	v27 =	vmul.f32 $1.442695020e+00, v11  }
0xc7: {  	v25 =	vld [tilespmem:$0x1BB80];
	v24 =	vadd.s32 $0x40, v24;
	(erf) = vpow2.f32 v20;
	v20 =	vmul.f32 v22, v29  }
0xc8: {  	v11 =	vbroadcast v24, $0x0;
	v24 =	vld [tilespmem:$0x1BB60];
	v23 =	vadd.f32 v23, v16;
	v28 =	vmul.f32 $2.000000030e-01, v21  }
0xc9: {  	v22 =	vadd.f32 v26, v19;
	v26 =	vld [tilespmem:$0x1BB70];
	(erf) = vpow2.f32 v27;
	v27 =	vperm.xlane v20, v0  }
0xca: {  	v30 =	vmul.f32 $2.000000030e-01, v23  }
0xcb: {  	v29 =	vmul.f32 $2.000000030e-01, v22;
	v21 =	vmax.f32 v21, v28;
	v20 =	vadd.f32 v20, v27  }
0xcc: {  	v21 =	vmul.f32 v21, v25;
	v23 =	vmax.f32 v23, v30  }
0xcd: {  	v22 =	vmax.f32 v22, v29;
	v29 =	vperm.xlane v20, v1;
	v23 =	vmul.f32 v23, v24  }
0xce: {  	s8 =	sadd.s32 $0x5, s13;
	p1 =	por p1, p1;
	v22 =	vmul.f32 v22, v26;
	v26 =	vperm.xlane v21, v0  }
0xcf: {  	p0 =	slt.s32 s8, $0x27100;
	p1 =	por p1, p1;
	v25 =	vor.u32 v3, v11;
	v27 =	vpop (erf);
	v20 =	vadd.f32 v20, v29;
	v29 =	vperm.xlane v23, v0  }
0xd0: {  	s8 =	simm.s32 $0x10D30;
	s4 =	simm.s32 @!p1 $0x0;
	v27 =	vpsel !p0, $0x0, v27;
	v30 =	vperm.xlane v22, v0;
	v21 =	vadd.f32 v21, v26  }
0xd1: {  	v32 =	vld [tilespmem:s8+$0xFFFFFFE0];
	p3 =	por p3, p3;
	s4 =	simm.s32 @p1 $0x1;
	s23 =	simm.s32 $0xED30;
	v28 =	vor.u32 v5, v7;
	v24 =	vmul.f32 v27, v17;
	v26 =	vor.u32 v4, v9;
	v31 =	vpop (erf)  }
0xd2: {  	p3 =	por p3, p3;
	s25 =	simm.s32 $0x16D00;
	v17 =	vld [tilespmem:s23+$0xFFFFFFE0];
	[smem:$0x7FC] =	sst s4;
	v22 =	vadd.f32 v22, v30;
	v30 =	vpsel !p1, $0x0, v31;
	v31 =	vperm.xlane v21, v1  }
0xd3: {  	p3 =	por p3, p3;
	[tilespmem:s25+$0xFFFFFFE0] =	vst v24;
	v24 =	vperm.xlane v20, v2;
	v23 =	vadd.f32 v23, v29;
	v14 =	vmul.f32 v30, v14;
	v29 =	vpop (erf)  }
0xd4: {  	[tilespmem:v25+s19+$0x0] =	vst.idx.msk vm0, v27;
	v27 =	vperm.xlane v22, v1;
	v25 =	vpsel !p3, $0x0, v29;
	v21 =	vadd.f32 v21, v31  }
0xd5: {  	v24 =	vadd.f32 v20, v24;
	v20 =	vld [tilespmem:s18+$0xFFFFFFF0];
	v31 =	vperm.xlane v23, v1;
	[tilespmem:s11+$0x0] =	vst v14;
	v13 =	vmul.f32 v25, v13  }
0xd6: {  	v29 =	vld [tilespmem:$0x1BB50];
	v22 =	vadd.f32 v22, v27;
	[tilespmem:v28+s19+$0x0] =	vst.idx.msk vm0, v30;
	v27 =	vperm.xlane v21, v2  }
0xd7: {  	s15 =	simm.s32 $0x6;
	v28 =	vadd.f32 v32, v17;
	v24 =	vmul.f32 $1.442695020e+00, v24;
	v23 =	vadd.f32 v23, v31;
	v14 =	vld [tilespmem:s2+$0x10];
	[tilespmem:s6+$0xFFFFFFF0] =	vst v13  }
0xd8: {  	v13 =	vmov s15;
	[tilespmem:v26+s19+$0x0] =	vst.idx.msk vm0, v25;
	v25 =	vperm.xlane v22, v2;
	v26 =	vld [tilespmem:s0+$0x10];
	v27 =	vadd.f32 v21, v27  }
0xd9: {  	v30 =	vmul.f32 $2.000000030e-01, v28;
	(erf) = vpow2.f32 v24;
	v13 =	vmul.u32 $0x50, v13;
	v21 =	vld [tilespmem:s16+$0x0]  }
0xda: {  	v24 =	vperm.xlane v23, v2;
	v31 =	vld [tilespmem:s31+$0x0];
	v22 =	vadd.f32 v22, v25;
	v25 =	vmul.f32 $1.442695020e+00, v27  }
0xdb: {  	v27 =	vmax.f32 v28, v30;
	v13 =	vadd.s32 $0x40, v13;
	v28 =	vld [tilespmem:s30+$0xFFFFFFF0]  }
0xdc: {  	v23 =	vadd.f32 v23, v24;
	v24 =	vmul.f32 v27, v29;
	(erf) = vpow2.f32 v25  }
0xdd: {  	v15 =	vor.u32 v6, v15;
	v13 =	vbroadcast v13, $0x0;
	v22 =	vmul.f32 $1.442695020e+00, v22  }
0xde: {  	v27 =	vld [tilespmem:$0x1BB80];
	v23 =	vmul.f32 $1.442695020e+00, v23;
	v25 =	vadd.f32 v26, v14;
	v26 =	vperm.xlane v24, v0  }
0xdf: {  	v30 =	vld [tilespmem:$0x1BB70];
	(erf) = vpow2.f32 v22;
	v29 =	vadd.f32 v31, v21;
	v22 =	vor.u32 v5, v8  }
0xe0: {  	p6 =	por p5, p5;
	v33 =	vld [tilespmem:$0x1BB60];
	v31 =	vmul.f32 $2.000000030e-01, v25;
	v63 =	vadd.f32 v28, v20;
	v26 =	vadd.f32 v24, v26  }
0xe1: {  	s24 =	sadd.s32 $0x6, s13;
	p6 =	por p6, p6;
	(erf) = vpow2.f32 v23;
	v23 =	vor.u32 v3, v13;
	v24 =	vmul.f32 $2.000000030e-01, v29  }
0xe2: {  	p5 =	slt.s32 s24, $0x27100;
	p4 =	por p4, p4;
	p1 =	por p2, p2;
	v34 =	vpop (erf);
	v25 =	vmax.f32 v25, v31;
	v35 =	vmul.f32 $2.000000030e-01, v63;
	v28 =	vperm.xlane v26, v1  }
0xe3: {  	s5 =	simm.s32 $0x8;
	p0 =	por p0, p0;
	s0 =	simm.s32 @!p1 $0x0;
	v31 =	vmul.f32 v25, v27;
	v25 =	vpsel !p5, $0x0, v34;
	v24 =	vmax.f32 v29, v24  }
0xe4: {  	s4 =	simm.s32 $0x7;
	s2 =	simm.s32 $0x10D30;
	s0 =	simm.s32 @p1 $0x1;
	v29 =	vmax.f32 v63, v35;
	v30 =	vmul.f32 v24, v30;
	v27 =	vmul.f32 v25, v18  }
0xe5: {  	s15 =	simm.s32 $0xED30;
	[smem:$0x7FD] =	sst s0;
	s0 =	simm.s32 $0x16D00;
	v24 =	vor.u32 v4, v10;
	v32 =	vperm.xlane v31, v0;
	v29 =	vmul.f32 v29, v33;
	v18 =	vpop (erf)  }
.LBB2_3:
0xe6: {  	p1 =	sne.s32 s5, $0x7F  }
0xe7: {  	s24 =	simm.s32 @!p1 $0x0  }
0xe8: {  	s24 =	simm.s32 @p1 $0x1  }
0xe9: {  	[smem:$0x7FA] =	sst s24  }
0xea: {  	s24 =	sld [smem:$0x7FD];
	_ =	sdelay $0x2  }
0xeb: {  	p2 =	seq.s32 s24, $0x1;
	s24 =	sld [smem:$0x7FC];
	_ =	sdelay $0x2  }
0xec: {  	v59 =	vpsel !p2, $0x0, v18;
	p2 =	seq.s32 s24, $0x1  }
0xed: {  	p1 =	por p2, p2  }
0xee: {  	s23 =	sadd.s32 $0x40, s23;
	s25 =	sadd.s32 $0x50, s25;
	v33 =	vperm.xlane v30, v0;
	v31 =	vadd.f32 v31, v32;
	v26 =	vadd.f32 v26, v28;
	s24 =	simm.s32 @!p1 $0x0  }
0xef: {  	s8 =	sadd.s32 $0x40, s8;
	v28 =	vpop (erf);
	v18 =	vmov v17;
	v17 =	vld [tilespmem:s23+$0xFFFFFFE0];
	[tilespmem:s25+$0xFFFFFFE0] =	vst v27;
	v27 =	vperm.xlane v29, v0;
	v12 =	vmul.f32 v59, v12;
	s24 =	simm.s32 @p1 $0x1;
	p1 =	por p4, p4  }
0xf0: {  	v34 =	vld [tilespmem:s8+$0xFFFFFFE0];
	[tilespmem:v23+s19+$0x0] =	vst.idx.msk vm0, v25;
	v23 =	vadd.f32 v30, v33;
	v25 =	vpsel !p1, $0x0, v28  }
0xf1: {  	v27 =	vadd.f32 v29, v27;
	v29 =	vpop (erf);
	[tilespmem:s10+$0x10] =	vst v12;
	p4 =	por p3, p3;
	p3 =	por p6, p6;
	v28 =	vperm.xlane v31, v1;
	v19 =	vmul.f32 v25, v19  }
0xf2: {  	v30 =	vperm.xlane v26, v2;
	s10 =	smov.u32 s11;
	s11 =	smov.u32 s12;
	[tilespmem:v15+s19+$0x0] =	vst.idx.msk vm0, v59;
	v29 =	vpsel !p3, $0x0, v29  }
0xf3: {  	v33 =	vperm.xlane v23, v1;
	v15 =	vld [tilespmem:$0x1BB50];
	v28 =	vadd.f32 v31, v28;
	v31 =	vmul.f32 v29, v16;
	[tilespmem:s11+$0x0] =	vst v19  }
0xf4: {  	s12 =	smov.u32 s6;
	s6 =	smov.u32 s21;
	v26 =	vadd.f32 v26, v30;
	[tilespmem:v22+s19+$0x0] =	vst.idx.msk vm0, v25  }
0xf5: {  	v30 =	vperm.xlane v27, v1;
	v23 =	vadd.f32 v23, v33;
	v16 =	vmov v20;
	v20 =	vld [tilespmem:s7+$0xFFFFFFF0];
	[tilespmem:s6+$0xFFFFFFF0] =	vst v31  }
0xf6: {  	v12 =	vmov v14;
	v60 =	vperm.xlane v28, v2;
	v22 =	vadd.f32 v34, v17;
	v14 =	vld [tilespmem:s3+$0x10];
	[tilespmem:v24+s19+$0x0] =	vst.idx.msk vm0, v29  }
0xf7: {  	v25 =	vmul.f32 $1.442695020e+00, v26;
	v26 =	vadd.f32 v27, v30;
	s3 =	smov.u32 s16;
	s16 =	smov.u32 s29;
	v24 =	vperm.xlane v23, v2;
	v29 =	vld [tilespmem:s1+$0x10]  }
0xf8: {  	v27 =	vmov s4;
	v19 =	vmovc v21;
	v28 =	vadd.f32 v28, v60;
	v30 =	vmul.f32 $2.000000030e-01, v22;
	v21 =	vld [tilespmem:s16+$0x0];
	s1 =	smov.u32 s31;
	s31 =	smov.u32 s28  }
0xf9: {  	(erf) = vpow2.f32 v25;
	v25 =	vperm.xlane v26, v2;
	s28 =	smov.u32 s30;
	s30 =	smov.u32 s17;
	v31 =	vld [tilespmem:s31+$0x0];
	v23 =	vadd.f32 v23, v24  }
0xfa: {  	[smem:$0x7FD] =	sst s24;
	s24 =	simm.s32 @!p1 $0x0;
	v27 =	vmul.u32 $0x50, v27;
	v24 =	vmul.f32 $1.442695020e+00, v28;
	v28 =	vld [tilespmem:s30+$0xFFFFFFF0]  }
0xfb: {  	s24 =	simm.s32 @p1 $0x1;
	v22 =	vmax.f32 v22, v30;
	v25 =	vadd.f32 v26, v25;
	v23 =	vmul.f32 $1.442695020e+00, v23  }
0xfc: {  	p6 =	por p0, p0;
	[smem:$0x7FC] =	sst s24;
	s24 =	sadd.s32 s4, s13;
	v27 =	vadd.s32 $0x40, v27;
	(erf) = vpow2.f32 v24;
	v24 =	vmul.f32 v22, v15  }
0xfd: {  	p0 =	por p5, p5;
	p5 =	slt.s32 s24, $0x27100;
	s24 =	sld [smem:$0x7FA];
	v26 =	vbroadcast v27, $0x0;
	v22 =	vmul.f32 $1.442695020e+00, v25;
	v15 =	vor.u32 v6, v7  }
0xfe: {  	v7 =	vmovc v8;
	v27 =	vadd.f32 v29, v14;
	v29 =	vld [tilespmem:$0x1BB80];
	(erf) = vpow2.f32 v23;
	v23 =	vperm.xlane v24, v0  }
0xff: {  	v61 =	vld [tilespmem:$0x1BB70];
	v8 =	vmovc v9;
	v9 =	vmovc v10;
	v10 =	vmov v11;
	v30 =	vadd.f32 v31, v21;
	v62 =	vadd.f32 v28, v20  }
0x100: {  	p1 =	seq.s32 s24, $0x1;
	v63 =	vld [tilespmem:$0x1BB60];
	v11 =	vmovc v13;
	v13 =	vmovc v26;
	(erf) = vpow2.f32 v22;
	v25 =	vmul.f32 $2.000000030e-01, v27;
	v26 =	vadd.f32 v24, v23  }
.Ltmp0:
0x101: {  	v22 =	vor.u32 v5, v8;
	v23 =	vor.u32 v3, v13;
	v24 =	vmul.f32 $2.000000030e-01, v30;
	(pc) =	sbr.rel @p1 .LBB2_3-.Ltmp0, $4  }
0x102: {  	s21 =	smov.u32 s0;
	v35 =	vmul.f32 $2.000000030e-01, v62;
	v25 =	vmax.f32 v27, v25;
	v27 =	vpop (erf);
	v28 =	vperm.xlane v26, v1  }
0x103: {  	s0 =	smov.u32 s25;
	s4 =	smov.u32 s5;
	s5 =	sadd.s32 $0x1, s5;
	v31 =	vmul.f32 v25, v29;
	v25 =	vpsel !p5, $0x0, v27;
	v24 =	vmax.f32 v30, v24  }
0x104: {  	s29 =	smov.u32 s18;
	s18 =	smov.u32 s7;
	s7 =	smov.u32 s15;
	v29 =	vmax.f32 v62, v35;
	v30 =	vmul.f32 v24, v61;
	v27 =	vmul.f32 v25, v18  }
0x105: {  	s15 =	smov.u32 s23;
	s17 =	smov.u32 s2;
	s2 =	smov.u32 s8;
	v29 =	vmul.f32 v29, v63;
	v24 =	vor.u32 v4, v10;
	v32 =	vperm.xlane v31, v0;
	v18 =	vpop (erf)  }
0x106: {  	v33 =	vperm.xlane v30, v0;
	_ =	sdelay $0x1  }
0x107: {  	v31 =	vadd.f32 v31, v32;
	v52 =	vperm.xlane v29, v0;
	v30 =	vadd.f32 v30, v33  }
0x108: {  	v26 =	vadd.f32 v26, v28  }
0x109: {  	v53 =	vperm.xlane v31, v1;
	v28 =	vadd.f32 v29, v52;
	v29 =	vperm.xlane v30, v1  }
0x10a: {  	v54 =	vperm.xlane v26, v2  }
0x10b: {  	v31 =	vadd.f32 v31, v53;
	v55 =	vperm.xlane v28, v1;
	v29 =	vadd.f32 v30, v29  }
0x10c: {  	v26 =	vadd.f32 v26, v54  }
0x10d: {  	v30 =	vperm.xlane v31, v2;
	v28 =	vadd.f32 v28, v55;
	v56 =	vperm.xlane v29, v2  }
0x10e: {  	v26 =	vmul.f32 $1.442695020e+00, v26  }
0x10f: {  	v30 =	vadd.f32 v31, v30;
	v31 =	vperm.xlane v28, v2;
	v29 =	vadd.f32 v29, v56  }
0x110: {  	(erf) = vpow2.f32 v26  }
0x111: {  	v30 =	vmul.f32 $1.442695020e+00, v30;
	v26 =	vadd.f32 v28, v31;
	v28 =	vmul.f32 $1.442695020e+00, v29;
	_ =	sdelay $0x1  }
0x112: {  	(erf) = vpow2.f32 v30;
	v26 =	vmul.f32 $1.442695020e+00, v26  }
0x113: {  	(erf) = vpow2.f32 v28  }
0x114: {  	p1 =	por p4, p4;
	v28 =	vpop (erf)  }
0x115: {  	s25 =	sadd.s32 $0x50, s25;
	(erf) = vpow2.f32 v26;
	v28 =	vpsel !p1, $0x0, v28  }
0x116: {  	p2 =	por p6, p6;
	[tilespmem:s25+$0xFFFFFFE0] =	vst v27;
	v26 =	vpop (erf);
	v19 =	vmul.f32 v28, v19  }
0x117: {  	[tilespmem:v23+s19+$0x0] =	vst.idx.msk vm0, v25;
	v25 =	vpsel !p2, $0x0, v26  }
0x118: {  	v16 =	vmul.f32 v25, v16;
	[tilespmem:s12+$0x0] =	vst v19  }
0x119: {  	v23 =	vld [tilespmem:s7+$0xFFFFFFF0];
	[tilespmem:v22+s19+$0x0] =	vst.idx.msk vm0, v28  }
0x11a: {  	v30 =	vld [tilespmem:s17+$0xFFFFFFF0];
	v26 =	vpop (erf);
	[tilespmem:s21+$0xFFFFFFF0] =	vst v16;
	v16 =	vmov s4  }
0x11b: {  	p3 =	por p3, p3;
	v19 =	vld [tilespmem:s3+$0x10];
	v16 =	vmul.u32 $0x50, v16;
	v22 =	vpop (erf)  }
0x11c: {  	v27 =	vor.u32 v5, v9;
	p4 =	por p3, p3;
	[tilespmem:v24+s19+$0x0] =	vst.idx.msk vm0, v25;
	v24 =	vld [tilespmem:s1+$0x10];
	v28 =	vpop (erf)  }
0x11d: {  	p0 =	por p0, p0;
	v58 =	vld [tilespmem:$0x1BB80];
	v16 =	vadd.s32 $0x40, v16;
	v28 =	vpsel !p4, $0x0, v28  }
0x11e: {  	p6 =	por p0, p0;
	v31 =	vor.u32 v4, v11;
	v25 =	vld [tilespmem:s29+$0x0];
	v57 =	vpop (erf);
	v16 =	vbroadcast v16, $0x0;
	v21 =	vmul.f32 v28, v21  }
0x11f: {  	s4 =	sadd.s32 s4, s13;
	v29 =	vld [tilespmem:s28+$0x0];
	v32 =	vpsel !p6, $0x0, v57  }
0x120: {  	p0 =	slt.s32 s4, $0x27100;
	v34 =	vld [tilespmem:$0x1BB70];
	v20 =	vmul.f32 v32, v20;
	v35 =	vor.u32 v3, v16;
	[tilespmem:s6+$0x0] =	vst v21  }
0x121: {  	v26 =	vpsel !p0, $0x0, v26;
	v21 =	vld [tilespmem:$0x1BB60];
	[tilespmem:v27+s19+$0x0] =	vst.idx.msk vm0, v28  }
0x122: {  	v27 =	vmul.f32 v26, v17;
	[tilespmem:s0+$0xFFFFFFF0] =	vst v20;
	v17 =	vld [tilespmem:s16+$0x10]  }
0x123: {  	s5 =	sadd.s32 $0x50, s25;
	v20 =	vadd.f32 v24, v19;
	[tilespmem:v31+s19+$0x0] =	vst.idx.msk vm0, v32;
	v24 =	vld [tilespmem:s31+$0x10]  }
0x124: {  	v28 =	vadd.f32 v29, v25;
	[tilespmem:s5+$0xFFFFFFE0] =	vst v27;
	v27 =	vld [tilespmem:s18+$0x0]  }
0x125: {  	v30 =	vadd.f32 v30, v23;
	v29 =	vmul.f32 $2.000000030e-01, v20;
	[tilespmem:v35+s19+$0x0] =	vst.idx.msk vm0, v26;
	v26 =	vld [tilespmem:s30+$0x0]  }
0x126: {  	v31 =	vmul.f32 $2.000000030e-01, v28;
	v59 =	vld [tilespmem:s15+$0xFFFFFFF0]  }
0x127: {  	v20 =	vmax.f32 v20, v29;
	v29 =	vmul.f32 $2.000000030e-01, v30;
	v35 =	vld [tilespmem:s2+$0xFFFFFFF0]  }
0x128: {  	v28 =	vmax.f32 v28, v31;
	v20 =	vmul.f32 v20, v58  }
0x129: {  	v28 =	vmul.f32 v28, v34;
	v29 =	vmax.f32 v30, v29;
	v24 =	vadd.f32 v24, v17;
	v30 =	vld [tilespmem:$0x1BB80]  }
0x12a: {  	v31 =	vperm.xlane v20, v0;
	v21 =	vmul.f32 v29, v21;
	v29 =	vld [tilespmem:$0x1BB70];
	v26 =	vadd.f32 v26, v27  }
0x12b: {  	v60 =	vperm.xlane v28, v0;
	v61 =	vmul.f32 $2.000000030e-01, v24  }
0x12c: {  	v62 =	vld [tilespmem:$0x1BB60];
	v20 =	vadd.f32 v20, v31;
	v31 =	vadd.f32 v35, v59;
	v36 =	vmul.f32 $2.000000030e-01, v26  }
0x12d: {  	v28 =	vadd.f32 v28, v60;
	v63 =	vperm.xlane v21, v0;
	v24 =	vmax.f32 v24, v61  }
0x12e: {  	v24 =	vmul.f32 v24, v30;
	v37 =	vmul.f32 $2.000000030e-01, v31;
	v26 =	vmax.f32 v26, v36  }
0x12f: {  	v30 =	vperm.xlane v20, v1;
	v21 =	vadd.f32 v21, v63;
	v26 =	vmul.f32 v26, v29  }
0x130: {  	v38 =	vperm.xlane v24, v0;
	v29 =	vperm.xlane v28, v1;
	v31 =	vmax.f32 v31, v37  }
0x131: {  	v31 =	vmul.f32 v31, v62;
	v39 =	vperm.xlane v26, v0  }
0x132: {  	v20 =	vadd.f32 v20, v30;
	v30 =	vperm.xlane v21, v1;
	v24 =	vadd.f32 v24, v38  }
0x133: {  	v28 =	vadd.f32 v28, v29;
	v29 =	vperm.xlane v31, v0;
	v26 =	vadd.f32 v26, v39  }
0x134: {  	v40 =	vperm.xlane v20, v2;
	v21 =	vadd.f32 v21, v30;
	v30 =	vperm.xlane v24, v1  }
0x135: {  	v41 =	vperm.xlane v28, v2;
	v29 =	vadd.f32 v31, v29;
	v31 =	vperm.xlane v26, v1  }
0x136: {  	v20 =	vadd.f32 v20, v40;
	v42 =	vperm.xlane v21, v2;
	v24 =	vadd.f32 v24, v30  }
0x137: {  	v28 =	vadd.f32 v28, v41;
	v30 =	vperm.xlane v29, v1;
	v26 =	vadd.f32 v26, v31  }
0x138: {  	v20 =	vmul.f32 $1.442695020e+00, v20;
	v21 =	vadd.f32 v21, v42;
	v31 =	vperm.xlane v24, v2  }
0x139: {  	v28 =	vmul.f32 $1.442695020e+00, v28;
	v29 =	vadd.f32 v29, v30;
	v30 =	vperm.xlane v26, v2  }
0x13a: {  	(erf) = vpow2.f32 v20;
	v20 =	vmul.f32 $1.442695020e+00, v21;
	v21 =	vadd.f32 v24, v31  }
0x13b: {  	(erf) = vpow2.f32 v28;
	v24 =	vperm.xlane v29, v2;
	v26 =	vadd.f32 v26, v30  }
0x13c: {  	v21 =	vmul.f32 $1.442695020e+00, v21  }
0x13d: {  	(erf) = vpow2.f32 v20;
	v20 =	vadd.f32 v29, v24;
	v24 =	vmul.f32 $1.442695020e+00, v26  }
0x13e: {  	(erf) = vpow2.f32 v21  }
0x13f: {  	v20 =	vmul.f32 $1.442695020e+00, v20;
	(erf) = vpow2.f32 v24;
	_ =	sdelay $0x1  }
0x140: {  	(erf) = vpow2.f32 v20;
	_ =	sdelay $0x1  }
0x141: {  	p2 =	por p2, p2;
	v20 =	vpop (erf)  }
0x142: {  	p3 =	por p5, p5;
	p5 =	por p2, p2;
	v24 =	vor.u32 v5, v10;
	v21 =	vpop (erf)  }
0x143: {  	p3 =	por p3, p3;
	v26 =	vpsel !p5, $0x0, v21  }
0x144: {  	p2 =	por p3, p3;
	v28 =	vor.u32 v4, v13;
	v21 =	vpop (erf);
	v25 =	vmul.f32 v26, v25  }
0x145: {  	p6 =	por p6, p6;
	v29 =	vpsel !p2, $0x0, v21;
	v21 =	vpop (erf)  }
0x146: {  	p0 =	por p0, p0;
	p3 =	por p6, p6;
	v23 =	vmul.f32 v29, v23;
	[tilespmem:s21+$0x0] =	vst v25;
	v25 =	vor.u32 v5, v11;
	v30 =	vpop (erf)  }
0x147: {  	p0 =	por p0, p0;
	[tilespmem:v24+s19+$0x0] =	vst.idx.msk vm0, v26;
	v24 =	vpsel !p3, $0x0, v30  }
0x148: {  	p0 =	por p0, p0;
	[tilespmem:s25+$0xFFFFFFF0] =	vst v23;
	v26 =	vor.u32 v4, v16;
	v23 =	vld [tilespmem:s29+$0x10];
	v30 =	vpop (erf);
	v27 =	vmul.f32 v24, v27  }
0x149: {  	[tilespmem:v28+s19+$0x0] =	vst.idx.msk vm0, v29;
	v28 =	vld [tilespmem:s28+$0x10];
	v29 =	vpsel !p0, $0x0, v30  }
0x14a: {  	v30 =	vld [tilespmem:s7+$0x0];
	v31 =	vmul.f32 v29, v59;
	[tilespmem:s0+$0x0] =	vst v27  }
0x14b: {  	v27 =	vld [tilespmem:s17+$0x0];
	[tilespmem:v25+s19+$0x0] =	vst.idx.msk vm0, v24  }
0x14c: {  	[tilespmem:s5+$0xFFFFFFF0] =	vst v31;
	v24 =	vld [tilespmem:s18+$0x10]  }
0x14d: {  	[tilespmem:v26+s19+$0x0] =	vst.idx.msk vm0, v29;
	v25 =	vld [tilespmem:s30+$0x10]  }
0x14e: {  	v26 =	vld [tilespmem:s15+$0x0]  }
0x14f: {  	v29 =	vld [tilespmem:s2+$0x0];
	_ =	sdelay $0x1  }
0x150: {  	v31 =	vld [tilespmem:$0x1BB80];
	v28 =	vadd.f32 v28, v23  }
0x151: {  	v43 =	vld [tilespmem:$0x1BB70];
	v27 =	vadd.f32 v27, v30  }
0x152: {  	v45 =	vld [tilespmem:$0x1BB80];
	v44 =	vmul.f32 $2.000000030e-01, v28;
	v25 =	vadd.f32 v25, v24  }
0x153: {  	v47 =	vld [tilespmem:$0x1BB70];
	v46 =	vmul.f32 $2.000000030e-01, v27;
	v29 =	vadd.f32 v29, v26  }
0x154: {  	v28 =	vmax.f32 v28, v44;
	v48 =	vmul.f32 $2.000000030e-01, v25  }
0x155: {  	v28 =	vmul.f32 v28, v31;
	v27 =	vmax.f32 v27, v46;
	v31 =	vmul.f32 $2.000000030e-01, v29  }
0x156: {  	v27 =	vmul.f32 v27, v43;
	v25 =	vmax.f32 v25, v48  }
0x157: {  	v49 =	vperm.xlane v28, v0;
	v25 =	vmul.f32 v25, v45;
	v29 =	vmax.f32 v29, v31  }
0x158: {  	v31 =	vperm.xlane v27, v0;
	v29 =	vmul.f32 v29, v47  }
0x159: {  	v28 =	vadd.f32 v28, v49;
	v50 =	vperm.xlane v25, v0  }
0x15a: {  	v27 =	vadd.f32 v27, v31;
	v31 =	vperm.xlane v29, v0  }
0x15b: {  	v51 =	vperm.xlane v28, v1;
	v25 =	vadd.f32 v25, v50  }
0x15c: {  	v52 =	vperm.xlane v27, v1;
	v29 =	vadd.f32 v29, v31  }
0x15d: {  	v28 =	vadd.f32 v28, v51;
	v31 =	vperm.xlane v25, v1  }
0x15e: {  	v27 =	vadd.f32 v27, v52;
	v53 =	vperm.xlane v29, v1  }
0x15f: {  	v33 =	vperm.xlane v28, v2;
	v25 =	vadd.f32 v25, v31  }
0x160: {  	v31 =	vperm.xlane v27, v2;
	v29 =	vadd.f32 v29, v53  }
0x161: {  	v28 =	vadd.f32 v28, v33;
	v54 =	vperm.xlane v25, v2  }
0x162: {  	v27 =	vadd.f32 v27, v31;
	v31 =	vperm.xlane v29, v2  }
0x163: {  	v28 =	vmul.f32 $1.442695020e+00, v28;
	v25 =	vadd.f32 v25, v54  }
0x164: {  	v27 =	vmul.f32 $1.442695020e+00, v27;
	v29 =	vadd.f32 v29, v31  }
0x165: {  	(erf) = vpow2.f32 v28;
	v25 =	vmul.f32 $1.442695020e+00, v25  }
0x166: {  	(erf) = vpow2.f32 v27;
	v27 =	vmul.f32 $1.442695020e+00, v29  }
0x167: {  	(erf) = vpow2.f32 v25  }
0x168: {  	(erf) = vpow2.f32 v27;
	_ =	sdelay $0x5  }
0x169: {  	p2 =	por p2, p2;
	v25 =	vpop (erf)  }
0x16a: {  	p6 =	por p2, p2;
	v27 =	vor.u32 v5, v13;
	v28 =	vpop (erf)  }
0x16b: {  	p0 =	por p0, p0;
	v28 =	vpsel !p6, $0x0, v28;
	v29 =	vpop (erf)  }
0x16c: {  	p2 =	por p0, p0;
	v31 =	vor.u32 v5, v16;
	v30 =	vmul.f32 v28, v30;
	v55 =	vpop (erf)  }
0x16d: {  	v32 =	vpsel !p2, $0x0, v55  }
0x16e: {  	[tilespmem:s25+$0x0] =	vst v30;
	v26 =	vmul.f32 v32, v26  }
0x16f: {  	[tilespmem:v27+s19+$0x0] =	vst.idx.msk vm0, v28  }
0x170: {  	v27 =	vld [tilespmem:s7+$0x10];
	[tilespmem:s5+$0x0] =	vst v26  }
0x171: {  	v26 =	vld [tilespmem:s17+$0x10];
	[tilespmem:v31+s19+$0x0] =	vst.idx.msk vm0, v32  }
0x172: {  	v28 =	vld [tilespmem:s15+$0x10]  }
0x173: {  	v30 =	vld [tilespmem:s2+$0x10];
	_ =	sdelay $0x2  }
0x174: {  	v31 =	vld [tilespmem:$0x1BB80];
	v26 =	vadd.f32 v26, v27;
	_ =	sdelay $0x1  }
0x175: {  	v57 =	vld [tilespmem:$0x1BB80];
	v56 =	vmul.f32 $2.000000030e-01, v26;
	v30 =	vadd.f32 v30, v28;
	_ =	sdelay $0x1  }
0x176: {  	v26 =	vmax.f32 v26, v56;
	v58 =	vmul.f32 $2.000000030e-01, v30  }
0x177: {  	v26 =	vmul.f32 v26, v31  }
0x178: {  	v30 =	vmax.f32 v30, v58  }
0x179: {  	v31 =	vperm.xlane v26, v0;
	v30 =	vmul.f32 v30, v57;
	_ =	sdelay $0x1  }
0x17a: {  	v26 =	vadd.f32 v26, v31;
	v31 =	vperm.xlane v30, v0;
	_ =	sdelay $0x1  }
0x17b: {  	v59 =	vperm.xlane v26, v1;
	v30 =	vadd.f32 v30, v31;
	_ =	sdelay $0x1  }
0x17c: {  	v26 =	vadd.f32 v26, v59;
	v31 =	vperm.xlane v30, v1;
	_ =	sdelay $0x1  }
0x17d: {  	s8 =	sld [smem:$0x7FD];
	v32 =	vperm.xlane v26, v2;
	v30 =	vadd.f32 v30, v31  }
0x17e: {  	s15 =	sld [smem:$0x7FC]  }
0x17f: {  	v26 =	vadd.f32 v26, v32;
	v31 =	vperm.xlane v30, v2  }
0x180: {  	p0 =	seq.s32 s8, $0x1  }
0x181: {  	v18 =	vpsel !p0, $0x0, v18;
	p0 =	seq.s32 s15, $0x1;
	v26 =	vmul.f32 $1.442695020e+00, v26;
	v30 =	vadd.f32 v30, v31  }
0x182: {  	v7 =	vor.u32 v6, v7;
	v12 =	vmul.f32 v18, v12;
	p0 =	por p0, p0  }
0x183: {  	v22 =	vpsel !p0, $0x0, v22;
	(erf) = vpow2.f32 v26;
	v26 =	vmul.f32 $1.442695020e+00, v30  }
0x184: {  	v8 =	vor.u32 v6, v8;
	p1 =	por p1, p1;
	[tilespmem:s10+$0x10] =	vst v12;
	v12 =	vmul.f32 v22, v14  }
0x185: {  	v14 =	vpsel !p1, $0x0, v20;
	[tilespmem:v15+s19+$0x0] =	vst.idx.msk vm0, v18;
	(erf) = vpow2.f32 v26  }
0x186: {  	v9 =	vor.u32 v6, v9;
	p1 =	por p4, p4;
	[tilespmem:s11+$0x10] =	vst v12;
	v12 =	vmul.f32 v14, v19  }
0x187: {  	[tilespmem:v7+s19+$0x0] =	vst.idx.msk vm0, v22;
	v7 =	vpsel !p1, $0x0, v21  }
0x188: {  	v10 =	vor.u32 v6, v10;
	p4 =	por p5, p5;
	[tilespmem:s12+$0x10] =	vst v12;
	v12 =	vmul.f32 v7, v17  }
0x189: {  	[tilespmem:v8+s19+$0x0] =	vst.idx.msk vm0, v14;
	v8 =	vpsel !p4, $0x0, v25  }
0x18a: {  	v11 =	vor.u32 v6, v11;
	p5 =	por p3, p3;
	[tilespmem:s6+$0x10] =	vst v12;
	v12 =	vmul.f32 v8, v23  }
0x18b: {  	[tilespmem:v9+s19+$0x0] =	vst.idx.msk vm0, v7;
	v7 =	vpsel !p5, $0x0, v29  }
0x18c: {  	p1 =	por p6, p6;
	[tilespmem:s21+$0x10] =	vst v12;
	v9 =	vmul.f32 v7, v24;
	v12 =	vor.u32 v6, v13;
	v13 =	vpop (erf)  }
0x18d: {  	[tilespmem:v10+s19+$0x0] =	vst.idx.msk vm0, v8;
	v8 =	vpsel !p1, $0x0, v13  }
0x18e: {  	p2 =	por p2, p2;
	v10 =	vor.u32 v6, v16;
	[tilespmem:s0+$0x10] =	vst v9;
	v9 =	vmul.f32 v8, v27;
	v13 =	vpop (erf)  }
0x18f: {  	[tilespmem:v11+s19+$0x0] =	vst.idx.msk vm0, v7;
	v7 =	vpsel !p2, $0x0, v13  }
0x190: {  	[tilespmem:s25+$0x10] =	vst v9;
	v9 =	vmul.f32 v7, v28  }
0x191: {  	[tilespmem:v12+s19+$0x0] =	vst.idx.msk vm0, v8  }
0x192: {  	s24 =	rddreg [dreg:$0x2];
	s16 =	sand.u32 $0x3FFFFF00, s9;
	p0 =	seq.s32 s22, $0x13;
	[tilespmem:s5+$0x10] =	vst v9  }
0x193: {  	s17 =	simm.s32 $0x80;
	s1 =	simm.s32 @!p0 $0x40;
	s0 =	sadd.s32 $0xD750, s16;
	[tilespmem:v10+s19+$0x0] =	vst.idx.msk vm0, v7  }
0x194: {  	[spmem:s24] =	stream.indirect.scatter.add.f32 [tilespmem:s19], [sflag:$0x3], $0x50, s0, s17, $0xb8;
	[tilespmem:$0x1BB90] =	vst v63  }
0x195: {  	s2 =	simm.s32 @!p0 $0xEB50;
	s0 =	sadd.s32 @!p0 $0xC450, s9;
	s3 =	rddreg [dreg:$0x4]  }
0x196: {  	[tilespmem:s2], [sflag:$0x1] =	stream.indirect.gather @!p0 [hbm4b:s3+s1], $0x40, s0, s1, $0xb8;
	[tilespmem:$0x1BB90] =	vst v63  }
0x197: {  	s4 =	rddreg [dreg:$0x5];
	s0 =	sadd.s32 @!p0 $0xD850, s9;
	s2 =	simm.s32 @!p0 $0x10B50  }
0x198: {  	[tilespmem:s2], [sflag:$0x1] =	stream.indirect.gather @!p0 [hbm4b:s4+s1], $0x40, s0, s1, $0xb8;
	[tilespmem:$0x1BB90] =	vst v63  }
0x199: {  	s0 =	sadd.s32 @!p0 $0xC490, s9;
	s2 =	simm.s32 @!p0 $0xFB50  }
0x19a: {  	[tilespmem:s2], [sflag:$0x1] =	stream.indirect.gather @!p0 [hbm4b:s3+s1], $0x40, s0, s1, $0xb8;
	[tilespmem:$0x1BB90] =	vst v63  }
0x19b: {  	s0 =	sadd.s32 @!p0 $0xD890, s9;
	s2 =	simm.s32 @!p0 $0x11B50  }
0x19c: {  	[tilespmem:s2], [sflag:$0x1] =	stream.indirect.gather @!p0 [hbm4b:s4+s1], $0x40, s0, s1, $0xb8;
	[tilespmem:$0x1BB90] =	vst v63  }
0x19d: {  	_ =	swait.ge [sflag:s26], $0x1000  }
0x19e: {  	[sflag:s26] =	ssyncset.done $0x0  }
0x19f: {  	[sflag:s26] =	ssyncadd.s32 $0xFFFFF000  }
0x1a0: {  	_ =	swait.ge [sflag:s26], $0x1000  }
0x1a1: {  	[sflag:s26] =	ssyncset.done $0x0  }
0x1a2: {  	[sflag:s26] =	ssyncadd.s32 $0xFFFFF000  }
0x1a3: {  	_ =	swait.ge [sflag:s26], $0x1000  }
0x1a4: {  	[sflag:s26] =	ssyncset.done $0x0  }
0x1a5: {  	[sflag:s26] =	ssyncadd.s32 $0xFFFFF000  }
0x1a6: {  	_ =	swait.ge [sflag:s26], $0x1000  }
0x1a7: {  	s18 =	sld [smem:$0x7FB];
	_ =	sdelay $0x2  }
0x1a8: {  	[sflag:s26] =	ssyncset.done $0x0;
	p0 =	seq.s32 s18, $0x1  }
0x1a9: {  	[sflag:s26] =	ssyncadd.s32 $0xFFFFF000;
	s0 =	simm.s32 @!p0 $0x4  }
0x1aa: {  	_ =	swait.ge @!p0 [sflag:s0], $0x2800  }
0x1ab: {  	[sflag:s0] =	ssyncset.done @!p0 $0x0  }
0x1ac: {  	s25 =	simm.s32 $0x12B70;
	[sflag:s0] =	ssyncadd.s32 @!p0 $0xFFFFD800  }
0x1ad: {  	s15 =	simm.s32 $0x14B70;
	v7 =	vld [tilespmem:s25+$0xFFFFFFE0]  }
0x1ae: {  	v8 =	vld [tilespmem:s15+$0xFFFFFFE0];
	_ =	sdelay $0x4  }
0x1af: {  	v9 =	vld [tilespmem:$0x1BB50];
	v8 =	vadd.f32 v8, v7;
	_ =	sdelay $0x1  }
0x1b0: {  	v10 =	vmul.f32 $2.000000030e-01, v8;
	_ =	sdelay $0x1  }
0x1b1: {  	v8 =	vmax.f32 v8, v10  }
0x1b2: {  	v8 =	vmul.f32 v8, v9;
	_ =	sdelay $0x1  }
0x1b3: {  	v9 =	vperm.xlane v8, v0;
	_ =	sdelay $0x1  }
0x1b4: {  	v8 =	vadd.f32 v8, v9;
	_ =	sdelay $0x1  }
0x1b5: {  	v9 =	vperm.xlane v8, v1;
	_ =	sdelay $0x1  }
0x1b6: {  	v8 =	vadd.f32 v8, v9  }
0x1b7: {  	s0 =	simm.s32 $0x14BB0  }
0x1b8: {  	s2 =	simm.s32 $0x12BB0;
	v11 =	vld [tilespmem:s0+$0xFFFFFFE0];
	v9 =	vperm.xlane v8, v2  }
0x1b9: {  	v10 =	vld [tilespmem:s2+$0xFFFFFFE0]  }
0x1ba: {  	v8 =	vadd.f32 v8, v9;
	_ =	sdelay $0x1  }
0x1bb: {  	v8 =	vmul.f32 $1.442695020e+00, v8;
	_ =	sdelay $0x1  }
0x1bc: {  	v9 =	vadd.f32 v11, v10;
	(erf) = vpow2.f32 v8;
	v8 =	vld [tilespmem:$0x1BB50];
	_ =	sdelay $0x1  }
0x1bd: {  	s21 =	simm.s32 $0x0;
	v12 =	vmul.f32 $2.000000030e-01, v9  }
0x1be: {  	v11 =	vmov s21  }
0x1bf: {  	v11 =	vmul.u32 $0x50, v11;
	v9 =	vmax.f32 v9, v12  }
0x1c0: {  	v8 =	vmul.f32 v9, v8  }
0x1c1: {  	v11 =	vadd.s32 $0x40, v11  }
0x1c2: {  	v15 =	vbroadcast v11, $0x0;
	v9 =	vperm.xlane v8, v0  }
0x1c3: {  	s23 =	sadd.s32 $0x0, s14  }
0x1c4: {  	p3 =	slt.s32 s23, $0x27100;
	v11 =	vor.u32 v3, v15;
	v12 =	vpop (erf);
	v8 =	vadd.f32 v8, v9  }
0x1c5: {  	v9 =	vpsel !p3, $0x0, v12  }
0x1c6: {  	v7 =	vmul.f32 v9, v7;
	v12 =	vperm.xlane v8, v1  }
0x1c7: {  	s29 =	simm.s32 $0x12BF0;
	s9 =	simm.s32 $0x19370  }
0x1c8: {  	s18 =	simm.s32 $0x14BF0;
	v13 =	vld [tilespmem:s29+$0xFFFFFFE0];
	[tilespmem:s9+$0xFFFFFFE0] =	vst v7;
	v7 =	vadd.f32 v8, v12  }
0x1c9: {  	v8 =	vld [tilespmem:s18+$0xFFFFFFE0];
	[tilespmem:v11+s20+$0x0] =	vst.idx.msk vm0, v9  }
0x1ca: {  	v9 =	vld [tilespmem:s25+$0xFFFFFFF0];
	v11 =	vperm.xlane v7, v2  }
0x1cb: {  	v12 =	vld [tilespmem:s15+$0xFFFFFFF0]  }
0x1cc: {  	v7 =	vadd.f32 v7, v11;
	_ =	sdelay $0x1  }
0x1cd: {  	v11 =	vld [tilespmem:$0x1BB50];
	v8 =	vadd.f32 v8, v13;
	v7 =	vmul.f32 $1.442695020e+00, v7;
	_ =	sdelay $0x1  }
0x1ce: {  	v14 =	vld [tilespmem:$0x1BB60];
	v12 =	vadd.f32 v12, v9;
	v16 =	vmul.f32 $2.000000030e-01, v8;
	(erf) = vpow2.f32 v7;
	_ =	sdelay $0x1  }
0x1cf: {  	s3 =	simm.s32 $0x1;
	v7 =	vmul.f32 $2.000000030e-01, v12;
	v8 =	vmax.f32 v8, v16  }
0x1d0: {  	v16 =	vmov s3;
	v8 =	vmul.f32 v8, v11  }
0x1d1: {  	v11 =	vmul.u32 $0x50, v16;
	v7 =	vmax.f32 v12, v7  }
0x1d2: {  	v12 =	vmul.f32 v7, v14;
	v14 =	vperm.xlane v8, v0  }
0x1d3: {  	v7 =	vadd.s32 $0x40, v11  }
0x1d4: {  	v7 =	vbroadcast v7, $0x0;
	v11 =	vperm.xlane v12, v0;
	v8 =	vadd.f32 v8, v14  }
0x1d5: {  	s4 =	sadd.s32 $0x1, s14  }
0x1d6: {  	p4 =	slt.s32 s4, $0x27100;
	v11 =	vadd.f32 v12, v11;
	v12 =	vor.u32 v3, v7;
	v16 =	vperm.xlane v8, v1;
	v14 =	vpop (erf)  }
0x1d7: {  	v14 =	vpsel !p4, $0x0, v14  }
0x1d8: {  	v17 =	vperm.xlane v11, v1;
	v8 =	vadd.f32 v8, v16;
	v10 =	vmul.f32 v14, v10  }
0x1d9: {  	s30 =	simm.s32 $0x12C30;
	s10 =	simm.s32 $0x193C0  }
0x1da: {  	s1 =	simm.s32 $0x14C30;
	v16 =	vld [tilespmem:s30+$0xFFFFFFE0];
	v11 =	vadd.f32 v11, v17;
	[tilespmem:s10+$0xFFFFFFE0] =	vst v10;
	v10 =	vperm.xlane v8, v2  }
0x1db: {  	v17 =	vld [tilespmem:s1+$0xFFFFFFE0];
	[tilespmem:v12+s20+$0x0] =	vst.idx.msk vm0, v14  }
0x1dc: {  	v12 =	vperm.xlane v11, v2;
	v8 =	vadd.f32 v8, v10;
	v10 =	vld [tilespmem:s2+$0xFFFFFFF0]  }
0x1dd: {  	v14 =	vld [tilespmem:s0+$0xFFFFFFF0]  }
0x1de: {  	v11 =	vadd.f32 v11, v12  }
0x1df: {  	v8 =	vmul.f32 $1.442695020e+00, v8  }
0x1e0: {  	v11 =	vmul.f32 $1.442695020e+00, v11  }
0x1e1: {  	v12 =	vadd.f32 v17, v16;
	(erf) = vpow2.f32 v8;
	v8 =	vld [tilespmem:$0x1BB50]  }
0x1e2: {  	(erf) = vpow2.f32 v11;
	v11 =	vadd.f32 v14, v10  }
0x1e3: {  	v17 =	vmul.f32 $2.000000030e-01, v12;
	v14 =	vld [tilespmem:$0x1BB60]  }
0x1e4: {  	s5 =	simm.s32 $0x2;
	v18 =	vmul.f32 $2.000000030e-01, v11  }
0x1e5: {  	v12 =	vmax.f32 v12, v17;
	v17 =	vmov s5  }
0x1e6: {  	v12 =	vmul.f32 v12, v8;
	v8 =	vmax.f32 v11, v18;
	v11 =	vmul.u32 $0x50, v17;
	_ =	sdelay $0x1  }
0x1e7: {  	v14 =	vmul.f32 v8, v14  }
0x1e8: {  	p1 =	por p3, p3;
	v17 =	vperm.xlane v12, v0  }
0x1e9: {  	p1 =	por p1, p1;
	v8 =	vadd.s32 $0x40, v11;
	v18 =	vperm.xlane v14, v0;
	v11 =	vpop (erf)  }
0x1ea: {  	p5 =	por p1, p1;
	v8 =	vbroadcast v8, $0x0;
	v12 =	vadd.f32 v12, v17;
	v17 =	vor.u32 v4, v15;
	v19 =	vpop (erf)  }
0x1eb: {  	s28 =	simm.s32 $0x12C70;
	s6 =	sadd.s32 $0x2, s14;
	v14 =	vadd.f32 v14, v18;
	v18 =	vpsel !p5, $0x0, v19  }
0x1ec: {  	p6 =	slt.s32 s6, $0x27100;
	v21 =	vld [tilespmem:s28+$0xFFFFFFE0];
	s21 =	simm.s32 $0x14C70;
	v19 =	vor.u32 v3, v8;
	v20 =	vperm.xlane v12, v1;
	v9 =	vmul.f32 v18, v9  }
0x1ed: {  	v23 =	vld [tilespmem:s21+$0xFFFFFFE0];
	v11 =	vpsel !p6, $0x0, v11;
	v22 =	vperm.xlane v14, v1  }
0x1ee: {  	v13 =	vmul.f32 v11, v13;
	v20 =	vadd.f32 v12, v20;
	[tilespmem:s9+$0xFFFFFFF0] =	vst v9  }
0x1ef: {  	s11 =	simm.s32 $0x19410;
	v9 =	vld [tilespmem:$0x1BB50];
	v14 =	vadd.f32 v14, v22;
	[tilespmem:v17+s20+$0x0] =	vst.idx.msk vm0, v18  }
0x1f0: {  	[tilespmem:s11+$0xFFFFFFE0] =	vst v13;
	v13 =	vperm.xlane v20, v2;
	v12 =	vld [tilespmem:s25+$0x0]  }
0x1f1: {  	[tilespmem:v19+s20+$0x0] =	vst.idx.msk vm0, v11;
	v17 =	vperm.xlane v14, v2;
	v18 =	vld [tilespmem:s15+$0x0]  }
0x1f2: {  	v19 =	vadd.f32 v23, v21;
	v13 =	vadd.f32 v20, v13;
	v11 =	vld [tilespmem:s29+$0xFFFFFFF0]  }
0x1f3: {  	v20 =	vld [tilespmem:s18+$0xFFFFFFF0];
	v14 =	vadd.f32 v14, v17  }
0x1f4: {  	v17 =	vmul.f32 $2.000000030e-01, v19;
	v13 =	vmul.f32 $1.442695020e+00, v13  }
0x1f5: {  	v14 =	vmul.f32 $1.442695020e+00, v14  }
0x1f6: {  	v17 =	vmax.f32 v19, v17;
	(erf) = vpow2.f32 v13  }
0x1f7: {  	v13 =	vadd.f32 v18, v12;
	v18 =	vld [tilespmem:$0x1BB70];
	v9 =	vmul.f32 v17, v9;
	(erf) = vpow2.f32 v14  }
0x1f8: {  	v17 =	vld [tilespmem:$0x1BB60];
	v14 =	vadd.f32 v20, v11  }
0x1f9: {  	v19 =	vmul.f32 $2.000000030e-01, v13;
	v20 =	vperm.xlane v9, v0  }
0x1fa: {  	v22 =	vmul.f32 $2.000000030e-01, v14  }
0x1fb: {  	s7 =	simm.s32 $0x3;
	v13 =	vmax.f32 v13, v19;
	v19 =	vadd.f32 v9, v20  }
0x1fc: {  	v13 =	vmul.f32 v13, v18;
	v18 =	vmov s7;
	v9 =	vmax.f32 v14, v22  }
0x1fd: {  	v14 =	vmul.u32 $0x50, v18;
	v17 =	vmul.f32 v9, v17;
	v18 =	vperm.xlane v19, v1  }
0x1fe: {  	p0 =	por p4, p4;
	v9 =	vperm.xlane v13, v0  }
0x1ff: {  	p0 =	por p0, p0;
	v14 =	vadd.s32 $0x40, v14;
	v22 =	vperm.xlane v17, v0;
	v18 =	vadd.f32 v19, v18;
	v20 =	vpop (erf)  }
0x200: {  	p0 =	por p0, p0;
	v13 =	vadd.f32 v13, v9;
	v9 =	vbroadcast v14, $0x0;
	v14 =	vor.u32 v4, v7;
	v19 =	vpop (erf)  }
0x201: {  	s8 =	sadd.s32 $0x3, s14;
	s16 =	simm.s32 $0x14CB0;
	v22 =	vadd.f32 v17, v22;
	v25 =	vperm.xlane v18, v2;
	v19 =	vpsel !p0, $0x0, v19  }
0x202: {  	v26 =	vld [tilespmem:s16+$0xFFFFFFE0];
	p3 =	slt.s32 s8, $0x27100;
	s3 =	simm.s32 $0x12CB0;
	v23 =	vperm.xlane v13, v1;
	v24 =	vor.u32 v3, v9;
	v10 =	vmul.f32 v19, v10  }
0x203: {  	v17 =	vld [tilespmem:s3+$0xFFFFFFE0];
	v20 =	vpsel !p3, $0x0, v20;
	v27 =	vperm.xlane v22, v1  }
0x204: {  	v16 =	vmul.f32 v20, v16;
	v18 =	vadd.f32 v18, v25;
	v13 =	vadd.f32 v13, v23;
	[tilespmem:s10+$0xFFFFFFF0] =	vst v10  }
0x205: {  	s6 =	simm.s32 $0x19460;
	v10 =	vld [tilespmem:$0x1BB50];
	v22 =	vadd.f32 v22, v27;
	[tilespmem:v14+s20+$0x0] =	vst.idx.msk vm0, v19  }
0x206: {  	[tilespmem:s6+$0xFFFFFFE0] =	vst v16;
	v16 =	vmul.f32 $1.442695020e+00, v18;
	v19 =	vperm.xlane v13, v2;
	v14 =	vld [tilespmem:s2+$0x0]  }
0x207: {  	[tilespmem:v24+s20+$0x0] =	vst.idx.msk vm0, v20;
	v18 =	vperm.xlane v22, v2;
	v20 =	vld [tilespmem:s0+$0x0]  }
0x208: {  	v23 =	vadd.f32 v26, v17;
	(erf) = vpow2.f32 v16;
	v19 =	vadd.f32 v13, v19;
	v13 =	vld [tilespmem:s30+$0xFFFFFFF0]  }
0x209: {  	s12 =	simm.s32 $0x4;
	v16 =	vld [tilespmem:s1+$0xFFFFFFF0];
	v18 =	vadd.f32 v22, v18  }
0x20a: {  	v24 =	vmul.f32 $2.000000030e-01, v23;
	v22 =	vmov s12;
	v19 =	vmul.f32 $1.442695020e+00, v19  }
0x20b: {  	v22 =	vmul.u32 $0x50, v22;
	v18 =	vmul.f32 $1.442695020e+00, v18  }
0x20c: {  	v23 =	vmax.f32 v23, v24;
	(erf) = vpow2.f32 v19;
	v19 =	vadd.f32 v20, v14;
	v20 =	vld [tilespmem:$0x1BB70]  }
0x20d: {  	(erf) = vpow2.f32 v18;
	v18 =	vmul.f32 v23, v10  }
0x20e: {  	v22 =	vadd.s32 $0x40, v22;
	v16 =	vadd.f32 v16, v13;
	v23 =	vld [tilespmem:$0x1BB60];
	v24 =	vmul.f32 $2.000000030e-01, v19  }
0x20f: {  	v10 =	vbroadcast v22, $0x0;
	v22 =	vperm.xlane v18, v0  }
0x210: {  	s17 =	sadd.s32 $0x4, s14;
	v25 =	vmul.f32 $2.000000030e-01, v16;
	v19 =	vmax.f32 v19, v24  }
0x211: {  	p1 =	slt.s32 s17, $0x27100;
	v19 =	vmul.f32 v19, v20;
	v20 =	vadd.f32 v18, v22;
	v18 =	vpop (erf)  }
0x212: {  	v22 =	vor.u32 v3, v10;
	v16 =	vmax.f32 v16, v25;
	v24 =	vpsel !p1, $0x0, v18  }
0x213: {  	v16 =	vmul.f32 v16, v23;
	v21 =	vmul.f32 v24, v21  }
0x214: {  	p2 =	por p5, p5;
	v18 =	vperm.xlane v19, v0;
	v25 =	vperm.xlane v20, v1  }
0x215: {  	p2 =	por p2, p2;
	p4 =	por p6, p6;
	v28 =	vor.u32 v4, v8;
	s12 =	simm.s32 $0x194B0;
	v23 =	vor.u32 v5, v15;
	v27 =	vperm.xlane v16, v0;
	v26 =	vpop (erf)  }
0x216: {  	p4 =	por p4, p4;
	s7 =	simm.s32 $0x12CF0;
	v19 =	vadd.f32 v19, v18;
	v20 =	vadd.f32 v20, v25;
	[tilespmem:s12+$0xFFFFFFE0] =	vst v21;
	v26 =	vpsel !p2, $0x0, v26  }
0x217: {  	s17 =	simm.s32 $0x14CF0;
	p5 =	por p4, p4;
	v18 =	vld [tilespmem:s7+$0xFFFFFFE0];
	[tilespmem:v22+s20+$0x0] =	vst.idx.msk vm0, v24;
	v22 =	vadd.f32 v16, v27;
	v21 =	vpop (erf);
	v12 =	vmul.f32 v26, v12  }
0x218: {  	v25 =	vld [tilespmem:s17+$0xFFFFFFE0];
	v24 =	vperm.xlane v19, v1;
	v27 =	vperm.xlane v20, v2;
	v21 =	vpsel !p5, $0x0, v21  }
0x219: {  	v29 =	vld [tilespmem:$0x1BB50];
	v30 =	vperm.xlane v22, v1;
	v11 =	vmul.f32 v21, v11;
	[tilespmem:s9+$0x0] =	vst v12  }
0x21a: {  	v16 =	vld [tilespmem:s28+$0xFFFFFFF0];
	v24 =	vadd.f32 v19, v24;
	v19 =	vadd.f32 v20, v27;
	[tilespmem:v23+s20+$0x0] =	vst.idx.msk vm0, v26  }
0x21b: {  	[tilespmem:s11+$0xFFFFFFF0] =	vst v11;
	v12 =	vld [tilespmem:s25+$0x10];
	v11 =	vadd.f32 v22, v30  }
0x21c: {  	v20 =	vperm.xlane v24, v2;
	v23 =	vmul.f32 $1.442695020e+00, v19;
	[tilespmem:v28+s20+$0x0] =	vst.idx.msk vm0, v21;
	v21 =	vld [tilespmem:s15+$0x10]  }
0x21d: {  	v22 =	vadd.f32 v25, v18;
	v19 =	vld [tilespmem:s29+$0x0];
	v25 =	vperm.xlane v11, v2  }
0x21e: {  	s23 =	simm.s32 $0x5;
	v20 =	vadd.f32 v24, v20;
	(erf) = vpow2.f32 v23;
	v23 =	vld [tilespmem:s21+$0xFFFFFFF0]  }
0x21f: {  	v26 =	vld [tilespmem:s18+$0x0];
	v24 =	vmov s23;
	v27 =	vmul.f32 $2.000000030e-01, v22;
	v11 =	vadd.f32 v11, v25  }
0x220: {  	v24 =	vmul.u32 $0x50, v24;
	v20 =	vmul.f32 $1.442695020e+00, v20  }
0x221: {  	v22 =	vmax.f32 v22, v27;
	v21 =	vadd.f32 v21, v12;
	v27 =	vmul.f32 $1.442695020e+00, v11  }
0x222: {  	v25 =	vld [tilespmem:$0x1BB80];
	v24 =	vadd.s32 $0x40, v24;
	(erf) = vpow2.f32 v20;
	v20 =	vmul.f32 v22, v29  }
0x223: {  	v11 =	vbroadcast v24, $0x0;
	v24 =	vld [tilespmem:$0x1BB60];
	v23 =	vadd.f32 v23, v16;
	v28 =	vmul.f32 $2.000000030e-01, v21  }
0x224: {  	v22 =	vadd.f32 v26, v19;
	v26 =	vld [tilespmem:$0x1BB70];
	(erf) = vpow2.f32 v27;
	v27 =	vperm.xlane v20, v0  }
0x225: {  	v30 =	vmul.f32 $2.000000030e-01, v23  }
0x226: {  	v29 =	vmul.f32 $2.000000030e-01, v22;
	v21 =	vmax.f32 v21, v28;
	v20 =	vadd.f32 v20, v27  }
0x227: {  	v21 =	vmul.f32 v21, v25;
	v23 =	vmax.f32 v23, v30  }
0x228: {  	v22 =	vmax.f32 v22, v29;
	v29 =	vperm.xlane v20, v1;
	v23 =	vmul.f32 v23, v24  }
0x229: {  	p0 =	por p0, p0;
	s25 =	sadd.s32 $0x5, s14;
	v22 =	vmul.f32 v22, v26;
	v26 =	vperm.xlane v21, v0  }
0x22a: {  	p0 =	por p0, p0;
	p6 =	slt.s32 s25, $0x27100;
	v25 =	vor.u32 v3, v11;
	v27 =	vpop (erf);
	v20 =	vadd.f32 v20, v29;
	v29 =	vperm.xlane v23, v0  }
0x22b: {  	s8 =	simm.s32 $0x14D30;
	s4 =	simm.s32 @!p0 $0x0;
	v27 =	vpsel !p6, $0x0, v27;
	v30 =	vperm.xlane v22, v0;
	v21 =	vadd.f32 v21, v26  }
0x22c: {  	v60 =	vld [tilespmem:s8+$0xFFFFFFE0];
	p3 =	por p3, p3;
	s4 =	simm.s32 @p0 $0x1;
	s23 =	simm.s32 $0x12D30;
	v28 =	vor.u32 v5, v7;
	v24 =	vmul.f32 v27, v17;
	v26 =	vor.u32 v4, v9;
	v31 =	vpop (erf)  }
0x22d: {  	p3 =	por p3, p3;
	s25 =	simm.s32 $0x19500;
	v17 =	vld [tilespmem:s23+$0xFFFFFFE0];
	[smem:$0x7F8] =	sst s4;
	v22 =	vadd.f32 v22, v30;
	v30 =	vpsel !p0, $0x0, v31;
	v31 =	vperm.xlane v21, v1  }
0x22e: {  	p3 =	por p3, p3;
	[tilespmem:s25+$0xFFFFFFE0] =	vst v24;
	v24 =	vperm.xlane v20, v2;
	v23 =	vadd.f32 v23, v29;
	v14 =	vmul.f32 v30, v14;
	v29 =	vpop (erf)  }
0x22f: {  	[tilespmem:v25+s20+$0x0] =	vst.idx.msk vm0, v27;
	v27 =	vperm.xlane v22, v1;
	v25 =	vpsel !p3, $0x0, v29;
	v21 =	vadd.f32 v21, v31  }
0x230: {  	v24 =	vadd.f32 v20, v24;
	v20 =	vld [tilespmem:s3+$0xFFFFFFF0];
	v31 =	vperm.xlane v23, v1;
	[tilespmem:s10+$0x0] =	vst v14;
	v13 =	vmul.f32 v25, v13  }
0x231: {  	v29 =	vld [tilespmem:$0x1BB50];
	v27 =	vadd.f32 v22, v27;
	[tilespmem:v28+s20+$0x0] =	vst.idx.msk vm0, v30;
	v22 =	vperm.xlane v21, v2  }
0x232: {  	s5 =	simm.s32 $0x6;
	v28 =	vadd.f32 v60, v17;
	v24 =	vmul.f32 $1.442695020e+00, v24;
	v23 =	vadd.f32 v23, v31;
	v14 =	vld [tilespmem:s2+$0x10];
	[tilespmem:s6+$0xFFFFFFF0] =	vst v13  }
0x233: {  	v13 =	vmov s5;
	[tilespmem:v26+s20+$0x0] =	vst.idx.msk vm0, v25;
	v25 =	vperm.xlane v27, v2;
	v26 =	vld [tilespmem:s0+$0x10];
	v21 =	vadd.f32 v21, v22  }
0x234: {  	v30 =	vmul.f32 $2.000000030e-01, v28;
	(erf) = vpow2.f32 v24;
	v13 =	vmul.u32 $0x50, v13;
	v22 =	vld [tilespmem:s30+$0x0]  }
0x235: {  	v24 =	vperm.xlane v23, v2;
	v31 =	vld [tilespmem:s1+$0x0];
	v25 =	vadd.f32 v27, v25;
	v21 =	vmul.f32 $1.442695020e+00, v21  }
0x236: {  	v27 =	vmax.f32 v28, v30;
	v13 =	vadd.s32 $0x40, v13;
	v28 =	vld [tilespmem:s16+$0xFFFFFFF0]  }
0x237: {  	v23 =	vadd.f32 v23, v24;
	v24 =	vmul.f32 $1.442695020e+00, v25;
	(erf) = vpow2.f32 v21  }
0x238: {  	v13 =	vbroadcast v13, $0x0;
	v21 =	vmul.f32 v27, v29;
	v25 =	vadd.f32 v26, v14;
	v26 =	vld [tilespmem:$0x1BB80]  }
0x239: {  	v15 =	vor.u32 v6, v15;
	v23 =	vmul.f32 $1.442695020e+00, v23;
	(erf) = vpow2.f32 v24  }
0x23a: {  	v30 =	vld [tilespmem:$0x1BB70];
	v24 =	vperm.xlane v21, v0;
	v27 =	vadd.f32 v31, v22;
	v29 =	vmul.f32 $2.000000030e-01, v25  }
0x23b: {  	v61 =	vld [tilespmem:$0x1BB60];
	v28 =	vadd.f32 v28, v20;
	(erf) = vpow2.f32 v23;
	v23 =	vor.u32 v5, v8  }
0x23c: {  	s31 =	simm.s32 $0x7;
	p1 =	por p1, p1;
	s15 =	sadd.s32 $0x6, s14;
	v21 =	vadd.f32 v21, v24;
	v24 =	vmul.f32 $2.000000030e-01, v27;
	v29 =	vmax.f32 v25, v29  }
0x23d: {  	p4 =	slt.s32 s15, $0x27100;
	s15 =	simm.s32 $0x14D30;
	p0 =	por p2, p2;
	v62 =	vpop (erf);
	v25 =	vor.u32 v3, v13;
	v63 =	vmul.f32 $2.000000030e-01, v28;
	v31 =	vmul.f32 v29, v26  }
0x23e: {  	p6 =	por p6, p6;
	s4 =	simm.s32 $0x8;
	s0 =	simm.s32 @!p0 $0x0;
	v29 =	vperm.xlane v21, v1;
	v26 =	vpsel !p4, $0x0, v62;
	v24 =	vmax.f32 v27, v24  }
0x23f: {  	p2 =	por p5, p5;
	p5 =	por p1, p1;
	s0 =	simm.s32 @p0 $0x1;
	v28 =	vmax.f32 v28, v63;
	v30 =	vmul.f32 v24, v30;
	v27 =	vmul.f32 v26, v18  }
0x240: {  	s2 =	simm.s32 $0x12D30;
	[smem:$0x7F9] =	sst s0;
	s0 =	simm.s32 $0x19500;
	v24 =	vor.u32 v4, v10;
	v32 =	vperm.xlane v31, v0;
	v28 =	vmul.f32 v28, v61;
	v18 =	vpop (erf)  }
.LBB2_5:
0x241: {  	p0 =	sne.s32 s4, $0x7F  }
0x242: {  	s5 =	simm.s32 @!p0 $0x0  }
0x243: {  	s5 =	simm.s32 @p0 $0x1  }
0x244: {  	[smem:$0x7F7] =	sst s5  }
0x245: {  	s5 =	sld [smem:$0x7F9];
	_ =	sdelay $0x2  }
0x246: {  	p1 =	seq.s32 s5, $0x1;
	s5 =	sld [smem:$0x7F8];
	_ =	sdelay $0x2  }
0x247: {  	v59 =	vpsel !p1, $0x0, v18;
	p1 =	seq.s32 s5, $0x1  }
0x248: {  	p0 =	por p1, p1  }
0x249: {  	s23 =	sadd.s32 $0x40, s23;
	s25 =	sadd.s32 $0x50, s25;
	v33 =	vperm.xlane v30, v0;
	v31 =	vadd.f32 v31, v32;
	v21 =	vadd.f32 v21, v29;
	s5 =	simm.s32 @!p0 $0x0  }
0x24a: {  	s8 =	sadd.s32 $0x40, s8;
	v29 =	vpop (erf);
	v18 =	vmov v17;
	v17 =	vld [tilespmem:s23+$0xFFFFFFE0];
	[tilespmem:s25+$0xFFFFFFE0] =	vst v27;
	v27 =	vperm.xlane v28, v0;
	v12 =	vmul.f32 v59, v12;
	s5 =	simm.s32 @p0 $0x1;
	p0 =	por p2, p2  }
0x24b: {  	v34 =	vld [tilespmem:s8+$0xFFFFFFE0];
	[tilespmem:v25+s20+$0x0] =	vst.idx.msk vm0, v26;
	v25 =	vadd.f32 v30, v33;
	v26 =	vpsel !p0, $0x0, v29  }
0x24c: {  	v27 =	vadd.f32 v28, v27;
	v28 =	vpop (erf);
	[tilespmem:s9+$0x10] =	vst v12;
	p2 =	por p3, p3;
	p3 =	por p5, p5;
	v29 =	vperm.xlane v31, v1;
	v19 =	vmul.f32 v26, v19  }
0x24d: {  	v30 =	vperm.xlane v21, v2;
	s9 =	smov.u32 s10;
	s10 =	smov.u32 s11;
	[tilespmem:v15+s20+$0x0] =	vst.idx.msk vm0, v59;
	v28 =	vpsel !p3, $0x0, v28  }
0x24e: {  	v33 =	vperm.xlane v25, v1;
	v15 =	vld [tilespmem:$0x1BB50];
	v29 =	vadd.f32 v31, v29;
	v31 =	vmul.f32 v28, v16;
	[tilespmem:s10+$0x0] =	vst v19  }
0x24f: {  	s11 =	smov.u32 s6;
	s6 =	smov.u32 s12;
	v21 =	vadd.f32 v21, v30;
	[tilespmem:v23+s20+$0x0] =	vst.idx.msk vm0, v26  }
0x250: {  	v30 =	vperm.xlane v27, v1;
	v25 =	vadd.f32 v25, v33;
	v16 =	vmov v20;
	v20 =	vld [tilespmem:s7+$0xFFFFFFF0];
	[tilespmem:s6+$0xFFFFFFF0] =	vst v31  }
0x251: {  	v21 =	vmul.f32 $1.442695020e+00, v21;
	v12 =	vmov v14;
	v60 =	vperm.xlane v29, v2;
	v14 =	vld [tilespmem:s29+$0x10];
	[tilespmem:v24+s20+$0x0] =	vst.idx.msk vm0, v28  }
0x252: {  	v23 =	vadd.f32 v34, v17;
	v26 =	vadd.f32 v27, v30;
	s29 =	smov.u32 s30;
	s30 =	smov.u32 s28;
	v24 =	vperm.xlane v25, v2;
	v28 =	vld [tilespmem:s18+$0x10]  }
0x253: {  	(erf) = vpow2.f32 v21;
	v27 =	vmov s31;
	v19 =	vmovc v22;
	v29 =	vadd.f32 v29, v60;
	v22 =	vld [tilespmem:s30+$0x0];
	s18 =	smov.u32 s1;
	s1 =	smov.u32 s21  }
0x254: {  	v30 =	vmul.f32 $2.000000030e-01, v23;
	v21 =	vperm.xlane v26, v2;
	s21 =	smov.u32 s16;
	s16 =	smov.u32 s17;
	v31 =	vld [tilespmem:s1+$0x0];
	v24 =	vadd.f32 v25, v24  }
0x255: {  	[smem:$0x7F9] =	sst s5;
	s5 =	simm.s32 @!p0 $0x0;
	v27 =	vmul.u32 $0x50, v27;
	v25 =	vmul.f32 $1.442695020e+00, v29;
	v29 =	vld [tilespmem:s16+$0xFFFFFFF0]  }
0x256: {  	s5 =	simm.s32 @p0 $0x1;
	v23 =	vmax.f32 v23, v30;
	v21 =	vadd.f32 v26, v21;
	v24 =	vmul.f32 $1.442695020e+00, v24  }
0x257: {  	p5 =	por p6, p6;
	[smem:$0x7F8] =	sst s5;
	s5 =	sadd.s32 s31, s14;
	v27 =	vadd.s32 $0x40, v27;
	(erf) = vpow2.f32 v25;
	v25 =	vmul.f32 v23, v15  }
0x258: {  	p6 =	por p4, p4;
	p4 =	slt.s32 s5, $0x27100;
	s5 =	sld [smem:$0x7F7];
	v26 =	vbroadcast v27, $0x0;
	v21 =	vmul.f32 $1.442695020e+00, v21;
	v15 =	vor.u32 v6, v7  }
0x259: {  	v7 =	vmovc v8;
	v27 =	vadd.f32 v28, v14;
	v28 =	vld [tilespmem:$0x1BB80];
	(erf) = vpow2.f32 v24;
	v24 =	vperm.xlane v25, v0  }
0x25a: {  	v61 =	vld [tilespmem:$0x1BB70];
	v8 =	vmovc v9;
	v9 =	vmovc v10;
	v10 =	vmov v11;
	v30 =	vadd.f32 v31, v22;
	v62 =	vadd.f32 v29, v20  }
0x25b: {  	p0 =	seq.s32 s5, $0x1;
	v63 =	vld [tilespmem:$0x1BB60];
	v11 =	vmovc v13;
	v13 =	vmovc v26;
	(erf) = vpow2.f32 v21;
	v31 =	vmul.f32 $2.000000030e-01, v27;
	v21 =	vadd.f32 v25, v24  }
.Ltmp1:
0x25c: {  	v23 =	vor.u32 v5, v8;
	v25 =	vor.u32 v3, v13;
	v24 =	vmul.f32 $2.000000030e-01, v30;
	(pc) =	sbr.rel @p0 .LBB2_5-.Ltmp1, $4  }
0x25d: {  	s12 =	smov.u32 s0;
	v35 =	vmul.f32 $2.000000030e-01, v62;
	v26 =	vmax.f32 v27, v31;
	v27 =	vpop (erf);
	v29 =	vperm.xlane v21, v1  }
0x25e: {  	s0 =	smov.u32 s25;
	s31 =	smov.u32 s4;
	s4 =	sadd.s32 $0x1, s4;
	v31 =	vmul.f32 v26, v28;
	v26 =	vpsel !p4, $0x0, v27;
	v24 =	vmax.f32 v30, v24  }
0x25f: {  	s28 =	smov.u32 s3;
	s3 =	smov.u32 s7;
	s7 =	smov.u32 s2;
	v28 =	vmax.f32 v62, v35;
	v30 =	vmul.f32 v24, v61;
	v27 =	vmul.f32 v26, v18  }
0x260: {  	s2 =	smov.u32 s23;
	s17 =	smov.u32 s15;
	s15 =	smov.u32 s8;
	v28 =	vmul.f32 v28, v63;
	v24 =	vor.u32 v4, v10;
	v32 =	vperm.xlane v31, v0;
	v18 =	vpop (erf)  }
0x261: {  	v33 =	vperm.xlane v30, v0  }
0x262: {  	v31 =	vadd.f32 v31, v32  }
0x263: {  	v63 =	vperm.xlane v28, v0;
	v30 =	vadd.f32 v30, v33  }
0x264: {  	v32 =	vperm.xlane v31, v1  }
0x265: {  	v21 =	vadd.f32 v21, v29;
	v28 =	vadd.f32 v28, v63;
	v59 =	vperm.xlane v30, v1  }
0x266: {  	v31 =	vadd.f32 v31, v32  }
0x267: {  	v60 =	vperm.xlane v21, v2;
	v37 =	vperm.xlane v28, v1;
	v29 =	vadd.f32 v30, v59  }
0x268: {  	v61 =	vperm.xlane v31, v2  }
0x269: {  	v21 =	vadd.f32 v21, v60;
	v38 =	vadd.f32 v28, v37;
	v62 =	vperm.xlane v29, v2  }
0x26a: {  	v30 =	vadd.f32 v31, v61  }
0x26b: {  	v21 =	vmul.f32 $1.442695020e+00, v21;
	v28 =	vperm.xlane v38, v2;
	v29 =	vadd.f32 v29, v62  }
0x26c: {  	v30 =	vmul.f32 $1.442695020e+00, v30  }
0x26d: {  	(erf) = vpow2.f32 v21;
	v21 =	vadd.f32 v38, v28;
	v36 =	vmul.f32 $1.442695020e+00, v29  }
0x26e: {  	(erf) = vpow2.f32 v30  }
0x26f: {  	p0 =	por p2, p2;
	v41 =	vmul.f32 $1.442695020e+00, v21;
	(erf) = vpow2.f32 v36  }
0x270: {  	s4 =	simm.s32 @!p0 $0x0  }
0x271: {  	v39 =	vpop (erf);
	s4 =	simm.s32 @p0 $0x1;
	(erf) = vpow2.f32 v41  }
0x272: {  	s25 =	sadd.s32 $0x50, s25;
	p2 =	por p5, p5;
	v40 =	vpop (erf);
	[smem:$0x7F6] =	sst s4  }
0x273: {  	[tilespmem:s25+$0xFFFFFFE0] =	vst v27;
	v46 =	vpsel !p2, $0x0, v40  }
0x274: {  	[tilespmem:v25+s20+$0x0] =	vst.idx.msk vm0, v26;
	v16 =	vmul.f32 v46, v16  }
0x275: {  	v25 =	vld [tilespmem:s7+$0xFFFFFFF0];
	v29 =	vpsel !p0, $0x0, v39  }
0x276: {  	v47 =	vmov s31;
	v50 =	vld [tilespmem:s17+$0xFFFFFFF0];
	[tilespmem:s12+$0xFFFFFFF0] =	vst v16;
	v19 =	vmul.f32 v29, v19;
	v42 =	vpop (erf)  }
0x277: {  	p1 =	por p3, p3;
	v34 =	vld [tilespmem:$0x1BB60];
	v16 =	vmul.u32 $0x50, v47;
	[tilespmem:v24+s20+$0x0] =	vst.idx.msk vm0, v46;
	v21 =	vpop (erf)  }
0x278: {  	v43 =	vor.u32 v5, v9;
	p3 =	por p1, p1;
	v24 =	vld [tilespmem:s28+$0x0];
	[tilespmem:s11+$0x0] =	vst v19;
	v44 =	vpop (erf)  }
0x279: {  	p6 =	por p6, p6;
	v26 =	vld [tilespmem:s21+$0x0];
	v16 =	vadd.s32 $0x40, v16;
	[tilespmem:v23+s20+$0x0] =	vst.idx.msk vm0, v29;
	v45 =	vpsel !p3, $0x0, v44  }
0x27a: {  	v48 =	vor.u32 v4, v11;
	p5 =	por p6, p6;
	v16 =	vbroadcast v16, $0x0;
	v19 =	vld [tilespmem:s29+$0x10];
	v49 =	vpop (erf);
	v22 =	vmul.f32 v45, v22  }
0x27b: {  	v23 =	vld [tilespmem:s18+$0x10];
	s18 =	sadd.s32 s31, s14;
	v28 =	vpsel !p5, $0x0, v49  }
0x27c: {  	v52 =	vld [tilespmem:$0x1BB70];
	v53 =	vor.u32 v3, v16;
	p6 =	slt.s32 s18, $0x27100;
	v20 =	vmul.f32 v28, v20;
	[tilespmem:s6+$0x0] =	vst v22  }
0x27d: {  	v51 =	vld [tilespmem:$0x1BB80];
	v31 =	vpsel !p6, $0x0, v42;
	[tilespmem:v43+s20+$0x0] =	vst.idx.msk vm0, v45  }
0x27e: {  	v17 =	vmul.f32 v31, v17;
	[tilespmem:s0+$0xFFFFFFF0] =	vst v20;
	v22 =	vld [tilespmem:s30+$0x10]  }
0x27f: {  	s23 =	sadd.s32 $0x50, s25;
	v26 =	vadd.f32 v26, v24;
	[tilespmem:v48+s20+$0x0] =	vst.idx.msk vm0, v28;
	v54 =	vld [tilespmem:s1+$0x10]  }
0x280: {  	v23 =	vadd.f32 v23, v19;
	[tilespmem:s23+$0xFFFFFFE0] =	vst v17;
	v29 =	vld [tilespmem:s3+$0x0]  }
0x281: {  	v56 =	vadd.f32 v50, v25;
	v35 =	vmul.f32 $2.000000030e-01, v26;
	[tilespmem:v53+s20+$0x0] =	vst.idx.msk vm0, v31;
	v57 =	vld [tilespmem:s16+$0x0]  }
0x282: {  	v55 =	vmul.f32 $2.000000030e-01, v23;
	v30 =	vld [tilespmem:s2+$0xFFFFFFF0]  }
0x283: {  	v58 =	vmul.f32 $2.000000030e-01, v56;
	v26 =	vmax.f32 v26, v35;
	v59 =	vld [tilespmem:s15+$0xFFFFFFF0]  }
0x284: {  	v26 =	vmul.f32 v26, v52;
	v23 =	vmax.f32 v23, v55  }
0x285: {  	v27 =	vmax.f32 v56, v58;
	v23 =	vmul.f32 v23, v51;
	v61 =	vld [tilespmem:$0x1BB80];
	v20 =	vadd.f32 v54, v22  }
0x286: {  	v27 =	vmul.f32 v27, v34;
	v63 =	vperm.xlane v26, v0;
	v62 =	vld [tilespmem:$0x1BB70];
	v17 =	vadd.f32 v57, v29  }
0x287: {  	v60 =	vperm.xlane v23, v0;
	v40 =	vmul.f32 $2.000000030e-01, v20  }
0x288: {  	v41 =	vperm.xlane v27, v0;
	v43 =	vld [tilespmem:$0x1BB60];
	v28 =	vadd.f32 v59, v30;
	v36 =	vmul.f32 $2.000000030e-01, v17  }
0x289: {  	v26 =	vadd.f32 v26, v63;
	v23 =	vadd.f32 v23, v60;
	v20 =	vmax.f32 v20, v40  }
0x28a: {  	v45 =	vmul.f32 $2.000000030e-01, v28;
	v20 =	vmul.f32 v20, v61;
	v17 =	vmax.f32 v17, v36  }
0x28b: {  	v27 =	vadd.f32 v27, v41;
	v44 =	vperm.xlane v26, v1;
	v17 =	vmul.f32 v17, v62  }
0x28c: {  	v42 =	vperm.xlane v23, v1;
	v28 =	vmax.f32 v28, v45;
	v46 =	vperm.xlane v20, v0  }
0x28d: {  	v28 =	vmul.f32 v28, v43;
	v48 =	vperm.xlane v17, v0  }
0x28e: {  	v47 =	vperm.xlane v27, v1;
	v23 =	vadd.f32 v23, v42;
	v20 =	vadd.f32 v20, v46  }
0x28f: {  	v26 =	vadd.f32 v26, v44;
	v52 =	vperm.xlane v28, v0;
	v17 =	vadd.f32 v17, v48  }
0x290: {  	v27 =	vadd.f32 v27, v47;
	v49 =	vperm.xlane v23, v2;
	v51 =	vperm.xlane v20, v1  }
0x291: {  	v50 =	vperm.xlane v26, v2;
	v28 =	vadd.f32 v28, v52;
	v53 =	vperm.xlane v17, v1  }
0x292: {  	v54 =	vperm.xlane v27, v2;
	v23 =	vadd.f32 v23, v49;
	v20 =	vadd.f32 v20, v51  }
0x293: {  	v26 =	vadd.f32 v26, v50;
	v32 =	vperm.xlane v28, v1;
	v17 =	vadd.f32 v17, v53  }
0x294: {  	v27 =	vadd.f32 v27, v54;
	v23 =	vmul.f32 $1.442695020e+00, v23;
	v55 =	vperm.xlane v20, v2  }
0x295: {  	v26 =	vmul.f32 $1.442695020e+00, v26;
	v58 =	vadd.f32 v28, v32;
	v56 =	vperm.xlane v17, v2  }
0x296: {  	v57 =	vmul.f32 $1.442695020e+00, v27;
	(erf) = vpow2.f32 v23;
	v20 =	vadd.f32 v20, v55  }
0x297: {  	(erf) = vpow2.f32 v26;
	v59 =	vperm.xlane v58, v2;
	v17 =	vadd.f32 v17, v56  }
0x298: {  	v20 =	vmul.f32 $1.442695020e+00, v20  }
0x299: {  	(erf) = vpow2.f32 v57;
	v60 =	vadd.f32 v58, v59;
	v17 =	vmul.f32 $1.442695020e+00, v17  }
0x29a: {  	(erf) = vpow2.f32 v20  }
0x29b: {  	v61 =	vmul.f32 $1.442695020e+00, v60;
	(erf) = vpow2.f32 v17;
	_ =	sdelay $0x1  }
0x29c: {  	(erf) = vpow2.f32 v61;
	_ =	sdelay $0x1  }
0x29d: {  	p1 =	por p2, p2;
	v17 =	vpop (erf)  }
0x29e: {  	p2 =	por p1, p1;
	p0 =	por p4, p4;
	v63 =	vor.u32 v5, v10;
	v62 =	vpop (erf)  }
0x29f: {  	p1 =	por p0, p0;
	p5 =	por p5, p5;
	v37 =	vpsel !p2, $0x0, v62  }
0x2a0: {  	p4 =	por p5, p5;
	p5 =	por p1, p1;
	v40 =	vor.u32 v4, v13;
	v36 =	vpop (erf);
	v24 =	vmul.f32 v37, v24  }
0x2a1: {  	v26 =	vpsel !p5, $0x0, v36;
	v20 =	vpop (erf)  }
0x2a2: {  	v38 =	vor.u32 v5, v11;
	p6 =	por p6, p6;
	v25 =	vmul.f32 v26, v25;
	[tilespmem:s12+$0x0] =	vst v24;
	v39 =	vpop (erf)  }
0x2a3: {  	p0 =	por p6, p6;
	[tilespmem:v63+s20+$0x0] =	vst.idx.msk vm0, v37;
	v31 =	vpsel !p4, $0x0, v39  }
0x2a4: {  	p6 =	por p0, p0;
	v42 =	vor.u32 v4, v16;
	[tilespmem:s25+$0xFFFFFFF0] =	vst v25;
	v23 =	vld [tilespmem:s28+$0x10];
	v43 =	vpop (erf);
	v41 =	vmul.f32 v31, v29  }
0x2a5: {  	v44 =	vld [tilespmem:s21+$0x10];
	[tilespmem:v40+s20+$0x0] =	vst.idx.msk vm0, v26;
	v29 =	vpsel !p6, $0x0, v43  }
0x2a6: {  	v26 =	vld [tilespmem:s7+$0x0];
	v45 =	vmul.f32 v29, v30;
	[tilespmem:s0+$0x0] =	vst v41  }
0x2a7: {  	v46 =	vld [tilespmem:s17+$0x0];
	[tilespmem:v38+s20+$0x0] =	vst.idx.msk vm0, v31  }
0x2a8: {  	[tilespmem:s23+$0xFFFFFFF0] =	vst v45;
	v24 =	vld [tilespmem:s3+$0x10]  }
0x2a9: {  	v28 =	vld [tilespmem:s16+$0x10];
	[tilespmem:v42+s20+$0x0] =	vst.idx.msk vm0, v29  }
0x2aa: {  	v27 =	vld [tilespmem:s2+$0x0]  }
0x2ab: {  	v29 =	vld [tilespmem:s15+$0x0];
	_ =	sdelay $0x1  }
0x2ac: {  	v48 =	vld [tilespmem:$0x1BB80];
	v47 =	vadd.f32 v44, v23  }
0x2ad: {  	v32 =	vld [tilespmem:$0x1BB70];
	v25 =	vadd.f32 v46, v26  }
0x2ae: {  	v49 =	vld [tilespmem:$0x1BB80];
	v33 =	vmul.f32 $2.000000030e-01, v47;
	v28 =	vadd.f32 v28, v24  }
0x2af: {  	v51 =	vld [tilespmem:$0x1BB70];
	v50 =	vmul.f32 $2.000000030e-01, v25;
	v29 =	vadd.f32 v29, v27  }
0x2b0: {  	v30 =	vmax.f32 v47, v33;
	v52 =	vmul.f32 $2.000000030e-01, v28  }
0x2b1: {  	v30 =	vmul.f32 v30, v48;
	v25 =	vmax.f32 v25, v50;
	v53 =	vmul.f32 $2.000000030e-01, v29  }
0x2b2: {  	v25 =	vmul.f32 v25, v32;
	v28 =	vmax.f32 v28, v52  }
0x2b3: {  	v54 =	vperm.xlane v30, v0;
	v28 =	vmul.f32 v28, v49;
	v29 =	vmax.f32 v29, v53  }
0x2b4: {  	v55 =	vperm.xlane v25, v0;
	v29 =	vmul.f32 v29, v51  }
0x2b5: {  	v30 =	vadd.f32 v30, v54;
	v56 =	vperm.xlane v28, v0  }
0x2b6: {  	v25 =	vadd.f32 v25, v55;
	v57 =	vperm.xlane v29, v0  }
0x2b7: {  	v58 =	vperm.xlane v30, v1;
	v28 =	vadd.f32 v28, v56  }
0x2b8: {  	v59 =	vperm.xlane v25, v1;
	v29 =	vadd.f32 v29, v57  }
0x2b9: {  	v30 =	vadd.f32 v30, v58;
	v60 =	vperm.xlane v28, v1  }
0x2ba: {  	v25 =	vadd.f32 v25, v59;
	v61 =	vperm.xlane v29, v1  }
0x2bb: {  	v33 =	vperm.xlane v30, v2;
	v28 =	vadd.f32 v28, v60  }
0x2bc: {  	v62 =	vperm.xlane v25, v2;
	v29 =	vadd.f32 v29, v61  }
0x2bd: {  	v30 =	vadd.f32 v30, v33;
	v63 =	vperm.xlane v28, v2  }
0x2be: {  	v25 =	vadd.f32 v25, v62;
	v34 =	vperm.xlane v29, v2  }
0x2bf: {  	v30 =	vmul.f32 $1.442695020e+00, v30;
	v28 =	vadd.f32 v28, v63  }
0x2c0: {  	v25 =	vmul.f32 $1.442695020e+00, v25;
	v29 =	vadd.f32 v29, v34  }
0x2c1: {  	(erf) = vpow2.f32 v30;
	v28 =	vmul.f32 $1.442695020e+00, v28  }
0x2c2: {  	(erf) = vpow2.f32 v25;
	v35 =	vmul.f32 $1.442695020e+00, v29  }
0x2c3: {  	(erf) = vpow2.f32 v28  }
0x2c4: {  	(erf) = vpow2.f32 v35;
	_ =	sdelay $0x5  }
0x2c5: {  	p5 =	por p5, p5;
	v36 =	vpop (erf)  }
0x2c6: {  	p5 =	por p5, p5;
	v37 =	vor.u32 v5, v13;
	v38 =	vpop (erf)  }
0x2c7: {  	p0 =	por p6, p6;
	v29 =	vpsel !p5, $0x0, v38;
	v39 =	vpop (erf)  }
0x2c8: {  	v40 =	vor.u32 v5, v16;
	p6 =	por p0, p0;
	v26 =	vmul.f32 v29, v26;
	v41 =	vpop (erf)  }
0x2c9: {  	v32 =	vpsel !p6, $0x0, v41  }
0x2ca: {  	[tilespmem:s25+$0x0] =	vst v26;
	v42 =	vmul.f32 v32, v27  }
0x2cb: {  	[tilespmem:v37+s20+$0x0] =	vst.idx.msk vm0, v29  }
0x2cc: {  	v43 =	vld [tilespmem:s7+$0x10];
	[tilespmem:s23+$0x0] =	vst v42  }
0x2cd: {  	v44 =	vld [tilespmem:s17+$0x10];
	[tilespmem:v40+s20+$0x0] =	vst.idx.msk vm0, v32  }
0x2ce: {  	v45 =	vld [tilespmem:s2+$0x10]  }
0x2cf: {  	v46 =	vld [tilespmem:s15+$0x10];
	_ =	sdelay $0x2  }
0x2d0: {  	v47 =	vld [tilespmem:$0x1BB80];
	v26 =	vadd.f32 v44, v43;
	_ =	sdelay $0x1  }
0x2d1: {  	v32 =	vld [tilespmem:$0x1BB80];
	v48 =	vmul.f32 $2.000000030e-01, v26;
	v29 =	vadd.f32 v46, v45;
	_ =	sdelay $0x1  }
0x2d2: {  	v26 =	vmax.f32 v26, v48;
	v49 =	vmul.f32 $2.000000030e-01, v29  }
0x2d3: {  	v26 =	vmul.f32 v26, v47  }
0x2d4: {  	v29 =	vmax.f32 v29, v49  }
0x2d5: {  	v31 =	vperm.xlane v26, v0;
	v29 =	vmul.f32 v29, v32;
	_ =	sdelay $0x1  }
0x2d6: {  	v26 =	vadd.f32 v26, v31;
	v32 =	vperm.xlane v29, v0;
	_ =	sdelay $0x1  }
0x2d7: {  	v31 =	vperm.xlane v26, v1;
	v29 =	vadd.f32 v29, v32;
	_ =	sdelay $0x1  }
0x2d8: {  	v26 =	vadd.f32 v26, v31;
	v32 =	vperm.xlane v29, v1;
	_ =	sdelay $0x1  }
0x2d9: {  	v31 =	vperm.xlane v26, v2;
	v29 =	vadd.f32 v29, v32;
	_ =	sdelay $0x1  }
0x2da: {  	s28 =	sld [smem:$0x7F9];
	v26 =	vadd.f32 v26, v31;
	v32 =	vperm.xlane v29, v2  }
0x2db: {  	p4 =	por p4, p4;
	v63 =	vor.u32 v6, v11;
	s29 =	sld [smem:$0x7F8]  }
0x2dc: {  	v55 =	vpsel !p4, $0x0, v39;
	s30 =	sld [smem:$0x7F6];
	v26 =	vmul.f32 $1.442695020e+00, v26;
	v29 =	vadd.f32 v29, v32  }
0x2dd: {  	v57 =	vmul.f32 v55, v24;
	p1 =	seq.s32 s28, $0x1  }
0x2de: {  	v18 =	vpsel !p1, $0x0, v18;
	p1 =	seq.s32 s29, $0x1;
	(erf) = vpow2.f32 v26;
	v29 =	vmul.f32 $1.442695020e+00, v29  }
0x2df: {  	[tilespmem:s0+$0x10] =	vst v57;
	p0 =	por p1, p1;
	v12 =	vmul.f32 v18, v12;
	p1 =	seq.s32 s30, $0x1  }
0x2e0: {  	[tilespmem:v63+s20+$0x0] =	vst.idx.msk vm0, v55;
	v21 =	vpsel !p0, $0x0, v21;
	p0 =	por p1, p1;
	(erf) = vpow2.f32 v29  }
0x2e1: {  	p1 =	por p3, p3;
	v14 =	vmul.f32 v21, v14;
	v17 =	vpsel !p0, $0x0, v17;
	[tilespmem:s9+$0x10] =	vst v12  }
0x2e2: {  	v7 =	vor.u32 v6, v7;
	p3 =	por p2, p2;
	v51 =	vpsel !p1, $0x0, v20;
	v50 =	vmul.f32 v17, v19;
	[tilespmem:v15+s20+$0x0] =	vst.idx.msk vm0, v18  }
0x2e3: {  	v8 =	vor.u32 v6, v8;
	v53 =	vpsel !p3, $0x0, v36;
	v52 =	vmul.f32 v51, v22;
	[tilespmem:s10+$0x10] =	vst v14  }
0x2e4: {  	v61 =	vor.u32 v6, v9;
	v54 =	vmul.f32 v53, v23;
	[tilespmem:s11+$0x10] =	vst v50  }
0x2e5: {  	v62 =	vor.u32 v6, v10;
	[tilespmem:s6+$0x10] =	vst v52  }
0x2e6: {  	[tilespmem:s12+$0x10] =	vst v54  }
0x2e7: {  	p5 =	por p5, p5;
	[tilespmem:v7+s20+$0x0] =	vst.idx.msk vm0, v21;
	v7 =	vor.u32 v6, v13;
	v56 =	vpop (erf)  }
0x2e8: {  	[tilespmem:v8+s20+$0x0] =	vst.idx.msk vm0, v17;
	v23 =	vpsel !p5, $0x0, v56  }
0x2e9: {  	p6 =	por p6, p6;
	v8 =	vor.u32 v6, v16;
	[tilespmem:v61+s20+$0x0] =	vst.idx.msk vm0, v51;
	v59 =	vmul.f32 v23, v43;
	v58 =	vpop (erf)  }
0x2ea: {  	s22 =	sadd.s32 $0x1, s22;
	[tilespmem:v62+s20+$0x0] =	vst.idx.msk vm0, v53;
	v24 =	vpsel !p6, $0x0, v58  }
0x2eb: {  	p0 =	sne.s32 s22, $0x14;
	[tilespmem:s25+$0x10] =	vst v59;
	v60 =	vmul.f32 v24, v45  }
.Ltmp2:
0x2ec: {  	[tilespmem:v7+s20+$0x0] =	vst.idx.msk vm0, v23;
	(pc) =	sbr.rel @p0 .LBB2_2-.Ltmp2, $4  }
0x2ed: {  	[tilespmem:s23+$0x10] =	vst v60  }
0x2ee: {  	s13 =	sadd.s32 $0x100, s13;
	[tilespmem:v8+s20+$0x0] =	vst.idx.msk vm0, v24  }
0x2ef: {  	s31 =	simm.s32 $0x80;
	s14 =	sadd.s32 $0x100, s14;
	s1 =	rddreg [dreg:$0x12]  }
0x2f0: {  	[spmem:s24] =	stream.indirect.scatter.add.f32 [tilespmem:s20], [sflag:$0x4], $0x50, s1, s31, $0xb8;
	[tilespmem:$0x1BB90] =	vst v63  }
0x2f1: {  	s0 =	simm.s32 $0x3  }
0x2f2: {  	_ =	swait.ge [sflag:s0], $0x2800  }
0x2f3: {  	[sflag:s0] =	ssyncset.done $0x0  }
0x2f4: {  	s29 =	simm.s32 $0x4;
	[sflag:s0] =	ssyncadd.s32 $0xFFFFD800  }
0x2f5: {  	_ =	swait.ge [sflag:s29], $0x2800  }
0x2f6: {  	[sflag:s29] =	ssyncset.done $0x0  }
0x2f7: {  	[sflag:s29] =	ssyncadd.s32 $0xFFFFD800  }
0x2f8: {  	[bflag:$0x0] =	sbarrier.arrive $0xFFFF  }
0x2f9: {  	s30 =	rddreg [dreg:$0xb]  }
0x2fa: {  	s4 =	rddreg [dreg:$0xf]  }
0x2fb: {  	s3 =	simm.s32 $0x5;
	s5 =	rddreg [dreg:$0x10]  }
0x2fc: {  	[hbm:s30], [sflag:s4] =	dma.local [spmem:s5], $0x186A  }
0x2fd: {  	_ =	swait.ge [sflag:s3], $0x186A  }
0x2fe: {  	s1 =	rddreg [dreg:$0x11]  }
0x2ff: {  	s31 =	rddreg [dreg:$0xc];
	s1 =	sadd.s32 $0x1, s1  }
0x300: {  	p0 =	sne.s32 s1, s31  }
.Ltmp3:
0x301: {  	_ = 	snop;
	(pc) =	sbr.rel @p0 .LBB2_1-.Ltmp3, $3  }
0x302: {  	_ =	sdelay $0x1  }
0x303: {  	[sflag:s3] =	ssyncset.done $0x0  }
0x304: {  	[sflag:s3] =	ssyncadd.s32 $0xFFFFE796  }
0x305: {  	_ =	sfence.sel $0x180000  }
0x306: {  	[bflag:$0x0] =	sbarrier.arrive $0xFFFF  }
0x307: {  	_ =	strace $0x90000047  }
0x308: {  	s0 =	stileid.u32;
	[bflag:$0x2] =	sbarrier.arrive $0xFFFF  }
0x309: {  	p0 =	sne.s32 s0, $0x0;
	s0 =	rddreg [dreg:$0x3]  }
0x30a: {  	s0 =	sadd.s32 @!p0 $0x100000, s0  }
0x30b: {  	[sflag:s0] =	ssyncadd.tile.s32 @!p0 $0x1;
	_ =	shalt  }
.Lfunc_end2:
_tile_overlayer_lowered:
.L_overlay_start_2:
0x30c: {  	(tag) =	ssettag $0x2  }
0x30d: {  	s0 =	rddreg [dreg:$0x0];
	s2 =	stileid.u32  }
0x30e: {  	s1 =	rddreg [dreg:$0x1];
	p0 =	sne.s32 s2, $0x0  }
0x30f: {  	s3 =	rddreg [dreg:$0x2];
	[bflag:$0x3] =	sbarrier.arrive $0xFFFF;
	s2 =	simm.s32 @!p0 $0x1C05  }
0x310: {  	[timem:s3], [sflag:s2] =	dma.local @!p0 [hbm:s0], s1  }
0x311: {  	s0 =	simm.s32 @!p0 $0x5  }
0x312: {  	_ =	swait.ge @!p0 [sflag:s0], s1  }
0x313: {  	s1 =	ssub.s32 @!p0 $0x0, s1;
	[sflag:s0] =	ssyncset.done @!p0 $0x0  }
0x314: {  	[sflag:s0] =	ssyncadd.s32 @!p0 s1  }
0x315: {  	[bflag:$0x3] =	sbarrier.arrive $0xFFFF  }
0x316: {  	_ =	shalt  }

</sc_bundles>
